<compile_context>
chip_gen: v7x
topology: tpu7x:2x2x1
jax: 0.10.2.dev20260603
libtpu: 0.0.44.dev20260713+nightly
codegen_flags: <defaults>
</compile_context>

<pallas_src>
import functools

import jax
import jax.numpy as jnp
from jax import lax
from jax.experimental import pallas as pl
from jax.experimental.pallas import tpu as pltpu
from jax.experimental.pallas import tpu_sc as plsc

N = 10000
NP = 10240
E = 320000
DF = 128
DH = 32
DT = 40
NC = 2
NS = 16
NW = NC * NS
CH = 80
EPW = E // NW
EPWP = 10240
PAD = EPWP - EPW
RPW = EPWP // CH
NROWS = NW * RPW
NB = 8
LEAD = 4
NPT = NP // NS
SUB = 320

_MESH = dict(core_axis_name="c", subcore_axis_name="s", num_cores=NC,
             num_subcores=NS)
_SC_PARAMS = pltpu.CompilerParams(use_tc_tiling_on_sc=False,
                                  needs_layout_passes=False)


def _pipelined_agg(table, src_v, dst_v, ring_v, acc_sh, gsems, ssems):
    def _gather(j, b):
        return pltpu.async_copy(table.at[src_v.at[j]], ring_v.at[b], gsems[b])

    for b in range(LEAD):
        _gather(b, b)

    def outer(t, carry):
        for b in range(NB):
            j = t * NB + b
            pltpu.make_async_copy(table.at[src_v.at[j]], ring_v.at[b],
                                  gsems[b]).wait()
            pltpu.async_copy(ring_v.at[b], acc_sh.at[dst_v.at[j]],
                             ssems[b], add=True)
            bn = (b + LEAD) % NB
            jn = j + LEAD

            @pl.when(jnp.logical_and(jn < RPW, j >= NB - LEAD))
            def _():
                pltpu.make_async_copy(ring_v.at[bn], acc_sh.at[dst_v.at[0]],
                                      ssems[bn]).wait()

            @pl.when(jn < RPW)
            def _():
                _gather(jn, bn)
        return carry

    lax.fori_loop(0, RPW // NB, outer, 0)
    for b in range(NB):
        pltpu.make_async_copy(ring_v.at[b], acc_sh.at[dst_v.at[0]],
                              ssems[b]).wait()


def _sc_mega(y1t, src2, dst2, z48, z1, r1, wpack,
             out_hbm, acc1p, acc2p,
             src_v, dst_v, rows_v, vals_v,
             accA_v, accB_v, r1_v, y2loc, r2loc, invloc,
             a2a_v, a2b_v, p4inv_v, p4r2_v, out_v, wpack_v,
             acc1_sh, acc2_sh, y2_sh, r2_sh, invd_sh,
             g0, g1, g2, g3, g4, g5, g6, g7,
             s0, s1, s2, s3, s4, s5, s6, s7, csem):
    gsems = [g0, g1, g2, g3, g4, g5, g6, g7]
    ssems = [s0, s1, s2, s3, s4, s5, s6, s7]
    c = lax.axis_index("c")
    s = lax.axis_index("s")
    oc = 1 - c
    wid = c * NS + s
    nbase = s * NPT
    iota = lax.iota(jnp.int32, 16)

    pltpu.sync_copy(z48.at[pl.ds(nbase, NPT)], acc1_sh.at[pl.ds(nbase, NPT)])
    pltpu.sync_copy(z1.at[pl.ds(nbase, NPT)], acc2_sh.at[pl.ds(nbase, NPT)])
    pltpu.sync_copy(src2.at[pl.ds(wid * RPW, RPW)], src_v)
    pltpu.sync_copy(dst2.at[pl.ds(wid * RPW, RPW)], dst_v)
    pltpu.sync_copy(wpack, wpack_v)
    plsc.subcore_barrier()

    _pipelined_agg(y1t, src_v, dst_v, rows_v, acc1_sh, gsems, ssems)
    plsc.subcore_barrier()

    @pl.when(s == 0)
    def _():
        pltpu.sync_copy(acc1_sh, acc1p.at[c])
        pltpu.core_barrier(csem, core_axis_name="c")
    plsc.subcore_barrier()

    for sub in range(NPT // SUB):
        off = nbase + sub * SUB
        pltpu.sync_copy(acc1_sh.at[pl.ds(off, SUB)], accA_v)
        pltpu.sync_copy(acc1p.at[oc, pl.ds(off, SUB)], accB_v)
        pltpu.sync_copy(r1.at[pl.ds(off, SUB)], r1_v)

        def group(g, carry):
            base = g * 16
            rows = base + iota
            degc = jnp.full((16,), DH, jnp.int32)
            deg = (plsc.load_gather(accA_v, [rows, degc])
                   + plsc.load_gather(accB_v, [rows, degc]))
            inv = 1.0 / jnp.maximum(deg, 1.0)
            y2a = jnp.zeros((16,), jnp.float32)
            r2a = wpack_v[2 * DH, :]
            for col in range(DH):
                colv = jnp.full((16,), col, jnp.int32)
                a = (plsc.load_gather(accA_v, [rows, colv])
                     + plsc.load_gather(accB_v, [rows, colv]))
                r1c = plsc.load_gather(r1_v, [rows, colv])
                hc = jnp.maximum(a * inv + r1c, 0.0)
                y2a = y2a + hc * wpack_v[col, :]
                r2a = r2a + hc * wpack_v[DH + col, :]
            y2loc[pl.ds(base, 16)] = y2a
            r2loc[pl.ds(base, 16)] = r2a
            invloc[pl.ds(base, 16)] = inv
            return carry

        lax.fori_loop(0, SUB // 16, group, 0)
        pltpu.sync_copy(y2loc, y2_sh.at[pl.ds(off, SUB)])
        pltpu.sync_copy(r2loc, r2_sh.at[pl.ds(off, SUB)])
        pltpu.sync_copy(invloc, invd_sh.at[pl.ds(off, SUB)])
    plsc.subcore_barrier()

    _pipelined_agg(y2_sh, src_v, dst_v, vals_v, acc2_sh, gsems, ssems)
    plsc.subcore_barrier()

    @pl.when(s == 0)
    def _():
        pltpu.sync_copy(acc2_sh, acc2p.at[c])
        pltpu.core_barrier(csem, core_axis_name="c")
    plsc.subcore_barrier()

    @pl.when(c == 0)
    def _():
        pltpu.sync_copy(acc2_sh.at[pl.ds(nbase, NPT)], a2a_v)
        pltpu.sync_copy(acc2p.at[1, pl.ds(nbase, NPT)], a2b_v)
        pltpu.sync_copy(invd_sh.at[pl.ds(nbase, NPT)], p4inv_v)
        pltpu.sync_copy(r2_sh.at[pl.ds(nbase, NPT)], p4r2_v)
        for i in range(NPT // 16):
            d = pl.ds(i * 16, 16)
            out_v[d] = (a2a_v[d] + a2b_v[d]) * p4inv_v[d] + p4r2_v[d]
        pltpu.sync_copy(out_v, out_hbm.at[pl.ds(nbase, NPT)])



def _tc_pre(x_ref, wlt_ref, wrt_ref, ones_row_ref, b1_row_ref,
            y1t_ref, r1_ref):
    xv = x_ref[...]
    y1t_ref[0:N, :] = (jnp.dot(xv, wlt_ref[...],
                               preferred_element_type=jnp.float32)
                       + ones_row_ref[...])
    y1t_ref[N:NP, :] = jnp.zeros((NP - N, DT), jnp.float32)
    r1_ref[0:N, :] = (jnp.dot(xv, wrt_ref[...],
                              preferred_element_type=jnp.float32)
                      + b1_row_ref[...])
    r1_ref[N:NP, :] = jnp.zeros((NP - N, DH), jnp.float32)


def kernel(x, edge_index, W1_l, b1, W1_r, W2_l, b2, W2_r):
    ei = edge_index.astype(jnp.int32)
    srcp = jnp.pad(ei[0].reshape(NW, EPW), ((0, 0), (0, PAD)),
                   constant_values=N)
    dstp = jnp.concatenate(
        [ei[1].reshape(NW, EPW),
         jnp.broadcast_to((N + jnp.arange(NW, dtype=jnp.int32))[:, None],
                          (NW, PAD))], axis=1)
    src2 = srcp.reshape(NROWS, CH)
    dst2 = dstp.reshape(NROWS, CH)
    z48 = jnp.zeros((NP, DT), jnp.float32)
    z1 = jnp.zeros((NP,), jnp.float32)
    wlt = jnp.zeros((DF, DT), jnp.float32).at[:, :DH].set(W1_l.T)
    ones_row = jnp.zeros((1, DT), jnp.float32).at[0, DH].set(1.0)
    wpack = jnp.tile(jnp.concatenate([W2_l.reshape(DH), W2_r.reshape(DH),
                                      b2])[:, None], (1, 16))

    y1t, r1 = pl.pallas_call(
        _tc_pre,
        out_shape=[jax.ShapeDtypeStruct((NP, DT), jnp.float32),
                   jax.ShapeDtypeStruct((NP, DH), jnp.float32)],
    )(x, wlt, W1_r.T, ones_row, b1.reshape(1, DH))

    scratch = [
        pltpu.VMEM((RPW, CH), jnp.int32),
        pltpu.VMEM((RPW, CH), jnp.int32),
        pltpu.VMEM((NB, CH, DT), jnp.float32),
        pltpu.VMEM((NB, CH), jnp.float32),
        pltpu.VMEM((SUB, DT), jnp.float32),
        pltpu.VMEM((SUB, DT), jnp.float32),
        pltpu.VMEM((SUB, DH), jnp.float32),
        pltpu.VMEM((SUB,), jnp.float32),
        pltpu.VMEM((SUB,), jnp.float32),
        pltpu.VMEM((SUB,), jnp.float32),
        pltpu.VMEM((NPT,), jnp.float32),
        pltpu.VMEM((NPT,), jnp.float32),
        pltpu.VMEM((NPT,), jnp.float32),
        pltpu.VMEM((NPT,), jnp.float32),
        pltpu.VMEM((NPT,), jnp.float32),
        pltpu.VMEM((2 * DH + 1, 16), jnp.float32),
        pltpu.VMEM_SHARED((NP, DT), jnp.float32),
        pltpu.VMEM_SHARED((NP,), jnp.float32),
        pltpu.VMEM_SHARED((NP,), jnp.float32),
        pltpu.VMEM_SHARED((NP,), jnp.float32),
        pltpu.VMEM_SHARED((NP,), jnp.float32),
    ] + [pltpu.SemaphoreType.DMA] * (2 * NB) + [pltpu.SemaphoreType.REGULAR]
    out_p, _, _ = pl.kernel(
        _sc_mega,
        out_type=[jax.ShapeDtypeStruct((NP,), jnp.float32),
                  jax.ShapeDtypeStruct((NC, NP, DT), jnp.float32),
                  jax.ShapeDtypeStruct((NC, NP), jnp.float32)],
        mesh=plsc.VectorSubcoreMesh(**_MESH),
        scratch_types=scratch,
        compiler_params=_SC_PARAMS,
    )(y1t, src2, dst2, z48, z1, r1, wpack)
    return out_p[:N].reshape(N, 1)

# --- scband reference (transcript-rebuilt; emitter-appended) ---
"""Pipeline reference for scband-net-3633542332684 (READ-ONLY COPY).

The authoritative reference and input builder live on the scoring server;
editing this copy changes nothing except your own understanding.
"""

import jax, jax.numpy as jnp
import numpy as np

N_NODES = 10000
N_EDGES = 320000
D_FEAT = 128
N_HIDDEN = 32


def sage_conv(x, edge_index, W_l, b_l, W_r):
    # PyG SAGEConv (default mean aggregation):
    # out = lin_l(mean_{j in N(i)} x_j) + lin_r(x_i)
    src = edge_index[0]
    dst = edge_index[1]
    n = x.shape[0]
    msgs = jnp.take(x, src, axis=0)                      # gather (SparseCore)
    agg = jax.ops.segment_sum(msgs, dst, num_segments=n)  # scatter-add
    deg = jax.ops.segment_sum(jnp.ones((edge_index.shape[1],), dtype=x.dtype), dst, num_segments=n)
    deg = jnp.clip(deg, 1.0, None)[:, None]
    agg = agg / deg
    return agg @ W_l.T + b_l + x @ W_r.T


def setup_inputs(seed: int = 0) -> dict:
    key = jax.random.key(seed)
    k1, k2, k3, k4, k5, k6, k7, k8 = jax.random.split(key, 8)
    x = jax.random.normal(k1, (N_NODES, D_FEAT), dtype=jnp.float32)
    edge_index = jax.random.randint(k2, (2, N_EDGES), 0, N_NODES, dtype=jnp.int64)
    s1 = 1.0 / np.sqrt(D_FEAT)
    s2 = 1.0 / np.sqrt(N_HIDDEN)
    W1_l = jax.random.uniform(k3, (N_HIDDEN, D_FEAT), minval=-s1, maxval=s1, dtype=jnp.float32)
    b1 = jax.random.uniform(k4, (N_HIDDEN,), minval=-s1, maxval=s1, dtype=jnp.float32)
    W1_r = jax.random.uniform(k5, (N_HIDDEN, D_FEAT), minval=-s1, maxval=s1, dtype=jnp.float32)
    W2_l = jax.random.uniform(k6, (1, N_HIDDEN), minval=-s2, maxval=s2, dtype=jnp.float32)
    b2 = jax.random.uniform(k7, (1,), minval=-s2, maxval=s2, dtype=jnp.float32)
    W2_r = jax.random.uniform(k8, (1, N_HIDDEN), minval=-s2, maxval=s2, dtype=jnp.float32)
    return {"x": x, "edge_index": edge_index, "W1_l": W1_l, "b1": b1, "W1_r": W1_r, "W2_l": W2_l, "b2": b2, "W2_r": W2_r}


def reference(x, edge_index, W1_l, b1, W1_r, W2_l, b2, W2_r):
    h = jax.nn.relu(sage_conv(x, edge_index, W1_l, b1, W1_r))
    # dropout(p=0.1) is identity in eval mode
    out = sage_conv(h, edge_index, W2_l, b2, W2_r)
    return out

if __name__ == "__main__":
    import jax
    _d = setup_inputs()
    print(jax.jit(kernel)(*tuple(_d.values())))

</pallas_src>

<mosaic_0001>
#map = affine_map<(d0, d1) -> (0, 0)>
#map1 = affine_map<(d0, d1) -> (0)>
#map2 = affine_map<(d0, d1) -> (0, 0, 0)>
module attributes {stable_mosaic.version = 14 : i64} {
  func.func @_sc_mega(%arg0: i32, %arg1: i32, %arg2: memref<10240x40xf32, #tpu.memory_space<hbm>>, %arg3: memref<4096x80xi32, #tpu.memory_space<hbm>>, %arg4: memref<4096x80xi32, #tpu.memory_space<hbm>>, %arg5: memref<10240x40xf32, #tpu.memory_space<hbm>>, %arg6: memref<10240xf32, #tpu.memory_space<hbm>>, %arg7: memref<10240x32xf32, #tpu.memory_space<hbm>>, %arg8: memref<65x16xf32, #tpu.memory_space<hbm>>, %arg9: memref<10240xf32, #tpu.memory_space<hbm>>, %arg10: memref<2x10240x40xf32, #tpu.memory_space<hbm>>, %arg11: memref<2x10240xf32, #tpu.memory_space<hbm>>, %arg12: memref<128x80xi32, #tpu.memory_space<vmem>>, %arg13: memref<128x80xi32, #tpu.memory_space<vmem>>, %arg14: memref<8x80x40xf32, #tpu.memory_space<vmem>>, %arg15: memref<8x80xf32, #tpu.memory_space<vmem>>, %arg16: memref<320x40xf32, #tpu.memory_space<vmem>>, %arg17: memref<320x40xf32, #tpu.memory_space<vmem>>, %arg18: memref<320x32xf32, #tpu.memory_space<vmem>>, %arg19: memref<320xf32, #tpu.memory_space<vmem>>, %arg20: memref<320xf32, #tpu.memory_space<vmem>>, %arg21: memref<320xf32, #tpu.memory_space<vmem>>, %arg22: memref<640xf32, #tpu.memory_space<vmem>>, %arg23: memref<640xf32, #tpu.memory_space<vmem>>, %arg24: memref<640xf32, #tpu.memory_space<vmem>>, %arg25: memref<640xf32, #tpu.memory_space<vmem>>, %arg26: memref<640xf32, #tpu.memory_space<vmem>>, %arg27: memref<65x16xf32, #tpu.memory_space<vmem>>, %arg28: memref<10240x40xf32, #tpu.memory_space<vmem_shared>>, %arg29: memref<10240xf32, #tpu.memory_space<vmem_shared>>, %arg30: memref<10240xf32, #tpu.memory_space<vmem_shared>>, %arg31: memref<10240xf32, #tpu.memory_space<vmem_shared>>, %arg32: memref<10240xf32, #tpu.memory_space<vmem_shared>>, %arg33: memref<!tpu.dma_semaphore, #tpu.memory_space<semaphore_mem>>, %arg34: memref<!tpu.dma_semaphore, #tpu.memory_space<semaphore_mem>>, %arg35: memref<!tpu.dma_semaphore, #tpu.memory_space<semaphore_mem>>, %arg36: memref<!tpu.dma_semaphore, #tpu.memory_space<semaphore_mem>>, %arg37: memref<!tpu.dma_semaphore, #tpu.memory_space<semaphore_mem>>, %arg38: memref<!tpu.dma_semaphore, #tpu.memory_space<semaphore_mem>>, %arg39: memref<!tpu.dma_semaphore, #tpu.memory_space<semaphore_mem>>, %arg40: memref<!tpu.dma_semaphore, #tpu.memory_space<semaphore_mem>>, %arg41: memref<!tpu.dma_semaphore, #tpu.memory_space<semaphore_mem>>, %arg42: memref<!tpu.dma_semaphore, #tpu.memory_space<semaphore_mem>>, %arg43: memref<!tpu.dma_semaphore, #tpu.memory_space<semaphore_mem>>, %arg44: memref<!tpu.dma_semaphore, #tpu.memory_space<semaphore_mem>>, %arg45: memref<!tpu.dma_semaphore, #tpu.memory_space<semaphore_mem>>, %arg46: memref<!tpu.dma_semaphore, #tpu.memory_space<semaphore_mem>>, %arg47: memref<!tpu.dma_semaphore, #tpu.memory_space<semaphore_mem>>, %arg48: memref<!tpu.dma_semaphore, #tpu.memory_space<semaphore_mem>>, %arg49: memref<!tpu.semaphore, #tpu.memory_space<semaphore_mem>>) attributes {dimension_semantics = [#tpu.dimension_semantics<core_parallel>, #tpu.dimension_semantics<subcore_parallel>], iteration_bounds = array<i64: 2, 16>, scalar_prefetch = 0 : i64, scratch_operands = 38 : i64, tpu.core_type = #tpu.core_type<sc_vector_subcore>, window_params = [{transform_indices = #map}, {transform_indices = #map}, {transform_indices = #map}, {transform_indices = #map}, {transform_indices = #map1}, {transform_indices = #map}, {transform_indices = #map}, {transform_indices = #map1}, {transform_indices = #map2}, {transform_indices = #map}]} {
    %sub3A = arith.constant 1 : i32
    %sub3A_0 = arith.subi %sub3A, %arg0 : i32
    %mul3A = arith.constant 16 : i32
    %mul3A_1 = arith.muli %arg0, %mul3A : i32
    %add3A = arith.addi %mul3A_1, %arg1 : i32
    %mul3A_2 = arith.constant 640 : i32
    %mul3A_3 = arith.muli %arg1, %mul3A_2 : i32
    %iota3A = tpu.iota {dimensions = array<i32: 0>} : vector<16xi32>
    "tpu.region"() ({
      %run_scoped3A = tpu.sem_alloc : memref<!tpu.dma_semaphore, #tpu.memory_space<semaphore_mem>>
      %dma_start3A_314 = arith.constant 0 : i32
      %dma_start3A_315 = tpu.memref_slice %arg28[%mul3A_3, %dma_start3A_314] : memref<10240x40xf32, #tpu.memory_space<vmem_shared>> -> memref<640x40xf32, #tpu.memory_space<vmem_shared>>
      %dma_start3A_316 = arith.constant 0 : i32
      %dma_start3A_317 = tpu.memref_slice %arg5[%mul3A_3, %dma_start3A_316] : memref<10240x40xf32, #tpu.memory_space<hbm>> -> memref<640x40xf32, #tpu.memory_space<hbm>>
      tpu.enqueue_dma source(%dma_start3A_317 : memref<640x40xf32, #tpu.memory_space<hbm>>) target(%dma_start3A_315 : memref<640x40xf32, #tpu.memory_space<vmem_shared>>) target_semaphore(%run_scoped3A : memref<!tpu.dma_semaphore, #tpu.memory_space<semaphore_mem>>)
      %dma_wait3A_318 = arith.constant 0 : i32
      %dma_wait3A_319 = tpu.memref_slice %arg28[%mul3A_3, %dma_wait3A_318] : memref<10240x40xf32, #tpu.memory_space<vmem_shared>> -> memref<640x40xf32, #tpu.memory_space<vmem_shared>>
      %dma_wait3A_320 = arith.constant 0 : i32
      %dma_wait3A_321 = tpu.memref_slice %arg5[%mul3A_3, %dma_wait3A_320] : memref<10240x40xf32, #tpu.memory_space<hbm>> -> memref<640x40xf32, #tpu.memory_space<hbm>>
      tpu.wait_dma2 semaphore(%run_scoped3A : memref<!tpu.dma_semaphore, #tpu.memory_space<semaphore_mem>>) src(%dma_wait3A_321 : memref<640x40xf32, #tpu.memory_space<hbm>>) dst(%dma_wait3A_319 : memref<640x40xf32, #tpu.memory_space<vmem_shared>>)
      tpu.yield
    }) : () -> ()
    "tpu.region"() ({
      %run_scoped3A = tpu.sem_alloc : memref<!tpu.dma_semaphore, #tpu.memory_space<semaphore_mem>>
      %dma_start3A_314 = tpu.memref_slice %arg29[%mul3A_3] : memref<10240xf32, #tpu.memory_space<vmem_shared>> -> memref<640xf32, #tpu.memory_space<vmem_shared>>
      %dma_start3A_315 = tpu.memref_slice %arg6[%mul3A_3] : memref<10240xf32, #tpu.memory_space<hbm>> -> memref<640xf32, #tpu.memory_space<hbm>>
      tpu.enqueue_dma source(%dma_start3A_315 : memref<640xf32, #tpu.memory_space<hbm>>) target(%dma_start3A_314 : memref<640xf32, #tpu.memory_space<vmem_shared>>) target_semaphore(%run_scoped3A : memref<!tpu.dma_semaphore, #tpu.memory_space<semaphore_mem>>)
      %dma_wait3A_316 = tpu.memref_slice %arg29[%mul3A_3] : memref<10240xf32, #tpu.memory_space<vmem_shared>> -> memref<640xf32, #tpu.memory_space<vmem_shared>>
      %dma_wait3A_317 = tpu.memref_slice %arg6[%mul3A_3] : memref<10240xf32, #tpu.memory_space<hbm>> -> memref<640xf32, #tpu.memory_space<hbm>>
      tpu.wait_dma2 semaphore(%run_scoped3A : memref<!tpu.dma_semaphore, #tpu.memory_space<semaphore_mem>>) src(%dma_wait3A_317 : memref<640xf32, #tpu.memory_space<hbm>>) dst(%dma_wait3A_316 : memref<640xf32, #tpu.memory_space<vmem_shared>>)
      tpu.yield
    }) : () -> ()
    %mul3A_4 = arith.constant 128 : i32
    %mul3A_5 = arith.muli %add3A, %mul3A_4 : i32
    "tpu.region"() ({
      %run_scoped3A = tpu.sem_alloc : memref<!tpu.dma_semaphore, #tpu.memory_space<semaphore_mem>>
      %dma_start3A_314 = arith.constant 0 : i32
      %dma_start3A_315 = tpu.memref_slice %arg3[%mul3A_5, %dma_start3A_314] : memref<4096x80xi32, #tpu.memory_space<hbm>> -> memref<128x80xi32, #tpu.memory_space<hbm>>
      %dma_start3A_316 = arith.constant 0 : i32
      %dma_start3A_317 = tpu.memref_slice %arg3[%mul3A_5, %dma_start3A_316] : memref<4096x80xi32, #tpu.memory_space<hbm>> -> memref<128x80xi32, #tpu.memory_space<hbm>>
      tpu.enqueue_dma source(%dma_start3A_317 : memref<128x80xi32, #tpu.memory_space<hbm>>) target(%arg12 : memref<128x80xi32, #tpu.memory_space<vmem>>) target_semaphore(%run_scoped3A : memref<!tpu.dma_semaphore, #tpu.memory_space<semaphore_mem>>)
      %dma_wait3A_318 = arith.constant 0 : i32
      %dma_wait3A_319 = tpu.memref_slice %arg3[%mul3A_5, %dma_wait3A_318] : memref<4096x80xi32, #tpu.memory_space<hbm>> -> memref<128x80xi32, #tpu.memory_space<hbm>>
      %dma_wait3A_320 = arith.constant 0 : i32
      %dma_wait3A_321 = tpu.memref_slice %arg3[%mul3A_5, %dma_wait3A_320] : memref<4096x80xi32, #tpu.memory_space<hbm>> -> memref<128x80xi32, #tpu.memory_space<hbm>>
      tpu.wait_dma2 semaphore(%run_scoped3A : memref<!tpu.dma_semaphore, #tpu.memory_space<semaphore_mem>>) src(%dma_wait3A_321 : memref<128x80xi32, #tpu.memory_space<hbm>>) dst(%arg12 : memref<128x80xi32, #tpu.memory_space<vmem>>)
      tpu.yield
    }) : () -> ()
    %mul3A_6 = arith.constant 128 : i32
    %mul3A_7 = arith.muli %add3A, %mul3A_6 : i32
    "tpu.region"() ({
      %run_scoped3A = tpu.sem_alloc : memref<!tpu.dma_semaphore, #tpu.memory_space<semaphore_mem>>
      %dma_start3A_314 = arith.constant 0 : i32
      %dma_start3A_315 = tpu.memref_slice %arg4[%mul3A_7, %dma_start3A_314] : memref<4096x80xi32, #tpu.memory_space<hbm>> -> memref<128x80xi32, #tpu.memory_space<hbm>>
      %dma_start3A_316 = arith.constant 0 : i32
      %dma_start3A_317 = tpu.memref_slice %arg4[%mul3A_7, %dma_start3A_316] : memref<4096x80xi32, #tpu.memory_space<hbm>> -> memref<128x80xi32, #tpu.memory_space<hbm>>
      tpu.enqueue_dma source(%dma_start3A_317 : memref<128x80xi32, #tpu.memory_space<hbm>>) target(%arg13 : memref<128x80xi32, #tpu.memory_space<vmem>>) target_semaphore(%run_scoped3A : memref<!tpu.dma_semaphore, #tpu.memory_space<semaphore_mem>>)
      %dma_wait3A_318 = arith.constant 0 : i32
      %dma_wait3A_319 = tpu.memref_slice %arg4[%mul3A_7, %dma_wait3A_318] : memref<4096x80xi32, #tpu.memory_space<hbm>> -> memref<128x80xi32, #tpu.memory_space<hbm>>
      %dma_wait3A_320 = arith.constant 0 : i32
      %dma_wait3A_321 = tpu.memref_slice %arg4[%mul3A_7, %dma_wait3A_320] : memref<4096x80xi32, #tpu.memory_space<hbm>> -> memref<128x80xi32, #tpu.memory_space<hbm>>
      tpu.wait_dma2 semaphore(%run_scoped3A : memref<!tpu.dma_semaphore, #tpu.memory_space<semaphore_mem>>) src(%dma_wait3A_321 : memref<128x80xi32, #tpu.memory_space<hbm>>) dst(%arg13 : memref<128x80xi32, #tpu.memory_space<vmem>>)
      tpu.yield
    }) : () -> ()
    "tpu.region"() ({
      %run_scoped3A = tpu.sem_alloc : memref<!tpu.dma_semaphore, #tpu.memory_space<semaphore_mem>>
      tpu.enqueue_dma source(%arg8 : memref<65x16xf32, #tpu.memory_space<hbm>>) target(%arg27 : memref<65x16xf32, #tpu.memory_space<vmem>>) target_semaphore(%run_scoped3A : memref<!tpu.dma_semaphore, #tpu.memory_space<semaphore_mem>>)
      tpu.wait_dma2 semaphore(%run_scoped3A : memref<!tpu.dma_semaphore, #tpu.memory_space<semaphore_mem>>) src(%arg8 : memref<65x16xf32, #tpu.memory_space<hbm>>) dst(%arg27 : memref<65x16xf32, #tpu.memory_space<vmem>>)
      tpu.yield
    }) : () -> ()
    %barrier3A = arith.constant 0 : index
    tpu.barrier barrier_id(%barrier3A)
    %dma_start3A = arith.constant 0 : i32
    %dma_start3A_8 = arith.constant 0 : i32
    %dma_start3A_9 = arith.constant 0 : i32
    %dma_start3A_10 = arith.constant 0 : i32
    %dma_start3A_11 = tpu.memref_slice %arg14[%dma_start3A_8, %dma_start3A_9, %dma_start3A_10] : memref<8x80x40xf32, #tpu.memory_space<vmem>> -> memref<1x80x40xf32, #tpu.memory_space<vmem>>
    %dma_start3A_12 = tpu.memref_squeeze %dma_start3A_11 : memref<1x80x40xf32, #tpu.memory_space<vmem>> -> memref<80x40xf32, #tpu.memory_space<vmem>>
    %dma_start3A_13 = arith.constant 0 : i32
    %dma_start3A_14 = tpu.memref_slice %arg12[%dma_start3A, %dma_start3A_13] : memref<128x80xi32, #tpu.memory_space<vmem>> -> memref<1x80xi32, #tpu.memory_space<vmem>>
    %dma_start3A_15 = tpu.memref_squeeze %dma_start3A_14 : memref<1x80xi32, #tpu.memory_space<vmem>> -> memref<80xi32, #tpu.memory_space<vmem>>
    %dma_start3A_16 = arith.constant 0 : i32
    %dma_start3A_17 = arith.constant 0 : i32
    %dma_start3A_18 = tpu.memref_slice %arg2[%dma_start3A_16, %dma_start3A_17] : memref<10240x40xf32, #tpu.memory_space<hbm>> -> memref<10240x40xf32, #tpu.memory_space<hbm>>
    tpu.enqueue_indirect_dma source(%dma_start3A_18 : memref<10240x40xf32, #tpu.memory_space<hbm>>) target(%dma_start3A_12 : memref<80x40xf32, #tpu.memory_space<vmem>>) offsets(%dma_start3A_15 : memref<80xi32, #tpu.memory_space<vmem>>) semaphore(%arg33 : memref<!tpu.dma_semaphore, #tpu.memory_space<semaphore_mem>>)
    %dma_start3A_19 = arith.constant 1 : i32
    %dma_start3A_20 = arith.constant 1 : i32
    %dma_start3A_21 = arith.constant 0 : i32
    %dma_start3A_22 = arith.constant 0 : i32
    %dma_start3A_23 = tpu.memref_slice %arg14[%dma_start3A_20, %dma_start3A_21, %dma_start3A_22] : memref<8x80x40xf32, #tpu.memory_space<vmem>> -> memref<1x80x40xf32, #tpu.memory_space<vmem>>
    %dma_start3A_24 = tpu.memref_squeeze %dma_start3A_23 : memref<1x80x40xf32, #tpu.memory_space<vmem>> -> memref<80x40xf32, #tpu.memory_space<vmem>>
    %dma_start3A_25 = arith.constant 0 : i32
    %dma_start3A_26 = tpu.memref_slice %arg12[%dma_start3A_19, %dma_start3A_25] : memref<128x80xi32, #tpu.memory_space<vmem>> -> memref<1x80xi32, #tpu.memory_space<vmem>>
    %dma_start3A_27 = tpu.memref_squeeze %dma_start3A_26 : memref<1x80xi32, #tpu.memory_space<vmem>> -> memref<80xi32, #tpu.memory_space<vmem>>
    %dma_start3A_28 = arith.constant 0 : i32
    %dma_start3A_29 = arith.constant 0 : i32
    %dma_start3A_30 = tpu.memref_slice %arg2[%dma_start3A_28, %dma_start3A_29] : memref<10240x40xf32, #tpu.memory_space<hbm>> -> memref<10240x40xf32, #tpu.memory_space<hbm>>
    tpu.enqueue_indirect_dma source(%dma_start3A_30 : memref<10240x40xf32, #tpu.memory_space<hbm>>) target(%dma_start3A_24 : memref<80x40xf32, #tpu.memory_space<vmem>>) offsets(%dma_start3A_27 : memref<80xi32, #tpu.memory_space<vmem>>) semaphore(%arg34 : memref<!tpu.dma_semaphore, #tpu.memory_space<semaphore_mem>>)
    %dma_start3A_31 = arith.constant 2 : i32
    %dma_start3A_32 = arith.constant 2 : i32
    %dma_start3A_33 = arith.constant 0 : i32
    %dma_start3A_34 = arith.constant 0 : i32
    %dma_start3A_35 = tpu.memref_slice %arg14[%dma_start3A_32, %dma_start3A_33, %dma_start3A_34] : memref<8x80x40xf32, #tpu.memory_space<vmem>> -> memref<1x80x40xf32, #tpu.memory_space<vmem>>
    %dma_start3A_36 = tpu.memref_squeeze %dma_start3A_35 : memref<1x80x40xf32, #tpu.memory_space<vmem>> -> memref<80x40xf32, #tpu.memory_space<vmem>>
    %dma_start3A_37 = arith.constant 0 : i32
    %dma_start3A_38 = tpu.memref_slice %arg12[%dma_start3A_31, %dma_start3A_37] : memref<128x80xi32, #tpu.memory_space<vmem>> -> memref<1x80xi32, #tpu.memory_space<vmem>>
    %dma_start3A_39 = tpu.memref_squeeze %dma_start3A_38 : memref<1x80xi32, #tpu.memory_space<vmem>> -> memref<80xi32, #tpu.memory_space<vmem>>
    %dma_start3A_40 = arith.constant 0 : i32
    %dma_start3A_41 = arith.constant 0 : i32
    %dma_start3A_42 = tpu.memref_slice %arg2[%dma_start3A_40, %dma_start3A_41] : memref<10240x40xf32, #tpu.memory_space<hbm>> -> memref<10240x40xf32, #tpu.memory_space<hbm>>
    tpu.enqueue_indirect_dma source(%dma_start3A_42 : memref<10240x40xf32, #tpu.memory_space<hbm>>) target(%dma_start3A_36 : memref<80x40xf32, #tpu.memory_space<vmem>>) offsets(%dma_start3A_39 : memref<80xi32, #tpu.memory_space<vmem>>) semaphore(%arg35 : memref<!tpu.dma_semaphore, #tpu.memory_space<semaphore_mem>>)
    %dma_start3A_43 = arith.constant 3 : i32
    %dma_start3A_44 = arith.constant 3 : i32
    %dma_start3A_45 = arith.constant 0 : i32
    %dma_start3A_46 = arith.constant 0 : i32
    %dma_start3A_47 = tpu.memref_slice %arg14[%dma_start3A_44, %dma_start3A_45, %dma_start3A_46] : memref<8x80x40xf32, #tpu.memory_space<vmem>> -> memref<1x80x40xf32, #tpu.memory_space<vmem>>
    %dma_start3A_48 = tpu.memref_squeeze %dma_start3A_47 : memref<1x80x40xf32, #tpu.memory_space<vmem>> -> memref<80x40xf32, #tpu.memory_space<vmem>>
    %dma_start3A_49 = arith.constant 0 : i32
    %dma_start3A_50 = tpu.memref_slice %arg12[%dma_start3A_43, %dma_start3A_49] : memref<128x80xi32, #tpu.memory_space<vmem>> -> memref<1x80xi32, #tpu.memory_space<vmem>>
    %dma_start3A_51 = tpu.memref_squeeze %dma_start3A_50 : memref<1x80xi32, #tpu.memory_space<vmem>> -> memref<80xi32, #tpu.memory_space<vmem>>
    %dma_start3A_52 = arith.constant 0 : i32
    %dma_start3A_53 = arith.constant 0 : i32
    %dma_start3A_54 = tpu.memref_slice %arg2[%dma_start3A_52, %dma_start3A_53] : memref<10240x40xf32, #tpu.memory_space<hbm>> -> memref<10240x40xf32, #tpu.memory_space<hbm>>
    tpu.enqueue_indirect_dma source(%dma_start3A_54 : memref<10240x40xf32, #tpu.memory_space<hbm>>) target(%dma_start3A_48 : memref<80x40xf32, #tpu.memory_space<vmem>>) offsets(%dma_start3A_51 : memref<80xi32, #tpu.memory_space<vmem>>) semaphore(%arg36 : memref<!tpu.dma_semaphore, #tpu.memory_space<semaphore_mem>>)
    %scan3A = arith.constant 0 : i32
    %scan3A_55 = arith.constant 0 : i32
    %scan3A_56 = arith.constant 16 : i32
    %scan3A_57 = arith.addi %scan3A_55, %scan3A_56 : i32
    %scan3A_58 = arith.constant 1 : i32
    scf.for %scan3A_314 = %scan3A_55 to %scan3A_57 step %scan3A_58  : i32 {
      %mul3A_315 = arith.constant 8 : i32
      %mul3A_316 = arith.muli %scan3A_314, %mul3A_315 : i32
      %add3A_317 = arith.constant 0 : i32
      %add3A_318 = arith.addi %mul3A_316, %add3A_317 : i32
      %dma_wait3A_319 = arith.constant 0 : i32
      %dma_wait3A_320 = arith.constant 0 : i32
      %dma_wait3A_321 = arith.constant 0 : i32
      %dma_wait3A_322 = tpu.memref_slice %arg14[%dma_wait3A_319, %dma_wait3A_320, %dma_wait3A_321] : memref<8x80x40xf32, #tpu.memory_space<vmem>> -> memref<1x80x40xf32, #tpu.memory_space<vmem>>
      %dma_wait3A_323 = tpu.memref_squeeze %dma_wait3A_322 : memref<1x80x40xf32, #tpu.memory_space<vmem>> -> memref<80x40xf32, #tpu.memory_space<vmem>>
      %dma_wait3A_324 = arith.constant 0 : i32
      %dma_wait3A_325 = tpu.memref_slice %arg12[%add3A_318, %dma_wait3A_324] : memref<128x80xi32, #tpu.memory_space<vmem>> -> memref<1x80xi32, #tpu.memory_space<vmem>>
      %dma_wait3A_326 = tpu.memref_squeeze %dma_wait3A_325 : memref<1x80xi32, #tpu.memory_space<vmem>> -> memref<80xi32, #tpu.memory_space<vmem>>
      %dma_wait3A_327 = arith.constant 0 : i32
      %dma_wait3A_328 = arith.constant 0 : i32
      %dma_wait3A_329 = tpu.memref_slice %arg2[%dma_wait3A_327, %dma_wait3A_328] : memref<10240x40xf32, #tpu.memory_space<hbm>> -> memref<10240x40xf32, #tpu.memory_space<hbm>>
      tpu.wait_indirect_dma semaphore(%arg33 : memref<!tpu.dma_semaphore, #tpu.memory_space<semaphore_mem>>) src(%dma_wait3A_329 : memref<10240x40xf32, #tpu.memory_space<hbm>>) dst(%dma_wait3A_323 : memref<80x40xf32, #tpu.memory_space<vmem>>)
      %dma_start3A_330 = arith.constant 0 : i32
      %dma_start3A_331 = arith.constant 0 : i32
      %dma_start3A_332 = arith.constant 0 : i32
      %dma_start3A_333 = tpu.memref_slice %arg14[%dma_start3A_330, %dma_start3A_331, %dma_start3A_332] : memref<8x80x40xf32, #tpu.memory_space<vmem>> -> memref<1x80x40xf32, #tpu.memory_space<vmem>>
      %dma_start3A_334 = tpu.memref_squeeze %dma_start3A_333 : memref<1x80x40xf32, #tpu.memory_space<vmem>> -> memref<80x40xf32, #tpu.memory_space<vmem>>
      %dma_start3A_335 = arith.constant 0 : i32
      %dma_start3A_336 = tpu.memref_slice %arg13[%add3A_318, %dma_start3A_335] : memref<128x80xi32, #tpu.memory_space<vmem>> -> memref<1x80xi32, #tpu.memory_space<vmem>>
      %dma_start3A_337 = tpu.memref_squeeze %dma_start3A_336 : memref<1x80xi32, #tpu.memory_space<vmem>> -> memref<80xi32, #tpu.memory_space<vmem>>
      %dma_start3A_338 = arith.constant 0 : i32
      %dma_start3A_339 = arith.constant 0 : i32
      %dma_start3A_340 = tpu.memref_slice %arg28[%dma_start3A_338, %dma_start3A_339] : memref<10240x40xf32, #tpu.memory_space<vmem_shared>> -> memref<10240x40xf32, #tpu.memory_space<vmem_shared>>
      tpu.enqueue_indirect_dma source(%dma_start3A_334 : memref<80x40xf32, #tpu.memory_space<vmem>>) target(%dma_start3A_340 : memref<10240x40xf32, #tpu.memory_space<vmem_shared>>) offsets(%dma_start3A_337 : memref<80xi32, #tpu.memory_space<vmem>>) semaphore(%arg41 : memref<!tpu.dma_semaphore, #tpu.memory_space<semaphore_mem>>) {add = true}
      %add3A_341 = arith.constant 4 : i32
      %add3A_342 = arith.addi %add3A_318, %add3A_341 : i32
      %lt3A = arith.constant 128 : i32
      %lt3A_343 = arith.cmpi slt, %add3A_342, %lt3A : i32
      %ge3A = arith.constant 4 : i32
      %ge3A_344 = arith.cmpi sge, %add3A_318, %ge3A : i32
      %and3A = arith.andi %lt3A_343, %ge3A_344 : i1
      %convert_element_type3A_345 = arith.extui %and3A : i1 to i32
      %cond3A_346 = arith.constant 0 : i32
      %cond3A_347 = arith.cmpi ne, %convert_element_type3A_345, %cond3A_346 : i32
      scf.if %cond3A_347 {
        %dma_wait3A_640 = arith.constant 4 : i32
        %dma_wait3A_641 = arith.constant 0 : i32
        %dma_wait3A_642 = arith.constant 0 : i32
        %dma_wait3A_643 = arith.constant 0 : i32
        %dma_wait3A_644 = tpu.memref_slice %arg14[%dma_wait3A_640, %dma_wait3A_642, %dma_wait3A_643] : memref<8x80x40xf32, #tpu.memory_space<vmem>> -> memref<1x80x40xf32, #tpu.memory_space<vmem>>
        %dma_wait3A_645 = tpu.memref_squeeze %dma_wait3A_644 : memref<1x80x40xf32, #tpu.memory_space<vmem>> -> memref<80x40xf32, #tpu.memory_space<vmem>>
        %dma_wait3A_646 = arith.constant 0 : i32
        %dma_wait3A_647 = tpu.memref_slice %arg13[%dma_wait3A_641, %dma_wait3A_646] : memref<128x80xi32, #tpu.memory_space<vmem>> -> memref<1x80xi32, #tpu.memory_space<vmem>>
        %dma_wait3A_648 = tpu.memref_squeeze %dma_wait3A_647 : memref<1x80xi32, #tpu.memory_space<vmem>> -> memref<80xi32, #tpu.memory_space<vmem>>
        %dma_wait3A_649 = arith.constant 0 : i32
        %dma_wait3A_650 = arith.constant 0 : i32
        %dma_wait3A_651 = tpu.memref_slice %arg28[%dma_wait3A_649, %dma_wait3A_650] : memref<10240x40xf32, #tpu.memory_space<vmem_shared>> -> memref<10240x40xf32, #tpu.memory_space<vmem_shared>>
        tpu.wait_indirect_dma semaphore(%arg45 : memref<!tpu.dma_semaphore, #tpu.memory_space<semaphore_mem>>) src(%dma_wait3A_645 : memref<80x40xf32, #tpu.memory_space<vmem>>) dst(%dma_wait3A_651 : memref<10240x40xf32, #tpu.memory_space<vmem_shared>>)
      } else {
      }
      %lt3A_348 = arith.constant 128 : i32
      %lt3A_349 = arith.cmpi slt, %add3A_342, %lt3A_348 : i32
      %convert_element_type3A_350 = arith.extui %lt3A_349 : i1 to i32
      %cond3A_351 = arith.constant 0 : i32
      %cond3A_352 = arith.cmpi ne, %convert_element_type3A_350, %cond3A_351 : i32
      scf.if %cond3A_352 {
        %dma_start3A_640 = arith.constant 4 : i32
        %dma_start3A_641 = arith.constant 0 : i32
        %dma_start3A_642 = arith.constant 0 : i32
        %dma_start3A_643 = tpu.memref_slice %arg14[%dma_start3A_640, %dma_start3A_641, %dma_start3A_642] : memref<8x80x40xf32, #tpu.memory_space<vmem>> -> memref<1x80x40xf32, #tpu.memory_space<vmem>>
        %dma_start3A_644 = tpu.memref_squeeze %dma_start3A_643 : memref<1x80x40xf32, #tpu.memory_space<vmem>> -> memref<80x40xf32, #tpu.memory_space<vmem>>
        %dma_start3A_645 = arith.constant 0 : i32
        %dma_start3A_646 = tpu.memref_slice %arg12[%add3A_342, %dma_start3A_645] : memref<128x80xi32, #tpu.memory_space<vmem>> -> memref<1x80xi32, #tpu.memory_space<vmem>>
        %dma_start3A_647 = tpu.memref_squeeze %dma_start3A_646 : memref<1x80xi32, #tpu.memory_space<vmem>> -> memref<80xi32, #tpu.memory_space<vmem>>
        %dma_start3A_648 = arith.constant 0 : i32
        %dma_start3A_649 = arith.constant 0 : i32
        %dma_start3A_650 = tpu.memref_slice %arg2[%dma_start3A_648, %dma_start3A_649] : memref<10240x40xf32, #tpu.memory_space<hbm>> -> memref<10240x40xf32, #tpu.memory_space<hbm>>
        tpu.enqueue_indirect_dma source(%dma_start3A_650 : memref<10240x40xf32, #tpu.memory_space<hbm>>) target(%dma_start3A_644 : memref<80x40xf32, #tpu.memory_space<vmem>>) offsets(%dma_start3A_647 : memref<80xi32, #tpu.memory_space<vmem>>) semaphore(%arg37 : memref<!tpu.dma_semaphore, #tpu.memory_space<semaphore_mem>>)
      } else {
      }
      %mul3A_353 = arith.constant 8 : i32
      %mul3A_354 = arith.muli %scan3A_314, %mul3A_353 : i32
      %add3A_355 = arith.constant 1 : i32
      %add3A_356 = arith.addi %mul3A_354, %add3A_355 : i32
      %dma_wait3A_357 = arith.constant 1 : i32
      %dma_wait3A_358 = arith.constant 0 : i32
      %dma_wait3A_359 = arith.constant 0 : i32
      %dma_wait3A_360 = tpu.memref_slice %arg14[%dma_wait3A_357, %dma_wait3A_358, %dma_wait3A_359] : memref<8x80x40xf32, #tpu.memory_space<vmem>> -> memref<1x80x40xf32, #tpu.memory_space<vmem>>
      %dma_wait3A_361 = tpu.memref_squeeze %dma_wait3A_360 : memref<1x80x40xf32, #tpu.memory_space<vmem>> -> memref<80x40xf32, #tpu.memory_space<vmem>>
      %dma_wait3A_362 = arith.constant 0 : i32
      %dma_wait3A_363 = tpu.memref_slice %arg12[%add3A_356, %dma_wait3A_362] : memref<128x80xi32, #tpu.memory_space<vmem>> -> memref<1x80xi32, #tpu.memory_space<vmem>>
      %dma_wait3A_364 = tpu.memref_squeeze %dma_wait3A_363 : memref<1x80xi32, #tpu.memory_space<vmem>> -> memref<80xi32, #tpu.memory_space<vmem>>
      %dma_wait3A_365 = arith.constant 0 : i32
      %dma_wait3A_366 = arith.constant 0 : i32
      %dma_wait3A_367 = tpu.memref_slice %arg2[%dma_wait3A_365, %dma_wait3A_366] : memref<10240x40xf32, #tpu.memory_space<hbm>> -> memref<10240x40xf32, #tpu.memory_space<hbm>>
      tpu.wait_indirect_dma semaphore(%arg34 : memref<!tpu.dma_semaphore, #tpu.memory_space<semaphore_mem>>) src(%dma_wait3A_367 : memref<10240x40xf32, #tpu.memory_space<hbm>>) dst(%dma_wait3A_361 : memref<80x40xf32, #tpu.memory_space<vmem>>)
      %dma_start3A_368 = arith.constant 1 : i32
      %dma_start3A_369 = arith.constant 0 : i32
      %dma_start3A_370 = arith.constant 0 : i32
      %dma_start3A_371 = tpu.memref_slice %arg14[%dma_start3A_368, %dma_start3A_369, %dma_start3A_370] : memref<8x80x40xf32, #tpu.memory_space<vmem>> -> memref<1x80x40xf32, #tpu.memory_space<vmem>>
      %dma_start3A_372 = tpu.memref_squeeze %dma_start3A_371 : memref<1x80x40xf32, #tpu.memory_space<vmem>> -> memref<80x40xf32, #tpu.memory_space<vmem>>
      %dma_start3A_373 = arith.constant 0 : i32
      %dma_start3A_374 = tpu.memref_slice %arg13[%add3A_356, %dma_start3A_373] : memref<128x80xi32, #tpu.memory_space<vmem>> -> memref<1x80xi32, #tpu.memory_space<vmem>>
      %dma_start3A_375 = tpu.memref_squeeze %dma_start3A_374 : memref<1x80xi32, #tpu.memory_space<vmem>> -> memref<80xi32, #tpu.memory_space<vmem>>
      %dma_start3A_376 = arith.constant 0 : i32
      %dma_start3A_377 = arith.constant 0 : i32
      %dma_start3A_378 = tpu.memref_slice %arg28[%dma_start3A_376, %dma_start3A_377] : memref<10240x40xf32, #tpu.memory_space<vmem_shared>> -> memref<10240x40xf32, #tpu.memory_space<vmem_shared>>
      tpu.enqueue_indirect_dma source(%dma_start3A_372 : memref<80x40xf32, #tpu.memory_space<vmem>>) target(%dma_start3A_378 : memref<10240x40xf32, #tpu.memory_space<vmem_shared>>) offsets(%dma_start3A_375 : memref<80xi32, #tpu.memory_space<vmem>>) semaphore(%arg42 : memref<!tpu.dma_semaphore, #tpu.memory_space<semaphore_mem>>) {add = true}
      %add3A_379 = arith.constant 4 : i32
      %add3A_380 = arith.addi %add3A_356, %add3A_379 : i32
      %lt3A_381 = arith.constant 128 : i32
      %lt3A_382 = arith.cmpi slt, %add3A_380, %lt3A_381 : i32
      %ge3A_383 = arith.constant 4 : i32
      %ge3A_384 = arith.cmpi sge, %add3A_356, %ge3A_383 : i32
      %and3A_385 = arith.andi %lt3A_382, %ge3A_384 : i1
      %convert_element_type3A_386 = arith.extui %and3A_385 : i1 to i32
      %cond3A_387 = arith.constant 0 : i32
      %cond3A_388 = arith.cmpi ne, %convert_element_type3A_386, %cond3A_387 : i32
      scf.if %cond3A_388 {
        %dma_wait3A_640 = arith.constant 5 : i32
        %dma_wait3A_641 = arith.constant 0 : i32
        %dma_wait3A_642 = arith.constant 0 : i32
        %dma_wait3A_643 = arith.constant 0 : i32
        %dma_wait3A_644 = tpu.memref_slice %arg14[%dma_wait3A_640, %dma_wait3A_642, %dma_wait3A_643] : memref<8x80x40xf32, #tpu.memory_space<vmem>> -> memref<1x80x40xf32, #tpu.memory_space<vmem>>
        %dma_wait3A_645 = tpu.memref_squeeze %dma_wait3A_644 : memref<1x80x40xf32, #tpu.memory_space<vmem>> -> memref<80x40xf32, #tpu.memory_space<vmem>>
        %dma_wait3A_646 = arith.constant 0 : i32
        %dma_wait3A_647 = tpu.memref_slice %arg13[%dma_wait3A_641, %dma_wait3A_646] : memref<128x80xi32, #tpu.memory_space<vmem>> -> memref<1x80xi32, #tpu.memory_space<vmem>>
        %dma_wait3A_648 = tpu.memref_squeeze %dma_wait3A_647 : memref<1x80xi32, #tpu.memory_space<vmem>> -> memref<80xi32, #tpu.memory_space<vmem>>
        %dma_wait3A_649 = arith.constant 0 : i32
        %dma_wait3A_650 = arith.constant 0 : i32
        %dma_wait3A_651 = tpu.memref_slice %arg28[%dma_wait3A_649, %dma_wait3A_650] : memref<10240x40xf32, #tpu.memory_space<vmem_shared>> -> memref<10240x40xf32, #tpu.memory_space<vmem_shared>>
        tpu.wait_indirect_dma semaphore(%arg46 : memref<!tpu.dma_semaphore, #tpu.memory_space<semaphore_mem>>) src(%dma_wait3A_645 : memref<80x40xf32, #tpu.memory_space<vmem>>) dst(%dma_wait3A_651 : memref<10240x40xf32, #tpu.memory_space<vmem_shared>>)
      } else {
      }
      %lt3A_389 = arith.constant 128 : i32
      %lt3A_390 = arith.cmpi slt, %add3A_380, %lt3A_389 : i32
      %convert_element_type3A_391 = arith.extui %lt3A_390 : i1 to i32
      %cond3A_392 = arith.constant 0 : i32
      %cond3A_393 = arith.cmpi ne, %convert_element_type3A_391, %cond3A_392 : i32
      scf.if %cond3A_393 {
        %dma_start3A_640 = arith.constant 5 : i32
        %dma_start3A_641 = arith.constant 0 : i32
        %dma_start3A_642 = arith.constant 0 : i32
        %dma_start3A_643 = tpu.memref_slice %arg14[%dma_start3A_640, %dma_start3A_641, %dma_start3A_642] : memref<8x80x40xf32, #tpu.memory_space<vmem>> -> memref<1x80x40xf32, #tpu.memory_space<vmem>>
        %dma_start3A_644 = tpu.memref_squeeze %dma_start3A_643 : memref<1x80x40xf32, #tpu.memory_space<vmem>> -> memref<80x40xf32, #tpu.memory_space<vmem>>
        %dma_start3A_645 = arith.constant 0 : i32
        %dma_start3A_646 = tpu.memref_slice %arg12[%add3A_380, %dma_start3A_645] : memref<128x80xi32, #tpu.memory_space<vmem>> -> memref<1x80xi32, #tpu.memory_space<vmem>>
        %dma_start3A_647 = tpu.memref_squeeze %dma_start3A_646 : memref<1x80xi32, #tpu.memory_space<vmem>> -> memref<80xi32, #tpu.memory_space<vmem>>
        %dma_start3A_648 = arith.constant 0 : i32
        %dma_start3A_649 = arith.constant 0 : i32
        %dma_start3A_650 = tpu.memref_slice %arg2[%dma_start3A_648, %dma_start3A_649] : memref<10240x40xf32, #tpu.memory_space<hbm>> -> memref<10240x40xf32, #tpu.memory_space<hbm>>
        tpu.enqueue_indirect_dma source(%dma_start3A_650 : memref<10240x40xf32, #tpu.memory_space<hbm>>) target(%dma_start3A_644 : memref<80x40xf32, #tpu.memory_space<vmem>>) offsets(%dma_start3A_647 : memref<80xi32, #tpu.memory_space<vmem>>) semaphore(%arg38 : memref<!tpu.dma_semaphore, #tpu.memory_space<semaphore_mem>>)
      } else {
      }
      %mul3A_394 = arith.constant 8 : i32
      %mul3A_395 = arith.muli %scan3A_314, %mul3A_394 : i32
      %add3A_396 = arith.constant 2 : i32
      %add3A_397 = arith.addi %mul3A_395, %add3A_396 : i32
      %dma_wait3A_398 = arith.constant 2 : i32
      %dma_wait3A_399 = arith.constant 0 : i32
      %dma_wait3A_400 = arith.constant 0 : i32
      %dma_wait3A_401 = tpu.memref_slice %arg14[%dma_wait3A_398, %dma_wait3A_399, %dma_wait3A_400] : memref<8x80x40xf32, #tpu.memory_space<vmem>> -> memref<1x80x40xf32, #tpu.memory_space<vmem>>
      %dma_wait3A_402 = tpu.memref_squeeze %dma_wait3A_401 : memref<1x80x40xf32, #tpu.memory_space<vmem>> -> memref<80x40xf32, #tpu.memory_space<vmem>>
      %dma_wait3A_403 = arith.constant 0 : i32
      %dma_wait3A_404 = tpu.memref_slice %arg12[%add3A_397, %dma_wait3A_403] : memref<128x80xi32, #tpu.memory_space<vmem>> -> memref<1x80xi32, #tpu.memory_space<vmem>>
      %dma_wait3A_405 = tpu.memref_squeeze %dma_wait3A_404 : memref<1x80xi32, #tpu.memory_space<vmem>> -> memref<80xi32, #tpu.memory_space<vmem>>
      %dma_wait3A_406 = arith.constant 0 : i32
      %dma_wait3A_407 = arith.constant 0 : i32
      %dma_wait3A_408 = tpu.memref_slice %arg2[%dma_wait3A_406, %dma_wait3A_407] : memref<10240x40xf32, #tpu.memory_space<hbm>> -> memref<10240x40xf32, #tpu.memory_space<hbm>>
      tpu.wait_indirect_dma semaphore(%arg35 : memref<!tpu.dma_semaphore, #tpu.memory_space<semaphore_mem>>) src(%dma_wait3A_408 : memref<10240x40xf32, #tpu.memory_space<hbm>>) dst(%dma_wait3A_402 : memref<80x40xf32, #tpu.memory_space<vmem>>)
      %dma_start3A_409 = arith.constant 2 : i32
      %dma_start3A_410 = arith.constant 0 : i32
      %dma_start3A_411 = arith.constant 0 : i32
      %dma_start3A_412 = tpu.memref_slice %arg14[%dma_start3A_409, %dma_start3A_410, %dma_start3A_411] : memref<8x80x40xf32, #tpu.memory_space<vmem>> -> memref<1x80x40xf32, #tpu.memory_space<vmem>>
      %dma_start3A_413 = tpu.memref_squeeze %dma_start3A_412 : memref<1x80x40xf32, #tpu.memory_space<vmem>> -> memref<80x40xf32, #tpu.memory_space<vmem>>
      %dma_start3A_414 = arith.constant 0 : i32
      %dma_start3A_415 = tpu.memref_slice %arg13[%add3A_397, %dma_start3A_414] : memref<128x80xi32, #tpu.memory_space<vmem>> -> memref<1x80xi32, #tpu.memory_space<vmem>>
      %dma_start3A_416 = tpu.memref_squeeze %dma_start3A_415 : memref<1x80xi32, #tpu.memory_space<vmem>> -> memref<80xi32, #tpu.memory_space<vmem>>
      %dma_start3A_417 = arith.constant 0 : i32
      %dma_start3A_418 = arith.constant 0 : i32
      %dma_start3A_419 = tpu.memref_slice %arg28[%dma_start3A_417, %dma_start3A_418] : memref<10240x40xf32, #tpu.memory_space<vmem_shared>> -> memref<10240x40xf32, #tpu.memory_space<vmem_shared>>
      tpu.enqueue_indirect_dma source(%dma_start3A_413 : memref<80x40xf32, #tpu.memory_space<vmem>>) target(%dma_start3A_419 : memref<10240x40xf32, #tpu.memory_space<vmem_shared>>) offsets(%dma_start3A_416 : memref<80xi32, #tpu.memory_space<vmem>>) semaphore(%arg43 : memref<!tpu.dma_semaphore, #tpu.memory_space<semaphore_mem>>) {add = true}
      %add3A_420 = arith.constant 4 : i32
      %add3A_421 = arith.addi %add3A_397, %add3A_420 : i32
      %lt3A_422 = arith.constant 128 : i32
      %lt3A_423 = arith.cmpi slt, %add3A_421, %lt3A_422 : i32
      %ge3A_424 = arith.constant 4 : i32
      %ge3A_425 = arith.cmpi sge, %add3A_397, %ge3A_424 : i32
      %and3A_426 = arith.andi %lt3A_423, %ge3A_425 : i1
      %convert_element_type3A_427 = arith.extui %and3A_426 : i1 to i32
      %cond3A_428 = arith.constant 0 : i32
      %cond3A_429 = arith.cmpi ne, %convert_element_type3A_427, %cond3A_428 : i32
      scf.if %cond3A_429 {
        %dma_wait3A_640 = arith.constant 6 : i32
        %dma_wait3A_641 = arith.constant 0 : i32
        %dma_wait3A_642 = arith.constant 0 : i32
        %dma_wait3A_643 = arith.constant 0 : i32
        %dma_wait3A_644 = tpu.memref_slice %arg14[%dma_wait3A_640, %dma_wait3A_642, %dma_wait3A_643] : memref<8x80x40xf32, #tpu.memory_space<vmem>> -> memref<1x80x40xf32, #tpu.memory_space<vmem>>
        %dma_wait3A_645 = tpu.memref_squeeze %dma_wait3A_644 : memref<1x80x40xf32, #tpu.memory_space<vmem>> -> memref<80x40xf32, #tpu.memory_space<vmem>>
        %dma_wait3A_646 = arith.constant 0 : i32
        %dma_wait3A_647 = tpu.memref_slice %arg13[%dma_wait3A_641, %dma_wait3A_646] : memref<128x80xi32, #tpu.memory_space<vmem>> -> memref<1x80xi32, #tpu.memory_space<vmem>>
        %dma_wait3A_648 = tpu.memref_squeeze %dma_wait3A_647 : memref<1x80xi32, #tpu.memory_space<vmem>> -> memref<80xi32, #tpu.memory_space<vmem>>
        %dma_wait3A_649 = arith.constant 0 : i32
        %dma_wait3A_650 = arith.constant 0 : i32
        %dma_wait3A_651 = tpu.memref_slice %arg28[%dma_wait3A_649, %dma_wait3A_650] : memref<10240x40xf32, #tpu.memory_space<vmem_shared>> -> memref<10240x40xf32, #tpu.memory_space<vmem_shared>>
        tpu.wait_indirect_dma semaphore(%arg47 : memref<!tpu.dma_semaphore, #tpu.memory_space<semaphore_mem>>) src(%dma_wait3A_645 : memref<80x40xf32, #tpu.memory_space<vmem>>) dst(%dma_wait3A_651 : memref<10240x40xf32, #tpu.memory_space<vmem_shared>>)
      } else {
      }
      %lt3A_430 = arith.constant 128 : i32
      %lt3A_431 = arith.cmpi slt, %add3A_421, %lt3A_430 : i32
      %convert_element_type3A_432 = arith.extui %lt3A_431 : i1 to i32
      %cond3A_433 = arith.constant 0 : i32
      %cond3A_434 = arith.cmpi ne, %convert_element_type3A_432, %cond3A_433 : i32
      scf.if %cond3A_434 {
        %dma_start3A_640 = arith.constant 6 : i32
        %dma_start3A_641 = arith.constant 0 : i32
        %dma_start3A_642 = arith.constant 0 : i32
        %dma_start3A_643 = tpu.memref_slice %arg14[%dma_start3A_640, %dma_start3A_641, %dma_start3A_642] : memref<8x80x40xf32, #tpu.memory_space<vmem>> -> memref<1x80x40xf32, #tpu.memory_space<vmem>>
        %dma_start3A_644 = tpu.memref_squeeze %dma_start3A_643 : memref<1x80x40xf32, #tpu.memory_space<vmem>> -> memref<80x40xf32, #tpu.memory_space<vmem>>
        %dma_start3A_645 = arith.constant 0 : i32
        %dma_start3A_646 = tpu.memref_slice %arg12[%add3A_421, %dma_start3A_645] : memref<128x80xi32, #tpu.memory_space<vmem>> -> memref<1x80xi32, #tpu.memory_space<vmem>>
        %dma_start3A_647 = tpu.memref_squeeze %dma_start3A_646 : memref<1x80xi32, #tpu.memory_space<vmem>> -> memref<80xi32, #tpu.memory_space<vmem>>
        %dma_start3A_648 = arith.constant 0 : i32
        %dma_start3A_649 = arith.constant 0 : i32
        %dma_start3A_650 = tpu.memref_slice %arg2[%dma_start3A_648, %dma_start3A_649] : memref<10240x40xf32, #tpu.memory_space<hbm>> -> memref<10240x40xf32, #tpu.memory_space<hbm>>
        tpu.enqueue_indirect_dma source(%dma_start3A_650 : memref<10240x40xf32, #tpu.memory_space<hbm>>) target(%dma_start3A_644 : memref<80x40xf32, #tpu.memory_space<vmem>>) offsets(%dma_start3A_647 : memref<80xi32, #tpu.memory_space<vmem>>) semaphore(%arg39 : memref<!tpu.dma_semaphore, #tpu.memory_space<semaphore_mem>>)
      } else {
      }
      %mul3A_435 = arith.constant 8 : i32
      %mul3A_436 = arith.muli %scan3A_314, %mul3A_435 : i32
      %add3A_437 = arith.constant 3 : i32
      %add3A_438 = arith.addi %mul3A_436, %add3A_437 : i32
      %dma_wait3A_439 = arith.constant 3 : i32
      %dma_wait3A_440 = arith.constant 0 : i32
      %dma_wait3A_441 = arith.constant 0 : i32
      %dma_wait3A_442 = tpu.memref_slice %arg14[%dma_wait3A_439, %dma_wait3A_440, %dma_wait3A_441] : memref<8x80x40xf32, #tpu.memory_space<vmem>> -> memref<1x80x40xf32, #tpu.memory_space<vmem>>
      %dma_wait3A_443 = tpu.memref_squeeze %dma_wait3A_442 : memref<1x80x40xf32, #tpu.memory_space<vmem>> -> memref<80x40xf32, #tpu.memory_space<vmem>>
      %dma_wait3A_444 = arith.constant 0 : i32
      %dma_wait3A_445 = tpu.memref_slice %arg12[%add3A_438, %dma_wait3A_444] : memref<128x80xi32, #tpu.memory_space<vmem>> -> memref<1x80xi32, #tpu.memory_space<vmem>>
      %dma_wait3A_446 = tpu.memref_squeeze %dma_wait3A_445 : memref<1x80xi32, #tpu.memory_space<vmem>> -> memref<80xi32, #tpu.memory_space<vmem>>
      %dma_wait3A_447 = arith.constant 0 : i32
      %dma_wait3A_448 = arith.constant 0 : i32
      %dma_wait3A_449 = tpu.memref_slice %arg2[%dma_wait3A_447, %dma_wait3A_448] : memref<10240x40xf32, #tpu.memory_space<hbm>> -> memref<10240x40xf32, #tpu.memory_space<hbm>>
      tpu.wait_indirect_dma semaphore(%arg36 : memref<!tpu.dma_semaphore, #tpu.memory_space<semaphore_mem>>) src(%dma_wait3A_449 : memref<10240x40xf32, #tpu.memory_space<hbm>>) dst(%dma_wait3A_443 : memref<80x40xf32, #tpu.memory_space<vmem>>)
      %dma_start3A_450 = arith.constant 3 : i32
      %dma_start3A_451 = arith.constant 0 : i32
      %dma_start3A_452 = arith.constant 0 : i32
      %dma_start3A_453 = tpu.memref_slice %arg14[%dma_start3A_450, %dma_start3A_451, %dma_start3A_452] : memref<8x80x40xf32, #tpu.memory_space<vmem>> -> memref<1x80x40xf32, #tpu.memory_space<vmem>>
      %dma_start3A_454 = tpu.memref_squeeze %dma_start3A_453 : memref<1x80x40xf32, #tpu.memory_space<vmem>> -> memref<80x40xf32, #tpu.memory_space<vmem>>
      %dma_start3A_455 = arith.constant 0 : i32
      %dma_start3A_456 = tpu.memref_slice %arg13[%add3A_438, %dma_start3A_455] : memref<128x80xi32, #tpu.memory_space<vmem>> -> memref<1x80xi32, #tpu.memory_space<vmem>>
      %dma_start3A_457 = tpu.memref_squeeze %dma_start3A_456 : memref<1x80xi32, #tpu.memory_space<vmem>> -> memref<80xi32, #tpu.memory_space<vmem>>
      %dma_start3A_458 = arith.constant 0 : i32
      %dma_start3A_459 = arith.constant 0 : i32
      %dma_start3A_460 = tpu.memref_slice %arg28[%dma_start3A_458, %dma_start3A_459] : memref<10240x40xf32, #tpu.memory_space<vmem_shared>> -> memref<10240x40xf32, #tpu.memory_space<vmem_shared>>
      tpu.enqueue_indirect_dma source(%dma_start3A_454 : memref<80x40xf32, #tpu.memory_space<vmem>>) target(%dma_start3A_460 : memref<10240x40xf32, #tpu.memory_space<vmem_shared>>) offsets(%dma_start3A_457 : memref<80xi32, #tpu.memory_space<vmem>>) semaphore(%arg44 : memref<!tpu.dma_semaphore, #tpu.memory_space<semaphore_mem>>) {add = true}
      %add3A_461 = arith.constant 4 : i32
      %add3A_462 = arith.addi %add3A_438, %add3A_461 : i32
      %lt3A_463 = arith.constant 128 : i32
      %lt3A_464 = arith.cmpi slt, %add3A_462, %lt3A_463 : i32
      %ge3A_465 = arith.constant 4 : i32
      %ge3A_466 = arith.cmpi sge, %add3A_438, %ge3A_465 : i32
      %and3A_467 = arith.andi %lt3A_464, %ge3A_466 : i1
      %convert_element_type3A_468 = arith.extui %and3A_467 : i1 to i32
      %cond3A_469 = arith.constant 0 : i32
      %cond3A_470 = arith.cmpi ne, %convert_element_type3A_468, %cond3A_469 : i32
      scf.if %cond3A_470 {
        %dma_wait3A_640 = arith.constant 7 : i32
        %dma_wait3A_641 = arith.constant 0 : i32
        %dma_wait3A_642 = arith.constant 0 : i32
        %dma_wait3A_643 = arith.constant 0 : i32
        %dma_wait3A_644 = tpu.memref_slice %arg14[%dma_wait3A_640, %dma_wait3A_642, %dma_wait3A_643] : memref<8x80x40xf32, #tpu.memory_space<vmem>> -> memref<1x80x40xf32, #tpu.memory_space<vmem>>
        %dma_wait3A_645 = tpu.memref_squeeze %dma_wait3A_644 : memref<1x80x40xf32, #tpu.memory_space<vmem>> -> memref<80x40xf32, #tpu.memory_space<vmem>>
        %dma_wait3A_646 = arith.constant 0 : i32
        %dma_wait3A_647 = tpu.memref_slice %arg13[%dma_wait3A_641, %dma_wait3A_646] : memref<128x80xi32, #tpu.memory_space<vmem>> -> memref<1x80xi32, #tpu.memory_space<vmem>>
        %dma_wait3A_648 = tpu.memref_squeeze %dma_wait3A_647 : memref<1x80xi32, #tpu.memory_space<vmem>> -> memref<80xi32, #tpu.memory_space<vmem>>
        %dma_wait3A_649 = arith.constant 0 : i32
        %dma_wait3A_650 = arith.constant 0 : i32
        %dma_wait3A_651 = tpu.memref_slice %arg28[%dma_wait3A_649, %dma_wait3A_650] : memref<10240x40xf32, #tpu.memory_space<vmem_shared>> -> memref<10240x40xf32, #tpu.memory_space<vmem_shared>>
        tpu.wait_indirect_dma semaphore(%arg48 : memref<!tpu.dma_semaphore, #tpu.memory_space<semaphore_mem>>) src(%dma_wait3A_645 : memref<80x40xf32, #tpu.memory_space<vmem>>) dst(%dma_wait3A_651 : memref<10240x40xf32, #tpu.memory_space<vmem_shared>>)
      } else {
      }
      %lt3A_471 = arith.constant 128 : i32
      %lt3A_472 = arith.cmpi slt, %add3A_462, %lt3A_471 : i32
      %convert_element_type3A_473 = arith.extui %lt3A_472 : i1 to i32
      %cond3A_474 = arith.constant 0 : i32
      %cond3A_475 = arith.cmpi ne, %convert_element_type3A_473, %cond3A_474 : i32
      scf.if %cond3A_475 {
        %dma_start3A_640 = arith.constant 7 : i32
        %dma_start3A_641 = arith.constant 0 : i32
        %dma_start3A_642 = arith.constant 0 : i32
        %dma_start3A_643 = tpu.memref_slice %arg14[%dma_start3A_640, %dma_start3A_641, %dma_start3A_642] : memref<8x80x40xf32, #tpu.memory_space<vmem>> -> memref<1x80x40xf32, #tpu.memory_space<vmem>>
        %dma_start3A_644 = tpu.memref_squeeze %dma_start3A_643 : memref<1x80x40xf32, #tpu.memory_space<vmem>> -> memref<80x40xf32, #tpu.memory_space<vmem>>
        %dma_start3A_645 = arith.constant 0 : i32
        %dma_start3A_646 = tpu.memref_slice %arg12[%add3A_462, %dma_start3A_645] : memref<128x80xi32, #tpu.memory_space<vmem>> -> memref<1x80xi32, #tpu.memory_space<vmem>>
        %dma_start3A_647 = tpu.memref_squeeze %dma_start3A_646 : memref<1x80xi32, #tpu.memory_space<vmem>> -> memref<80xi32, #tpu.memory_space<vmem>>
        %dma_start3A_648 = arith.constant 0 : i32
        %dma_start3A_649 = arith.constant 0 : i32
        %dma_start3A_650 = tpu.memref_slice %arg2[%dma_start3A_648, %dma_start3A_649] : memref<10240x40xf32, #tpu.memory_space<hbm>> -> memref<10240x40xf32, #tpu.memory_space<hbm>>
        tpu.enqueue_indirect_dma source(%dma_start3A_650 : memref<10240x40xf32, #tpu.memory_space<hbm>>) target(%dma_start3A_644 : memref<80x40xf32, #tpu.memory_space<vmem>>) offsets(%dma_start3A_647 : memref<80xi32, #tpu.memory_space<vmem>>) semaphore(%arg40 : memref<!tpu.dma_semaphore, #tpu.memory_space<semaphore_mem>>)
      } else {
      }
      %mul3A_476 = arith.constant 8 : i32
      %mul3A_477 = arith.muli %scan3A_314, %mul3A_476 : i32
      %add3A_478 = arith.constant 4 : i32
      %add3A_479 = arith.addi %mul3A_477, %add3A_478 : i32
      %dma_wait3A_480 = arith.constant 4 : i32
      %dma_wait3A_481 = arith.constant 0 : i32
      %dma_wait3A_482 = arith.constant 0 : i32
      %dma_wait3A_483 = tpu.memref_slice %arg14[%dma_wait3A_480, %dma_wait3A_481, %dma_wait3A_482] : memref<8x80x40xf32, #tpu.memory_space<vmem>> -> memref<1x80x40xf32, #tpu.memory_space<vmem>>
      %dma_wait3A_484 = tpu.memref_squeeze %dma_wait3A_483 : memref<1x80x40xf32, #tpu.memory_space<vmem>> -> memref<80x40xf32, #tpu.memory_space<vmem>>
      %dma_wait3A_485 = arith.constant 0 : i32
      %dma_wait3A_486 = tpu.memref_slice %arg12[%add3A_479, %dma_wait3A_485] : memref<128x80xi32, #tpu.memory_space<vmem>> -> memref<1x80xi32, #tpu.memory_space<vmem>>
      %dma_wait3A_487 = tpu.memref_squeeze %dma_wait3A_486 : memref<1x80xi32, #tpu.memory_space<vmem>> -> memref<80xi32, #tpu.memory_space<vmem>>
      %dma_wait3A_488 = arith.constant 0 : i32
      %dma_wait3A_489 = arith.constant 0 : i32
      %dma_wait3A_490 = tpu.memref_slice %arg2[%dma_wait3A_488, %dma_wait3A_489] : memref<10240x40xf32, #tpu.memory_space<hbm>> -> memref<10240x40xf32, #tpu.memory_space<hbm>>
      tpu.wait_indirect_dma semaphore(%arg37 : memref<!tpu.dma_semaphore, #tpu.memory_space<semaphore_mem>>) src(%dma_wait3A_490 : memref<10240x40xf32, #tpu.memory_space<hbm>>) dst(%dma_wait3A_484 : memref<80x40xf32, #tpu.memory_space<vmem>>)
      %dma_start3A_491 = arith.constant 4 : i32
      %dma_start3A_492 = arith.constant 0 : i32
      %dma_start3A_493 = arith.constant 0 : i32
      %dma_start3A_494 = tpu.memref_slice %arg14[%dma_start3A_491, %dma_start3A_492, %dma_start3A_493] : memref<8x80x40xf32, #tpu.memory_space<vmem>> -> memref<1x80x40xf32, #tpu.memory_space<vmem>>
      %dma_start3A_495 = tpu.memref_squeeze %dma_start3A_494 : memref<1x80x40xf32, #tpu.memory_space<vmem>> -> memref<80x40xf32, #tpu.memory_space<vmem>>
      %dma_start3A_496 = arith.constant 0 : i32
      %dma_start3A_497 = tpu.memref_slice %arg13[%add3A_479, %dma_start3A_496] : memref<128x80xi32, #tpu.memory_space<vmem>> -> memref<1x80xi32, #tpu.memory_space<vmem>>
      %dma_start3A_498 = tpu.memref_squeeze %dma_start3A_497 : memref<1x80xi32, #tpu.memory_space<vmem>> -> memref<80xi32, #tpu.memory_space<vmem>>
      %dma_start3A_499 = arith.constant 0 : i32
      %dma_start3A_500 = arith.constant 0 : i32
      %dma_start3A_501 = tpu.memref_slice %arg28[%dma_start3A_499, %dma_start3A_500] : memref<10240x40xf32, #tpu.memory_space<vmem_shared>> -> memref<10240x40xf32, #tpu.memory_space<vmem_shared>>
      tpu.enqueue_indirect_dma source(%dma_start3A_495 : memref<80x40xf32, #tpu.memory_space<vmem>>) target(%dma_start3A_501 : memref<10240x40xf32, #tpu.memory_space<vmem_shared>>) offsets(%dma_start3A_498 : memref<80xi32, #tpu.memory_space<vmem>>) semaphore(%arg45 : memref<!tpu.dma_semaphore, #tpu.memory_space<semaphore_mem>>) {add = true}
      %add3A_502 = arith.constant 4 : i32
      %add3A_503 = arith.addi %add3A_479, %add3A_502 : i32
      %lt3A_504 = arith.constant 128 : i32
      %lt3A_505 = arith.cmpi slt, %add3A_503, %lt3A_504 : i32
      %ge3A_506 = arith.constant 4 : i32
      %ge3A_507 = arith.cmpi sge, %add3A_479, %ge3A_506 : i32
      %and3A_508 = arith.andi %lt3A_505, %ge3A_507 : i1
      %convert_element_type3A_509 = arith.extui %and3A_508 : i1 to i32
      %cond3A_510 = arith.constant 0 : i32
      %cond3A_511 = arith.cmpi ne, %convert_element_type3A_509, %cond3A_510 : i32
      scf.if %cond3A_511 {
        %dma_wait3A_640 = arith.constant 0 : i32
        %dma_wait3A_641 = arith.constant 0 : i32
        %dma_wait3A_642 = arith.constant 0 : i32
        %dma_wait3A_643 = arith.constant 0 : i32
        %dma_wait3A_644 = tpu.memref_slice %arg14[%dma_wait3A_640, %dma_wait3A_642, %dma_wait3A_643] : memref<8x80x40xf32, #tpu.memory_space<vmem>> -> memref<1x80x40xf32, #tpu.memory_space<vmem>>
        %dma_wait3A_645 = tpu.memref_squeeze %dma_wait3A_644 : memref<1x80x40xf32, #tpu.memory_space<vmem>> -> memref<80x40xf32, #tpu.memory_space<vmem>>
        %dma_wait3A_646 = arith.constant 0 : i32
        %dma_wait3A_647 = tpu.memref_slice %arg13[%dma_wait3A_641, %dma_wait3A_646] : memref<128x80xi32, #tpu.memory_space<vmem>> -> memref<1x80xi32, #tpu.memory_space<vmem>>
        %dma_wait3A_648 = tpu.memref_squeeze %dma_wait3A_647 : memref<1x80xi32, #tpu.memory_space<vmem>> -> memref<80xi32, #tpu.memory_space<vmem>>
        %dma_wait3A_649 = arith.constant 0 : i32
        %dma_wait3A_650 = arith.constant 0 : i32
        %dma_wait3A_651 = tpu.memref_slice %arg28[%dma_wait3A_649, %dma_wait3A_650] : memref<10240x40xf32, #tpu.memory_space<vmem_shared>> -> memref<10240x40xf32, #tpu.memory_space<vmem_shared>>
        tpu.wait_indirect_dma semaphore(%arg41 : memref<!tpu.dma_semaphore, #tpu.memory_space<semaphore_mem>>) src(%dma_wait3A_645 : memref<80x40xf32, #tpu.memory_space<vmem>>) dst(%dma_wait3A_651 : memref<10240x40xf32, #tpu.memory_space<vmem_shared>>)
      } else {
      }
      %lt3A_512 = arith.constant 128 : i32
      %lt3A_513 = arith.cmpi slt, %add3A_503, %lt3A_512 : i32
      %convert_element_type3A_514 = arith.extui %lt3A_513 : i1 to i32
      %cond3A_515 = arith.constant 0 : i32
      %cond3A_516 = arith.cmpi ne, %convert_element_type3A_514, %cond3A_515 : i32
      scf.if %cond3A_516 {
        %dma_start3A_640 = arith.constant 0 : i32
        %dma_start3A_641 = arith.constant 0 : i32
        %dma_start3A_642 = arith.constant 0 : i32
        %dma_start3A_643 = tpu.memref_slice %arg14[%dma_start3A_640, %dma_start3A_641, %dma_start3A_642] : memref<8x80x40xf32, #tpu.memory_space<vmem>> -> memref<1x80x40xf32, #tpu.memory_space<vmem>>
        %dma_start3A_644 = tpu.memref_squeeze %dma_start3A_643 : memref<1x80x40xf32, #tpu.memory_space<vmem>> -> memref<80x40xf32, #tpu.memory_space<vmem>>
        %dma_start3A_645 = arith.constant 0 : i32
        %dma_start3A_646 = tpu.memref_slice %arg12[%add3A_503, %dma_start3A_645] : memref<128x80xi32, #tpu.memory_space<vmem>> -> memref<1x80xi32, #tpu.memory_space<vmem>>
        %dma_start3A_647 = tpu.memref_squeeze %dma_start3A_646 : memref<1x80xi32, #tpu.memory_space<vmem>> -> memref<80xi32, #tpu.memory_space<vmem>>
        %dma_start3A_648 = arith.constant 0 : i32
        %dma_start3A_649 = arith.constant 0 : i32
        %dma_start3A_650 = tpu.memref_slice %arg2[%dma_start3A_648, %dma_start3A_649] : memref<10240x40xf32, #tpu.memory_space<hbm>> -> memref<10240x40xf32, #tpu.memory_space<hbm>>
        tpu.enqueue_indirect_dma source(%dma_start3A_650 : memref<10240x40xf32, #tpu.memory_space<hbm>>) target(%dma_start3A_644 : memref<80x40xf32, #tpu.memory_space<vmem>>) offsets(%dma_start3A_647 : memref<80xi32, #tpu.memory_space<vmem>>) semaphore(%arg33 : memref<!tpu.dma_semaphore, #tpu.memory_space<semaphore_mem>>)
      } else {
      }
      %mul3A_517 = arith.constant 8 : i32
      %mul3A_518 = arith.muli %scan3A_314, %mul3A_517 : i32
      %add3A_519 = arith.constant 5 : i32
      %add3A_520 = arith.addi %mul3A_518, %add3A_519 : i32
      %dma_wait3A_521 = arith.constant 5 : i32
      %dma_wait3A_522 = arith.constant 0 : i32
      %dma_wait3A_523 = arith.constant 0 : i32
      %dma_wait3A_524 = tpu.memref_slice %arg14[%dma_wait3A_521, %dma_wait3A_522, %dma_wait3A_523] : memref<8x80x40xf32, #tpu.memory_space<vmem>> -> memref<1x80x40xf32, #tpu.memory_space<vmem>>
      %dma_wait3A_525 = tpu.memref_squeeze %dma_wait3A_524 : memref<1x80x40xf32, #tpu.memory_space<vmem>> -> memref<80x40xf32, #tpu.memory_space<vmem>>
      %dma_wait3A_526 = arith.constant 0 : i32
      %dma_wait3A_527 = tpu.memref_slice %arg12[%add3A_520, %dma_wait3A_526] : memref<128x80xi32, #tpu.memory_space<vmem>> -> memref<1x80xi32, #tpu.memory_space<vmem>>
      %dma_wait3A_528 = tpu.memref_squeeze %dma_wait3A_527 : memref<1x80xi32, #tpu.memory_space<vmem>> -> memref<80xi32, #tpu.memory_space<vmem>>
      %dma_wait3A_529 = arith.constant 0 : i32
      %dma_wait3A_530 = arith.constant 0 : i32
      %dma_wait3A_531 = tpu.memref_slice %arg2[%dma_wait3A_529, %dma_wait3A_530] : memref<10240x40xf32, #tpu.memory_space<hbm>> -> memref<10240x40xf32, #tpu.memory_space<hbm>>
      tpu.wait_indirect_dma semaphore(%arg38 : memref<!tpu.dma_semaphore, #tpu.memory_space<semaphore_mem>>) src(%dma_wait3A_531 : memref<10240x40xf32, #tpu.memory_space<hbm>>) dst(%dma_wait3A_525 : memref<80x40xf32, #tpu.memory_space<vmem>>)
      %dma_start3A_532 = arith.constant 5 : i32
      %dma_start3A_533 = arith.constant 0 : i32
      %dma_start3A_534 = arith.constant 0 : i32
      %dma_start3A_535 = tpu.memref_slice %arg14[%dma_start3A_532, %dma_start3A_533, %dma_start3A_534] : memref<8x80x40xf32, #tpu.memory_space<vmem>> -> memref<1x80x40xf32, #tpu.memory_space<vmem>>
      %dma_start3A_536 = tpu.memref_squeeze %dma_start3A_535 : memref<1x80x40xf32, #tpu.memory_space<vmem>> -> memref<80x40xf32, #tpu.memory_space<vmem>>
      %dma_start3A_537 = arith.constant 0 : i32
      %dma_start3A_538 = tpu.memref_slice %arg13[%add3A_520, %dma_start3A_537] : memref<128x80xi32, #tpu.memory_space<vmem>> -> memref<1x80xi32, #tpu.memory_space<vmem>>
      %dma_start3A_539 = tpu.memref_squeeze %dma_start3A_538 : memref<1x80xi32, #tpu.memory_space<vmem>> -> memref<80xi32, #tpu.memory_space<vmem>>
      %dma_start3A_540 = arith.constant 0 : i32
      %dma_start3A_541 = arith.constant 0 : i32
      %dma_start3A_542 = tpu.memref_slice %arg28[%dma_start3A_540, %dma_start3A_541] : memref<10240x40xf32, #tpu.memory_space<vmem_shared>> -> memref<10240x40xf32, #tpu.memory_space<vmem_shared>>
      tpu.enqueue_indirect_dma source(%dma_start3A_536 : memref<80x40xf32, #tpu.memory_space<vmem>>) target(%dma_start3A_542 : memref<10240x40xf32, #tpu.memory_space<vmem_shared>>) offsets(%dma_start3A_539 : memref<80xi32, #tpu.memory_space<vmem>>) semaphore(%arg46 : memref<!tpu.dma_semaphore, #tpu.memory_space<semaphore_mem>>) {add = true}
      %add3A_543 = arith.constant 4 : i32
      %add3A_544 = arith.addi %add3A_520, %add3A_543 : i32
      %lt3A_545 = arith.constant 128 : i32
      %lt3A_546 = arith.cmpi slt, %add3A_544, %lt3A_545 : i32
      %ge3A_547 = arith.constant 4 : i32
      %ge3A_548 = arith.cmpi sge, %add3A_520, %ge3A_547 : i32
      %and3A_549 = arith.andi %lt3A_546, %ge3A_548 : i1
      %convert_element_type3A_550 = arith.extui %and3A_549 : i1 to i32
      %cond3A_551 = arith.constant 0 : i32
      %cond3A_552 = arith.cmpi ne, %convert_element_type3A_550, %cond3A_551 : i32
      scf.if %cond3A_552 {
        %dma_wait3A_640 = arith.constant 1 : i32
        %dma_wait3A_641 = arith.constant 0 : i32
        %dma_wait3A_642 = arith.constant 0 : i32
        %dma_wait3A_643 = arith.constant 0 : i32
        %dma_wait3A_644 = tpu.memref_slice %arg14[%dma_wait3A_640, %dma_wait3A_642, %dma_wait3A_643] : memref<8x80x40xf32, #tpu.memory_space<vmem>> -> memref<1x80x40xf32, #tpu.memory_space<vmem>>
        %dma_wait3A_645 = tpu.memref_squeeze %dma_wait3A_644 : memref<1x80x40xf32, #tpu.memory_space<vmem>> -> memref<80x40xf32, #tpu.memory_space<vmem>>
        %dma_wait3A_646 = arith.constant 0 : i32
        %dma_wait3A_647 = tpu.memref_slice %arg13[%dma_wait3A_641, %dma_wait3A_646] : memref<128x80xi32, #tpu.memory_space<vmem>> -> memref<1x80xi32, #tpu.memory_space<vmem>>
        %dma_wait3A_648 = tpu.memref_squeeze %dma_wait3A_647 : memref<1x80xi32, #tpu.memory_space<vmem>> -> memref<80xi32, #tpu.memory_space<vmem>>
        %dma_wait3A_649 = arith.constant 0 : i32
        %dma_wait3A_650 = arith.constant 0 : i32
        %dma_wait3A_651 = tpu.memref_slice %arg28[%dma_wait3A_649, %dma_wait3A_650] : memref<10240x40xf32, #tpu.memory_space<vmem_shared>> -> memref<10240x40xf32, #tpu.memory_space<vmem_shared>>
        tpu.wait_indirect_dma semaphore(%arg42 : memref<!tpu.dma_semaphore, #tpu.memory_space<semaphore_mem>>) src(%dma_wait3A_645 : memref<80x40xf32, #tpu.memory_space<vmem>>) dst(%dma_wait3A_651 : memref<10240x40xf32, #tpu.memory_space<vmem_shared>>)
      } else {
      }
      %lt3A_553 = arith.constant 128 : i32
      %lt3A_554 = arith.cmpi slt, %add3A_544, %lt3A_553 : i32
      %convert_element_type3A_555 = arith.extui %lt3A_554 : i1 to i32
      %cond3A_556 = arith.constant 0 : i32
      %cond3A_557 = arith.cmpi ne, %convert_element_type3A_555, %cond3A_556 : i32
      scf.if %cond3A_557 {
        %dma_start3A_640 = arith.constant 1 : i32
        %dma_start3A_641 = arith.constant 0 : i32
        %dma_start3A_642 = arith.constant 0 : i32
        %dma_start3A_643 = tpu.memref_slice %arg14[%dma_start3A_640, %dma_start3A_641, %dma_start3A_642] : memref<8x80x40xf32, #tpu.memory_space<vmem>> -> memref<1x80x40xf32, #tpu.memory_space<vmem>>
        %dma_start3A_644 = tpu.memref_squeeze %dma_start3A_643 : memref<1x80x40xf32, #tpu.memory_space<vmem>> -> memref<80x40xf32, #tpu.memory_space<vmem>>
        %dma_start3A_645 = arith.constant 0 : i32
        %dma_start3A_646 = tpu.memref_slice %arg12[%add3A_544, %dma_start3A_645] : memref<128x80xi32, #tpu.memory_space<vmem>> -> memref<1x80xi32, #tpu.memory_space<vmem>>
        %dma_start3A_647 = tpu.memref_squeeze %dma_start3A_646 : memref<1x80xi32, #tpu.memory_space<vmem>> -> memref<80xi32, #tpu.memory_space<vmem>>
        %dma_start3A_648 = arith.constant 0 : i32
        %dma_start3A_649 = arith.constant 0 : i32
        %dma_start3A_650 = tpu.memref_slice %arg2[%dma_start3A_648, %dma_start3A_649] : memref<10240x40xf32, #tpu.memory_space<hbm>> -> memref<10240x40xf32, #tpu.memory_space<hbm>>
        tpu.enqueue_indirect_dma source(%dma_start3A_650 : memref<10240x40xf32, #tpu.memory_space<hbm>>) target(%dma_start3A_644 : memref<80x40xf32, #tpu.memory_space<vmem>>) offsets(%dma_start3A_647 : memref<80xi32, #tpu.memory_space<vmem>>) semaphore(%arg34 : memref<!tpu.dma_semaphore, #tpu.memory_space<semaphore_mem>>)
      } else {
      }
      %mul3A_558 = arith.constant 8 : i32
      %mul3A_559 = arith.muli %scan3A_314, %mul3A_558 : i32
      %add3A_560 = arith.constant 6 : i32
      %add3A_561 = arith.addi %mul3A_559, %add3A_560 : i32
      %dma_wait3A_562 = arith.constant 6 : i32
      %dma_wait3A_563 = arith.constant 0 : i32
      %dma_wait3A_564 = arith.constant 0 : i32
      %dma_wait3A_565 = tpu.memref_slice %arg14[%dma_wait3A_562, %dma_wait3A_563, %dma_wait3A_564] : memref<8x80x40xf32, #tpu.memory_space<vmem>> -> memref<1x80x40xf32, #tpu.memory_space<vmem>>
      %dma_wait3A_566 = tpu.memref_squeeze %dma_wait3A_565 : memref<1x80x40xf32, #tpu.memory_space<vmem>> -> memref<80x40xf32, #tpu.memory_space<vmem>>
      %dma_wait3A_567 = arith.constant 0 : i32
      %dma_wait3A_568 = tpu.memref_slice %arg12[%add3A_561, %dma_wait3A_567] : memref<128x80xi32, #tpu.memory_space<vmem>> -> memref<1x80xi32, #tpu.memory_space<vmem>>
      %dma_wait3A_569 = tpu.memref_squeeze %dma_wait3A_568 : memref<1x80xi32, #tpu.memory_space<vmem>> -> memref<80xi32, #tpu.memory_space<vmem>>
      %dma_wait3A_570 = arith.constant 0 : i32
      %dma_wait3A_571 = arith.constant 0 : i32
      %dma_wait3A_572 = tpu.memref_slice %arg2[%dma_wait3A_570, %dma_wait3A_571] : memref<10240x40xf32, #tpu.memory_space<hbm>> -> memref<10240x40xf32, #tpu.memory_space<hbm>>
      tpu.wait_indirect_dma semaphore(%arg39 : memref<!tpu.dma_semaphore, #tpu.memory_space<semaphore_mem>>) src(%dma_wait3A_572 : memref<10240x40xf32, #tpu.memory_space<hbm>>) dst(%dma_wait3A_566 : memref<80x40xf32, #tpu.memory_space<vmem>>)
      %dma_start3A_573 = arith.constant 6 : i32
      %dma_start3A_574 = arith.constant 0 : i32
      %dma_start3A_575 = arith.constant 0 : i32
      %dma_start3A_576 = tpu.memref_slice %arg14[%dma_start3A_573, %dma_start3A_574, %dma_start3A_575] : memref<8x80x40xf32, #tpu.memory_space<vmem>> -> memref<1x80x40xf32, #tpu.memory_space<vmem>>
      %dma_start3A_577 = tpu.memref_squeeze %dma_start3A_576 : memref<1x80x40xf32, #tpu.memory_space<vmem>> -> memref<80x40xf32, #tpu.memory_space<vmem>>
      %dma_start3A_578 = arith.constant 0 : i32
      %dma_start3A_579 = tpu.memref_slice %arg13[%add3A_561, %dma_start3A_578] : memref<128x80xi32, #tpu.memory_space<vmem>> -> memref<1x80xi32, #tpu.memory_space<vmem>>
      %dma_start3A_580 = tpu.memref_squeeze %dma_start3A_579 : memref<1x80xi32, #tpu.memory_space<vmem>> -> memref<80xi32, #tpu.memory_space<vmem>>
      %dma_start3A_581 = arith.constant 0 : i32
      %dma_start3A_582 = arith.constant 0 : i32
      %dma_start3A_583 = tpu.memref_slice %arg28[%dma_start3A_581, %dma_start3A_582] : memref<10240x40xf32, #tpu.memory_space<vmem_shared>> -> memref<10240x40xf32, #tpu.memory_space<vmem_shared>>
      tpu.enqueue_indirect_dma source(%dma_start3A_577 : memref<80x40xf32, #tpu.memory_space<vmem>>) target(%dma_start3A_583 : memref<10240x40xf32, #tpu.memory_space<vmem_shared>>) offsets(%dma_start3A_580 : memref<80xi32, #tpu.memory_space<vmem>>) semaphore(%arg47 : memref<!tpu.dma_semaphore, #tpu.memory_space<semaphore_mem>>) {add = true}
      %add3A_584 = arith.constant 4 : i32
      %add3A_585 = arith.addi %add3A_561, %add3A_584 : i32
      %lt3A_586 = arith.constant 128 : i32
      %lt3A_587 = arith.cmpi slt, %add3A_585, %lt3A_586 : i32
      %ge3A_588 = arith.constant 4 : i32
      %ge3A_589 = arith.cmpi sge, %add3A_561, %ge3A_588 : i32
      %and3A_590 = arith.andi %lt3A_587, %ge3A_589 : i1
      %convert_element_type3A_591 = arith.extui %and3A_590 : i1 to i32
      %cond3A_592 = arith.constant 0 : i32
      %cond3A_593 = arith.cmpi ne, %convert_element_type3A_591, %cond3A_592 : i32
      scf.if %cond3A_593 {
        %dma_wait3A_640 = arith.constant 2 : i32
        %dma_wait3A_641 = arith.constant 0 : i32
        %dma_wait3A_642 = arith.constant 0 : i32
        %dma_wait3A_643 = arith.constant 0 : i32
        %dma_wait3A_644 = tpu.memref_slice %arg14[%dma_wait3A_640, %dma_wait3A_642, %dma_wait3A_643] : memref<8x80x40xf32, #tpu.memory_space<vmem>> -> memref<1x80x40xf32, #tpu.memory_space<vmem>>
        %dma_wait3A_645 = tpu.memref_squeeze %dma_wait3A_644 : memref<1x80x40xf32, #tpu.memory_space<vmem>> -> memref<80x40xf32, #tpu.memory_space<vmem>>
        %dma_wait3A_646 = arith.constant 0 : i32
        %dma_wait3A_647 = tpu.memref_slice %arg13[%dma_wait3A_641, %dma_wait3A_646] : memref<128x80xi32, #tpu.memory_space<vmem>> -> memref<1x80xi32, #tpu.memory_space<vmem>>
        %dma_wait3A_648 = tpu.memref_squeeze %dma_wait3A_647 : memref<1x80xi32, #tpu.memory_space<vmem>> -> memref<80xi32, #tpu.memory_space<vmem>>
        %dma_wait3A_649 = arith.constant 0 : i32
        %dma_wait3A_650 = arith.constant 0 : i32
        %dma_wait3A_651 = tpu.memref_slice %arg28[%dma_wait3A_649, %dma_wait3A_650] : memref<10240x40xf32, #tpu.memory_space<vmem_shared>> -> memref<10240x40xf32, #tpu.memory_space<vmem_shared>>
        tpu.wait_indirect_dma semaphore(%arg43 : memref<!tpu.dma_semaphore, #tpu.memory_space<semaphore_mem>>) src(%dma_wait3A_645 : memref<80x40xf32, #tpu.memory_space<vmem>>) dst(%dma_wait3A_651 : memref<10240x40xf32, #tpu.memory_space<vmem_shared>>)
      } else {
      }
      %lt3A_594 = arith.constant 128 : i32
      %lt3A_595 = arith.cmpi slt, %add3A_585, %lt3A_594 : i32
      %convert_element_type3A_596 = arith.extui %lt3A_595 : i1 to i32
      %cond3A_597 = arith.constant 0 : i32
      %cond3A_598 = arith.cmpi ne, %convert_element_type3A_596, %cond3A_597 : i32
      scf.if %cond3A_598 {
        %dma_start3A_640 = arith.constant 2 : i32
        %dma_start3A_641 = arith.constant 0 : i32
        %dma_start3A_642 = arith.constant 0 : i32
        %dma_start3A_643 = tpu.memref_slice %arg14[%dma_start3A_640, %dma_start3A_641, %dma_start3A_642] : memref<8x80x40xf32, #tpu.memory_space<vmem>> -> memref<1x80x40xf32, #tpu.memory_space<vmem>>
        %dma_start3A_644 = tpu.memref_squeeze %dma_start3A_643 : memref<1x80x40xf32, #tpu.memory_space<vmem>> -> memref<80x40xf32, #tpu.memory_space<vmem>>
        %dma_start3A_645 = arith.constant 0 : i32
        %dma_start3A_646 = tpu.memref_slice %arg12[%add3A_585, %dma_start3A_645] : memref<128x80xi32, #tpu.memory_space<vmem>> -> memref<1x80xi32, #tpu.memory_space<vmem>>
        %dma_start3A_647 = tpu.memref_squeeze %dma_start3A_646 : memref<1x80xi32, #tpu.memory_space<vmem>> -> memref<80xi32, #tpu.memory_space<vmem>>
        %dma_start3A_648 = arith.constant 0 : i32
        %dma_start3A_649 = arith.constant 0 : i32
        %dma_start3A_650 = tpu.memref_slice %arg2[%dma_start3A_648, %dma_start3A_649] : memref<10240x40xf32, #tpu.memory_space<hbm>> -> memref<10240x40xf32, #tpu.memory_space<hbm>>
        tpu.enqueue_indirect_dma source(%dma_start3A_650 : memref<10240x40xf32, #tpu.memory_space<hbm>>) target(%dma_start3A_644 : memref<80x40xf32, #tpu.memory_space<vmem>>) offsets(%dma_start3A_647 : memref<80xi32, #tpu.memory_space<vmem>>) semaphore(%arg35 : memref<!tpu.dma_semaphore, #tpu.memory_space<semaphore_mem>>)
      } else {
      }
      %mul3A_599 = arith.constant 8 : i32
      %mul3A_600 = arith.muli %scan3A_314, %mul3A_599 : i32
      %add3A_601 = arith.constant 7 : i32
      %add3A_602 = arith.addi %mul3A_600, %add3A_601 : i32
      %dma_wait3A_603 = arith.constant 7 : i32
      %dma_wait3A_604 = arith.constant 0 : i32
      %dma_wait3A_605 = arith.constant 0 : i32
      %dma_wait3A_606 = tpu.memref_slice %arg14[%dma_wait3A_603, %dma_wait3A_604, %dma_wait3A_605] : memref<8x80x40xf32, #tpu.memory_space<vmem>> -> memref<1x80x40xf32, #tpu.memory_space<vmem>>
      %dma_wait3A_607 = tpu.memref_squeeze %dma_wait3A_606 : memref<1x80x40xf32, #tpu.memory_space<vmem>> -> memref<80x40xf32, #tpu.memory_space<vmem>>
      %dma_wait3A_608 = arith.constant 0 : i32
      %dma_wait3A_609 = tpu.memref_slice %arg12[%add3A_602, %dma_wait3A_608] : memref<128x80xi32, #tpu.memory_space<vmem>> -> memref<1x80xi32, #tpu.memory_space<vmem>>
      %dma_wait3A_610 = tpu.memref_squeeze %dma_wait3A_609 : memref<1x80xi32, #tpu.memory_space<vmem>> -> memref<80xi32, #tpu.memory_space<vmem>>
      %dma_wait3A_611 = arith.constant 0 : i32
      %dma_wait3A_612 = arith.constant 0 : i32
      %dma_wait3A_613 = tpu.memref_slice %arg2[%dma_wait3A_611, %dma_wait3A_612] : memref<10240x40xf32, #tpu.memory_space<hbm>> -> memref<10240x40xf32, #tpu.memory_space<hbm>>
      tpu.wait_indirect_dma semaphore(%arg40 : memref<!tpu.dma_semaphore, #tpu.memory_space<semaphore_mem>>) src(%dma_wait3A_613 : memref<10240x40xf32, #tpu.memory_space<hbm>>) dst(%dma_wait3A_607 : memref<80x40xf32, #tpu.memory_space<vmem>>)
      %dma_start3A_614 = arith.constant 7 : i32
      %dma_start3A_615 = arith.constant 0 : i32
      %dma_start3A_616 = arith.constant 0 : i32
      %dma_start3A_617 = tpu.memref_slice %arg14[%dma_start3A_614, %dma_start3A_615, %dma_start3A_616] : memref<8x80x40xf32, #tpu.memory_space<vmem>> -> memref<1x80x40xf32, #tpu.memory_space<vmem>>
      %dma_start3A_618 = tpu.memref_squeeze %dma_start3A_617 : memref<1x80x40xf32, #tpu.memory_space<vmem>> -> memref<80x40xf32, #tpu.memory_space<vmem>>
      %dma_start3A_619 = arith.constant 0 : i32
      %dma_start3A_620 = tpu.memref_slice %arg13[%add3A_602, %dma_start3A_619] : memref<128x80xi32, #tpu.memory_space<vmem>> -> memref<1x80xi32, #tpu.memory_space<vmem>>
      %dma_start3A_621 = tpu.memref_squeeze %dma_start3A_620 : memref<1x80xi32, #tpu.memory_space<vmem>> -> memref<80xi32, #tpu.memory_space<vmem>>
      %dma_start3A_622 = arith.constant 0 : i32
      %dma_start3A_623 = arith.constant 0 : i32
      %dma_start3A_624 = tpu.memref_slice %arg28[%dma_start3A_622, %dma_start3A_623] : memref<10240x40xf32, #tpu.memory_space<vmem_shared>> -> memref<10240x40xf32, #tpu.memory_space<vmem_shared>>
      tpu.enqueue_indirect_dma source(%dma_start3A_618 : memref<80x40xf32, #tpu.memory_space<vmem>>) target(%dma_start3A_624 : memref<10240x40xf32, #tpu.memory_space<vmem_shared>>) offsets(%dma_start3A_621 : memref<80xi32, #tpu.memory_space<vmem>>) semaphore(%arg48 : memref<!tpu.dma_semaphore, #tpu.memory_space<semaphore_mem>>) {add = true}
      %add3A_625 = arith.constant 4 : i32
      %add3A_626 = arith.addi %add3A_602, %add3A_625 : i32
      %lt3A_627 = arith.constant 128 : i32
      %lt3A_628 = arith.cmpi slt, %add3A_626, %lt3A_627 : i32
      %ge3A_629 = arith.constant 4 : i32
      %ge3A_630 = arith.cmpi sge, %add3A_602, %ge3A_629 : i32
      %and3A_631 = arith.andi %lt3A_628, %ge3A_630 : i1
      %convert_element_type3A_632 = arith.extui %and3A_631 : i1 to i32
      %cond3A_633 = arith.constant 0 : i32
      %cond3A_634 = arith.cmpi ne, %convert_element_type3A_632, %cond3A_633 : i32
      scf.if %cond3A_634 {
        %dma_wait3A_640 = arith.constant 3 : i32
        %dma_wait3A_641 = arith.constant 0 : i32
        %dma_wait3A_642 = arith.constant 0 : i32
        %dma_wait3A_643 = arith.constant 0 : i32
        %dma_wait3A_644 = tpu.memref_slice %arg14[%dma_wait3A_640, %dma_wait3A_642, %dma_wait3A_643] : memref<8x80x40xf32, #tpu.memory_space<vmem>> -> memref<1x80x40xf32, #tpu.memory_space<vmem>>
        %dma_wait3A_645 = tpu.memref_squeeze %dma_wait3A_644 : memref<1x80x40xf32, #tpu.memory_space<vmem>> -> memref<80x40xf32, #tpu.memory_space<vmem>>
        %dma_wait3A_646 = arith.constant 0 : i32
        %dma_wait3A_647 = tpu.memref_slice %arg13[%dma_wait3A_641, %dma_wait3A_646] : memref<128x80xi32, #tpu.memory_space<vmem>> -> memref<1x80xi32, #tpu.memory_space<vmem>>
        %dma_wait3A_648 = tpu.memref_squeeze %dma_wait3A_647 : memref<1x80xi32, #tpu.memory_space<vmem>> -> memref<80xi32, #tpu.memory_space<vmem>>
        %dma_wait3A_649 = arith.constant 0 : i32
        %dma_wait3A_650 = arith.constant 0 : i32
        %dma_wait3A_651 = tpu.memref_slice %arg28[%dma_wait3A_649, %dma_wait3A_650] : memref<10240x40xf32, #tpu.memory_space<vmem_shared>> -> memref<10240x40xf32, #tpu.memory_space<vmem_shared>>
        tpu.wait_indirect_dma semaphore(%arg44 : memref<!tpu.dma_semaphore, #tpu.memory_space<semaphore_mem>>) src(%dma_wait3A_645 : memref<80x40xf32, #tpu.memory_space<vmem>>) dst(%dma_wait3A_651 : memref<10240x40xf32, #tpu.memory_space<vmem_shared>>)
      } else {
      }
      %lt3A_635 = arith.constant 128 : i32
      %lt3A_636 = arith.cmpi slt, %add3A_626, %lt3A_635 : i32
      %convert_element_type3A_637 = arith.extui %lt3A_636 : i1 to i32
      %cond3A_638 = arith.constant 0 : i32
      %cond3A_639 = arith.cmpi ne, %convert_element_type3A_637, %cond3A_638 : i32
      scf.if %cond3A_639 {
        %dma_start3A_640 = arith.constant 3 : i32
        %dma_start3A_641 = arith.constant 0 : i32
        %dma_start3A_642 = arith.constant 0 : i32
        %dma_start3A_643 = tpu.memref_slice %arg14[%dma_start3A_640, %dma_start3A_641, %dma_start3A_642] : memref<8x80x40xf32, #tpu.memory_space<vmem>> -> memref<1x80x40xf32, #tpu.memory_space<vmem>>
        %dma_start3A_644 = tpu.memref_squeeze %dma_start3A_643 : memref<1x80x40xf32, #tpu.memory_space<vmem>> -> memref<80x40xf32, #tpu.memory_space<vmem>>
        %dma_start3A_645 = arith.constant 0 : i32
        %dma_start3A_646 = tpu.memref_slice %arg12[%add3A_626, %dma_start3A_645] : memref<128x80xi32, #tpu.memory_space<vmem>> -> memref<1x80xi32, #tpu.memory_space<vmem>>
        %dma_start3A_647 = tpu.memref_squeeze %dma_start3A_646 : memref<1x80xi32, #tpu.memory_space<vmem>> -> memref<80xi32, #tpu.memory_space<vmem>>
        %dma_start3A_648 = arith.constant 0 : i32
        %dma_start3A_649 = arith.constant 0 : i32
        %dma_start3A_650 = tpu.memref_slice %arg2[%dma_start3A_648, %dma_start3A_649] : memref<10240x40xf32, #tpu.memory_space<hbm>> -> memref<10240x40xf32, #tpu.memory_space<hbm>>
        tpu.enqueue_indirect_dma source(%dma_start3A_650 : memref<10240x40xf32, #tpu.memory_space<hbm>>) target(%dma_start3A_644 : memref<80x40xf32, #tpu.memory_space<vmem>>) offsets(%dma_start3A_647 : memref<80xi32, #tpu.memory_space<vmem>>) semaphore(%arg36 : memref<!tpu.dma_semaphore, #tpu.memory_space<semaphore_mem>>)
      } else {
      }
    }
    %scan3A_59 = arith.constant 16 : i32
    %dma_wait3A = arith.constant 0 : i32
    %dma_wait3A_60 = arith.constant 0 : i32
    %dma_wait3A_61 = arith.constant 0 : i32
    %dma_wait3A_62 = arith.constant 0 : i32
    %dma_wait3A_63 = tpu.memref_slice %arg14[%dma_wait3A, %dma_wait3A_61, %dma_wait3A_62] : memref<8x80x40xf32, #tpu.memory_space<vmem>> -> memref<1x80x40xf32, #tpu.memory_space<vmem>>
    %dma_wait3A_64 = tpu.memref_squeeze %dma_wait3A_63 : memref<1x80x40xf32, #tpu.memory_space<vmem>> -> memref<80x40xf32, #tpu.memory_space<vmem>>
    %dma_wait3A_65 = arith.constant 0 : i32
    %dma_wait3A_66 = tpu.memref_slice %arg13[%dma_wait3A_60, %dma_wait3A_65] : memref<128x80xi32, #tpu.memory_space<vmem>> -> memref<1x80xi32, #tpu.memory_space<vmem>>
    %dma_wait3A_67 = tpu.memref_squeeze %dma_wait3A_66 : memref<1x80xi32, #tpu.memory_space<vmem>> -> memref<80xi32, #tpu.memory_space<vmem>>
    %dma_wait3A_68 = arith.constant 0 : i32
    %dma_wait3A_69 = arith.constant 0 : i32
    %dma_wait3A_70 = tpu.memref_slice %arg28[%dma_wait3A_68, %dma_wait3A_69] : memref<10240x40xf32, #tpu.memory_space<vmem_shared>> -> memref<10240x40xf32, #tpu.memory_space<vmem_shared>>
    tpu.wait_indirect_dma semaphore(%arg41 : memref<!tpu.dma_semaphore, #tpu.memory_space<semaphore_mem>>) src(%dma_wait3A_64 : memref<80x40xf32, #tpu.memory_space<vmem>>) dst(%dma_wait3A_70 : memref<10240x40xf32, #tpu.memory_space<vmem_shared>>)
    %dma_wait3A_71 = arith.constant 1 : i32
    %dma_wait3A_72 = arith.constant 0 : i32
    %dma_wait3A_73 = arith.constant 0 : i32
    %dma_wait3A_74 = arith.constant 0 : i32
    %dma_wait3A_75 = tpu.memref_slice %arg14[%dma_wait3A_71, %dma_wait3A_73, %dma_wait3A_74] : memref<8x80x40xf32, #tpu.memory_space<vmem>> -> memref<1x80x40xf32, #tpu.memory_space<vmem>>
    %dma_wait3A_76 = tpu.memref_squeeze %dma_wait3A_75 : memref<1x80x40xf32, #tpu.memory_space<vmem>> -> memref<80x40xf32, #tpu.memory_space<vmem>>
    %dma_wait3A_77 = arith.constant 0 : i32
    %dma_wait3A_78 = tpu.memref_slice %arg13[%dma_wait3A_72, %dma_wait3A_77] : memref<128x80xi32, #tpu.memory_space<vmem>> -> memref<1x80xi32, #tpu.memory_space<vmem>>
    %dma_wait3A_79 = tpu.memref_squeeze %dma_wait3A_78 : memref<1x80xi32, #tpu.memory_space<vmem>> -> memref<80xi32, #tpu.memory_space<vmem>>
    %dma_wait3A_80 = arith.constant 0 : i32
    %dma_wait3A_81 = arith.constant 0 : i32
    %dma_wait3A_82 = tpu.memref_slice %arg28[%dma_wait3A_80, %dma_wait3A_81] : memref<10240x40xf32, #tpu.memory_space<vmem_shared>> -> memref<10240x40xf32, #tpu.memory_space<vmem_shared>>
    tpu.wait_indirect_dma semaphore(%arg42 : memref<!tpu.dma_semaphore, #tpu.memory_space<semaphore_mem>>) src(%dma_wait3A_76 : memref<80x40xf32, #tpu.memory_space<vmem>>) dst(%dma_wait3A_82 : memref<10240x40xf32, #tpu.memory_space<vmem_shared>>)
    %dma_wait3A_83 = arith.constant 2 : i32
    %dma_wait3A_84 = arith.constant 0 : i32
    %dma_wait3A_85 = arith.constant 0 : i32
    %dma_wait3A_86 = arith.constant 0 : i32
    %dma_wait3A_87 = tpu.memref_slice %arg14[%dma_wait3A_83, %dma_wait3A_85, %dma_wait3A_86] : memref<8x80x40xf32, #tpu.memory_space<vmem>> -> memref<1x80x40xf32, #tpu.memory_space<vmem>>
    %dma_wait3A_88 = tpu.memref_squeeze %dma_wait3A_87 : memref<1x80x40xf32, #tpu.memory_space<vmem>> -> memref<80x40xf32, #tpu.memory_space<vmem>>
    %dma_wait3A_89 = arith.constant 0 : i32
    %dma_wait3A_90 = tpu.memref_slice %arg13[%dma_wait3A_84, %dma_wait3A_89] : memref<128x80xi32, #tpu.memory_space<vmem>> -> memref<1x80xi32, #tpu.memory_space<vmem>>
    %dma_wait3A_91 = tpu.memref_squeeze %dma_wait3A_90 : memref<1x80xi32, #tpu.memory_space<vmem>> -> memref<80xi32, #tpu.memory_space<vmem>>
    %dma_wait3A_92 = arith.constant 0 : i32
    %dma_wait3A_93 = arith.constant 0 : i32
    %dma_wait3A_94 = tpu.memref_slice %arg28[%dma_wait3A_92, %dma_wait3A_93] : memref<10240x40xf32, #tpu.memory_space<vmem_shared>> -> memref<10240x40xf32, #tpu.memory_space<vmem_shared>>
    tpu.wait_indirect_dma semaphore(%arg43 : memref<!tpu.dma_semaphore, #tpu.memory_space<semaphore_mem>>) src(%dma_wait3A_88 : memref<80x40xf32, #tpu.memory_space<vmem>>) dst(%dma_wait3A_94 : memref<10240x40xf32, #tpu.memory_space<vmem_shared>>)
    %dma_wait3A_95 = arith.constant 3 : i32
    %dma_wait3A_96 = arith.constant 0 : i32
    %dma_wait3A_97 = arith.constant 0 : i32
    %dma_wait3A_98 = arith.constant 0 : i32
    %dma_wait3A_99 = tpu.memref_slice %arg14[%dma_wait3A_95, %dma_wait3A_97, %dma_wait3A_98] : memref<8x80x40xf32, #tpu.memory_space<vmem>> -> memref<1x80x40xf32, #tpu.memory_space<vmem>>
    %dma_wait3A_100 = tpu.memref_squeeze %dma_wait3A_99 : memref<1x80x40xf32, #tpu.memory_space<vmem>> -> memref<80x40xf32, #tpu.memory_space<vmem>>
    %dma_wait3A_101 = arith.constant 0 : i32
    %dma_wait3A_102 = tpu.memref_slice %arg13[%dma_wait3A_96, %dma_wait3A_101] : memref<128x80xi32, #tpu.memory_space<vmem>> -> memref<1x80xi32, #tpu.memory_space<vmem>>
    %dma_wait3A_103 = tpu.memref_squeeze %dma_wait3A_102 : memref<1x80xi32, #tpu.memory_space<vmem>> -> memref<80xi32, #tpu.memory_space<vmem>>
    %dma_wait3A_104 = arith.constant 0 : i32
    %dma_wait3A_105 = arith.constant 0 : i32
    %dma_wait3A_106 = tpu.memref_slice %arg28[%dma_wait3A_104, %dma_wait3A_105] : memref<10240x40xf32, #tpu.memory_space<vmem_shared>> -> memref<10240x40xf32, #tpu.memory_space<vmem_shared>>
    tpu.wait_indirect_dma semaphore(%arg44 : memref<!tpu.dma_semaphore, #tpu.memory_space<semaphore_mem>>) src(%dma_wait3A_100 : memref<80x40xf32, #tpu.memory_space<vmem>>) dst(%dma_wait3A_106 : memref<10240x40xf32, #tpu.memory_space<vmem_shared>>)
    %dma_wait3A_107 = arith.constant 4 : i32
    %dma_wait3A_108 = arith.constant 0 : i32
    %dma_wait3A_109 = arith.constant 0 : i32
    %dma_wait3A_110 = arith.constant 0 : i32
    %dma_wait3A_111 = tpu.memref_slice %arg14[%dma_wait3A_107, %dma_wait3A_109, %dma_wait3A_110] : memref<8x80x40xf32, #tpu.memory_space<vmem>> -> memref<1x80x40xf32, #tpu.memory_space<vmem>>
    %dma_wait3A_112 = tpu.memref_squeeze %dma_wait3A_111 : memref<1x80x40xf32, #tpu.memory_space<vmem>> -> memref<80x40xf32, #tpu.memory_space<vmem>>
    %dma_wait3A_113 = arith.constant 0 : i32
    %dma_wait3A_114 = tpu.memref_slice %arg13[%dma_wait3A_108, %dma_wait3A_113] : memref<128x80xi32, #tpu.memory_space<vmem>> -> memref<1x80xi32, #tpu.memory_space<vmem>>
    %dma_wait3A_115 = tpu.memref_squeeze %dma_wait3A_114 : memref<1x80xi32, #tpu.memory_space<vmem>> -> memref<80xi32, #tpu.memory_space<vmem>>
    %dma_wait3A_116 = arith.constant 0 : i32
    %dma_wait3A_117 = arith.constant 0 : i32
    %dma_wait3A_118 = tpu.memref_slice %arg28[%dma_wait3A_116, %dma_wait3A_117] : memref<10240x40xf32, #tpu.memory_space<vmem_shared>> -> memref<10240x40xf32, #tpu.memory_space<vmem_shared>>
    tpu.wait_indirect_dma semaphore(%arg45 : memref<!tpu.dma_semaphore, #tpu.memory_space<semaphore_mem>>) src(%dma_wait3A_112 : memref<80x40xf32, #tpu.memory_space<vmem>>) dst(%dma_wait3A_118 : memref<10240x40xf32, #tpu.memory_space<vmem_shared>>)
    %dma_wait3A_119 = arith.constant 5 : i32
    %dma_wait3A_120 = arith.constant 0 : i32
    %dma_wait3A_121 = arith.constant 0 : i32
    %dma_wait3A_122 = arith.constant 0 : i32
    %dma_wait3A_123 = tpu.memref_slice %arg14[%dma_wait3A_119, %dma_wait3A_121, %dma_wait3A_122] : memref<8x80x40xf32, #tpu.memory_space<vmem>> -> memref<1x80x40xf32, #tpu.memory_space<vmem>>
    %dma_wait3A_124 = tpu.memref_squeeze %dma_wait3A_123 : memref<1x80x40xf32, #tpu.memory_space<vmem>> -> memref<80x40xf32, #tpu.memory_space<vmem>>
    %dma_wait3A_125 = arith.constant 0 : i32
    %dma_wait3A_126 = tpu.memref_slice %arg13[%dma_wait3A_120, %dma_wait3A_125] : memref<128x80xi32, #tpu.memory_space<vmem>> -> memref<1x80xi32, #tpu.memory_space<vmem>>
    %dma_wait3A_127 = tpu.memref_squeeze %dma_wait3A_126 : memref<1x80xi32, #tpu.memory_space<vmem>> -> memref<80xi32, #tpu.memory_space<vmem>>
    %dma_wait3A_128 = arith.constant 0 : i32
    %dma_wait3A_129 = arith.constant 0 : i32
    %dma_wait3A_130 = tpu.memref_slice %arg28[%dma_wait3A_128, %dma_wait3A_129] : memref<10240x40xf32, #tpu.memory_space<vmem_shared>> -> memref<10240x40xf32, #tpu.memory_space<vmem_shared>>
    tpu.wait_indirect_dma semaphore(%arg46 : memref<!tpu.dma_semaphore, #tpu.memory_space<semaphore_mem>>) src(%dma_wait3A_124 : memref<80x40xf32, #tpu.memory_space<vmem>>) dst(%dma_wait3A_130 : memref<10240x40xf32, #tpu.memory_space<vmem_shared>>)
    %dma_wait3A_131 = arith.constant 6 : i32
    %dma_wait3A_132 = arith.constant 0 : i32
    %dma_wait3A_133 = arith.constant 0 : i32
    %dma_wait3A_134 = arith.constant 0 : i32
    %dma_wait3A_135 = tpu.memref_slice %arg14[%dma_wait3A_131, %dma_wait3A_133, %dma_wait3A_134] : memref<8x80x40xf32, #tpu.memory_space<vmem>> -> memref<1x80x40xf32, #tpu.memory_space<vmem>>
    %dma_wait3A_136 = tpu.memref_squeeze %dma_wait3A_135 : memref<1x80x40xf32, #tpu.memory_space<vmem>> -> memref<80x40xf32, #tpu.memory_space<vmem>>
    %dma_wait3A_137 = arith.constant 0 : i32
    %dma_wait3A_138 = tpu.memref_slice %arg13[%dma_wait3A_132, %dma_wait3A_137] : memref<128x80xi32, #tpu.memory_space<vmem>> -> memref<1x80xi32, #tpu.memory_space<vmem>>
    %dma_wait3A_139 = tpu.memref_squeeze %dma_wait3A_138 : memref<1x80xi32, #tpu.memory_space<vmem>> -> memref<80xi32, #tpu.memory_space<vmem>>
    %dma_wait3A_140 = arith.constant 0 : i32
    %dma_wait3A_141 = arith.constant 0 : i32
    %dma_wait3A_142 = tpu.memref_slice %arg28[%dma_wait3A_140, %dma_wait3A_141] : memref<10240x40xf32, #tpu.memory_space<vmem_shared>> -> memref<10240x40xf32, #tpu.memory_space<vmem_shared>>
    tpu.wait_indirect_dma semaphore(%arg47 : memref<!tpu.dma_semaphore, #tpu.memory_space<semaphore_mem>>) src(%dma_wait3A_136 : memref<80x40xf32, #tpu.memory_space<vmem>>) dst(%dma_wait3A_142 : memref<10240x40xf32, #tpu.memory_space<vmem_shared>>)
    %dma_wait3A_143 = arith.constant 7 : i32
    %dma_wait3A_144 = arith.constant 0 : i32
    %dma_wait3A_145 = arith.constant 0 : i32
    %dma_wait3A_146 = arith.constant 0 : i32
    %dma_wait3A_147 = tpu.memref_slice %arg14[%dma_wait3A_143, %dma_wait3A_145, %dma_wait3A_146] : memref<8x80x40xf32, #tpu.memory_space<vmem>> -> memref<1x80x40xf32, #tpu.memory_space<vmem>>
    %dma_wait3A_148 = tpu.memref_squeeze %dma_wait3A_147 : memref<1x80x40xf32, #tpu.memory_space<vmem>> -> memref<80x40xf32, #tpu.memory_space<vmem>>
    %dma_wait3A_149 = arith.constant 0 : i32
    %dma_wait3A_150 = tpu.memref_slice %arg13[%dma_wait3A_144, %dma_wait3A_149] : memref<128x80xi32, #tpu.memory_space<vmem>> -> memref<1x80xi32, #tpu.memory_space<vmem>>
    %dma_wait3A_151 = tpu.memref_squeeze %dma_wait3A_150 : memref<1x80xi32, #tpu.memory_space<vmem>> -> memref<80xi32, #tpu.memory_space<vmem>>
    %dma_wait3A_152 = arith.constant 0 : i32
    %dma_wait3A_153 = arith.constant 0 : i32
    %dma_wait3A_154 = tpu.memref_slice %arg28[%dma_wait3A_152, %dma_wait3A_153] : memref<10240x40xf32, #tpu.memory_space<vmem_shared>> -> memref<10240x40xf32, #tpu.memory_space<vmem_shared>>
    tpu.wait_indirect_dma semaphore(%arg48 : memref<!tpu.dma_semaphore, #tpu.memory_space<semaphore_mem>>) src(%dma_wait3A_148 : memref<80x40xf32, #tpu.memory_space<vmem>>) dst(%dma_wait3A_154 : memref<10240x40xf32, #tpu.memory_space<vmem_shared>>)
    %barrier3A_155 = arith.constant 0 : index
    tpu.barrier barrier_id(%barrier3A_155)
    %eq3A = arith.constant 0 : i32
    %eq3A_156 = arith.cmpi eq, %arg1, %eq3A : i32
    %convert_element_type3A = arith.extui %eq3A_156 : i1 to i32
    %cond3A = arith.constant 0 : i32
    %cond3A_157 = arith.cmpi ne, %convert_element_type3A, %cond3A : i32
    scf.if %cond3A_157 {
      "tpu.region"() ({
        %run_scoped3A = tpu.sem_alloc : memref<!tpu.dma_semaphore, #tpu.memory_space<semaphore_mem>>
        %dma_start3A_324 = arith.constant 0 : i32
        %dma_start3A_325 = arith.constant 0 : i32
        %dma_start3A_326 = tpu.memref_slice %arg10[%arg0, %dma_start3A_324, %dma_start3A_325] : memref<2x10240x40xf32, #tpu.memory_space<hbm>> -> memref<1x10240x40xf32, #tpu.memory_space<hbm>>
        %dma_start3A_327 = tpu.memref_squeeze %dma_start3A_326 : memref<1x10240x40xf32, #tpu.memory_space<hbm>> -> memref<10240x40xf32, #tpu.memory_space<hbm>>
        tpu.enqueue_dma source(%arg28 : memref<10240x40xf32, #tpu.memory_space<vmem_shared>>) target(%dma_start3A_327 : memref<10240x40xf32, #tpu.memory_space<hbm>>) target_semaphore(%run_scoped3A : memref<!tpu.dma_semaphore, #tpu.memory_space<semaphore_mem>>)
        %dma_wait3A_328 = arith.constant 0 : i32
        %dma_wait3A_329 = arith.constant 0 : i32
        %dma_wait3A_330 = tpu.memref_slice %arg10[%arg0, %dma_wait3A_328, %dma_wait3A_329] : memref<2x10240x40xf32, #tpu.memory_space<hbm>> -> memref<1x10240x40xf32, #tpu.memory_space<hbm>>
        %dma_wait3A_331 = tpu.memref_squeeze %dma_wait3A_330 : memref<1x10240x40xf32, #tpu.memory_space<hbm>> -> memref<10240x40xf32, #tpu.memory_space<hbm>>
        tpu.wait_dma2 semaphore(%run_scoped3A : memref<!tpu.dma_semaphore, #tpu.memory_space<semaphore_mem>>) src(%arg28 : memref<10240x40xf32, #tpu.memory_space<vmem_shared>>) dst(%dma_wait3A_331 : memref<10240x40xf32, #tpu.memory_space<hbm>>)
        tpu.yield
      }) : () -> ()
      %ne3A = arith.constant 0 : i32
      "tpu.trace_start"() <{level = 10 : i32, message = "sync_cores"}> : () -> ()
      %ne3A_314 = arith.cmpi ne, %arg0, %ne3A : i32
      %convert_element_type3A_315 = arith.extui %ne3A_314 : i1 to i32
      %cond3A_316 = arith.constant 0 : i32
      %cond3A_317 = arith.cmpi ne, %convert_element_type3A_315, %cond3A_316 : i32
      scf.if %cond3A_317 {
        %semaphore_signal3A = arith.constant 1 : i32
        %semaphore_signal3A_324 = arith.constant 0 : i32
        tpu.sem_signal %arg49, %semaphore_signal3A core_id %semaphore_signal3A_324 : memref<!tpu.semaphore, #tpu.memory_space<semaphore_mem>>
      } else {
      }
      %ne3A_318 = arith.constant 1 : i32
      %ne3A_319 = arith.cmpi ne, %arg0, %ne3A_318 : i32
      %convert_element_type3A_320 = arith.extui %ne3A_319 : i1 to i32
      %cond3A_321 = arith.constant 0 : i32
      %cond3A_322 = arith.cmpi ne, %convert_element_type3A_320, %cond3A_321 : i32
      scf.if %cond3A_322 {
        %semaphore_signal3A = arith.constant 1 : i32
        %semaphore_signal3A_324 = arith.constant 1 : i32
        tpu.sem_signal %arg49, %semaphore_signal3A core_id %semaphore_signal3A_324 : memref<!tpu.semaphore, #tpu.memory_space<semaphore_mem>>
      } else {
      }
      %semaphore_wait3A = arith.constant 1 : i32
      %semaphore_wait3A_323 = arith.constant true
      tpu.sem_wait %arg49, %semaphore_wait3A : memref<!tpu.semaphore, #tpu.memory_space<semaphore_mem>>
      "tpu.trace_stop"() : () -> ()
    } else {
    }
    %barrier3A_158 = arith.constant 0 : index
    tpu.barrier barrier_id(%barrier3A_158)
    %add3A_159 = arith.constant 0 : i32
    %add3A_160 = arith.addi %mul3A_3, %add3A_159 : i32
    "tpu.region"() ({
      %run_scoped3A = tpu.sem_alloc : memref<!tpu.dma_semaphore, #tpu.memory_space<semaphore_mem>>
      %dma_start3A_314 = arith.constant 0 : i32
      %dma_start3A_315 = tpu.memref_slice %arg28[%add3A_160, %dma_start3A_314] : memref<10240x40xf32, #tpu.memory_space<vmem_shared>> -> memref<320x40xf32, #tpu.memory_space<vmem_shared>>
      %dma_start3A_316 = arith.constant 0 : i32
      %dma_start3A_317 = tpu.memref_slice %arg28[%add3A_160, %dma_start3A_316] : memref<10240x40xf32, #tpu.memory_space<vmem_shared>> -> memref<320x40xf32, #tpu.memory_space<vmem_shared>>
      tpu.enqueue_dma source(%dma_start3A_317 : memref<320x40xf32, #tpu.memory_space<vmem_shared>>) target(%arg16 : memref<320x40xf32, #tpu.memory_space<vmem>>) target_semaphore(%run_scoped3A : memref<!tpu.dma_semaphore, #tpu.memory_space<semaphore_mem>>)
      %dma_wait3A_318 = arith.constant 0 : i32
      %dma_wait3A_319 = tpu.memref_slice %arg28[%add3A_160, %dma_wait3A_318] : memref<10240x40xf32, #tpu.memory_space<vmem_shared>> -> memref<320x40xf32, #tpu.memory_space<vmem_shared>>
      %dma_wait3A_320 = arith.constant 0 : i32
      %dma_wait3A_321 = tpu.memref_slice %arg28[%add3A_160, %dma_wait3A_320] : memref<10240x40xf32, #tpu.memory_space<vmem_shared>> -> memref<320x40xf32, #tpu.memory_space<vmem_shared>>
      tpu.wait_dma2 semaphore(%run_scoped3A : memref<!tpu.dma_semaphore, #tpu.memory_space<semaphore_mem>>) src(%dma_wait3A_321 : memref<320x40xf32, #tpu.memory_space<vmem_shared>>) dst(%arg16 : memref<320x40xf32, #tpu.memory_space<vmem>>)
      tpu.yield
    }) : () -> ()
    "tpu.region"() ({
      %run_scoped3A = tpu.sem_alloc : memref<!tpu.dma_semaphore, #tpu.memory_space<semaphore_mem>>
      %dma_start3A_314 = arith.constant 0 : i32
      %dma_start3A_315 = tpu.memref_slice %arg10[%sub3A_0, %add3A_160, %dma_start3A_314] : memref<2x10240x40xf32, #tpu.memory_space<hbm>> -> memref<1x320x40xf32, #tpu.memory_space<hbm>>
      %dma_start3A_316 = tpu.memref_squeeze %dma_start3A_315 : memref<1x320x40xf32, #tpu.memory_space<hbm>> -> memref<320x40xf32, #tpu.memory_space<hbm>>
      %dma_start3A_317 = arith.constant 0 : i32
      %dma_start3A_318 = tpu.memref_slice %arg10[%sub3A_0, %add3A_160, %dma_start3A_317] : memref<2x10240x40xf32, #tpu.memory_space<hbm>> -> memref<1x320x40xf32, #tpu.memory_space<hbm>>
      %dma_start3A_319 = tpu.memref_squeeze %dma_start3A_318 : memref<1x320x40xf32, #tpu.memory_space<hbm>> -> memref<320x40xf32, #tpu.memory_space<hbm>>
      tpu.enqueue_dma source(%dma_start3A_319 : memref<320x40xf32, #tpu.memory_space<hbm>>) target(%arg17 : memref<320x40xf32, #tpu.memory_space<vmem>>) target_semaphore(%run_scoped3A : memref<!tpu.dma_semaphore, #tpu.memory_space<semaphore_mem>>)
      %dma_wait3A_320 = arith.constant 0 : i32
      %dma_wait3A_321 = tpu.memref_slice %arg10[%sub3A_0, %add3A_160, %dma_wait3A_320] : memref<2x10240x40xf32, #tpu.memory_space<hbm>> -> memref<1x320x40xf32, #tpu.memory_space<hbm>>
      %dma_wait3A_322 = tpu.memref_squeeze %dma_wait3A_321 : memref<1x320x40xf32, #tpu.memory_space<hbm>> -> memref<320x40xf32, #tpu.memory_space<hbm>>
      %dma_wait3A_323 = arith.constant 0 : i32
      %dma_wait3A_324 = tpu.memref_slice %arg10[%sub3A_0, %add3A_160, %dma_wait3A_323] : memref<2x10240x40xf32, #tpu.memory_space<hbm>> -> memref<1x320x40xf32, #tpu.memory_space<hbm>>
      %dma_wait3A_325 = tpu.memref_squeeze %dma_wait3A_324 : memref<1x320x40xf32, #tpu.memory_space<hbm>> -> memref<320x40xf32, #tpu.memory_space<hbm>>
      tpu.wait_dma2 semaphore(%run_scoped3A : memref<!tpu.dma_semaphore, #tpu.memory_space<semaphore_mem>>) src(%dma_wait3A_325 : memref<320x40xf32, #tpu.memory_space<hbm>>) dst(%arg17 : memref<320x40xf32, #tpu.memory_space<vmem>>)
      tpu.yield
    }) : () -> ()
    "tpu.region"() ({
      %run_scoped3A = tpu.sem_alloc : memref<!tpu.dma_semaphore, #tpu.memory_space<semaphore_mem>>
      %dma_start3A_314 = arith.constant 0 : i32
      %dma_start3A_315 = tpu.memref_slice %arg7[%add3A_160, %dma_start3A_314] : memref<10240x32xf32, #tpu.memory_space<hbm>> -> memref<320x32xf32, #tpu.memory_space<hbm>>
      %dma_start3A_316 = arith.constant 0 : i32
      %dma_start3A_317 = tpu.memref_slice %arg7[%add3A_160, %dma_start3A_316] : memref<10240x32xf32, #tpu.memory_space<hbm>> -> memref<320x32xf32, #tpu.memory_space<hbm>>
      tpu.enqueue_dma source(%dma_start3A_317 : memref<320x32xf32, #tpu.memory_space<hbm>>) target(%arg18 : memref<320x32xf32, #tpu.memory_space<vmem>>) target_semaphore(%run_scoped3A : memref<!tpu.dma_semaphore, #tpu.memory_space<semaphore_mem>>)
      %dma_wait3A_318 = arith.constant 0 : i32
      %dma_wait3A_319 = tpu.memref_slice %arg7[%add3A_160, %dma_wait3A_318] : memref<10240x32xf32, #tpu.memory_space<hbm>> -> memref<320x32xf32, #tpu.memory_space<hbm>>
      %dma_wait3A_320 = arith.constant 0 : i32
      %dma_wait3A_321 = tpu.memref_slice %arg7[%add3A_160, %dma_wait3A_320] : memref<10240x32xf32, #tpu.memory_space<hbm>> -> memref<320x32xf32, #tpu.memory_space<hbm>>
      tpu.wait_dma2 semaphore(%run_scoped3A : memref<!tpu.dma_semaphore, #tpu.memory_space<semaphore_mem>>) src(%dma_wait3A_321 : memref<320x32xf32, #tpu.memory_space<hbm>>) dst(%arg18 : memref<320x32xf32, #tpu.memory_space<vmem>>)
      tpu.yield
    }) : () -> ()
    %scan3A_161 = arith.constant 0 : i32
    %scan3A_162 = arith.constant 0 : i32
    %scan3A_163 = arith.constant 20 : i32
    %scan3A_164 = arith.addi %scan3A_162, %scan3A_163 : i32
    %scan3A_165 = arith.constant 1 : i32
    scf.for %scan3A_314 = %scan3A_162 to %scan3A_164 step %scan3A_165  : i32 {
      %mul3A_315 = arith.constant 16 : i32
      %mul3A_316 = arith.muli %scan3A_314, %mul3A_315 : i32
      %add3A_317 = vector.broadcast %mul3A_316 : i32 to vector<16xi32>
      %add3A_318 = arith.addi %add3A_317, %iota3A : vector<16xi32>
      %broadcast_in_dim3A = arith.constant 32 : i32
      %broadcast_in_dim3A_319 = vector.broadcast %broadcast_in_dim3A : i32 to vector<16xi32>
      %gather3A = tpu.vector_load_idx %arg16[%add3A_318, %broadcast_in_dim3A_319] : memref<320x40xf32, #tpu.memory_space<vmem>>[vector<16xi32>, vector<16xi32>], vector<16xf32>,
      %gather3A_320 = tpu.vector_load_idx %arg17[%add3A_318, %broadcast_in_dim3A_319] : memref<320x40xf32, #tpu.memory_space<vmem>>[vector<16xi32>, vector<16xi32>], vector<16xf32>,
      %add3A_321 = arith.addf %gather3A, %gather3A_320 : vector<16xf32>
      %max3A = arith.constant 1.000000e+00 : f32
      %max3A_322 = vector.broadcast %max3A : f32 to vector<16xf32>
      %max3A_323 = arith.maximumf %add3A_321, %max3A_322 : vector<16xf32>
      %div3A = arith.constant 1.000000e+00 : f32
      %div3A_324 = vector.broadcast %div3A : f32 to vector<16xf32>
      %div3A_325 = arith.divf %div3A_324, %max3A_323 : vector<16xf32>
      %broadcast_in_dim3A_326 = arith.constant 0.000000e+00 : f32
      %broadcast_in_dim3A_327 = vector.broadcast %broadcast_in_dim3A_326 : f32 to vector<16xf32>
      %get3A = arith.constant 64 : i32
      %get3A_328 = arith.index_cast %get3A : i32 to index
      %get3A_329 = arith.constant 0 : index
      %get3A_330 = tpu.vector_load %arg27[%get3A_328, %get3A_329] {strides = array<i32>} : memref<65x16xf32, #tpu.memory_space<vmem>>, vector<16xf32>,
      %broadcast_in_dim3A_331 = arith.constant 0 : i32
      %broadcast_in_dim3A_332 = vector.broadcast %broadcast_in_dim3A_331 : i32 to vector<16xi32>
      %gather3A_333 = tpu.vector_load_idx %arg16[%add3A_318, %broadcast_in_dim3A_332] : memref<320x40xf32, #tpu.memory_space<vmem>>[vector<16xi32>, vector<16xi32>], vector<16xf32>,
      %gather3A_334 = tpu.vector_load_idx %arg17[%add3A_318, %broadcast_in_dim3A_332] : memref<320x40xf32, #tpu.memory_space<vmem>>[vector<16xi32>, vector<16xi32>], vector<16xf32>,
      %add3A_335 = arith.addf %gather3A_333, %gather3A_334 : vector<16xf32>
      %gather3A_336 = tpu.vector_load_idx %arg18[%add3A_318, %broadcast_in_dim3A_332] : memref<320x32xf32, #tpu.memory_space<vmem>>[vector<16xi32>, vector<16xi32>], vector<16xf32>,
      %mul3A_337 = arith.mulf %add3A_335, %div3A_325 : vector<16xf32>
      %add3A_338 = arith.addf %mul3A_337, %gather3A_336 : vector<16xf32>
      %max3A_339 = arith.constant 0.000000e+00 : f32
      %max3A_340 = vector.broadcast %max3A_339 : f32 to vector<16xf32>
      %max3A_341 = arith.maximumf %add3A_338, %max3A_340 : vector<16xf32>
      %get3A_342 = arith.constant 0 : i32
      %get3A_343 = arith.index_cast %get3A_342 : i32 to index
      %get3A_344 = arith.constant 0 : index
      %get3A_345 = tpu.vector_load %arg27[%get3A_343, %get3A_344] {strides = array<i32>} : memref<65x16xf32, #tpu.memory_space<vmem>>, vector<16xf32>,
      %mul3A_346 = arith.mulf %max3A_341, %get3A_345 : vector<16xf32>
      %add3A_347 = arith.addf %broadcast_in_dim3A_327, %mul3A_346 : vector<16xf32>
      %get3A_348 = arith.constant 32 : i32
      %get3A_349 = arith.index_cast %get3A_348 : i32 to index
      %get3A_350 = arith.constant 0 : index
      %get3A_351 = tpu.vector_load %arg27[%get3A_349, %get3A_350] {strides = array<i32>} : memref<65x16xf32, #tpu.memory_space<vmem>>, vector<16xf32>,
      %mul3A_352 = arith.mulf %max3A_341, %get3A_351 : vector<16xf32>
      %add3A_353 = arith.addf %get3A_330, %mul3A_352 : vector<16xf32>
      %broadcast_in_dim3A_354 = arith.constant 1 : i32
      %broadcast_in_dim3A_355 = vector.broadcast %broadcast_in_dim3A_354 : i32 to vector<16xi32>
      %gather3A_356 = tpu.vector_load_idx %arg16[%add3A_318, %broadcast_in_dim3A_355] : memref<320x40xf32, #tpu.memory_space<vmem>>[vector<16xi32>, vector<16xi32>], vector<16xf32>,
      %gather3A_357 = tpu.vector_load_idx %arg17[%add3A_318, %broadcast_in_dim3A_355] : memref<320x40xf32, #tpu.memory_space<vmem>>[vector<16xi32>, vector<16xi32>], vector<16xf32>,
      %add3A_358 = arith.addf %gather3A_356, %gather3A_357 : vector<16xf32>
      %gather3A_359 = tpu.vector_load_idx %arg18[%add3A_318, %broadcast_in_dim3A_355] : memref<320x32xf32, #tpu.memory_space<vmem>>[vector<16xi32>, vector<16xi32>], vector<16xf32>,
      %mul3A_360 = arith.mulf %add3A_358, %div3A_325 : vector<16xf32>
      %add3A_361 = arith.addf %mul3A_360, %gather3A_359 : vector<16xf32>
      %max3A_362 = arith.constant 0.000000e+00 : f32
      %max3A_363 = vector.broadcast %max3A_362 : f32 to vector<16xf32>
      %max3A_364 = arith.maximumf %add3A_361, %max3A_363 : vector<16xf32>
      %get3A_365 = arith.constant 1 : i32
      %get3A_366 = arith.index_cast %get3A_365 : i32 to index
      %get3A_367 = arith.constant 0 : index
      %get3A_368 = tpu.vector_load %arg27[%get3A_366, %get3A_367] {strides = array<i32>} : memref<65x16xf32, #tpu.memory_space<vmem>>, vector<16xf32>,
      %mul3A_369 = arith.mulf %max3A_364, %get3A_368 : vector<16xf32>
      %add3A_370 = arith.addf %add3A_347, %mul3A_369 : vector<16xf32>
      %get3A_371 = arith.constant 33 : i32
      %get3A_372 = arith.index_cast %get3A_371 : i32 to index
      %get3A_373 = arith.constant 0 : index
      %get3A_374 = tpu.vector_load %arg27[%get3A_372, %get3A_373] {strides = array<i32>} : memref<65x16xf32, #tpu.memory_space<vmem>>, vector<16xf32>,
      %mul3A_375 = arith.mulf %max3A_364, %get3A_374 : vector<16xf32>
      %add3A_376 = arith.addf %add3A_353, %mul3A_375 : vector<16xf32>
      %broadcast_in_dim3A_377 = arith.constant 2 : i32
      %broadcast_in_dim3A_378 = vector.broadcast %broadcast_in_dim3A_377 : i32 to vector<16xi32>
      %gather3A_379 = tpu.vector_load_idx %arg16[%add3A_318, %broadcast_in_dim3A_378] : memref<320x40xf32, #tpu.memory_space<vmem>>[vector<16xi32>, vector<16xi32>], vector<16xf32>,
      %gather3A_380 = tpu.vector_load_idx %arg17[%add3A_318, %broadcast_in_dim3A_378] : memref<320x40xf32, #tpu.memory_space<vmem>>[vector<16xi32>, vector<16xi32>], vector<16xf32>,
      %add3A_381 = arith.addf %gather3A_379, %gather3A_380 : vector<16xf32>
      %gather3A_382 = tpu.vector_load_idx %arg18[%add3A_318, %broadcast_in_dim3A_378] : memref<320x32xf32, #tpu.memory_space<vmem>>[vector<16xi32>, vector<16xi32>], vector<16xf32>,
      %mul3A_383 = arith.mulf %add3A_381, %div3A_325 : vector<16xf32>
      %add3A_384 = arith.addf %mul3A_383, %gather3A_382 : vector<16xf32>
      %max3A_385 = arith.constant 0.000000e+00 : f32
      %max3A_386 = vector.broadcast %max3A_385 : f32 to vector<16xf32>
      %max3A_387 = arith.maximumf %add3A_384, %max3A_386 : vector<16xf32>
      %get3A_388 = arith.constant 2 : i32
      %get3A_389 = arith.index_cast %get3A_388 : i32 to index
      %get3A_390 = arith.constant 0 : index
      %get3A_391 = tpu.vector_load %arg27[%get3A_389, %get3A_390] {strides = array<i32>} : memref<65x16xf32, #tpu.memory_space<vmem>>, vector<16xf32>,
      %mul3A_392 = arith.mulf %max3A_387, %get3A_391 : vector<16xf32>
      %add3A_393 = arith.addf %add3A_370, %mul3A_392 : vector<16xf32>
      %get3A_394 = arith.constant 34 : i32
      %get3A_395 = arith.index_cast %get3A_394 : i32 to index
      %get3A_396 = arith.constant 0 : index
      %get3A_397 = tpu.vector_load %arg27[%get3A_395, %get3A_396] {strides = array<i32>} : memref<65x16xf32, #tpu.memory_space<vmem>>, vector<16xf32>,
      %mul3A_398 = arith.mulf %max3A_387, %get3A_397 : vector<16xf32>
      %add3A_399 = arith.addf %add3A_376, %mul3A_398 : vector<16xf32>
      %broadcast_in_dim3A_400 = arith.constant 3 : i32
      %broadcast_in_dim3A_401 = vector.broadcast %broadcast_in_dim3A_400 : i32 to vector<16xi32>
      %gather3A_402 = tpu.vector_load_idx %arg16[%add3A_318, %broadcast_in_dim3A_401] : memref<320x40xf32, #tpu.memory_space<vmem>>[vector<16xi32>, vector<16xi32>], vector<16xf32>,
      %gather3A_403 = tpu.vector_load_idx %arg17[%add3A_318, %broadcast_in_dim3A_401] : memref<320x40xf32, #tpu.memory_space<vmem>>[vector<16xi32>, vector<16xi32>], vector<16xf32>,
      %add3A_404 = arith.addf %gather3A_402, %gather3A_403 : vector<16xf32>
      %gather3A_405 = tpu.vector_load_idx %arg18[%add3A_318, %broadcast_in_dim3A_401] : memref<320x32xf32, #tpu.memory_space<vmem>>[vector<16xi32>, vector<16xi32>], vector<16xf32>,
      %mul3A_406 = arith.mulf %add3A_404, %div3A_325 : vector<16xf32>
      %add3A_407 = arith.addf %mul3A_406, %gather3A_405 : vector<16xf32>
      %max3A_408 = arith.constant 0.000000e+00 : f32
      %max3A_409 = vector.broadcast %max3A_408 : f32 to vector<16xf32>
      %max3A_410 = arith.maximumf %add3A_407, %max3A_409 : vector<16xf32>
      %get3A_411 = arith.constant 3 : i32
      %get3A_412 = arith.index_cast %get3A_411 : i32 to index
      %get3A_413 = arith.constant 0 : index
      %get3A_414 = tpu.vector_load %arg27[%get3A_412, %get3A_413] {strides = array<i32>} : memref<65x16xf32, #tpu.memory_space<vmem>>, vector<16xf32>,
      %mul3A_415 = arith.mulf %max3A_410, %get3A_414 : vector<16xf32>
      %add3A_416 = arith.addf %add3A_393, %mul3A_415 : vector<16xf32>
      %get3A_417 = arith.constant 35 : i32
      %get3A_418 = arith.index_cast %get3A_417 : i32 to index
      %get3A_419 = arith.constant 0 : index
      %get3A_420 = tpu.vector_load %arg27[%get3A_418, %get3A_419] {strides = array<i32>} : memref<65x16xf32, #tpu.memory_space<vmem>>, vector<16xf32>,
      %mul3A_421 = arith.mulf %max3A_410, %get3A_420 : vector<16xf32>
      %add3A_422 = arith.addf %add3A_399, %mul3A_421 : vector<16xf32>
      %broadcast_in_dim3A_423 = arith.constant 4 : i32
      %broadcast_in_dim3A_424 = vector.broadcast %broadcast_in_dim3A_423 : i32 to vector<16xi32>
      %gather3A_425 = tpu.vector_load_idx %arg16[%add3A_318, %broadcast_in_dim3A_424] : memref<320x40xf32, #tpu.memory_space<vmem>>[vector<16xi32>, vector<16xi32>], vector<16xf32>,
      %gather3A_426 = tpu.vector_load_idx %arg17[%add3A_318, %broadcast_in_dim3A_424] : memref<320x40xf32, #tpu.memory_space<vmem>>[vector<16xi32>, vector<16xi32>], vector<16xf32>,
      %add3A_427 = arith.addf %gather3A_425, %gather3A_426 : vector<16xf32>
      %gather3A_428 = tpu.vector_load_idx %arg18[%add3A_318, %broadcast_in_dim3A_424] : memref<320x32xf32, #tpu.memory_space<vmem>>[vector<16xi32>, vector<16xi32>], vector<16xf32>,
      %mul3A_429 = arith.mulf %add3A_427, %div3A_325 : vector<16xf32>
      %add3A_430 = arith.addf %mul3A_429, %gather3A_428 : vector<16xf32>
      %max3A_431 = arith.constant 0.000000e+00 : f32
      %max3A_432 = vector.broadcast %max3A_431 : f32 to vector<16xf32>
      %max3A_433 = arith.maximumf %add3A_430, %max3A_432 : vector<16xf32>
      %get3A_434 = arith.constant 4 : i32
      %get3A_435 = arith.index_cast %get3A_434 : i32 to index
      %get3A_436 = arith.constant 0 : index
      %get3A_437 = tpu.vector_load %arg27[%get3A_435, %get3A_436] {strides = array<i32>} : memref<65x16xf32, #tpu.memory_space<vmem>>, vector<16xf32>,
      %mul3A_438 = arith.mulf %max3A_433, %get3A_437 : vector<16xf32>
      %add3A_439 = arith.addf %add3A_416, %mul3A_438 : vector<16xf32>
      %get3A_440 = arith.constant 36 : i32
      %get3A_441 = arith.index_cast %get3A_440 : i32 to index
      %get3A_442 = arith.constant 0 : index
      %get3A_443 = tpu.vector_load %arg27[%get3A_441, %get3A_442] {strides = array<i32>} : memref<65x16xf32, #tpu.memory_space<vmem>>, vector<16xf32>,
      %mul3A_444 = arith.mulf %max3A_433, %get3A_443 : vector<16xf32>
      %add3A_445 = arith.addf %add3A_422, %mul3A_444 : vector<16xf32>
      %broadcast_in_dim3A_446 = arith.constant 5 : i32
      %broadcast_in_dim3A_447 = vector.broadcast %broadcast_in_dim3A_446 : i32 to vector<16xi32>
      %gather3A_448 = tpu.vector_load_idx %arg16[%add3A_318, %broadcast_in_dim3A_447] : memref<320x40xf32, #tpu.memory_space<vmem>>[vector<16xi32>, vector<16xi32>], vector<16xf32>,
      %gather3A_449 = tpu.vector_load_idx %arg17[%add3A_318, %broadcast_in_dim3A_447] : memref<320x40xf32, #tpu.memory_space<vmem>>[vector<16xi32>, vector<16xi32>], vector<16xf32>,
      %add3A_450 = arith.addf %gather3A_448, %gather3A_449 : vector<16xf32>
      %gather3A_451 = tpu.vector_load_idx %arg18[%add3A_318, %broadcast_in_dim3A_447] : memref<320x32xf32, #tpu.memory_space<vmem>>[vector<16xi32>, vector<16xi32>], vector<16xf32>,
      %mul3A_452 = arith.mulf %add3A_450, %div3A_325 : vector<16xf32>
      %add3A_453 = arith.addf %mul3A_452, %gather3A_451 : vector<16xf32>
      %max3A_454 = arith.constant 0.000000e+00 : f32
      %max3A_455 = vector.broadcast %max3A_454 : f32 to vector<16xf32>
      %max3A_456 = arith.maximumf %add3A_453, %max3A_455 : vector<16xf32>
      %get3A_457 = arith.constant 5 : i32
      %get3A_458 = arith.index_cast %get3A_457 : i32 to index
      %get3A_459 = arith.constant 0 : index
      %get3A_460 = tpu.vector_load %arg27[%get3A_458, %get3A_459] {strides = array<i32>} : memref<65x16xf32, #tpu.memory_space<vmem>>, vector<16xf32>,
      %mul3A_461 = arith.mulf %max3A_456, %get3A_460 : vector<16xf32>
      %add3A_462 = arith.addf %add3A_439, %mul3A_461 : vector<16xf32>
      %get3A_463 = arith.constant 37 : i32
      %get3A_464 = arith.index_cast %get3A_463 : i32 to index
      %get3A_465 = arith.constant 0 : index
      %get3A_466 = tpu.vector_load %arg27[%get3A_464, %get3A_465] {strides = array<i32>} : memref<65x16xf32, #tpu.memory_space<vmem>>, vector<16xf32>,
      %mul3A_467 = arith.mulf %max3A_456, %get3A_466 : vector<16xf32>
      %add3A_468 = arith.addf %add3A_445, %mul3A_467 : vector<16xf32>
      %broadcast_in_dim3A_469 = arith.constant 6 : i32
      %broadcast_in_dim3A_470 = vector.broadcast %broadcast_in_dim3A_469 : i32 to vector<16xi32>
      %gather3A_471 = tpu.vector_load_idx %arg16[%add3A_318, %broadcast_in_dim3A_470] : memref<320x40xf32, #tpu.memory_space<vmem>>[vector<16xi32>, vector<16xi32>], vector<16xf32>,
      %gather3A_472 = tpu.vector_load_idx %arg17[%add3A_318, %broadcast_in_dim3A_470] : memref<320x40xf32, #tpu.memory_space<vmem>>[vector<16xi32>, vector<16xi32>], vector<16xf32>,
      %add3A_473 = arith.addf %gather3A_471, %gather3A_472 : vector<16xf32>
      %gather3A_474 = tpu.vector_load_idx %arg18[%add3A_318, %broadcast_in_dim3A_470] : memref<320x32xf32, #tpu.memory_space<vmem>>[vector<16xi32>, vector<16xi32>], vector<16xf32>,
      %mul3A_475 = arith.mulf %add3A_473, %div3A_325 : vector<16xf32>
      %add3A_476 = arith.addf %mul3A_475, %gather3A_474 : vector<16xf32>
      %max3A_477 = arith.constant 0.000000e+00 : f32
      %max3A_478 = vector.broadcast %max3A_477 : f32 to vector<16xf32>
      %max3A_479 = arith.maximumf %add3A_476, %max3A_478 : vector<16xf32>
      %get3A_480 = arith.constant 6 : i32
      %get3A_481 = arith.index_cast %get3A_480 : i32 to index
      %get3A_482 = arith.constant 0 : index
      %get3A_483 = tpu.vector_load %arg27[%get3A_481, %get3A_482] {strides = array<i32>} : memref<65x16xf32, #tpu.memory_space<vmem>>, vector<16xf32>,
      %mul3A_484 = arith.mulf %max3A_479, %get3A_483 : vector<16xf32>
      %add3A_485 = arith.addf %add3A_462, %mul3A_484 : vector<16xf32>
      %get3A_486 = arith.constant 38 : i32
      %get3A_487 = arith.index_cast %get3A_486 : i32 to index
      %get3A_488 = arith.constant 0 : index
      %get3A_489 = tpu.vector_load %arg27[%get3A_487, %get3A_488] {strides = array<i32>} : memref<65x16xf32, #tpu.memory_space<vmem>>, vector<16xf32>,
      %mul3A_490 = arith.mulf %max3A_479, %get3A_489 : vector<16xf32>
      %add3A_491 = arith.addf %add3A_468, %mul3A_490 : vector<16xf32>
      %broadcast_in_dim3A_492 = arith.constant 7 : i32
      %broadcast_in_dim3A_493 = vector.broadcast %broadcast_in_dim3A_492 : i32 to vector<16xi32>
      %gather3A_494 = tpu.vector_load_idx %arg16[%add3A_318, %broadcast_in_dim3A_493] : memref<320x40xf32, #tpu.memory_space<vmem>>[vector<16xi32>, vector<16xi32>], vector<16xf32>,
      %gather3A_495 = tpu.vector_load_idx %arg17[%add3A_318, %broadcast_in_dim3A_493] : memref<320x40xf32, #tpu.memory_space<vmem>>[vector<16xi32>, vector<16xi32>], vector<16xf32>,
      %add3A_496 = arith.addf %gather3A_494, %gather3A_495 : vector<16xf32>
      %gather3A_497 = tpu.vector_load_idx %arg18[%add3A_318, %broadcast_in_dim3A_493] : memref<320x32xf32, #tpu.memory_space<vmem>>[vector<16xi32>, vector<16xi32>], vector<16xf32>,
      %mul3A_498 = arith.mulf %add3A_496, %div3A_325 : vector<16xf32>
      %add3A_499 = arith.addf %mul3A_498, %gather3A_497 : vector<16xf32>
      %max3A_500 = arith.constant 0.000000e+00 : f32
      %max3A_501 = vector.broadcast %max3A_500 : f32 to vector<16xf32>
      %max3A_502 = arith.maximumf %add3A_499, %max3A_501 : vector<16xf32>
      %get3A_503 = arith.constant 7 : i32
      %get3A_504 = arith.index_cast %get3A_503 : i32 to index
      %get3A_505 = arith.constant 0 : index
      %get3A_506 = tpu.vector_load %arg27[%get3A_504, %get3A_505] {strides = array<i32>} : memref<65x16xf32, #tpu.memory_space<vmem>>, vector<16xf32>,
      %mul3A_507 = arith.mulf %max3A_502, %get3A_506 : vector<16xf32>
      %add3A_508 = arith.addf %add3A_485, %mul3A_507 : vector<16xf32>
      %get3A_509 = arith.constant 39 : i32
      %get3A_510 = arith.index_cast %get3A_509 : i32 to index
      %get3A_511 = arith.constant 0 : index
      %get3A_512 = tpu.vector_load %arg27[%get3A_510, %get3A_511] {strides = array<i32>} : memref<65x16xf32, #tpu.memory_space<vmem>>, vector<16xf32>,
      %mul3A_513 = arith.mulf %max3A_502, %get3A_512 : vector<16xf32>
      %add3A_514 = arith.addf %add3A_491, %mul3A_513 : vector<16xf32>
      %broadcast_in_dim3A_515 = arith.constant 8 : i32
      %broadcast_in_dim3A_516 = vector.broadcast %broadcast_in_dim3A_515 : i32 to vector<16xi32>
      %gather3A_517 = tpu.vector_load_idx %arg16[%add3A_318, %broadcast_in_dim3A_516] : memref<320x40xf32, #tpu.memory_space<vmem>>[vector<16xi32>, vector<16xi32>], vector<16xf32>,
      %gather3A_518 = tpu.vector_load_idx %arg17[%add3A_318, %broadcast_in_dim3A_516] : memref<320x40xf32, #tpu.memory_space<vmem>>[vector<16xi32>, vector<16xi32>], vector<16xf32>,
      %add3A_519 = arith.addf %gather3A_517, %gather3A_518 : vector<16xf32>
      %gather3A_520 = tpu.vector_load_idx %arg18[%add3A_318, %broadcast_in_dim3A_516] : memref<320x32xf32, #tpu.memory_space<vmem>>[vector<16xi32>, vector<16xi32>], vector<16xf32>,
      %mul3A_521 = arith.mulf %add3A_519, %div3A_325 : vector<16xf32>
      %add3A_522 = arith.addf %mul3A_521, %gather3A_520 : vector<16xf32>
      %max3A_523 = arith.constant 0.000000e+00 : f32
      %max3A_524 = vector.broadcast %max3A_523 : f32 to vector<16xf32>
      %max3A_525 = arith.maximumf %add3A_522, %max3A_524 : vector<16xf32>
      %get3A_526 = arith.constant 8 : i32
      %get3A_527 = arith.index_cast %get3A_526 : i32 to index
      %get3A_528 = arith.constant 0 : index
      %get3A_529 = tpu.vector_load %arg27[%get3A_527, %get3A_528] {strides = array<i32>} : memref<65x16xf32, #tpu.memory_space<vmem>>, vector<16xf32>,
      %mul3A_530 = arith.mulf %max3A_525, %get3A_529 : vector<16xf32>
      %add3A_531 = arith.addf %add3A_508, %mul3A_530 : vector<16xf32>
      %get3A_532 = arith.constant 40 : i32
      %get3A_533 = arith.index_cast %get3A_532 : i32 to index
      %get3A_534 = arith.constant 0 : index
      %get3A_535 = tpu.vector_load %arg27[%get3A_533, %get3A_534] {strides = array<i32>} : memref<65x16xf32, #tpu.memory_space<vmem>>, vector<16xf32>,
      %mul3A_536 = arith.mulf %max3A_525, %get3A_535 : vector<16xf32>
      %add3A_537 = arith.addf %add3A_514, %mul3A_536 : vector<16xf32>
      %broadcast_in_dim3A_538 = arith.constant 9 : i32
      %broadcast_in_dim3A_539 = vector.broadcast %broadcast_in_dim3A_538 : i32 to vector<16xi32>
      %gather3A_540 = tpu.vector_load_idx %arg16[%add3A_318, %broadcast_in_dim3A_539] : memref<320x40xf32, #tpu.memory_space<vmem>>[vector<16xi32>, vector<16xi32>], vector<16xf32>,
      %gather3A_541 = tpu.vector_load_idx %arg17[%add3A_318, %broadcast_in_dim3A_539] : memref<320x40xf32, #tpu.memory_space<vmem>>[vector<16xi32>, vector<16xi32>], vector<16xf32>,
      %add3A_542 = arith.addf %gather3A_540, %gather3A_541 : vector<16xf32>
      %gather3A_543 = tpu.vector_load_idx %arg18[%add3A_318, %broadcast_in_dim3A_539] : memref<320x32xf32, #tpu.memory_space<vmem>>[vector<16xi32>, vector<16xi32>], vector<16xf32>,
      %mul3A_544 = arith.mulf %add3A_542, %div3A_325 : vector<16xf32>
      %add3A_545 = arith.addf %mul3A_544, %gather3A_543 : vector<16xf32>
      %max3A_546 = arith.constant 0.000000e+00 : f32
      %max3A_547 = vector.broadcast %max3A_546 : f32 to vector<16xf32>
      %max3A_548 = arith.maximumf %add3A_545, %max3A_547 : vector<16xf32>
      %get3A_549 = arith.constant 9 : i32
      %get3A_550 = arith.index_cast %get3A_549 : i32 to index
      %get3A_551 = arith.constant 0 : index
      %get3A_552 = tpu.vector_load %arg27[%get3A_550, %get3A_551] {strides = array<i32>} : memref<65x16xf32, #tpu.memory_space<vmem>>, vector<16xf32>,
      %mul3A_553 = arith.mulf %max3A_548, %get3A_552 : vector<16xf32>
      %add3A_554 = arith.addf %add3A_531, %mul3A_553 : vector<16xf32>
      %get3A_555 = arith.constant 41 : i32
      %get3A_556 = arith.index_cast %get3A_555 : i32 to index
      %get3A_557 = arith.constant 0 : index
      %get3A_558 = tpu.vector_load %arg27[%get3A_556, %get3A_557] {strides = array<i32>} : memref<65x16xf32, #tpu.memory_space<vmem>>, vector<16xf32>,
      %mul3A_559 = arith.mulf %max3A_548, %get3A_558 : vector<16xf32>
      %add3A_560 = arith.addf %add3A_537, %mul3A_559 : vector<16xf32>
      %broadcast_in_dim3A_561 = arith.constant 10 : i32
      %broadcast_in_dim3A_562 = vector.broadcast %broadcast_in_dim3A_561 : i32 to vector<16xi32>
      %gather3A_563 = tpu.vector_load_idx %arg16[%add3A_318, %broadcast_in_dim3A_562] : memref<320x40xf32, #tpu.memory_space<vmem>>[vector<16xi32>, vector<16xi32>], vector<16xf32>,
      %gather3A_564 = tpu.vector_load_idx %arg17[%add3A_318, %broadcast_in_dim3A_562] : memref<320x40xf32, #tpu.memory_space<vmem>>[vector<16xi32>, vector<16xi32>], vector<16xf32>,
      %add3A_565 = arith.addf %gather3A_563, %gather3A_564 : vector<16xf32>
      %gather3A_566 = tpu.vector_load_idx %arg18[%add3A_318, %broadcast_in_dim3A_562] : memref<320x32xf32, #tpu.memory_space<vmem>>[vector<16xi32>, vector<16xi32>], vector<16xf32>,
      %mul3A_567 = arith.mulf %add3A_565, %div3A_325 : vector<16xf32>
      %add3A_568 = arith.addf %mul3A_567, %gather3A_566 : vector<16xf32>
      %max3A_569 = arith.constant 0.000000e+00 : f32
      %max3A_570 = vector.broadcast %max3A_569 : f32 to vector<16xf32>
      %max3A_571 = arith.maximumf %add3A_568, %max3A_570 : vector<16xf32>
      %get3A_572 = arith.constant 10 : i32
      %get3A_573 = arith.index_cast %get3A_572 : i32 to index
      %get3A_574 = arith.constant 0 : index
      %get3A_575 = tpu.vector_load %arg27[%get3A_573, %get3A_574] {strides = array<i32>} : memref<65x16xf32, #tpu.memory_space<vmem>>, vector<16xf32>,
      %mul3A_576 = arith.mulf %max3A_571, %get3A_575 : vector<16xf32>
      %add3A_577 = arith.addf %add3A_554, %mul3A_576 : vector<16xf32>
      %get3A_578 = arith.constant 42 : i32
      %get3A_579 = arith.index_cast %get3A_578 : i32 to index
      %get3A_580 = arith.constant 0 : index
      %get3A_581 = tpu.vector_load %arg27[%get3A_579, %get3A_580] {strides = array<i32>} : memref<65x16xf32, #tpu.memory_space<vmem>>, vector<16xf32>,
      %mul3A_582 = arith.mulf %max3A_571, %get3A_581 : vector<16xf32>
      %add3A_583 = arith.addf %add3A_560, %mul3A_582 : vector<16xf32>
      %broadcast_in_dim3A_584 = arith.constant 11 : i32
      %broadcast_in_dim3A_585 = vector.broadcast %broadcast_in_dim3A_584 : i32 to vector<16xi32>
      %gather3A_586 = tpu.vector_load_idx %arg16[%add3A_318, %broadcast_in_dim3A_585] : memref<320x40xf32, #tpu.memory_space<vmem>>[vector<16xi32>, vector<16xi32>], vector<16xf32>,
      %gather3A_587 = tpu.vector_load_idx %arg17[%add3A_318, %broadcast_in_dim3A_585] : memref<320x40xf32, #tpu.memory_space<vmem>>[vector<16xi32>, vector<16xi32>], vector<16xf32>,
      %add3A_588 = arith.addf %gather3A_586, %gather3A_587 : vector<16xf32>
      %gather3A_589 = tpu.vector_load_idx %arg18[%add3A_318, %broadcast_in_dim3A_585] : memref<320x32xf32, #tpu.memory_space<vmem>>[vector<16xi32>, vector<16xi32>], vector<16xf32>,
      %mul3A_590 = arith.mulf %add3A_588, %div3A_325 : vector<16xf32>
      %add3A_591 = arith.addf %mul3A_590, %gather3A_589 : vector<16xf32>
      %max3A_592 = arith.constant 0.000000e+00 : f32
      %max3A_593 = vector.broadcast %max3A_592 : f32 to vector<16xf32>
      %max3A_594 = arith.maximumf %add3A_591, %max3A_593 : vector<16xf32>
      %get3A_595 = arith.constant 11 : i32
      %get3A_596 = arith.index_cast %get3A_595 : i32 to index
      %get3A_597 = arith.constant 0 : index
      %get3A_598 = tpu.vector_load %arg27[%get3A_596, %get3A_597] {strides = array<i32>} : memref<65x16xf32, #tpu.memory_space<vmem>>, vector<16xf32>,
      %mul3A_599 = arith.mulf %max3A_594, %get3A_598 : vector<16xf32>
      %add3A_600 = arith.addf %add3A_577, %mul3A_599 : vector<16xf32>
      %get3A_601 = arith.constant 43 : i32
      %get3A_602 = arith.index_cast %get3A_601 : i32 to index
      %get3A_603 = arith.constant 0 : index
      %get3A_604 = tpu.vector_load %arg27[%get3A_602, %get3A_603] {strides = array<i32>} : memref<65x16xf32, #tpu.memory_space<vmem>>, vector<16xf32>,
      %mul3A_605 = arith.mulf %max3A_594, %get3A_604 : vector<16xf32>
      %add3A_606 = arith.addf %add3A_583, %mul3A_605 : vector<16xf32>
      %broadcast_in_dim3A_607 = arith.constant 12 : i32
      %broadcast_in_dim3A_608 = vector.broadcast %broadcast_in_dim3A_607 : i32 to vector<16xi32>
      %gather3A_609 = tpu.vector_load_idx %arg16[%add3A_318, %broadcast_in_dim3A_608] : memref<320x40xf32, #tpu.memory_space<vmem>>[vector<16xi32>, vector<16xi32>], vector<16xf32>,
      %gather3A_610 = tpu.vector_load_idx %arg17[%add3A_318, %broadcast_in_dim3A_608] : memref<320x40xf32, #tpu.memory_space<vmem>>[vector<16xi32>, vector<16xi32>], vector<16xf32>,
      %add3A_611 = arith.addf %gather3A_609, %gather3A_610 : vector<16xf32>
      %gather3A_612 = tpu.vector_load_idx %arg18[%add3A_318, %broadcast_in_dim3A_608] : memref<320x32xf32, #tpu.memory_space<vmem>>[vector<16xi32>, vector<16xi32>], vector<16xf32>,
      %mul3A_613 = arith.mulf %add3A_611, %div3A_325 : vector<16xf32>
      %add3A_614 = arith.addf %mul3A_613, %gather3A_612 : vector<16xf32>
      %max3A_615 = arith.constant 0.000000e+00 : f32
      %max3A_616 = vector.broadcast %max3A_615 : f32 to vector<16xf32>
      %max3A_617 = arith.maximumf %add3A_614, %max3A_616 : vector<16xf32>
      %get3A_618 = arith.constant 12 : i32
      %get3A_619 = arith.index_cast %get3A_618 : i32 to index
      %get3A_620 = arith.constant 0 : index
      %get3A_621 = tpu.vector_load %arg27[%get3A_619, %get3A_620] {strides = array<i32>} : memref<65x16xf32, #tpu.memory_space<vmem>>, vector<16xf32>,
      %mul3A_622 = arith.mulf %max3A_617, %get3A_621 : vector<16xf32>
      %add3A_623 = arith.addf %add3A_600, %mul3A_622 : vector<16xf32>
      %get3A_624 = arith.constant 44 : i32
      %get3A_625 = arith.index_cast %get3A_624 : i32 to index
      %get3A_626 = arith.constant 0 : index
      %get3A_627 = tpu.vector_load %arg27[%get3A_625, %get3A_626] {strides = array<i32>} : memref<65x16xf32, #tpu.memory_space<vmem>>, vector<16xf32>,
      %mul3A_628 = arith.mulf %max3A_617, %get3A_627 : vector<16xf32>
      %add3A_629 = arith.addf %add3A_606, %mul3A_628 : vector<16xf32>
      %broadcast_in_dim3A_630 = arith.constant 13 : i32
      %broadcast_in_dim3A_631 = vector.broadcast %broadcast_in_dim3A_630 : i32 to vector<16xi32>
      %gather3A_632 = tpu.vector_load_idx %arg16[%add3A_318, %broadcast_in_dim3A_631] : memref<320x40xf32, #tpu.memory_space<vmem>>[vector<16xi32>, vector<16xi32>], vector<16xf32>,
      %gather3A_633 = tpu.vector_load_idx %arg17[%add3A_318, %broadcast_in_dim3A_631] : memref<320x40xf32, #tpu.memory_space<vmem>>[vector<16xi32>, vector<16xi32>], vector<16xf32>,
      %add3A_634 = arith.addf %gather3A_632, %gather3A_633 : vector<16xf32>
      %gather3A_635 = tpu.vector_load_idx %arg18[%add3A_318, %broadcast_in_dim3A_631] : memref<320x32xf32, #tpu.memory_space<vmem>>[vector<16xi32>, vector<16xi32>], vector<16xf32>,
      %mul3A_636 = arith.mulf %add3A_634, %div3A_325 : vector<16xf32>
      %add3A_637 = arith.addf %mul3A_636, %gather3A_635 : vector<16xf32>
      %max3A_638 = arith.constant 0.000000e+00 : f32
      %max3A_639 = vector.broadcast %max3A_638 : f32 to vector<16xf32>
      %max3A_640 = arith.maximumf %add3A_637, %max3A_639 : vector<16xf32>
      %get3A_641 = arith.constant 13 : i32
      %get3A_642 = arith.index_cast %get3A_641 : i32 to index
      %get3A_643 = arith.constant 0 : index
      %get3A_644 = tpu.vector_load %arg27[%get3A_642, %get3A_643] {strides = array<i32>} : memref<65x16xf32, #tpu.memory_space<vmem>>, vector<16xf32>,
      %mul3A_645 = arith.mulf %max3A_640, %get3A_644 : vector<16xf32>
      %add3A_646 = arith.addf %add3A_623, %mul3A_645 : vector<16xf32>
      %get3A_647 = arith.constant 45 : i32
      %get3A_648 = arith.index_cast %get3A_647 : i32 to index
      %get3A_649 = arith.constant 0 : index
      %get3A_650 = tpu.vector_load %arg27[%get3A_648, %get3A_649] {strides = array<i32>} : memref<65x16xf32, #tpu.memory_space<vmem>>, vector<16xf32>,
      %mul3A_651 = arith.mulf %max3A_640, %get3A_650 : vector<16xf32>
      %add3A_652 = arith.addf %add3A_629, %mul3A_651 : vector<16xf32>
      %broadcast_in_dim3A_653 = arith.constant 14 : i32
      %broadcast_in_dim3A_654 = vector.broadcast %broadcast_in_dim3A_653 : i32 to vector<16xi32>
      %gather3A_655 = tpu.vector_load_idx %arg16[%add3A_318, %broadcast_in_dim3A_654] : memref<320x40xf32, #tpu.memory_space<vmem>>[vector<16xi32>, vector<16xi32>], vector<16xf32>,
      %gather3A_656 = tpu.vector_load_idx %arg17[%add3A_318, %broadcast_in_dim3A_654] : memref<320x40xf32, #tpu.memory_space<vmem>>[vector<16xi32>, vector<16xi32>], vector<16xf32>,
      %add3A_657 = arith.addf %gather3A_655, %gather3A_656 : vector<16xf32>
      %gather3A_658 = tpu.vector_load_idx %arg18[%add3A_318, %broadcast_in_dim3A_654] : memref<320x32xf32, #tpu.memory_space<vmem>>[vector<16xi32>, vector<16xi32>], vector<16xf32>,
      %mul3A_659 = arith.mulf %add3A_657, %div3A_325 : vector<16xf32>
      %add3A_660 = arith.addf %mul3A_659, %gather3A_658 : vector<16xf32>
      %max3A_661 = arith.constant 0.000000e+00 : f32
      %max3A_662 = vector.broadcast %max3A_661 : f32 to vector<16xf32>
      %max3A_663 = arith.maximumf %add3A_660, %max3A_662 : vector<16xf32>
      %get3A_664 = arith.constant 14 : i32
      %get3A_665 = arith.index_cast %get3A_664 : i32 to index
      %get3A_666 = arith.constant 0 : index
      %get3A_667 = tpu.vector_load %arg27[%get3A_665, %get3A_666] {strides = array<i32>} : memref<65x16xf32, #tpu.memory_space<vmem>>, vector<16xf32>,
      %mul3A_668 = arith.mulf %max3A_663, %get3A_667 : vector<16xf32>
      %add3A_669 = arith.addf %add3A_646, %mul3A_668 : vector<16xf32>
      %get3A_670 = arith.constant 46 : i32
      %get3A_671 = arith.index_cast %get3A_670 : i32 to index
      %get3A_672 = arith.constant 0 : index
      %get3A_673 = tpu.vector_load %arg27[%get3A_671, %get3A_672] {strides = array<i32>} : memref<65x16xf32, #tpu.memory_space<vmem>>, vector<16xf32>,
      %mul3A_674 = arith.mulf %max3A_663, %get3A_673 : vector<16xf32>
      %add3A_675 = arith.addf %add3A_652, %mul3A_674 : vector<16xf32>
      %broadcast_in_dim3A_676 = arith.constant 15 : i32
      %broadcast_in_dim3A_677 = vector.broadcast %broadcast_in_dim3A_676 : i32 to vector<16xi32>
      %gather3A_678 = tpu.vector_load_idx %arg16[%add3A_318, %broadcast_in_dim3A_677] : memref<320x40xf32, #tpu.memory_space<vmem>>[vector<16xi32>, vector<16xi32>], vector<16xf32>,
      %gather3A_679 = tpu.vector_load_idx %arg17[%add3A_318, %broadcast_in_dim3A_677] : memref<320x40xf32, #tpu.memory_space<vmem>>[vector<16xi32>, vector<16xi32>], vector<16xf32>,
      %add3A_680 = arith.addf %gather3A_678, %gather3A_679 : vector<16xf32>
      %gather3A_681 = tpu.vector_load_idx %arg18[%add3A_318, %broadcast_in_dim3A_677] : memref<320x32xf32, #tpu.memory_space<vmem>>[vector<16xi32>, vector<16xi32>], vector<16xf32>,
      %mul3A_682 = arith.mulf %add3A_680, %div3A_325 : vector<16xf32>
      %add3A_683 = arith.addf %mul3A_682, %gather3A_681 : vector<16xf32>
      %max3A_684 = arith.constant 0.000000e+00 : f32
      %max3A_685 = vector.broadcast %max3A_684 : f32 to vector<16xf32>
      %max3A_686 = arith.maximumf %add3A_683, %max3A_685 : vector<16xf32>
      %get3A_687 = arith.constant 15 : i32
      %get3A_688 = arith.index_cast %get3A_687 : i32 to index
      %get3A_689 = arith.constant 0 : index
      %get3A_690 = tpu.vector_load %arg27[%get3A_688, %get3A_689] {strides = array<i32>} : memref<65x16xf32, #tpu.memory_space<vmem>>, vector<16xf32>,
      %mul3A_691 = arith.mulf %max3A_686, %get3A_690 : vector<16xf32>
      %add3A_692 = arith.addf %add3A_669, %mul3A_691 : vector<16xf32>
      %get3A_693 = arith.constant 47 : i32
      %get3A_694 = arith.index_cast %get3A_693 : i32 to index
      %get3A_695 = arith.constant 0 : index
      %get3A_696 = tpu.vector_load %arg27[%get3A_694, %get3A_695] {strides = array<i32>} : memref<65x16xf32, #tpu.memory_space<vmem>>, vector<16xf32>,
      %mul3A_697 = arith.mulf %max3A_686, %get3A_696 : vector<16xf32>
      %add3A_698 = arith.addf %add3A_675, %mul3A_697 : vector<16xf32>
      %broadcast_in_dim3A_699 = arith.constant 16 : i32
      %broadcast_in_dim3A_700 = vector.broadcast %broadcast_in_dim3A_699 : i32 to vector<16xi32>
      %gather3A_701 = tpu.vector_load_idx %arg16[%add3A_318, %broadcast_in_dim3A_700] : memref<320x40xf32, #tpu.memory_space<vmem>>[vector<16xi32>, vector<16xi32>], vector<16xf32>,
      %gather3A_702 = tpu.vector_load_idx %arg17[%add3A_318, %broadcast_in_dim3A_700] : memref<320x40xf32, #tpu.memory_space<vmem>>[vector<16xi32>, vector<16xi32>], vector<16xf32>,
      %add3A_703 = arith.addf %gather3A_701, %gather3A_702 : vector<16xf32>
      %gather3A_704 = tpu.vector_load_idx %arg18[%add3A_318, %broadcast_in_dim3A_700] : memref<320x32xf32, #tpu.memory_space<vmem>>[vector<16xi32>, vector<16xi32>], vector<16xf32>,
      %mul3A_705 = arith.mulf %add3A_703, %div3A_325 : vector<16xf32>
      %add3A_706 = arith.addf %mul3A_705, %gather3A_704 : vector<16xf32>
      %max3A_707 = arith.constant 0.000000e+00 : f32
      %max3A_708 = vector.broadcast %max3A_707 : f32 to vector<16xf32>
      %max3A_709 = arith.maximumf %add3A_706, %max3A_708 : vector<16xf32>
      %get3A_710 = arith.constant 16 : i32
      %get3A_711 = arith.index_cast %get3A_710 : i32 to index
      %get3A_712 = arith.constant 0 : index
      %get3A_713 = tpu.vector_load %arg27[%get3A_711, %get3A_712] {strides = array<i32>} : memref<65x16xf32, #tpu.memory_space<vmem>>, vector<16xf32>,
      %mul3A_714 = arith.mulf %max3A_709, %get3A_713 : vector<16xf32>
      %add3A_715 = arith.addf %add3A_692, %mul3A_714 : vector<16xf32>
      %get3A_716 = arith.constant 48 : i32
      %get3A_717 = arith.index_cast %get3A_716 : i32 to index
      %get3A_718 = arith.constant 0 : index
      %get3A_719 = tpu.vector_load %arg27[%get3A_717, %get3A_718] {strides = array<i32>} : memref<65x16xf32, #tpu.memory_space<vmem>>, vector<16xf32>,
      %mul3A_720 = arith.mulf %max3A_709, %get3A_719 : vector<16xf32>
      %add3A_721 = arith.addf %add3A_698, %mul3A_720 : vector<16xf32>
      %broadcast_in_dim3A_722 = arith.constant 17 : i32
      %broadcast_in_dim3A_723 = vector.broadcast %broadcast_in_dim3A_722 : i32 to vector<16xi32>
      %gather3A_724 = tpu.vector_load_idx %arg16[%add3A_318, %broadcast_in_dim3A_723] : memref<320x40xf32, #tpu.memory_space<vmem>>[vector<16xi32>, vector<16xi32>], vector<16xf32>,
      %gather3A_725 = tpu.vector_load_idx %arg17[%add3A_318, %broadcast_in_dim3A_723] : memref<320x40xf32, #tpu.memory_space<vmem>>[vector<16xi32>, vector<16xi32>], vector<16xf32>,
      %add3A_726 = arith.addf %gather3A_724, %gather3A_725 : vector<16xf32>
      %gather3A_727 = tpu.vector_load_idx %arg18[%add3A_318, %broadcast_in_dim3A_723] : memref<320x32xf32, #tpu.memory_space<vmem>>[vector<16xi32>, vector<16xi32>], vector<16xf32>,
      %mul3A_728 = arith.mulf %add3A_726, %div3A_325 : vector<16xf32>
      %add3A_729 = arith.addf %mul3A_728, %gather3A_727 : vector<16xf32>
      %max3A_730 = arith.constant 0.000000e+00 : f32
      %max3A_731 = vector.broadcast %max3A_730 : f32 to vector<16xf32>
      %max3A_732 = arith.maximumf %add3A_729, %max3A_731 : vector<16xf32>
      %get3A_733 = arith.constant 17 : i32
      %get3A_734 = arith.index_cast %get3A_733 : i32 to index
      %get3A_735 = arith.constant 0 : index
      %get3A_736 = tpu.vector_load %arg27[%get3A_734, %get3A_735] {strides = array<i32>} : memref<65x16xf32, #tpu.memory_space<vmem>>, vector<16xf32>,
      %mul3A_737 = arith.mulf %max3A_732, %get3A_736 : vector<16xf32>
      %add3A_738 = arith.addf %add3A_715, %mul3A_737 : vector<16xf32>
      %get3A_739 = arith.constant 49 : i32
      %get3A_740 = arith.index_cast %get3A_739 : i32 to index
      %get3A_741 = arith.constant 0 : index
      %get3A_742 = tpu.vector_load %arg27[%get3A_740, %get3A_741] {strides = array<i32>} : memref<65x16xf32, #tpu.memory_space<vmem>>, vector<16xf32>,
      %mul3A_743 = arith.mulf %max3A_732, %get3A_742 : vector<16xf32>
      %add3A_744 = arith.addf %add3A_721, %mul3A_743 : vector<16xf32>
      %broadcast_in_dim3A_745 = arith.constant 18 : i32
      %broadcast_in_dim3A_746 = vector.broadcast %broadcast_in_dim3A_745 : i32 to vector<16xi32>
      %gather3A_747 = tpu.vector_load_idx %arg16[%add3A_318, %broadcast_in_dim3A_746] : memref<320x40xf32, #tpu.memory_space<vmem>>[vector<16xi32>, vector<16xi32>], vector<16xf32>,
      %gather3A_748 = tpu.vector_load_idx %arg17[%add3A_318, %broadcast_in_dim3A_746] : memref<320x40xf32, #tpu.memory_space<vmem>>[vector<16xi32>, vector<16xi32>], vector<16xf32>,
      %add3A_749 = arith.addf %gather3A_747, %gather3A_748 : vector<16xf32>
      %gather3A_750 = tpu.vector_load_idx %arg18[%add3A_318, %broadcast_in_dim3A_746] : memref<320x32xf32, #tpu.memory_space<vmem>>[vector<16xi32>, vector<16xi32>], vector<16xf32>,
      %mul3A_751 = arith.mulf %add3A_749, %div3A_325 : vector<16xf32>
      %add3A_752 = arith.addf %mul3A_751, %gather3A_750 : vector<16xf32>
      %max3A_753 = arith.constant 0.000000e+00 : f32
      %max3A_754 = vector.broadcast %max3A_753 : f32 to vector<16xf32>
      %max3A_755 = arith.maximumf %add3A_752, %max3A_754 : vector<16xf32>
      %get3A_756 = arith.constant 18 : i32
      %get3A_757 = arith.index_cast %get3A_756 : i32 to index
      %get3A_758 = arith.constant 0 : index
      %get3A_759 = tpu.vector_load %arg27[%get3A_757, %get3A_758] {strides = array<i32>} : memref<65x16xf32, #tpu.memory_space<vmem>>, vector<16xf32>,
      %mul3A_760 = arith.mulf %max3A_755, %get3A_759 : vector<16xf32>
      %add3A_761 = arith.addf %add3A_738, %mul3A_760 : vector<16xf32>
      %get3A_762 = arith.constant 50 : i32
      %get3A_763 = arith.index_cast %get3A_762 : i32 to index
      %get3A_764 = arith.constant 0 : index
      %get3A_765 = tpu.vector_load %arg27[%get3A_763, %get3A_764] {strides = array<i32>} : memref<65x16xf32, #tpu.memory_space<vmem>>, vector<16xf32>,
      %mul3A_766 = arith.mulf %max3A_755, %get3A_765 : vector<16xf32>
      %add3A_767 = arith.addf %add3A_744, %mul3A_766 : vector<16xf32>
      %broadcast_in_dim3A_768 = arith.constant 19 : i32
      %broadcast_in_dim3A_769 = vector.broadcast %broadcast_in_dim3A_768 : i32 to vector<16xi32>
      %gather3A_770 = tpu.vector_load_idx %arg16[%add3A_318, %broadcast_in_dim3A_769] : memref<320x40xf32, #tpu.memory_space<vmem>>[vector<16xi32>, vector<16xi32>], vector<16xf32>,
      %gather3A_771 = tpu.vector_load_idx %arg17[%add3A_318, %broadcast_in_dim3A_769] : memref<320x40xf32, #tpu.memory_space<vmem>>[vector<16xi32>, vector<16xi32>], vector<16xf32>,
      %add3A_772 = arith.addf %gather3A_770, %gather3A_771 : vector<16xf32>
      %gather3A_773 = tpu.vector_load_idx %arg18[%add3A_318, %broadcast_in_dim3A_769] : memref<320x32xf32, #tpu.memory_space<vmem>>[vector<16xi32>, vector<16xi32>], vector<16xf32>,
      %mul3A_774 = arith.mulf %add3A_772, %div3A_325 : vector<16xf32>
      %add3A_775 = arith.addf %mul3A_774, %gather3A_773 : vector<16xf32>
      %max3A_776 = arith.constant 0.000000e+00 : f32
      %max3A_777 = vector.broadcast %max3A_776 : f32 to vector<16xf32>
      %max3A_778 = arith.maximumf %add3A_775, %max3A_777 : vector<16xf32>
      %get3A_779 = arith.constant 19 : i32
      %get3A_780 = arith.index_cast %get3A_779 : i32 to index
      %get3A_781 = arith.constant 0 : index
      %get3A_782 = tpu.vector_load %arg27[%get3A_780, %get3A_781] {strides = array<i32>} : memref<65x16xf32, #tpu.memory_space<vmem>>, vector<16xf32>,
      %mul3A_783 = arith.mulf %max3A_778, %get3A_782 : vector<16xf32>
      %add3A_784 = arith.addf %add3A_761, %mul3A_783 : vector<16xf32>
      %get3A_785 = arith.constant 51 : i32
      %get3A_786 = arith.index_cast %get3A_785 : i32 to index
      %get3A_787 = arith.constant 0 : index
      %get3A_788 = tpu.vector_load %arg27[%get3A_786, %get3A_787] {strides = array<i32>} : memref<65x16xf32, #tpu.memory_space<vmem>>, vector<16xf32>,
      %mul3A_789 = arith.mulf %max3A_778, %get3A_788 : vector<16xf32>
      %add3A_790 = arith.addf %add3A_767, %mul3A_789 : vector<16xf32>
      %broadcast_in_dim3A_791 = arith.constant 20 : i32
      %broadcast_in_dim3A_792 = vector.broadcast %broadcast_in_dim3A_791 : i32 to vector<16xi32>
      %gather3A_793 = tpu.vector_load_idx %arg16[%add3A_318, %broadcast_in_dim3A_792] : memref<320x40xf32, #tpu.memory_space<vmem>>[vector<16xi32>, vector<16xi32>], vector<16xf32>,
      %gather3A_794 = tpu.vector_load_idx %arg17[%add3A_318, %broadcast_in_dim3A_792] : memref<320x40xf32, #tpu.memory_space<vmem>>[vector<16xi32>, vector<16xi32>], vector<16xf32>,
      %add3A_795 = arith.addf %gather3A_793, %gather3A_794 : vector<16xf32>
      %gather3A_796 = tpu.vector_load_idx %arg18[%add3A_318, %broadcast_in_dim3A_792] : memref<320x32xf32, #tpu.memory_space<vmem>>[vector<16xi32>, vector<16xi32>], vector<16xf32>,
      %mul3A_797 = arith.mulf %add3A_795, %div3A_325 : vector<16xf32>
      %add3A_798 = arith.addf %mul3A_797, %gather3A_796 : vector<16xf32>
      %max3A_799 = arith.constant 0.000000e+00 : f32
      %max3A_800 = vector.broadcast %max3A_799 : f32 to vector<16xf32>
      %max3A_801 = arith.maximumf %add3A_798, %max3A_800 : vector<16xf32>
      %get3A_802 = arith.constant 20 : i32
      %get3A_803 = arith.index_cast %get3A_802 : i32 to index
      %get3A_804 = arith.constant 0 : index
      %get3A_805 = tpu.vector_load %arg27[%get3A_803, %get3A_804] {strides = array<i32>} : memref<65x16xf32, #tpu.memory_space<vmem>>, vector<16xf32>,
      %mul3A_806 = arith.mulf %max3A_801, %get3A_805 : vector<16xf32>
      %add3A_807 = arith.addf %add3A_784, %mul3A_806 : vector<16xf32>
      %get3A_808 = arith.constant 52 : i32
      %get3A_809 = arith.index_cast %get3A_808 : i32 to index
      %get3A_810 = arith.constant 0 : index
      %get3A_811 = tpu.vector_load %arg27[%get3A_809, %get3A_810] {strides = array<i32>} : memref<65x16xf32, #tpu.memory_space<vmem>>, vector<16xf32>,
      %mul3A_812 = arith.mulf %max3A_801, %get3A_811 : vector<16xf32>
      %add3A_813 = arith.addf %add3A_790, %mul3A_812 : vector<16xf32>
      %broadcast_in_dim3A_814 = arith.constant 21 : i32
      %broadcast_in_dim3A_815 = vector.broadcast %broadcast_in_dim3A_814 : i32 to vector<16xi32>
      %gather3A_816 = tpu.vector_load_idx %arg16[%add3A_318, %broadcast_in_dim3A_815] : memref<320x40xf32, #tpu.memory_space<vmem>>[vector<16xi32>, vector<16xi32>], vector<16xf32>,
      %gather3A_817 = tpu.vector_load_idx %arg17[%add3A_318, %broadcast_in_dim3A_815] : memref<320x40xf32, #tpu.memory_space<vmem>>[vector<16xi32>, vector<16xi32>], vector<16xf32>,
      %add3A_818 = arith.addf %gather3A_816, %gather3A_817 : vector<16xf32>
      %gather3A_819 = tpu.vector_load_idx %arg18[%add3A_318, %broadcast_in_dim3A_815] : memref<320x32xf32, #tpu.memory_space<vmem>>[vector<16xi32>, vector<16xi32>], vector<16xf32>,
      %mul3A_820 = arith.mulf %add3A_818, %div3A_325 : vector<16xf32>
      %add3A_821 = arith.addf %mul3A_820, %gather3A_819 : vector<16xf32>
      %max3A_822 = arith.constant 0.000000e+00 : f32
      %max3A_823 = vector.broadcast %max3A_822 : f32 to vector<16xf32>
      %max3A_824 = arith.maximumf %add3A_821, %max3A_823 : vector<16xf32>
      %get3A_825 = arith.constant 21 : i32
      %get3A_826 = arith.index_cast %get3A_825 : i32 to index
      %get3A_827 = arith.constant 0 : index
      %get3A_828 = tpu.vector_load %arg27[%get3A_826, %get3A_827] {strides = array<i32>} : memref<65x16xf32, #tpu.memory_space<vmem>>, vector<16xf32>,
      %mul3A_829 = arith.mulf %max3A_824, %get3A_828 : vector<16xf32>
      %add3A_830 = arith.addf %add3A_807, %mul3A_829 : vector<16xf32>
      %get3A_831 = arith.constant 53 : i32
      %get3A_832 = arith.index_cast %get3A_831 : i32 to index
      %get3A_833 = arith.constant 0 : index
      %get3A_834 = tpu.vector_load %arg27[%get3A_832, %get3A_833] {strides = array<i32>} : memref<65x16xf32, #tpu.memory_space<vmem>>, vector<16xf32>,
      %mul3A_835 = arith.mulf %max3A_824, %get3A_834 : vector<16xf32>
      %add3A_836 = arith.addf %add3A_813, %mul3A_835 : vector<16xf32>
      %broadcast_in_dim3A_837 = arith.constant 22 : i32
      %broadcast_in_dim3A_838 = vector.broadcast %broadcast_in_dim3A_837 : i32 to vector<16xi32>
      %gather3A_839 = tpu.vector_load_idx %arg16[%add3A_318, %broadcast_in_dim3A_838] : memref<320x40xf32, #tpu.memory_space<vmem>>[vector<16xi32>, vector<16xi32>], vector<16xf32>,
      %gather3A_840 = tpu.vector_load_idx %arg17[%add3A_318, %broadcast_in_dim3A_838] : memref<320x40xf32, #tpu.memory_space<vmem>>[vector<16xi32>, vector<16xi32>], vector<16xf32>,
      %add3A_841 = arith.addf %gather3A_839, %gather3A_840 : vector<16xf32>
      %gather3A_842 = tpu.vector_load_idx %arg18[%add3A_318, %broadcast_in_dim3A_838] : memref<320x32xf32, #tpu.memory_space<vmem>>[vector<16xi32>, vector<16xi32>], vector<16xf32>,
      %mul3A_843 = arith.mulf %add3A_841, %div3A_325 : vector<16xf32>
      %add3A_844 = arith.addf %mul3A_843, %gather3A_842 : vector<16xf32>
      %max3A_845 = arith.constant 0.000000e+00 : f32
      %max3A_846 = vector.broadcast %max3A_845 : f32 to vector<16xf32>
      %max3A_847 = arith.maximumf %add3A_844, %max3A_846 : vector<16xf32>
      %get3A_848 = arith.constant 22 : i32
      %get3A_849 = arith.index_cast %get3A_848 : i32 to index
      %get3A_850 = arith.constant 0 : index
      %get3A_851 = tpu.vector_load %arg27[%get3A_849, %get3A_850] {strides = array<i32>} : memref<65x16xf32, #tpu.memory_space<vmem>>, vector<16xf32>,
      %mul3A_852 = arith.mulf %max3A_847, %get3A_851 : vector<16xf32>
      %add3A_853 = arith.addf %add3A_830, %mul3A_852 : vector<16xf32>
      %get3A_854 = arith.constant 54 : i32
      %get3A_855 = arith.index_cast %get3A_854 : i32 to index
      %get3A_856 = arith.constant 0 : index
      %get3A_857 = tpu.vector_load %arg27[%get3A_855, %get3A_856] {strides = array<i32>} : memref<65x16xf32, #tpu.memory_space<vmem>>, vector<16xf32>,
      %mul3A_858 = arith.mulf %max3A_847, %get3A_857 : vector<16xf32>
      %add3A_859 = arith.addf %add3A_836, %mul3A_858 : vector<16xf32>
      %broadcast_in_dim3A_860 = arith.constant 23 : i32
      %broadcast_in_dim3A_861 = vector.broadcast %broadcast_in_dim3A_860 : i32 to vector<16xi32>
      %gather3A_862 = tpu.vector_load_idx %arg16[%add3A_318, %broadcast_in_dim3A_861] : memref<320x40xf32, #tpu.memory_space<vmem>>[vector<16xi32>, vector<16xi32>], vector<16xf32>,
      %gather3A_863 = tpu.vector_load_idx %arg17[%add3A_318, %broadcast_in_dim3A_861] : memref<320x40xf32, #tpu.memory_space<vmem>>[vector<16xi32>, vector<16xi32>], vector<16xf32>,
      %add3A_864 = arith.addf %gather3A_862, %gather3A_863 : vector<16xf32>
      %gather3A_865 = tpu.vector_load_idx %arg18[%add3A_318, %broadcast_in_dim3A_861] : memref<320x32xf32, #tpu.memory_space<vmem>>[vector<16xi32>, vector<16xi32>], vector<16xf32>,
      %mul3A_866 = arith.mulf %add3A_864, %div3A_325 : vector<16xf32>
      %add3A_867 = arith.addf %mul3A_866, %gather3A_865 : vector<16xf32>
      %max3A_868 = arith.constant 0.000000e+00 : f32
      %max3A_869 = vector.broadcast %max3A_868 : f32 to vector<16xf32>
      %max3A_870 = arith.maximumf %add3A_867, %max3A_869 : vector<16xf32>
      %get3A_871 = arith.constant 23 : i32
      %get3A_872 = arith.index_cast %get3A_871 : i32 to index
      %get3A_873 = arith.constant 0 : index
      %get3A_874 = tpu.vector_load %arg27[%get3A_872, %get3A_873] {strides = array<i32>} : memref<65x16xf32, #tpu.memory_space<vmem>>, vector<16xf32>,
      %mul3A_875 = arith.mulf %max3A_870, %get3A_874 : vector<16xf32>
      %add3A_876 = arith.addf %add3A_853, %mul3A_875 : vector<16xf32>
      %get3A_877 = arith.constant 55 : i32
      %get3A_878 = arith.index_cast %get3A_877 : i32 to index
      %get3A_879 = arith.constant 0 : index
      %get3A_880 = tpu.vector_load %arg27[%get3A_878, %get3A_879] {strides = array<i32>} : memref<65x16xf32, #tpu.memory_space<vmem>>, vector<16xf32>,
      %mul3A_881 = arith.mulf %max3A_870, %get3A_880 : vector<16xf32>
      %add3A_882 = arith.addf %add3A_859, %mul3A_881 : vector<16xf32>
      %broadcast_in_dim3A_883 = arith.constant 24 : i32
      %broadcast_in_dim3A_884 = vector.broadcast %broadcast_in_dim3A_883 : i32 to vector<16xi32>
      %gather3A_885 = tpu.vector_load_idx %arg16[%add3A_318, %broadcast_in_dim3A_884] : memref<320x40xf32, #tpu.memory_space<vmem>>[vector<16xi32>, vector<16xi32>], vector<16xf32>,
      %gather3A_886 = tpu.vector_load_idx %arg17[%add3A_318, %broadcast_in_dim3A_884] : memref<320x40xf32, #tpu.memory_space<vmem>>[vector<16xi32>, vector<16xi32>], vector<16xf32>,
      %add3A_887 = arith.addf %gather3A_885, %gather3A_886 : vector<16xf32>
      %gather3A_888 = tpu.vector_load_idx %arg18[%add3A_318, %broadcast_in_dim3A_884] : memref<320x32xf32, #tpu.memory_space<vmem>>[vector<16xi32>, vector<16xi32>], vector<16xf32>,
      %mul3A_889 = arith.mulf %add3A_887, %div3A_325 : vector<16xf32>
      %add3A_890 = arith.addf %mul3A_889, %gather3A_888 : vector<16xf32>
      %max3A_891 = arith.constant 0.000000e+00 : f32
      %max3A_892 = vector.broadcast %max3A_891 : f32 to vector<16xf32>
      %max3A_893 = arith.maximumf %add3A_890, %max3A_892 : vector<16xf32>
      %get3A_894 = arith.constant 24 : i32
      %get3A_895 = arith.index_cast %get3A_894 : i32 to index
      %get3A_896 = arith.constant 0 : index
      %get3A_897 = tpu.vector_load %arg27[%get3A_895, %get3A_896] {strides = array<i32>} : memref<65x16xf32, #tpu.memory_space<vmem>>, vector<16xf32>,
      %mul3A_898 = arith.mulf %max3A_893, %get3A_897 : vector<16xf32>
      %add3A_899 = arith.addf %add3A_876, %mul3A_898 : vector<16xf32>
      %get3A_900 = arith.constant 56 : i32
      %get3A_901 = arith.index_cast %get3A_900 : i32 to index
      %get3A_902 = arith.constant 0 : index
      %get3A_903 = tpu.vector_load %arg27[%get3A_901, %get3A_902] {strides = array<i32>} : memref<65x16xf32, #tpu.memory_space<vmem>>, vector<16xf32>,
      %mul3A_904 = arith.mulf %max3A_893, %get3A_903 : vector<16xf32>
      %add3A_905 = arith.addf %add3A_882, %mul3A_904 : vector<16xf32>
      %broadcast_in_dim3A_906 = arith.constant 25 : i32
      %broadcast_in_dim3A_907 = vector.broadcast %broadcast_in_dim3A_906 : i32 to vector<16xi32>
      %gather3A_908 = tpu.vector_load_idx %arg16[%add3A_318, %broadcast_in_dim3A_907] : memref<320x40xf32, #tpu.memory_space<vmem>>[vector<16xi32>, vector<16xi32>], vector<16xf32>,
      %gather3A_909 = tpu.vector_load_idx %arg17[%add3A_318, %broadcast_in_dim3A_907] : memref<320x40xf32, #tpu.memory_space<vmem>>[vector<16xi32>, vector<16xi32>], vector<16xf32>,
      %add3A_910 = arith.addf %gather3A_908, %gather3A_909 : vector<16xf32>
      %gather3A_911 = tpu.vector_load_idx %arg18[%add3A_318, %broadcast_in_dim3A_907] : memref<320x32xf32, #tpu.memory_space<vmem>>[vector<16xi32>, vector<16xi32>], vector<16xf32>,
      %mul3A_912 = arith.mulf %add3A_910, %div3A_325 : vector<16xf32>
      %add3A_913 = arith.addf %mul3A_912, %gather3A_911 : vector<16xf32>
      %max3A_914 = arith.constant 0.000000e+00 : f32
      %max3A_915 = vector.broadcast %max3A_914 : f32 to vector<16xf32>
      %max3A_916 = arith.maximumf %add3A_913, %max3A_915 : vector<16xf32>
      %get3A_917 = arith.constant 25 : i32
      %get3A_918 = arith.index_cast %get3A_917 : i32 to index
      %get3A_919 = arith.constant 0 : index
      %get3A_920 = tpu.vector_load %arg27[%get3A_918, %get3A_919] {strides = array<i32>} : memref<65x16xf32, #tpu.memory_space<vmem>>, vector<16xf32>,
      %mul3A_921 = arith.mulf %max3A_916, %get3A_920 : vector<16xf32>
      %add3A_922 = arith.addf %add3A_899, %mul3A_921 : vector<16xf32>
      %get3A_923 = arith.constant 57 : i32
      %get3A_924 = arith.index_cast %get3A_923 : i32 to index
      %get3A_925 = arith.constant 0 : index
      %get3A_926 = tpu.vector_load %arg27[%get3A_924, %get3A_925] {strides = array<i32>} : memref<65x16xf32, #tpu.memory_space<vmem>>, vector<16xf32>,
      %mul3A_927 = arith.mulf %max3A_916, %get3A_926 : vector<16xf32>
      %add3A_928 = arith.addf %add3A_905, %mul3A_927 : vector<16xf32>
      %broadcast_in_dim3A_929 = arith.constant 26 : i32
      %broadcast_in_dim3A_930 = vector.broadcast %broadcast_in_dim3A_929 : i32 to vector<16xi32>
      %gather3A_931 = tpu.vector_load_idx %arg16[%add3A_318, %broadcast_in_dim3A_930] : memref<320x40xf32, #tpu.memory_space<vmem>>[vector<16xi32>, vector<16xi32>], vector<16xf32>,
      %gather3A_932 = tpu.vector_load_idx %arg17[%add3A_318, %broadcast_in_dim3A_930] : memref<320x40xf32, #tpu.memory_space<vmem>>[vector<16xi32>, vector<16xi32>], vector<16xf32>,
      %add3A_933 = arith.addf %gather3A_931, %gather3A_932 : vector<16xf32>
      %gather3A_934 = tpu.vector_load_idx %arg18[%add3A_318, %broadcast_in_dim3A_930] : memref<320x32xf32, #tpu.memory_space<vmem>>[vector<16xi32>, vector<16xi32>], vector<16xf32>,
      %mul3A_935 = arith.mulf %add3A_933, %div3A_325 : vector<16xf32>
      %add3A_936 = arith.addf %mul3A_935, %gather3A_934 : vector<16xf32>
      %max3A_937 = arith.constant 0.000000e+00 : f32
      %max3A_938 = vector.broadcast %max3A_937 : f32 to vector<16xf32>
      %max3A_939 = arith.maximumf %add3A_936, %max3A_938 : vector<16xf32>
      %get3A_940 = arith.constant 26 : i32
      %get3A_941 = arith.index_cast %get3A_940 : i32 to index
      %get3A_942 = arith.constant 0 : index
      %get3A_943 = tpu.vector_load %arg27[%get3A_941, %get3A_942] {strides = array<i32>} : memref<65x16xf32, #tpu.memory_space<vmem>>, vector<16xf32>,
      %mul3A_944 = arith.mulf %max3A_939, %get3A_943 : vector<16xf32>
      %add3A_945 = arith.addf %add3A_922, %mul3A_944 : vector<16xf32>
      %get3A_946 = arith.constant 58 : i32
      %get3A_947 = arith.index_cast %get3A_946 : i32 to index
      %get3A_948 = arith.constant 0 : index
      %get3A_949 = tpu.vector_load %arg27[%get3A_947, %get3A_948] {strides = array<i32>} : memref<65x16xf32, #tpu.memory_space<vmem>>, vector<16xf32>,
      %mul3A_950 = arith.mulf %max3A_939, %get3A_949 : vector<16xf32>
      %add3A_951 = arith.addf %add3A_928, %mul3A_950 : vector<16xf32>
      %broadcast_in_dim3A_952 = arith.constant 27 : i32
      %broadcast_in_dim3A_953 = vector.broadcast %broadcast_in_dim3A_952 : i32 to vector<16xi32>
      %gather3A_954 = tpu.vector_load_idx %arg16[%add3A_318, %broadcast_in_dim3A_953] : memref<320x40xf32, #tpu.memory_space<vmem>>[vector<16xi32>, vector<16xi32>], vector<16xf32>,
      %gather3A_955 = tpu.vector_load_idx %arg17[%add3A_318, %broadcast_in_dim3A_953] : memref<320x40xf32, #tpu.memory_space<vmem>>[vector<16xi32>, vector<16xi32>], vector<16xf32>,
      %add3A_956 = arith.addf %gather3A_954, %gather3A_955 : vector<16xf32>
      %gather3A_957 = tpu.vector_load_idx %arg18[%add3A_318, %broadcast_in_dim3A_953] : memref<320x32xf32, #tpu.memory_space<vmem>>[vector<16xi32>, vector<16xi32>], vector<16xf32>,
      %mul3A_958 = arith.mulf %add3A_956, %div3A_325 : vector<16xf32>
      %add3A_959 = arith.addf %mul3A_958, %gather3A_957 : vector<16xf32>
      %max3A_960 = arith.constant 0.000000e+00 : f32
      %max3A_961 = vector.broadcast %max3A_960 : f32 to vector<16xf32>
      %max3A_962 = arith.maximumf %add3A_959, %max3A_961 : vector<16xf32>
      %get3A_963 = arith.constant 27 : i32
      %get3A_964 = arith.index_cast %get3A_963 : i32 to index
      %get3A_965 = arith.constant 0 : index
      %get3A_966 = tpu.vector_load %arg27[%get3A_964, %get3A_965] {strides = array<i32>} : memref<65x16xf32, #tpu.memory_space<vmem>>, vector<16xf32>,
      %mul3A_967 = arith.mulf %max3A_962, %get3A_966 : vector<16xf32>
      %add3A_968 = arith.addf %add3A_945, %mul3A_967 : vector<16xf32>
      %get3A_969 = arith.constant 59 : i32
      %get3A_970 = arith.index_cast %get3A_969 : i32 to index
      %get3A_971 = arith.constant 0 : index
      %get3A_972 = tpu.vector_load %arg27[%get3A_970, %get3A_971] {strides = array<i32>} : memref<65x16xf32, #tpu.memory_space<vmem>>, vector<16xf32>,
      %mul3A_973 = arith.mulf %max3A_962, %get3A_972 : vector<16xf32>
      %add3A_974 = arith.addf %add3A_951, %mul3A_973 : vector<16xf32>
      %broadcast_in_dim3A_975 = arith.constant 28 : i32
      %broadcast_in_dim3A_976 = vector.broadcast %broadcast_in_dim3A_975 : i32 to vector<16xi32>
      %gather3A_977 = tpu.vector_load_idx %arg16[%add3A_318, %broadcast_in_dim3A_976] : memref<320x40xf32, #tpu.memory_space<vmem>>[vector<16xi32>, vector<16xi32>], vector<16xf32>,
      %gather3A_978 = tpu.vector_load_idx %arg17[%add3A_318, %broadcast_in_dim3A_976] : memref<320x40xf32, #tpu.memory_space<vmem>>[vector<16xi32>, vector<16xi32>], vector<16xf32>,
      %add3A_979 = arith.addf %gather3A_977, %gather3A_978 : vector<16xf32>
      %gather3A_980 = tpu.vector_load_idx %arg18[%add3A_318, %broadcast_in_dim3A_976] : memref<320x32xf32, #tpu.memory_space<vmem>>[vector<16xi32>, vector<16xi32>], vector<16xf32>,
      %mul3A_981 = arith.mulf %add3A_979, %div3A_325 : vector<16xf32>
      %add3A_982 = arith.addf %mul3A_981, %gather3A_980 : vector<16xf32>
      %max3A_983 = arith.constant 0.000000e+00 : f32
      %max3A_984 = vector.broadcast %max3A_983 : f32 to vector<16xf32>
      %max3A_985 = arith.maximumf %add3A_982, %max3A_984 : vector<16xf32>
      %get3A_986 = arith.constant 28 : i32
      %get3A_987 = arith.index_cast %get3A_986 : i32 to index
      %get3A_988 = arith.constant 0 : index
      %get3A_989 = tpu.vector_load %arg27[%get3A_987, %get3A_988] {strides = array<i32>} : memref<65x16xf32, #tpu.memory_space<vmem>>, vector<16xf32>,
      %mul3A_990 = arith.mulf %max3A_985, %get3A_989 : vector<16xf32>
      %add3A_991 = arith.addf %add3A_968, %mul3A_990 : vector<16xf32>
      %get3A_992 = arith.constant 60 : i32
      %get3A_993 = arith.index_cast %get3A_992 : i32 to index
      %get3A_994 = arith.constant 0 : index
      %get3A_995 = tpu.vector_load %arg27[%get3A_993, %get3A_994] {strides = array<i32>} : memref<65x16xf32, #tpu.memory_space<vmem>>, vector<16xf32>,
      %mul3A_996 = arith.mulf %max3A_985, %get3A_995 : vector<16xf32>
      %add3A_997 = arith.addf %add3A_974, %mul3A_996 : vector<16xf32>
      %broadcast_in_dim3A_998 = arith.constant 29 : i32
      %broadcast_in_dim3A_999 = vector.broadcast %broadcast_in_dim3A_998 : i32 to vector<16xi32>
      %gather3A_1000 = tpu.vector_load_idx %arg16[%add3A_318, %broadcast_in_dim3A_999] : memref<320x40xf32, #tpu.memory_space<vmem>>[vector<16xi32>, vector<16xi32>], vector<16xf32>,
      %gather3A_1001 = tpu.vector_load_idx %arg17[%add3A_318, %broadcast_in_dim3A_999] : memref<320x40xf32, #tpu.memory_space<vmem>>[vector<16xi32>, vector<16xi32>], vector<16xf32>,
      %add3A_1002 = arith.addf %gather3A_1000, %gather3A_1001 : vector<16xf32>
      %gather3A_1003 = tpu.vector_load_idx %arg18[%add3A_318, %broadcast_in_dim3A_999] : memref<320x32xf32, #tpu.memory_space<vmem>>[vector<16xi32>, vector<16xi32>], vector<16xf32>,
      %mul3A_1004 = arith.mulf %add3A_1002, %div3A_325 : vector<16xf32>
      %add3A_1005 = arith.addf %mul3A_1004, %gather3A_1003 : vector<16xf32>
      %max3A_1006 = arith.constant 0.000000e+00 : f32
      %max3A_1007 = vector.broadcast %max3A_1006 : f32 to vector<16xf32>
      %max3A_1008 = arith.maximumf %add3A_1005, %max3A_1007 : vector<16xf32>
      %get3A_1009 = arith.constant 29 : i32
      %get3A_1010 = arith.index_cast %get3A_1009 : i32 to index
      %get3A_1011 = arith.constant 0 : index
      %get3A_1012 = tpu.vector_load %arg27[%get3A_1010, %get3A_1011] {strides = array<i32>} : memref<65x16xf32, #tpu.memory_space<vmem>>, vector<16xf32>,
      %mul3A_1013 = arith.mulf %max3A_1008, %get3A_1012 : vector<16xf32>
      %add3A_1014 = arith.addf %add3A_991, %mul3A_1013 : vector<16xf32>
      %get3A_1015 = arith.constant 61 : i32
      %get3A_1016 = arith.index_cast %get3A_1015 : i32 to index
      %get3A_1017 = arith.constant 0 : index
      %get3A_1018 = tpu.vector_load %arg27[%get3A_1016, %get3A_1017] {strides = array<i32>} : memref<65x16xf32, #tpu.memory_space<vmem>>, vector<16xf32>,
      %mul3A_1019 = arith.mulf %max3A_1008, %get3A_1018 : vector<16xf32>
      %add3A_1020 = arith.addf %add3A_997, %mul3A_1019 : vector<16xf32>
      %broadcast_in_dim3A_1021 = arith.constant 30 : i32
      %broadcast_in_dim3A_1022 = vector.broadcast %broadcast_in_dim3A_1021 : i32 to vector<16xi32>
      %gather3A_1023 = tpu.vector_load_idx %arg16[%add3A_318, %broadcast_in_dim3A_1022] : memref<320x40xf32, #tpu.memory_space<vmem>>[vector<16xi32>, vector<16xi32>], vector<16xf32>,
      %gather3A_1024 = tpu.vector_load_idx %arg17[%add3A_318, %broadcast_in_dim3A_1022] : memref<320x40xf32, #tpu.memory_space<vmem>>[vector<16xi32>, vector<16xi32>], vector<16xf32>,
      %add3A_1025 = arith.addf %gather3A_1023, %gather3A_1024 : vector<16xf32>
      %gather3A_1026 = tpu.vector_load_idx %arg18[%add3A_318, %broadcast_in_dim3A_1022] : memref<320x32xf32, #tpu.memory_space<vmem>>[vector<16xi32>, vector<16xi32>], vector<16xf32>,
      %mul3A_1027 = arith.mulf %add3A_1025, %div3A_325 : vector<16xf32>
      %add3A_1028 = arith.addf %mul3A_1027, %gather3A_1026 : vector<16xf32>
      %max3A_1029 = arith.constant 0.000000e+00 : f32
      %max3A_1030 = vector.broadcast %max3A_1029 : f32 to vector<16xf32>
      %max3A_1031 = arith.maximumf %add3A_1028, %max3A_1030 : vector<16xf32>
      %get3A_1032 = arith.constant 30 : i32
      %get3A_1033 = arith.index_cast %get3A_1032 : i32 to index
      %get3A_1034 = arith.constant 0 : index
      %get3A_1035 = tpu.vector_load %arg27[%get3A_1033, %get3A_1034] {strides = array<i32>} : memref<65x16xf32, #tpu.memory_space<vmem>>, vector<16xf32>,
      %mul3A_1036 = arith.mulf %max3A_1031, %get3A_1035 : vector<16xf32>
      %add3A_1037 = arith.addf %add3A_1014, %mul3A_1036 : vector<16xf32>
      %get3A_1038 = arith.constant 62 : i32
      %get3A_1039 = arith.index_cast %get3A_1038 : i32 to index
      %get3A_1040 = arith.constant 0 : index
      %get3A_1041 = tpu.vector_load %arg27[%get3A_1039, %get3A_1040] {strides = array<i32>} : memref<65x16xf32, #tpu.memory_space<vmem>>, vector<16xf32>,
      %mul3A_1042 = arith.mulf %max3A_1031, %get3A_1041 : vector<16xf32>
      %add3A_1043 = arith.addf %add3A_1020, %mul3A_1042 : vector<16xf32>
      %broadcast_in_dim3A_1044 = arith.constant 31 : i32
      %broadcast_in_dim3A_1045 = vector.broadcast %broadcast_in_dim3A_1044 : i32 to vector<16xi32>
      %gather3A_1046 = tpu.vector_load_idx %arg16[%add3A_318, %broadcast_in_dim3A_1045] : memref<320x40xf32, #tpu.memory_space<vmem>>[vector<16xi32>, vector<16xi32>], vector<16xf32>,
      %gather3A_1047 = tpu.vector_load_idx %arg17[%add3A_318, %broadcast_in_dim3A_1045] : memref<320x40xf32, #tpu.memory_space<vmem>>[vector<16xi32>, vector<16xi32>], vector<16xf32>,
      %add3A_1048 = arith.addf %gather3A_1046, %gather3A_1047 : vector<16xf32>
      %gather3A_1049 = tpu.vector_load_idx %arg18[%add3A_318, %broadcast_in_dim3A_1045] : memref<320x32xf32, #tpu.memory_space<vmem>>[vector<16xi32>, vector<16xi32>], vector<16xf32>,
      %mul3A_1050 = arith.mulf %add3A_1048, %div3A_325 : vector<16xf32>
      %add3A_1051 = arith.addf %mul3A_1050, %gather3A_1049 : vector<16xf32>
      %max3A_1052 = arith.constant 0.000000e+00 : f32
      %max3A_1053 = vector.broadcast %max3A_1052 : f32 to vector<16xf32>
      %max3A_1054 = arith.maximumf %add3A_1051, %max3A_1053 : vector<16xf32>
      %get3A_1055 = arith.constant 31 : i32
      %get3A_1056 = arith.index_cast %get3A_1055 : i32 to index
      %get3A_1057 = arith.constant 0 : index
      %get3A_1058 = tpu.vector_load %arg27[%get3A_1056, %get3A_1057] {strides = array<i32>} : memref<65x16xf32, #tpu.memory_space<vmem>>, vector<16xf32>,
      %mul3A_1059 = arith.mulf %max3A_1054, %get3A_1058 : vector<16xf32>
      %add3A_1060 = arith.addf %add3A_1037, %mul3A_1059 : vector<16xf32>
      %get3A_1061 = arith.constant 63 : i32
      %get3A_1062 = arith.index_cast %get3A_1061 : i32 to index
      %get3A_1063 = arith.constant 0 : index
      %get3A_1064 = tpu.vector_load %arg27[%get3A_1062, %get3A_1063] {strides = array<i32>} : memref<65x16xf32, #tpu.memory_space<vmem>>, vector<16xf32>,
      %mul3A_1065 = arith.mulf %max3A_1054, %get3A_1064 : vector<16xf32>
      %add3A_1066 = arith.addf %add3A_1043, %mul3A_1065 : vector<16xf32>
      %swap3A = arith.index_cast %mul3A_316 : i32 to index
      %swap3A_1067 = tpu.vector_load %arg19[%swap3A] {strides = array<i32>} : memref<320xf32, #tpu.memory_space<vmem>>, vector<16xf32>,
      tpu.vector_store %arg19[%swap3A], %add3A_1060 {strides = array<i32>} : memref<320xf32, #tpu.memory_space<vmem>>, vector<16xf32>,
      %swap3A_1068 = arith.index_cast %mul3A_316 : i32 to index
      %swap3A_1069 = tpu.vector_load %arg20[%swap3A_1068] {strides = array<i32>} : memref<320xf32, #tpu.memory_space<vmem>>, vector<16xf32>,
      tpu.vector_store %arg20[%swap3A_1068], %add3A_1066 {strides = array<i32>} : memref<320xf32, #tpu.memory_space<vmem>>, vector<16xf32>,
      %swap3A_1070 = arith.index_cast %mul3A_316 : i32 to index
      %swap3A_1071 = tpu.vector_load %arg21[%swap3A_1070] {strides = array<i32>} : memref<320xf32, #tpu.memory_space<vmem>>, vector<16xf32>,
      tpu.vector_store %arg21[%swap3A_1070], %div3A_325 {strides = array<i32>} : memref<320xf32, #tpu.memory_space<vmem>>, vector<16xf32>,
    }
    %scan3A_166 = arith.constant 20 : i32
    "tpu.region"() ({
      %run_scoped3A = tpu.sem_alloc : memref<!tpu.dma_semaphore, #tpu.memory_space<semaphore_mem>>
      %dma_start3A_314 = tpu.memref_slice %arg30[%add3A_160] : memref<10240xf32, #tpu.memory_space<vmem_shared>> -> memref<320xf32, #tpu.memory_space<vmem_shared>>
      %dma_start3A_315 = tpu.memref_slice %arg30[%add3A_160] : memref<10240xf32, #tpu.memory_space<vmem_shared>> -> memref<320xf32, #tpu.memory_space<vmem_shared>>
      tpu.enqueue_dma source(%arg19 : memref<320xf32, #tpu.memory_space<vmem>>) target(%dma_start3A_315 : memref<320xf32, #tpu.memory_space<vmem_shared>>) target_semaphore(%run_scoped3A : memref<!tpu.dma_semaphore, #tpu.memory_space<semaphore_mem>>)
      %dma_wait3A_316 = tpu.memref_slice %arg30[%add3A_160] : memref<10240xf32, #tpu.memory_space<vmem_shared>> -> memref<320xf32, #tpu.memory_space<vmem_shared>>
      %dma_wait3A_317 = tpu.memref_slice %arg30[%add3A_160] : memref<10240xf32, #tpu.memory_space<vmem_shared>> -> memref<320xf32, #tpu.memory_space<vmem_shared>>
      tpu.wait_dma2 semaphore(%run_scoped3A : memref<!tpu.dma_semaphore, #tpu.memory_space<semaphore_mem>>) src(%arg19 : memref<320xf32, #tpu.memory_space<vmem>>) dst(%dma_wait3A_317 : memref<320xf32, #tpu.memory_space<vmem_shared>>)
      tpu.yield
    }) : () -> ()
    "tpu.region"() ({
      %run_scoped3A = tpu.sem_alloc : memref<!tpu.dma_semaphore, #tpu.memory_space<semaphore_mem>>
      %dma_start3A_314 = tpu.memref_slice %arg31[%add3A_160] : memref<10240xf32, #tpu.memory_space<vmem_shared>> -> memref<320xf32, #tpu.memory_space<vmem_shared>>
      %dma_start3A_315 = tpu.memref_slice %arg31[%add3A_160] : memref<10240xf32, #tpu.memory_space<vmem_shared>> -> memref<320xf32, #tpu.memory_space<vmem_shared>>
      tpu.enqueue_dma source(%arg20 : memref<320xf32, #tpu.memory_space<vmem>>) target(%dma_start3A_315 : memref<320xf32, #tpu.memory_space<vmem_shared>>) target_semaphore(%run_scoped3A : memref<!tpu.dma_semaphore, #tpu.memory_space<semaphore_mem>>)
      %dma_wait3A_316 = tpu.memref_slice %arg31[%add3A_160] : memref<10240xf32, #tpu.memory_space<vmem_shared>> -> memref<320xf32, #tpu.memory_space<vmem_shared>>
      %dma_wait3A_317 = tpu.memref_slice %arg31[%add3A_160] : memref<10240xf32, #tpu.memory_space<vmem_shared>> -> memref<320xf32, #tpu.memory_space<vmem_shared>>
      tpu.wait_dma2 semaphore(%run_scoped3A : memref<!tpu.dma_semaphore, #tpu.memory_space<semaphore_mem>>) src(%arg20 : memref<320xf32, #tpu.memory_space<vmem>>) dst(%dma_wait3A_317 : memref<320xf32, #tpu.memory_space<vmem_shared>>)
      tpu.yield
    }) : () -> ()
    "tpu.region"() ({
      %run_scoped3A = tpu.sem_alloc : memref<!tpu.dma_semaphore, #tpu.memory_space<semaphore_mem>>
      %dma_start3A_314 = tpu.memref_slice %arg32[%add3A_160] : memref<10240xf32, #tpu.memory_space<vmem_shared>> -> memref<320xf32, #tpu.memory_space<vmem_shared>>
      %dma_start3A_315 = tpu.memref_slice %arg32[%add3A_160] : memref<10240xf32, #tpu.memory_space<vmem_shared>> -> memref<320xf32, #tpu.memory_space<vmem_shared>>
      tpu.enqueue_dma source(%arg21 : memref<320xf32, #tpu.memory_space<vmem>>) target(%dma_start3A_315 : memref<320xf32, #tpu.memory_space<vmem_shared>>) target_semaphore(%run_scoped3A : memref<!tpu.dma_semaphore, #tpu.memory_space<semaphore_mem>>)
      %dma_wait3A_316 = tpu.memref_slice %arg32[%add3A_160] : memref<10240xf32, #tpu.memory_space<vmem_shared>> -> memref<320xf32, #tpu.memory_space<vmem_shared>>
      %dma_wait3A_317 = tpu.memref_slice %arg32[%add3A_160] : memref<10240xf32, #tpu.memory_space<vmem_shared>> -> memref<320xf32, #tpu.memory_space<vmem_shared>>
      tpu.wait_dma2 semaphore(%run_scoped3A : memref<!tpu.dma_semaphore, #tpu.memory_space<semaphore_mem>>) src(%arg21 : memref<320xf32, #tpu.memory_space<vmem>>) dst(%dma_wait3A_317 : memref<320xf32, #tpu.memory_space<vmem_shared>>)
      tpu.yield
    }) : () -> ()
    %add3A_167 = arith.constant 320 : i32
    %add3A_168 = arith.addi %mul3A_3, %add3A_167 : i32
    "tpu.region"() ({
      %run_scoped3A = tpu.sem_alloc : memref<!tpu.dma_semaphore, #tpu.memory_space<semaphore_mem>>
      %dma_start3A_314 = arith.constant 0 : i32
      %dma_start3A_315 = tpu.memref_slice %arg28[%add3A_168, %dma_start3A_314] : memref<10240x40xf32, #tpu.memory_space<vmem_shared>> -> memref<320x40xf32, #tpu.memory_space<vmem_shared>>
      %dma_start3A_316 = arith.constant 0 : i32
      %dma_start3A_317 = tpu.memref_slice %arg28[%add3A_168, %dma_start3A_316] : memref<10240x40xf32, #tpu.memory_space<vmem_shared>> -> memref<320x40xf32, #tpu.memory_space<vmem_shared>>
      tpu.enqueue_dma source(%dma_start3A_317 : memref<320x40xf32, #tpu.memory_space<vmem_shared>>) target(%arg16 : memref<320x40xf32, #tpu.memory_space<vmem>>) target_semaphore(%run_scoped3A : memref<!tpu.dma_semaphore, #tpu.memory_space<semaphore_mem>>)
      %dma_wait3A_318 = arith.constant 0 : i32
      %dma_wait3A_319 = tpu.memref_slice %arg28[%add3A_168, %dma_wait3A_318] : memref<10240x40xf32, #tpu.memory_space<vmem_shared>> -> memref<320x40xf32, #tpu.memory_space<vmem_shared>>
      %dma_wait3A_320 = arith.constant 0 : i32
      %dma_wait3A_321 = tpu.memref_slice %arg28[%add3A_168, %dma_wait3A_320] : memref<10240x40xf32, #tpu.memory_space<vmem_shared>> -> memref<320x40xf32, #tpu.memory_space<vmem_shared>>
      tpu.wait_dma2 semaphore(%run_scoped3A : memref<!tpu.dma_semaphore, #tpu.memory_space<semaphore_mem>>) src(%dma_wait3A_321 : memref<320x40xf32, #tpu.memory_space<vmem_shared>>) dst(%arg16 : memref<320x40xf32, #tpu.memory_space<vmem>>)
      tpu.yield
    }) : () -> ()
    "tpu.region"() ({
      %run_scoped3A = tpu.sem_alloc : memref<!tpu.dma_semaphore, #tpu.memory_space<semaphore_mem>>
      %dma_start3A_314 = arith.constant 0 : i32
      %dma_start3A_315 = tpu.memref_slice %arg10[%sub3A_0, %add3A_168, %dma_start3A_314] : memref<2x10240x40xf32, #tpu.memory_space<hbm>> -> memref<1x320x40xf32, #tpu.memory_space<hbm>>
      %dma_start3A_316 = tpu.memref_squeeze %dma_start3A_315 : memref<1x320x40xf32, #tpu.memory_space<hbm>> -> memref<320x40xf32, #tpu.memory_space<hbm>>
      %dma_start3A_317 = arith.constant 0 : i32
      %dma_start3A_318 = tpu.memref_slice %arg10[%sub3A_0, %add3A_168, %dma_start3A_317] : memref<2x10240x40xf32, #tpu.memory_space<hbm>> -> memref<1x320x40xf32, #tpu.memory_space<hbm>>
      %dma_start3A_319 = tpu.memref_squeeze %dma_start3A_318 : memref<1x320x40xf32, #tpu.memory_space<hbm>> -> memref<320x40xf32, #tpu.memory_space<hbm>>
      tpu.enqueue_dma source(%dma_start3A_319 : memref<320x40xf32, #tpu.memory_space<hbm>>) target(%arg17 : memref<320x40xf32, #tpu.memory_space<vmem>>) target_semaphore(%run_scoped3A : memref<!tpu.dma_semaphore, #tpu.memory_space<semaphore_mem>>)
      %dma_wait3A_320 = arith.constant 0 : i32
      %dma_wait3A_321 = tpu.memref_slice %arg10[%sub3A_0, %add3A_168, %dma_wait3A_320] : memref<2x10240x40xf32, #tpu.memory_space<hbm>> -> memref<1x320x40xf32, #tpu.memory_space<hbm>>
      %dma_wait3A_322 = tpu.memref_squeeze %dma_wait3A_321 : memref<1x320x40xf32, #tpu.memory_space<hbm>> -> memref<320x40xf32, #tpu.memory_space<hbm>>
      %dma_wait3A_323 = arith.constant 0 : i32
      %dma_wait3A_324 = tpu.memref_slice %arg10[%sub3A_0, %add3A_168, %dma_wait3A_323] : memref<2x10240x40xf32, #tpu.memory_space<hbm>> -> memref<1x320x40xf32, #tpu.memory_space<hbm>>
      %dma_wait3A_325 = tpu.memref_squeeze %dma_wait3A_324 : memref<1x320x40xf32, #tpu.memory_space<hbm>> -> memref<320x40xf32, #tpu.memory_space<hbm>>
      tpu.wait_dma2 semaphore(%run_scoped3A : memref<!tpu.dma_semaphore, #tpu.memory_space<semaphore_mem>>) src(%dma_wait3A_325 : memref<320x40xf32, #tpu.memory_space<hbm>>) dst(%arg17 : memref<320x40xf32, #tpu.memory_space<vmem>>)
      tpu.yield
    }) : () -> ()
    "tpu.region"() ({
      %run_scoped3A = tpu.sem_alloc : memref<!tpu.dma_semaphore, #tpu.memory_space<semaphore_mem>>
      %dma_start3A_314 = arith.constant 0 : i32
      %dma_start3A_315 = tpu.memref_slice %arg7[%add3A_168, %dma_start3A_314] : memref<10240x32xf32, #tpu.memory_space<hbm>> -> memref<320x32xf32, #tpu.memory_space<hbm>>
      %dma_start3A_316 = arith.constant 0 : i32
      %dma_start3A_317 = tpu.memref_slice %arg7[%add3A_168, %dma_start3A_316] : memref<10240x32xf32, #tpu.memory_space<hbm>> -> memref<320x32xf32, #tpu.memory_space<hbm>>
      tpu.enqueue_dma source(%dma_start3A_317 : memref<320x32xf32, #tpu.memory_space<hbm>>) target(%arg18 : memref<320x32xf32, #tpu.memory_space<vmem>>) target_semaphore(%run_scoped3A : memref<!tpu.dma_semaphore, #tpu.memory_space<semaphore_mem>>)
      %dma_wait3A_318 = arith.constant 0 : i32
      %dma_wait3A_319 = tpu.memref_slice %arg7[%add3A_168, %dma_wait3A_318] : memref<10240x32xf32, #tpu.memory_space<hbm>> -> memref<320x32xf32, #tpu.memory_space<hbm>>
      %dma_wait3A_320 = arith.constant 0 : i32
      %dma_wait3A_321 = tpu.memref_slice %arg7[%add3A_168, %dma_wait3A_320] : memref<10240x32xf32, #tpu.memory_space<hbm>> -> memref<320x32xf32, #tpu.memory_space<hbm>>
      tpu.wait_dma2 semaphore(%run_scoped3A : memref<!tpu.dma_semaphore, #tpu.memory_space<semaphore_mem>>) src(%dma_wait3A_321 : memref<320x32xf32, #tpu.memory_space<hbm>>) dst(%arg18 : memref<320x32xf32, #tpu.memory_space<vmem>>)
      tpu.yield
    }) : () -> ()
    %scan3A_169 = arith.constant 0 : i32
    %scan3A_170 = arith.constant 0 : i32
    %scan3A_171 = arith.constant 20 : i32
    %scan3A_172 = arith.addi %scan3A_170, %scan3A_171 : i32
    %scan3A_173 = arith.constant 1 : i32
    scf.for %scan3A_314 = %scan3A_170 to %scan3A_172 step %scan3A_173  : i32 {
      %mul3A_315 = arith.constant 16 : i32
      %mul3A_316 = arith.muli %scan3A_314, %mul3A_315 : i32
      %add3A_317 = vector.broadcast %mul3A_316 : i32 to vector<16xi32>
      %add3A_318 = arith.addi %add3A_317, %iota3A : vector<16xi32>
      %broadcast_in_dim3A = arith.constant 32 : i32
      %broadcast_in_dim3A_319 = vector.broadcast %broadcast_in_dim3A : i32 to vector<16xi32>
      %gather3A = tpu.vector_load_idx %arg16[%add3A_318, %broadcast_in_dim3A_319] : memref<320x40xf32, #tpu.memory_space<vmem>>[vector<16xi32>, vector<16xi32>], vector<16xf32>,
      %gather3A_320 = tpu.vector_load_idx %arg17[%add3A_318, %broadcast_in_dim3A_319] : memref<320x40xf32, #tpu.memory_space<vmem>>[vector<16xi32>, vector<16xi32>], vector<16xf32>,
      %add3A_321 = arith.addf %gather3A, %gather3A_320 : vector<16xf32>
      %max3A = arith.constant 1.000000e+00 : f32
      %max3A_322 = vector.broadcast %max3A : f32 to vector<16xf32>
      %max3A_323 = arith.maximumf %add3A_321, %max3A_322 : vector<16xf32>
      %div3A = arith.constant 1.000000e+00 : f32
      %div3A_324 = vector.broadcast %div3A : f32 to vector<16xf32>
      %div3A_325 = arith.divf %div3A_324, %max3A_323 : vector<16xf32>
      %broadcast_in_dim3A_326 = arith.constant 0.000000e+00 : f32
      %broadcast_in_dim3A_327 = vector.broadcast %broadcast_in_dim3A_326 : f32 to vector<16xf32>
      %get3A = arith.constant 64 : i32
      %get3A_328 = arith.index_cast %get3A : i32 to index
      %get3A_329 = arith.constant 0 : index
      %get3A_330 = tpu.vector_load %arg27[%get3A_328, %get3A_329] {strides = array<i32>} : memref<65x16xf32, #tpu.memory_space<vmem>>, vector<16xf32>,
      %broadcast_in_dim3A_331 = arith.constant 0 : i32
      %broadcast_in_dim3A_332 = vector.broadcast %broadcast_in_dim3A_331 : i32 to vector<16xi32>
      %gather3A_333 = tpu.vector_load_idx %arg16[%add3A_318, %broadcast_in_dim3A_332] : memref<320x40xf32, #tpu.memory_space<vmem>>[vector<16xi32>, vector<16xi32>], vector<16xf32>,
      %gather3A_334 = tpu.vector_load_idx %arg17[%add3A_318, %broadcast_in_dim3A_332] : memref<320x40xf32, #tpu.memory_space<vmem>>[vector<16xi32>, vector<16xi32>], vector<16xf32>,
      %add3A_335 = arith.addf %gather3A_333, %gather3A_334 : vector<16xf32>
      %gather3A_336 = tpu.vector_load_idx %arg18[%add3A_318, %broadcast_in_dim3A_332] : memref<320x32xf32, #tpu.memory_space<vmem>>[vector<16xi32>, vector<16xi32>], vector<16xf32>,
      %mul3A_337 = arith.mulf %add3A_335, %div3A_325 : vector<16xf32>
      %add3A_338 = arith.addf %mul3A_337, %gather3A_336 : vector<16xf32>
      %max3A_339 = arith.constant 0.000000e+00 : f32
      %max3A_340 = vector.broadcast %max3A_339 : f32 to vector<16xf32>
      %max3A_341 = arith.maximumf %add3A_338, %max3A_340 : vector<16xf32>
      %get3A_342 = arith.constant 0 : i32
      %get3A_343 = arith.index_cast %get3A_342 : i32 to index
      %get3A_344 = arith.constant 0 : index
      %get3A_345 = tpu.vector_load %arg27[%get3A_343, %get3A_344] {strides = array<i32>} : memref<65x16xf32, #tpu.memory_space<vmem>>, vector<16xf32>,
      %mul3A_346 = arith.mulf %max3A_341, %get3A_345 : vector<16xf32>
      %add3A_347 = arith.addf %broadcast_in_dim3A_327, %mul3A_346 : vector<16xf32>
      %get3A_348 = arith.constant 32 : i32
      %get3A_349 = arith.index_cast %get3A_348 : i32 to index
      %get3A_350 = arith.constant 0 : index
      %get3A_351 = tpu.vector_load %arg27[%get3A_349, %get3A_350] {strides = array<i32>} : memref<65x16xf32, #tpu.memory_space<vmem>>, vector<16xf32>,
      %mul3A_352 = arith.mulf %max3A_341, %get3A_351 : vector<16xf32>
      %add3A_353 = arith.addf %get3A_330, %mul3A_352 : vector<16xf32>
      %broadcast_in_dim3A_354 = arith.constant 1 : i32
      %broadcast_in_dim3A_355 = vector.broadcast %broadcast_in_dim3A_354 : i32 to vector<16xi32>
      %gather3A_356 = tpu.vector_load_idx %arg16[%add3A_318, %broadcast_in_dim3A_355] : memref<320x40xf32, #tpu.memory_space<vmem>>[vector<16xi32>, vector<16xi32>], vector<16xf32>,
      %gather3A_357 = tpu.vector_load_idx %arg17[%add3A_318, %broadcast_in_dim3A_355] : memref<320x40xf32, #tpu.memory_space<vmem>>[vector<16xi32>, vector<16xi32>], vector<16xf32>,
      %add3A_358 = arith.addf %gather3A_356, %gather3A_357 : vector<16xf32>
      %gather3A_359 = tpu.vector_load_idx %arg18[%add3A_318, %broadcast_in_dim3A_355] : memref<320x32xf32, #tpu.memory_space<vmem>>[vector<16xi32>, vector<16xi32>], vector<16xf32>,
      %mul3A_360 = arith.mulf %add3A_358, %div3A_325 : vector<16xf32>
      %add3A_361 = arith.addf %mul3A_360, %gather3A_359 : vector<16xf32>
      %max3A_362 = arith.constant 0.000000e+00 : f32
      %max3A_363 = vector.broadcast %max3A_362 : f32 to vector<16xf32>
      %max3A_364 = arith.maximumf %add3A_361, %max3A_363 : vector<16xf32>
      %get3A_365 = arith.constant 1 : i32
      %get3A_366 = arith.index_cast %get3A_365 : i32 to index
      %get3A_367 = arith.constant 0 : index
      %get3A_368 = tpu.vector_load %arg27[%get3A_366, %get3A_367] {strides = array<i32>} : memref<65x16xf32, #tpu.memory_space<vmem>>, vector<16xf32>,
      %mul3A_369 = arith.mulf %max3A_364, %get3A_368 : vector<16xf32>
      %add3A_370 = arith.addf %add3A_347, %mul3A_369 : vector<16xf32>
      %get3A_371 = arith.constant 33 : i32
      %get3A_372 = arith.index_cast %get3A_371 : i32 to index
      %get3A_373 = arith.constant 0 : index
      %get3A_374 = tpu.vector_load %arg27[%get3A_372, %get3A_373] {strides = array<i32>} : memref<65x16xf32, #tpu.memory_space<vmem>>, vector<16xf32>,
      %mul3A_375 = arith.mulf %max3A_364, %get3A_374 : vector<16xf32>
      %add3A_376 = arith.addf %add3A_353, %mul3A_375 : vector<16xf32>
      %broadcast_in_dim3A_377 = arith.constant 2 : i32
      %broadcast_in_dim3A_378 = vector.broadcast %broadcast_in_dim3A_377 : i32 to vector<16xi32>
      %gather3A_379 = tpu.vector_load_idx %arg16[%add3A_318, %broadcast_in_dim3A_378] : memref<320x40xf32, #tpu.memory_space<vmem>>[vector<16xi32>, vector<16xi32>], vector<16xf32>,
      %gather3A_380 = tpu.vector_load_idx %arg17[%add3A_318, %broadcast_in_dim3A_378] : memref<320x40xf32, #tpu.memory_space<vmem>>[vector<16xi32>, vector<16xi32>], vector<16xf32>,
      %add3A_381 = arith.addf %gather3A_379, %gather3A_380 : vector<16xf32>
      %gather3A_382 = tpu.vector_load_idx %arg18[%add3A_318, %broadcast_in_dim3A_378] : memref<320x32xf32, #tpu.memory_space<vmem>>[vector<16xi32>, vector<16xi32>], vector<16xf32>,
      %mul3A_383 = arith.mulf %add3A_381, %div3A_325 : vector<16xf32>
      %add3A_384 = arith.addf %mul3A_383, %gather3A_382 : vector<16xf32>
      %max3A_385 = arith.constant 0.000000e+00 : f32
      %max3A_386 = vector.broadcast %max3A_385 : f32 to vector<16xf32>
      %max3A_387 = arith.maximumf %add3A_384, %max3A_386 : vector<16xf32>
      %get3A_388 = arith.constant 2 : i32
      %get3A_389 = arith.index_cast %get3A_388 : i32 to index
      %get3A_390 = arith.constant 0 : index
      %get3A_391 = tpu.vector_load %arg27[%get3A_389, %get3A_390] {strides = array<i32>} : memref<65x16xf32, #tpu.memory_space<vmem>>, vector<16xf32>,
      %mul3A_392 = arith.mulf %max3A_387, %get3A_391 : vector<16xf32>
      %add3A_393 = arith.addf %add3A_370, %mul3A_392 : vector<16xf32>
      %get3A_394 = arith.constant 34 : i32
      %get3A_395 = arith.index_cast %get3A_394 : i32 to index
      %get3A_396 = arith.constant 0 : index
      %get3A_397 = tpu.vector_load %arg27[%get3A_395, %get3A_396] {strides = array<i32>} : memref<65x16xf32, #tpu.memory_space<vmem>>, vector<16xf32>,
      %mul3A_398 = arith.mulf %max3A_387, %get3A_397 : vector<16xf32>
      %add3A_399 = arith.addf %add3A_376, %mul3A_398 : vector<16xf32>
      %broadcast_in_dim3A_400 = arith.constant 3 : i32
      %broadcast_in_dim3A_401 = vector.broadcast %broadcast_in_dim3A_400 : i32 to vector<16xi32>
      %gather3A_402 = tpu.vector_load_idx %arg16[%add3A_318, %broadcast_in_dim3A_401] : memref<320x40xf32, #tpu.memory_space<vmem>>[vector<16xi32>, vector<16xi32>], vector<16xf32>,
      %gather3A_403 = tpu.vector_load_idx %arg17[%add3A_318, %broadcast_in_dim3A_401] : memref<320x40xf32, #tpu.memory_space<vmem>>[vector<16xi32>, vector<16xi32>], vector<16xf32>,
      %add3A_404 = arith.addf %gather3A_402, %gather3A_403 : vector<16xf32>
      %gather3A_405 = tpu.vector_load_idx %arg18[%add3A_318, %broadcast_in_dim3A_401] : memref<320x32xf32, #tpu.memory_space<vmem>>[vector<16xi32>, vector<16xi32>], vector<16xf32>,
      %mul3A_406 = arith.mulf %add3A_404, %div3A_325 : vector<16xf32>
      %add3A_407 = arith.addf %mul3A_406, %gather3A_405 : vector<16xf32>
      %max3A_408 = arith.constant 0.000000e+00 : f32
      %max3A_409 = vector.broadcast %max3A_408 : f32 to vector<16xf32>
      %max3A_410 = arith.maximumf %add3A_407, %max3A_409 : vector<16xf32>
      %get3A_411 = arith.constant 3 : i32
      %get3A_412 = arith.index_cast %get3A_411 : i32 to index
      %get3A_413 = arith.constant 0 : index
      %get3A_414 = tpu.vector_load %arg27[%get3A_412, %get3A_413] {strides = array<i32>} : memref<65x16xf32, #tpu.memory_space<vmem>>, vector<16xf32>,
      %mul3A_415 = arith.mulf %max3A_410, %get3A_414 : vector<16xf32>
      %add3A_416 = arith.addf %add3A_393, %mul3A_415 : vector<16xf32>
      %get3A_417 = arith.constant 35 : i32
      %get3A_418 = arith.index_cast %get3A_417 : i32 to index
      %get3A_419 = arith.constant 0 : index
      %get3A_420 = tpu.vector_load %arg27[%get3A_418, %get3A_419] {strides = array<i32>} : memref<65x16xf32, #tpu.memory_space<vmem>>, vector<16xf32>,
      %mul3A_421 = arith.mulf %max3A_410, %get3A_420 : vector<16xf32>
      %add3A_422 = arith.addf %add3A_399, %mul3A_421 : vector<16xf32>
      %broadcast_in_dim3A_423 = arith.constant 4 : i32
      %broadcast_in_dim3A_424 = vector.broadcast %broadcast_in_dim3A_423 : i32 to vector<16xi32>
      %gather3A_425 = tpu.vector_load_idx %arg16[%add3A_318, %broadcast_in_dim3A_424] : memref<320x40xf32, #tpu.memory_space<vmem>>[vector<16xi32>, vector<16xi32>], vector<16xf32>,
      %gather3A_426 = tpu.vector_load_idx %arg17[%add3A_318, %broadcast_in_dim3A_424] : memref<320x40xf32, #tpu.memory_space<vmem>>[vector<16xi32>, vector<16xi32>], vector<16xf32>,
      %add3A_427 = arith.addf %gather3A_425, %gather3A_426 : vector<16xf32>
      %gather3A_428 = tpu.vector_load_idx %arg18[%add3A_318, %broadcast_in_dim3A_424] : memref<320x32xf32, #tpu.memory_space<vmem>>[vector<16xi32>, vector<16xi32>], vector<16xf32>,
      %mul3A_429 = arith.mulf %add3A_427, %div3A_325 : vector<16xf32>
      %add3A_430 = arith.addf %mul3A_429, %gather3A_428 : vector<16xf32>
      %max3A_431 = arith.constant 0.000000e+00 : f32
      %max3A_432 = vector.broadcast %max3A_431 : f32 to vector<16xf32>
      %max3A_433 = arith.maximumf %add3A_430, %max3A_432 : vector<16xf32>
      %get3A_434 = arith.constant 4 : i32
      %get3A_435 = arith.index_cast %get3A_434 : i32 to index
      %get3A_436 = arith.constant 0 : index
      %get3A_437 = tpu.vector_load %arg27[%get3A_435, %get3A_436] {strides = array<i32>} : memref<65x16xf32, #tpu.memory_space<vmem>>, vector<16xf32>,
      %mul3A_438 = arith.mulf %max3A_433, %get3A_437 : vector<16xf32>
      %add3A_439 = arith.addf %add3A_416, %mul3A_438 : vector<16xf32>
      %get3A_440 = arith.constant 36 : i32
      %get3A_441 = arith.index_cast %get3A_440 : i32 to index
      %get3A_442 = arith.constant 0 : index
      %get3A_443 = tpu.vector_load %arg27[%get3A_441, %get3A_442] {strides = array<i32>} : memref<65x16xf32, #tpu.memory_space<vmem>>, vector<16xf32>,
      %mul3A_444 = arith.mulf %max3A_433, %get3A_443 : vector<16xf32>
      %add3A_445 = arith.addf %add3A_422, %mul3A_444 : vector<16xf32>
      %broadcast_in_dim3A_446 = arith.constant 5 : i32
      %broadcast_in_dim3A_447 = vector.broadcast %broadcast_in_dim3A_446 : i32 to vector<16xi32>
      %gather3A_448 = tpu.vector_load_idx %arg16[%add3A_318, %broadcast_in_dim3A_447] : memref<320x40xf32, #tpu.memory_space<vmem>>[vector<16xi32>, vector<16xi32>], vector<16xf32>,
      %gather3A_449 = tpu.vector_load_idx %arg17[%add3A_318, %broadcast_in_dim3A_447] : memref<320x40xf32, #tpu.memory_space<vmem>>[vector<16xi32>, vector<16xi32>], vector<16xf32>,
      %add3A_450 = arith.addf %gather3A_448, %gather3A_449 : vector<16xf32>
      %gather3A_451 = tpu.vector_load_idx %arg18[%add3A_318, %broadcast_in_dim3A_447] : memref<320x32xf32, #tpu.memory_space<vmem>>[vector<16xi32>, vector<16xi32>], vector<16xf32>,
      %mul3A_452 = arith.mulf %add3A_450, %div3A_325 : vector<16xf32>
      %add3A_453 = arith.addf %mul3A_452, %gather3A_451 : vector<16xf32>
      %max3A_454 = arith.constant 0.000000e+00 : f32
      %max3A_455 = vector.broadcast %max3A_454 : f32 to vector<16xf32>
      %max3A_456 = arith.maximumf %add3A_453, %max3A_455 : vector<16xf32>
      %get3A_457 = arith.constant 5 : i32
      %get3A_458 = arith.index_cast %get3A_457 : i32 to index
      %get3A_459 = arith.constant 0 : index
      %get3A_460 = tpu.vector_load %arg27[%get3A_458, %get3A_459] {strides = array<i32>} : memref<65x16xf32, #tpu.memory_space<vmem>>, vector<16xf32>,
      %mul3A_461 = arith.mulf %max3A_456, %get3A_460 : vector<16xf32>
      %add3A_462 = arith.addf %add3A_439, %mul3A_461 : vector<16xf32>
      %get3A_463 = arith.constant 37 : i32
      %get3A_464 = arith.index_cast %get3A_463 : i32 to index
      %get3A_465 = arith.constant 0 : index
      %get3A_466 = tpu.vector_load %arg27[%get3A_464, %get3A_465] {strides = array<i32>} : memref<65x16xf32, #tpu.memory_space<vmem>>, vector<16xf32>,
      %mul3A_467 = arith.mulf %max3A_456, %get3A_466 : vector<16xf32>
      %add3A_468 = arith.addf %add3A_445, %mul3A_467 : vector<16xf32>
      %broadcast_in_dim3A_469 = arith.constant 6 : i32
      %broadcast_in_dim3A_470 = vector.broadcast %broadcast_in_dim3A_469 : i32 to vector<16xi32>
      %gather3A_471 = tpu.vector_load_idx %arg16[%add3A_318, %broadcast_in_dim3A_470] : memref<320x40xf32, #tpu.memory_space<vmem>>[vector<16xi32>, vector<16xi32>], vector<16xf32>,
      %gather3A_472 = tpu.vector_load_idx %arg17[%add3A_318, %broadcast_in_dim3A_470] : memref<320x40xf32, #tpu.memory_space<vmem>>[vector<16xi32>, vector<16xi32>], vector<16xf32>,
      %add3A_473 = arith.addf %gather3A_471, %gather3A_472 : vector<16xf32>
      %gather3A_474 = tpu.vector_load_idx %arg18[%add3A_318, %broadcast_in_dim3A_470] : memref<320x32xf32, #tpu.memory_space<vmem>>[vector<16xi32>, vector<16xi32>], vector<16xf32>,
      %mul3A_475 = arith.mulf %add3A_473, %div3A_325 : vector<16xf32>
      %add3A_476 = arith.addf %mul3A_475, %gather3A_474 : vector<16xf32>
      %max3A_477 = arith.constant 0.000000e+00 : f32
      %max3A_478 = vector.broadcast %max3A_477 : f32 to vector<16xf32>
      %max3A_479 = arith.maximumf %add3A_476, %max3A_478 : vector<16xf32>
      %get3A_480 = arith.constant 6 : i32
      %get3A_481 = arith.index_cast %get3A_480 : i32 to index
      %get3A_482 = arith.constant 0 : index
      %get3A_483 = tpu.vector_load %arg27[%get3A_481, %get3A_482] {strides = array<i32>} : memref<65x16xf32, #tpu.memory_space<vmem>>, vector<16xf32>,
      %mul3A_484 = arith.mulf %max3A_479, %get3A_483 : vector<16xf32>
      %add3A_485 = arith.addf %add3A_462, %mul3A_484 : vector<16xf32>
      %get3A_486 = arith.constant 38 : i32
      %get3A_487 = arith.index_cast %get3A_486 : i32 to index
      %get3A_488 = arith.constant 0 : index
      %get3A_489 = tpu.vector_load %arg27[%get3A_487, %get3A_488] {strides = array<i32>} : memref<65x16xf32, #tpu.memory_space<vmem>>, vector<16xf32>,
      %mul3A_490 = arith.mulf %max3A_479, %get3A_489 : vector<16xf32>
      %add3A_491 = arith.addf %add3A_468, %mul3A_490 : vector<16xf32>
      %broadcast_in_dim3A_492 = arith.constant 7 : i32
      %broadcast_in_dim3A_493 = vector.broadcast %broadcast_in_dim3A_492 : i32 to vector<16xi32>
      %gather3A_494 = tpu.vector_load_idx %arg16[%add3A_318, %broadcast_in_dim3A_493] : memref<320x40xf32, #tpu.memory_space<vmem>>[vector<16xi32>, vector<16xi32>], vector<16xf32>,
      %gather3A_495 = tpu.vector_load_idx %arg17[%add3A_318, %broadcast_in_dim3A_493] : memref<320x40xf32, #tpu.memory_space<vmem>>[vector<16xi32>, vector<16xi32>], vector<16xf32>,
      %add3A_496 = arith.addf %gather3A_494, %gather3A_495 : vector<16xf32>
      %gather3A_497 = tpu.vector_load_idx %arg18[%add3A_318, %broadcast_in_dim3A_493] : memref<320x32xf32, #tpu.memory_space<vmem>>[vector<16xi32>, vector<16xi32>], vector<16xf32>,
      %mul3A_498 = arith.mulf %add3A_496, %div3A_325 : vector<16xf32>
      %add3A_499 = arith.addf %mul3A_498, %gather3A_497 : vector<16xf32>
      %max3A_500 = arith.constant 0.000000e+00 : f32
      %max3A_501 = vector.broadcast %max3A_500 : f32 to vector<16xf32>
      %max3A_502 = arith.maximumf %add3A_499, %max3A_501 : vector<16xf32>
      %get3A_503 = arith.constant 7 : i32
      %get3A_504 = arith.index_cast %get3A_503 : i32 to index
      %get3A_505 = arith.constant 0 : index
      %get3A_506 = tpu.vector_load %arg27[%get3A_504, %get3A_505] {strides = array<i32>} : memref<65x16xf32, #tpu.memory_space<vmem>>, vector<16xf32>,
      %mul3A_507 = arith.mulf %max3A_502, %get3A_506 : vector<16xf32>
      %add3A_508 = arith.addf %add3A_485, %mul3A_507 : vector<16xf32>
      %get3A_509 = arith.constant 39 : i32
      %get3A_510 = arith.index_cast %get3A_509 : i32 to index
      %get3A_511 = arith.constant 0 : index
      %get3A_512 = tpu.vector_load %arg27[%get3A_510, %get3A_511] {strides = array<i32>} : memref<65x16xf32, #tpu.memory_space<vmem>>, vector<16xf32>,
      %mul3A_513 = arith.mulf %max3A_502, %get3A_512 : vector<16xf32>
      %add3A_514 = arith.addf %add3A_491, %mul3A_513 : vector<16xf32>
      %broadcast_in_dim3A_515 = arith.constant 8 : i32
      %broadcast_in_dim3A_516 = vector.broadcast %broadcast_in_dim3A_515 : i32 to vector<16xi32>
      %gather3A_517 = tpu.vector_load_idx %arg16[%add3A_318, %broadcast_in_dim3A_516] : memref<320x40xf32, #tpu.memory_space<vmem>>[vector<16xi32>, vector<16xi32>], vector<16xf32>,
      %gather3A_518 = tpu.vector_load_idx %arg17[%add3A_318, %broadcast_in_dim3A_516] : memref<320x40xf32, #tpu.memory_space<vmem>>[vector<16xi32>, vector<16xi32>], vector<16xf32>,
      %add3A_519 = arith.addf %gather3A_517, %gather3A_518 : vector<16xf32>
      %gather3A_520 = tpu.vector_load_idx %arg18[%add3A_318, %broadcast_in_dim3A_516] : memref<320x32xf32, #tpu.memory_space<vmem>>[vector<16xi32>, vector<16xi32>], vector<16xf32>,
      %mul3A_521 = arith.mulf %add3A_519, %div3A_325 : vector<16xf32>
      %add3A_522 = arith.addf %mul3A_521, %gather3A_520 : vector<16xf32>
      %max3A_523 = arith.constant 0.000000e+00 : f32
      %max3A_524 = vector.broadcast %max3A_523 : f32 to vector<16xf32>
      %max3A_525 = arith.maximumf %add3A_522, %max3A_524 : vector<16xf32>
      %get3A_526 = arith.constant 8 : i32
      %get3A_527 = arith.index_cast %get3A_526 : i32 to index
      %get3A_528 = arith.constant 0 : index
      %get3A_529 = tpu.vector_load %arg27[%get3A_527, %get3A_528] {strides = array<i32>} : memref<65x16xf32, #tpu.memory_space<vmem>>, vector<16xf32>,
      %mul3A_530 = arith.mulf %max3A_525, %get3A_529 : vector<16xf32>
      %add3A_531 = arith.addf %add3A_508, %mul3A_530 : vector<16xf32>
      %get3A_532 = arith.constant 40 : i32
      %get3A_533 = arith.index_cast %get3A_532 : i32 to index
      %get3A_534 = arith.constant 0 : index
      %get3A_535 = tpu.vector_load %arg27[%get3A_533, %get3A_534] {strides = array<i32>} : memref<65x16xf32, #tpu.memory_space<vmem>>, vector<16xf32>,
      %mul3A_536 = arith.mulf %max3A_525, %get3A_535 : vector<16xf32>
      %add3A_537 = arith.addf %add3A_514, %mul3A_536 : vector<16xf32>
      %broadcast_in_dim3A_538 = arith.constant 9 : i32
      %broadcast_in_dim3A_539 = vector.broadcast %broadcast_in_dim3A_538 : i32 to vector<16xi32>
      %gather3A_540 = tpu.vector_load_idx %arg16[%add3A_318, %broadcast_in_dim3A_539] : memref<320x40xf32, #tpu.memory_space<vmem>>[vector<16xi32>, vector<16xi32>], vector<16xf32>,
      %gather3A_541 = tpu.vector_load_idx %arg17[%add3A_318, %broadcast_in_dim3A_539] : memref<320x40xf32, #tpu.memory_space<vmem>>[vector<16xi32>, vector<16xi32>], vector<16xf32>,
      %add3A_542 = arith.addf %gather3A_540, %gather3A_541 : vector<16xf32>
      %gather3A_543 = tpu.vector_load_idx %arg18[%add3A_318, %broadcast_in_dim3A_539] : memref<320x32xf32, #tpu.memory_space<vmem>>[vector<16xi32>, vector<16xi32>], vector<16xf32>,
      %mul3A_544 = arith.mulf %add3A_542, %div3A_325 : vector<16xf32>
      %add3A_545 = arith.addf %mul3A_544, %gather3A_543 : vector<16xf32>
      %max3A_546 = arith.constant 0.000000e+00 : f32
      %max3A_547 = vector.broadcast %max3A_546 : f32 to vector<16xf32>
      %max3A_548 = arith.maximumf %add3A_545, %max3A_547 : vector<16xf32>
      %get3A_549 = arith.constant 9 : i32
      %get3A_550 = arith.index_cast %get3A_549 : i32 to index
      %get3A_551 = arith.constant 0 : index
      %get3A_552 = tpu.vector_load %arg27[%get3A_550, %get3A_551] {strides = array<i32>} : memref<65x16xf32, #tpu.memory_space<vmem>>, vector<16xf32>,
      %mul3A_553 = arith.mulf %max3A_548, %get3A_552 : vector<16xf32>
      %add3A_554 = arith.addf %add3A_531, %mul3A_553 : vector<16xf32>
      %get3A_555 = arith.constant 41 : i32
      %get3A_556 = arith.index_cast %get3A_555 : i32 to index
      %get3A_557 = arith.constant 0 : index
      %get3A_558 = tpu.vector_load %arg27[%get3A_556, %get3A_557] {strides = array<i32>} : memref<65x16xf32, #tpu.memory_space<vmem>>, vector<16xf32>,
      %mul3A_559 = arith.mulf %max3A_548, %get3A_558 : vector<16xf32>
      %add3A_560 = arith.addf %add3A_537, %mul3A_559 : vector<16xf32>
      %broadcast_in_dim3A_561 = arith.constant 10 : i32
      %broadcast_in_dim3A_562 = vector.broadcast %broadcast_in_dim3A_561 : i32 to vector<16xi32>
      %gather3A_563 = tpu.vector_load_idx %arg16[%add3A_318, %broadcast_in_dim3A_562] : memref<320x40xf32, #tpu.memory_space<vmem>>[vector<16xi32>, vector<16xi32>], vector<16xf32>,
      %gather3A_564 = tpu.vector_load_idx %arg17[%add3A_318, %broadcast_in_dim3A_562] : memref<320x40xf32, #tpu.memory_space<vmem>>[vector<16xi32>, vector<16xi32>], vector<16xf32>,
      %add3A_565 = arith.addf %gather3A_563, %gather3A_564 : vector<16xf32>
      %gather3A_566 = tpu.vector_load_idx %arg18[%add3A_318, %broadcast_in_dim3A_562] : memref<320x32xf32, #tpu.memory_space<vmem>>[vector<16xi32>, vector<16xi32>], vector<16xf32>,
      %mul3A_567 = arith.mulf %add3A_565, %div3A_325 : vector<16xf32>
      %add3A_568 = arith.addf %mul3A_567, %gather3A_566 : vector<16xf32>
      %max3A_569 = arith.constant 0.000000e+00 : f32
      %max3A_570 = vector.broadcast %max3A_569 : f32 to vector<16xf32>
      %max3A_571 = arith.maximumf %add3A_568, %max3A_570 : vector<16xf32>
      %get3A_572 = arith.constant 10 : i32
      %get3A_573 = arith.index_cast %get3A_572 : i32 to index
      %get3A_574 = arith.constant 0 : index
      %get3A_575 = tpu.vector_load %arg27[%get3A_573, %get3A_574] {strides = array<i32>} : memref<65x16xf32, #tpu.memory_space<vmem>>, vector<16xf32>,
      %mul3A_576 = arith.mulf %max3A_571, %get3A_575 : vector<16xf32>
      %add3A_577 = arith.addf %add3A_554, %mul3A_576 : vector<16xf32>
      %get3A_578 = arith.constant 42 : i32
      %get3A_579 = arith.index_cast %get3A_578 : i32 to index
      %get3A_580 = arith.constant 0 : index
      %get3A_581 = tpu.vector_load %arg27[%get3A_579, %get3A_580] {strides = array<i32>} : memref<65x16xf32, #tpu.memory_space<vmem>>, vector<16xf32>,
      %mul3A_582 = arith.mulf %max3A_571, %get3A_581 : vector<16xf32>
      %add3A_583 = arith.addf %add3A_560, %mul3A_582 : vector<16xf32>
      %broadcast_in_dim3A_584 = arith.constant 11 : i32
      %broadcast_in_dim3A_585 = vector.broadcast %broadcast_in_dim3A_584 : i32 to vector<16xi32>
      %gather3A_586 = tpu.vector_load_idx %arg16[%add3A_318, %broadcast_in_dim3A_585] : memref<320x40xf32, #tpu.memory_space<vmem>>[vector<16xi32>, vector<16xi32>], vector<16xf32>,
      %gather3A_587 = tpu.vector_load_idx %arg17[%add3A_318, %broadcast_in_dim3A_585] : memref<320x40xf32, #tpu.memory_space<vmem>>[vector<16xi32>, vector<16xi32>], vector<16xf32>,
      %add3A_588 = arith.addf %gather3A_586, %gather3A_587 : vector<16xf32>
      %gather3A_589 = tpu.vector_load_idx %arg18[%add3A_318, %broadcast_in_dim3A_585] : memref<320x32xf32, #tpu.memory_space<vmem>>[vector<16xi32>, vector<16xi32>], vector<16xf32>,
      %mul3A_590 = arith.mulf %add3A_588, %div3A_325 : vector<16xf32>
      %add3A_591 = arith.addf %mul3A_590, %gather3A_589 : vector<16xf32>
      %max3A_592 = arith.constant 0.000000e+00 : f32
      %max3A_593 = vector.broadcast %max3A_592 : f32 to vector<16xf32>
      %max3A_594 = arith.maximumf %add3A_591, %max3A_593 : vector<16xf32>
      %get3A_595 = arith.constant 11 : i32
      %get3A_596 = arith.index_cast %get3A_595 : i32 to index
      %get3A_597 = arith.constant 0 : index
      %get3A_598 = tpu.vector_load %arg27[%get3A_596, %get3A_597] {strides = array<i32>} : memref<65x16xf32, #tpu.memory_space<vmem>>, vector<16xf32>,
      %mul3A_599 = arith.mulf %max3A_594, %get3A_598 : vector<16xf32>
      %add3A_600 = arith.addf %add3A_577, %mul3A_599 : vector<16xf32>
      %get3A_601 = arith.constant 43 : i32
      %get3A_602 = arith.index_cast %get3A_601 : i32 to index
      %get3A_603 = arith.constant 0 : index
      %get3A_604 = tpu.vector_load %arg27[%get3A_602, %get3A_603] {strides = array<i32>} : memref<65x16xf32, #tpu.memory_space<vmem>>, vector<16xf32>,
      %mul3A_605 = arith.mulf %max3A_594, %get3A_604 : vector<16xf32>
      %add3A_606 = arith.addf %add3A_583, %mul3A_605 : vector<16xf32>
      %broadcast_in_dim3A_607 = arith.constant 12 : i32
      %broadcast_in_dim3A_608 = vector.broadcast %broadcast_in_dim3A_607 : i32 to vector<16xi32>
      %gather3A_609 = tpu.vector_load_idx %arg16[%add3A_318, %broadcast_in_dim3A_608] : memref<320x40xf32, #tpu.memory_space<vmem>>[vector<16xi32>, vector<16xi32>], vector<16xf32>,
      %gather3A_610 = tpu.vector_load_idx %arg17[%add3A_318, %broadcast_in_dim3A_608] : memref<320x40xf32, #tpu.memory_space<vmem>>[vector<16xi32>, vector<16xi32>], vector<16xf32>,
      %add3A_611 = arith.addf %gather3A_609, %gather3A_610 : vector<16xf32>
      %gather3A_612 = tpu.vector_load_idx %arg18[%add3A_318, %broadcast_in_dim3A_608] : memref<320x32xf32, #tpu.memory_space<vmem>>[vector<16xi32>, vector<16xi32>], vector<16xf32>,
      %mul3A_613 = arith.mulf %add3A_611, %div3A_325 : vector<16xf32>
      %add3A_614 = arith.addf %mul3A_613, %gather3A_612 : vector<16xf32>
      %max3A_615 = arith.constant 0.000000e+00 : f32
      %max3A_616 = vector.broadcast %max3A_615 : f32 to vector<16xf32>
      %max3A_617 = arith.maximumf %add3A_614, %max3A_616 : vector<16xf32>
      %get3A_618 = arith.constant 12 : i32
      %get3A_619 = arith.index_cast %get3A_618 : i32 to index
      %get3A_620 = arith.constant 0 : index
      %get3A_621 = tpu.vector_load %arg27[%get3A_619, %get3A_620] {strides = array<i32>} : memref<65x16xf32, #tpu.memory_space<vmem>>, vector<16xf32>,
      %mul3A_622 = arith.mulf %max3A_617, %get3A_621 : vector<16xf32>
      %add3A_623 = arith.addf %add3A_600, %mul3A_622 : vector<16xf32>
      %get3A_624 = arith.constant 44 : i32
      %get3A_625 = arith.index_cast %get3A_624 : i32 to index
      %get3A_626 = arith.constant 0 : index
      %get3A_627 = tpu.vector_load %arg27[%get3A_625, %get3A_626] {strides = array<i32>} : memref<65x16xf32, #tpu.memory_space<vmem>>, vector<16xf32>,
      %mul3A_628 = arith.mulf %max3A_617, %get3A_627 : vector<16xf32>
      %add3A_629 = arith.addf %add3A_606, %mul3A_628 : vector<16xf32>
      %broadcast_in_dim3A_630 = arith.constant 13 : i32
      %broadcast_in_dim3A_631 = vector.broadcast %broadcast_in_dim3A_630 : i32 to vector<16xi32>
      %gather3A_632 = tpu.vector_load_idx %arg16[%add3A_318, %broadcast_in_dim3A_631] : memref<320x40xf32, #tpu.memory_space<vmem>>[vector<16xi32>, vector<16xi32>], vector<16xf32>,
      %gather3A_633 = tpu.vector_load_idx %arg17[%add3A_318, %broadcast_in_dim3A_631] : memref<320x40xf32, #tpu.memory_space<vmem>>[vector<16xi32>, vector<16xi32>], vector<16xf32>,
      %add3A_634 = arith.addf %gather3A_632, %gather3A_633 : vector<16xf32>
      %gather3A_635 = tpu.vector_load_idx %arg18[%add3A_318, %broadcast_in_dim3A_631] : memref<320x32xf32, #tpu.memory_space<vmem>>[vector<16xi32>, vector<16xi32>], vector<16xf32>,
      %mul3A_636 = arith.mulf %add3A_634, %div3A_325 : vector<16xf32>
      %add3A_637 = arith.addf %mul3A_636, %gather3A_635 : vector<16xf32>
      %max3A_638 = arith.constant 0.000000e+00 : f32
      %max3A_639 = vector.broadcast %max3A_638 : f32 to vector<16xf32>
      %max3A_640 = arith.maximumf %add3A_637, %max3A_639 : vector<16xf32>
      %get3A_641 = arith.constant 13 : i32
      %get3A_642 = arith.index_cast %get3A_641 : i32 to index
      %get3A_643 = arith.constant 0 : index
      %get3A_644 = tpu.vector_load %arg27[%get3A_642, %get3A_643] {strides = array<i32>} : memref<65x16xf32, #tpu.memory_space<vmem>>, vector<16xf32>,
      %mul3A_645 = arith.mulf %max3A_640, %get3A_644 : vector<16xf32>
      %add3A_646 = arith.addf %add3A_623, %mul3A_645 : vector<16xf32>
      %get3A_647 = arith.constant 45 : i32
      %get3A_648 = arith.index_cast %get3A_647 : i32 to index
      %get3A_649 = arith.constant 0 : index
      %get3A_650 = tpu.vector_load %arg27[%get3A_648, %get3A_649] {strides = array<i32>} : memref<65x16xf32, #tpu.memory_space<vmem>>, vector<16xf32>,
      %mul3A_651 = arith.mulf %max3A_640, %get3A_650 : vector<16xf32>
      %add3A_652 = arith.addf %add3A_629, %mul3A_651 : vector<16xf32>
      %broadcast_in_dim3A_653 = arith.constant 14 : i32
      %broadcast_in_dim3A_654 = vector.broadcast %broadcast_in_dim3A_653 : i32 to vector<16xi32>
      %gather3A_655 = tpu.vector_load_idx %arg16[%add3A_318, %broadcast_in_dim3A_654] : memref<320x40xf32, #tpu.memory_space<vmem>>[vector<16xi32>, vector<16xi32>], vector<16xf32>,
      %gather3A_656 = tpu.vector_load_idx %arg17[%add3A_318, %broadcast_in_dim3A_654] : memref<320x40xf32, #tpu.memory_space<vmem>>[vector<16xi32>, vector<16xi32>], vector<16xf32>,
      %add3A_657 = arith.addf %gather3A_655, %gather3A_656 : vector<16xf32>
      %gather3A_658 = tpu.vector_load_idx %arg18[%add3A_318, %broadcast_in_dim3A_654] : memref<320x32xf32, #tpu.memory_space<vmem>>[vector<16xi32>, vector<16xi32>], vector<16xf32>,
      %mul3A_659 = arith.mulf %add3A_657, %div3A_325 : vector<16xf32>
      %add3A_660 = arith.addf %mul3A_659, %gather3A_658 : vector<16xf32>
      %max3A_661 = arith.constant 0.000000e+00 : f32
      %max3A_662 = vector.broadcast %max3A_661 : f32 to vector<16xf32>
      %max3A_663 = arith.maximumf %add3A_660, %max3A_662 : vector<16xf32>
      %get3A_664 = arith.constant 14 : i32
      %get3A_665 = arith.index_cast %get3A_664 : i32 to index
      %get3A_666 = arith.constant 0 : index
      %get3A_667 = tpu.vector_load %arg27[%get3A_665, %get3A_666] {strides = array<i32>} : memref<65x16xf32, #tpu.memory_space<vmem>>, vector<16xf32>,
      %mul3A_668 = arith.mulf %max3A_663, %get3A_667 : vector<16xf32>
      %add3A_669 = arith.addf %add3A_646, %mul3A_668 : vector<16xf32>
      %get3A_670 = arith.constant 46 : i32
      %get3A_671 = arith.index_cast %get3A_670 : i32 to index
      %get3A_672 = arith.constant 0 : index
      %get3A_673 = tpu.vector_load %arg27[%get3A_671, %get3A_672] {strides = array<i32>} : memref<65x16xf32, #tpu.memory_space<vmem>>, vector<16xf32>,
      %mul3A_674 = arith.mulf %max3A_663, %get3A_673 : vector<16xf32>
      %add3A_675 = arith.addf %add3A_652, %mul3A_674 : vector<16xf32>
      %broadcast_in_dim3A_676 = arith.constant 15 : i32
      %broadcast_in_dim3A_677 = vector.broadcast %broadcast_in_dim3A_676 : i32 to vector<16xi32>
      %gather3A_678 = tpu.vector_load_idx %arg16[%add3A_318, %broadcast_in_dim3A_677] : memref<320x40xf32, #tpu.memory_space<vmem>>[vector<16xi32>, vector<16xi32>], vector<16xf32>,
      %gather3A_679 = tpu.vector_load_idx %arg17[%add3A_318, %broadcast_in_dim3A_677] : memref<320x40xf32, #tpu.memory_space<vmem>>[vector<16xi32>, vector<16xi32>], vector<16xf32>,
      %add3A_680 = arith.addf %gather3A_678, %gather3A_679 : vector<16xf32>
      %gather3A_681 = tpu.vector_load_idx %arg18[%add3A_318, %broadcast_in_dim3A_677] : memref<320x32xf32, #tpu.memory_space<vmem>>[vector<16xi32>, vector<16xi32>], vector<16xf32>,
      %mul3A_682 = arith.mulf %add3A_680, %div3A_325 : vector<16xf32>
      %add3A_683 = arith.addf %mul3A_682, %gather3A_681 : vector<16xf32>
      %max3A_684 = arith.constant 0.000000e+00 : f32
      %max3A_685 = vector.broadcast %max3A_684 : f32 to vector<16xf32>
      %max3A_686 = arith.maximumf %add3A_683, %max3A_685 : vector<16xf32>
      %get3A_687 = arith.constant 15 : i32
      %get3A_688 = arith.index_cast %get3A_687 : i32 to index
      %get3A_689 = arith.constant 0 : index
      %get3A_690 = tpu.vector_load %arg27[%get3A_688, %get3A_689] {strides = array<i32>} : memref<65x16xf32, #tpu.memory_space<vmem>>, vector<16xf32>,
      %mul3A_691 = arith.mulf %max3A_686, %get3A_690 : vector<16xf32>
      %add3A_692 = arith.addf %add3A_669, %mul3A_691 : vector<16xf32>
      %get3A_693 = arith.constant 47 : i32
      %get3A_694 = arith.index_cast %get3A_693 : i32 to index
      %get3A_695 = arith.constant 0 : index
      %get3A_696 = tpu.vector_load %arg27[%get3A_694, %get3A_695] {strides = array<i32>} : memref<65x16xf32, #tpu.memory_space<vmem>>, vector<16xf32>,
      %mul3A_697 = arith.mulf %max3A_686, %get3A_696 : vector<16xf32>
      %add3A_698 = arith.addf %add3A_675, %mul3A_697 : vector<16xf32>
      %broadcast_in_dim3A_699 = arith.constant 16 : i32
      %broadcast_in_dim3A_700 = vector.broadcast %broadcast_in_dim3A_699 : i32 to vector<16xi32>
      %gather3A_701 = tpu.vector_load_idx %arg16[%add3A_318, %broadcast_in_dim3A_700] : memref<320x40xf32, #tpu.memory_space<vmem>>[vector<16xi32>, vector<16xi32>], vector<16xf32>,
      %gather3A_702 = tpu.vector_load_idx %arg17[%add3A_318, %broadcast_in_dim3A_700] : memref<320x40xf32, #tpu.memory_space<vmem>>[vector<16xi32>, vector<16xi32>], vector<16xf32>,
      %add3A_703 = arith.addf %gather3A_701, %gather3A_702 : vector<16xf32>
      %gather3A_704 = tpu.vector_load_idx %arg18[%add3A_318, %broadcast_in_dim3A_700] : memref<320x32xf32, #tpu.memory_space<vmem>>[vector<16xi32>, vector<16xi32>], vector<16xf32>,
      %mul3A_705 = arith.mulf %add3A_703, %div3A_325 : vector<16xf32>
      %add3A_706 = arith.addf %mul3A_705, %gather3A_704 : vector<16xf32>
      %max3A_707 = arith.constant 0.000000e+00 : f32
      %max3A_708 = vector.broadcast %max3A_707 : f32 to vector<16xf32>
      %max3A_709 = arith.maximumf %add3A_706, %max3A_708 : vector<16xf32>
      %get3A_710 = arith.constant 16 : i32
      %get3A_711 = arith.index_cast %get3A_710 : i32 to index
      %get3A_712 = arith.constant 0 : index
      %get3A_713 = tpu.vector_load %arg27[%get3A_711, %get3A_712] {strides = array<i32>} : memref<65x16xf32, #tpu.memory_space<vmem>>, vector<16xf32>,
      %mul3A_714 = arith.mulf %max3A_709, %get3A_713 : vector<16xf32>
      %add3A_715 = arith.addf %add3A_692, %mul3A_714 : vector<16xf32>
      %get3A_716 = arith.constant 48 : i32
      %get3A_717 = arith.index_cast %get3A_716 : i32 to index
      %get3A_718 = arith.constant 0 : index
      %get3A_719 = tpu.vector_load %arg27[%get3A_717, %get3A_718] {strides = array<i32>} : memref<65x16xf32, #tpu.memory_space<vmem>>, vector<16xf32>,
      %mul3A_720 = arith.mulf %max3A_709, %get3A_719 : vector<16xf32>
      %add3A_721 = arith.addf %add3A_698, %mul3A_720 : vector<16xf32>
      %broadcast_in_dim3A_722 = arith.constant 17 : i32
      %broadcast_in_dim3A_723 = vector.broadcast %broadcast_in_dim3A_722 : i32 to vector<16xi32>
      %gather3A_724 = tpu.vector_load_idx %arg16[%add3A_318, %broadcast_in_dim3A_723] : memref<320x40xf32, #tpu.memory_space<vmem>>[vector<16xi32>, vector<16xi32>], vector<16xf32>,
      %gather3A_725 = tpu.vector_load_idx %arg17[%add3A_318, %broadcast_in_dim3A_723] : memref<320x40xf32, #tpu.memory_space<vmem>>[vector<16xi32>, vector<16xi32>], vector<16xf32>,
      %add3A_726 = arith.addf %gather3A_724, %gather3A_725 : vector<16xf32>
      %gather3A_727 = tpu.vector_load_idx %arg18[%add3A_318, %broadcast_in_dim3A_723] : memref<320x32xf32, #tpu.memory_space<vmem>>[vector<16xi32>, vector<16xi32>], vector<16xf32>,
      %mul3A_728 = arith.mulf %add3A_726, %div3A_325 : vector<16xf32>
      %add3A_729 = arith.addf %mul3A_728, %gather3A_727 : vector<16xf32>
      %max3A_730 = arith.constant 0.000000e+00 : f32
      %max3A_731 = vector.broadcast %max3A_730 : f32 to vector<16xf32>
      %max3A_732 = arith.maximumf %add3A_729, %max3A_731 : vector<16xf32>
      %get3A_733 = arith.constant 17 : i32
      %get3A_734 = arith.index_cast %get3A_733 : i32 to index
      %get3A_735 = arith.constant 0 : index
      %get3A_736 = tpu.vector_load %arg27[%get3A_734, %get3A_735] {strides = array<i32>} : memref<65x16xf32, #tpu.memory_space<vmem>>, vector<16xf32>,
      %mul3A_737 = arith.mulf %max3A_732, %get3A_736 : vector<16xf32>
      %add3A_738 = arith.addf %add3A_715, %mul3A_737 : vector<16xf32>
      %get3A_739 = arith.constant 49 : i32
      %get3A_740 = arith.index_cast %get3A_739 : i32 to index
      %get3A_741 = arith.constant 0 : index
      %get3A_742 = tpu.vector_load %arg27[%get3A_740, %get3A_741] {strides = array<i32>} : memref<65x16xf32, #tpu.memory_space<vmem>>, vector<16xf32>,
      %mul3A_743 = arith.mulf %max3A_732, %get3A_742 : vector<16xf32>
      %add3A_744 = arith.addf %add3A_721, %mul3A_743 : vector<16xf32>
      %broadcast_in_dim3A_745 = arith.constant 18 : i32
      %broadcast_in_dim3A_746 = vector.broadcast %broadcast_in_dim3A_745 : i32 to vector<16xi32>
      %gather3A_747 = tpu.vector_load_idx %arg16[%add3A_318, %broadcast_in_dim3A_746] : memref<320x40xf32, #tpu.memory_space<vmem>>[vector<16xi32>, vector<16xi32>], vector<16xf32>,
      %gather3A_748 = tpu.vector_load_idx %arg17[%add3A_318, %broadcast_in_dim3A_746] : memref<320x40xf32, #tpu.memory_space<vmem>>[vector<16xi32>, vector<16xi32>], vector<16xf32>,
      %add3A_749 = arith.addf %gather3A_747, %gather3A_748 : vector<16xf32>
      %gather3A_750 = tpu.vector_load_idx %arg18[%add3A_318, %broadcast_in_dim3A_746] : memref<320x32xf32, #tpu.memory_space<vmem>>[vector<16xi32>, vector<16xi32>], vector<16xf32>,
      %mul3A_751 = arith.mulf %add3A_749, %div3A_325 : vector<16xf32>
      %add3A_752 = arith.addf %mul3A_751, %gather3A_750 : vector<16xf32>
      %max3A_753 = arith.constant 0.000000e+00 : f32
      %max3A_754 = vector.broadcast %max3A_753 : f32 to vector<16xf32>
      %max3A_755 = arith.maximumf %add3A_752, %max3A_754 : vector<16xf32>
      %get3A_756 = arith.constant 18 : i32
      %get3A_757 = arith.index_cast %get3A_756 : i32 to index
      %get3A_758 = arith.constant 0 : index
      %get3A_759 = tpu.vector_load %arg27[%get3A_757, %get3A_758] {strides = array<i32>} : memref<65x16xf32, #tpu.memory_space<vmem>>, vector<16xf32>,
      %mul3A_760 = arith.mulf %max3A_755, %get3A_759 : vector<16xf32>
      %add3A_761 = arith.addf %add3A_738, %mul3A_760 : vector<16xf32>
      %get3A_762 = arith.constant 50 : i32
      %get3A_763 = arith.index_cast %get3A_762 : i32 to index
      %get3A_764 = arith.constant 0 : index
      %get3A_765 = tpu.vector_load %arg27[%get3A_763, %get3A_764] {strides = array<i32>} : memref<65x16xf32, #tpu.memory_space<vmem>>, vector<16xf32>,
      %mul3A_766 = arith.mulf %max3A_755, %get3A_765 : vector<16xf32>
      %add3A_767 = arith.addf %add3A_744, %mul3A_766 : vector<16xf32>
      %broadcast_in_dim3A_768 = arith.constant 19 : i32
      %broadcast_in_dim3A_769 = vector.broadcast %broadcast_in_dim3A_768 : i32 to vector<16xi32>
      %gather3A_770 = tpu.vector_load_idx %arg16[%add3A_318, %broadcast_in_dim3A_769] : memref<320x40xf32, #tpu.memory_space<vmem>>[vector<16xi32>, vector<16xi32>], vector<16xf32>,
      %gather3A_771 = tpu.vector_load_idx %arg17[%add3A_318, %broadcast_in_dim3A_769] : memref<320x40xf32, #tpu.memory_space<vmem>>[vector<16xi32>, vector<16xi32>], vector<16xf32>,
      %add3A_772 = arith.addf %gather3A_770, %gather3A_771 : vector<16xf32>
      %gather3A_773 = tpu.vector_load_idx %arg18[%add3A_318, %broadcast_in_dim3A_769] : memref<320x32xf32, #tpu.memory_space<vmem>>[vector<16xi32>, vector<16xi32>], vector<16xf32>,
      %mul3A_774 = arith.mulf %add3A_772, %div3A_325 : vector<16xf32>
      %add3A_775 = arith.addf %mul3A_774, %gather3A_773 : vector<16xf32>
      %max3A_776 = arith.constant 0.000000e+00 : f32
      %max3A_777 = vector.broadcast %max3A_776 : f32 to vector<16xf32>
      %max3A_778 = arith.maximumf %add3A_775, %max3A_777 : vector<16xf32>
      %get3A_779 = arith.constant 19 : i32
      %get3A_780 = arith.index_cast %get3A_779 : i32 to index
      %get3A_781 = arith.constant 0 : index
      %get3A_782 = tpu.vector_load %arg27[%get3A_780, %get3A_781] {strides = array<i32>} : memref<65x16xf32, #tpu.memory_space<vmem>>, vector<16xf32>,
      %mul3A_783 = arith.mulf %max3A_778, %get3A_782 : vector<16xf32>
      %add3A_784 = arith.addf %add3A_761, %mul3A_783 : vector<16xf32>
      %get3A_785 = arith.constant 51 : i32
      %get3A_786 = arith.index_cast %get3A_785 : i32 to index
      %get3A_787 = arith.constant 0 : index
      %get3A_788 = tpu.vector_load %arg27[%get3A_786, %get3A_787] {strides = array<i32>} : memref<65x16xf32, #tpu.memory_space<vmem>>, vector<16xf32>,
      %mul3A_789 = arith.mulf %max3A_778, %get3A_788 : vector<16xf32>
      %add3A_790 = arith.addf %add3A_767, %mul3A_789 : vector<16xf32>
      %broadcast_in_dim3A_791 = arith.constant 20 : i32
      %broadcast_in_dim3A_792 = vector.broadcast %broadcast_in_dim3A_791 : i32 to vector<16xi32>
      %gather3A_793 = tpu.vector_load_idx %arg16[%add3A_318, %broadcast_in_dim3A_792] : memref<320x40xf32, #tpu.memory_space<vmem>>[vector<16xi32>, vector<16xi32>], vector<16xf32>,
      %gather3A_794 = tpu.vector_load_idx %arg17[%add3A_318, %broadcast_in_dim3A_792] : memref<320x40xf32, #tpu.memory_space<vmem>>[vector<16xi32>, vector<16xi32>], vector<16xf32>,
      %add3A_795 = arith.addf %gather3A_793, %gather3A_794 : vector<16xf32>
      %gather3A_796 = tpu.vector_load_idx %arg18[%add3A_318, %broadcast_in_dim3A_792] : memref<320x32xf32, #tpu.memory_space<vmem>>[vector<16xi32>, vector<16xi32>], vector<16xf32>,
      %mul3A_797 = arith.mulf %add3A_795, %div3A_325 : vector<16xf32>
      %add3A_798 = arith.addf %mul3A_797, %gather3A_796 : vector<16xf32>
      %max3A_799 = arith.constant 0.000000e+00 : f32
      %max3A_800 = vector.broadcast %max3A_799 : f32 to vector<16xf32>
      %max3A_801 = arith.maximumf %add3A_798, %max3A_800 : vector<16xf32>
      %get3A_802 = arith.constant 20 : i32
      %get3A_803 = arith.index_cast %get3A_802 : i32 to index
      %get3A_804 = arith.constant 0 : index
      %get3A_805 = tpu.vector_load %arg27[%get3A_803, %get3A_804] {strides = array<i32>} : memref<65x16xf32, #tpu.memory_space<vmem>>, vector<16xf32>,
      %mul3A_806 = arith.mulf %max3A_801, %get3A_805 : vector<16xf32>
      %add3A_807 = arith.addf %add3A_784, %mul3A_806 : vector<16xf32>
      %get3A_808 = arith.constant 52 : i32
      %get3A_809 = arith.index_cast %get3A_808 : i32 to index
      %get3A_810 = arith.constant 0 : index
      %get3A_811 = tpu.vector_load %arg27[%get3A_809, %get3A_810] {strides = array<i32>} : memref<65x16xf32, #tpu.memory_space<vmem>>, vector<16xf32>,
      %mul3A_812 = arith.mulf %max3A_801, %get3A_811 : vector<16xf32>
      %add3A_813 = arith.addf %add3A_790, %mul3A_812 : vector<16xf32>
      %broadcast_in_dim3A_814 = arith.constant 21 : i32
      %broadcast_in_dim3A_815 = vector.broadcast %broadcast_in_dim3A_814 : i32 to vector<16xi32>
      %gather3A_816 = tpu.vector_load_idx %arg16[%add3A_318, %broadcast_in_dim3A_815] : memref<320x40xf32, #tpu.memory_space<vmem>>[vector<16xi32>, vector<16xi32>], vector<16xf32>,
      %gather3A_817 = tpu.vector_load_idx %arg17[%add3A_318, %broadcast_in_dim3A_815] : memref<320x40xf32, #tpu.memory_space<vmem>>[vector<16xi32>, vector<16xi32>], vector<16xf32>,
      %add3A_818 = arith.addf %gather3A_816, %gather3A_817 : vector<16xf32>
      %gather3A_819 = tpu.vector_load_idx %arg18[%add3A_318, %broadcast_in_dim3A_815] : memref<320x32xf32, #tpu.memory_space<vmem>>[vector<16xi32>, vector<16xi32>], vector<16xf32>,
      %mul3A_820 = arith.mulf %add3A_818, %div3A_325 : vector<16xf32>
      %add3A_821 = arith.addf %mul3A_820, %gather3A_819 : vector<16xf32>
      %max3A_822 = arith.constant 0.000000e+00 : f32
      %max3A_823 = vector.broadcast %max3A_822 : f32 to vector<16xf32>
      %max3A_824 = arith.maximumf %add3A_821, %max3A_823 : vector<16xf32>
      %get3A_825 = arith.constant 21 : i32
      %get3A_826 = arith.index_cast %get3A_825 : i32 to index
      %get3A_827 = arith.constant 0 : index
      %get3A_828 = tpu.vector_load %arg27[%get3A_826, %get3A_827] {strides = array<i32>} : memref<65x16xf32, #tpu.memory_space<vmem>>, vector<16xf32>,
      %mul3A_829 = arith.mulf %max3A_824, %get3A_828 : vector<16xf32>
      %add3A_830 = arith.addf %add3A_807, %mul3A_829 : vector<16xf32>
      %get3A_831 = arith.constant 53 : i32
      %get3A_832 = arith.index_cast %get3A_831 : i32 to index
      %get3A_833 = arith.constant 0 : index
      %get3A_834 = tpu.vector_load %arg27[%get3A_832, %get3A_833] {strides = array<i32>} : memref<65x16xf32, #tpu.memory_space<vmem>>, vector<16xf32>,
      %mul3A_835 = arith.mulf %max3A_824, %get3A_834 : vector<16xf32>
      %add3A_836 = arith.addf %add3A_813, %mul3A_835 : vector<16xf32>
      %broadcast_in_dim3A_837 = arith.constant 22 : i32
      %broadcast_in_dim3A_838 = vector.broadcast %broadcast_in_dim3A_837 : i32 to vector<16xi32>
      %gather3A_839 = tpu.vector_load_idx %arg16[%add3A_318, %broadcast_in_dim3A_838] : memref<320x40xf32, #tpu.memory_space<vmem>>[vector<16xi32>, vector<16xi32>], vector<16xf32>,
      %gather3A_840 = tpu.vector_load_idx %arg17[%add3A_318, %broadcast_in_dim3A_838] : memref<320x40xf32, #tpu.memory_space<vmem>>[vector<16xi32>, vector<16xi32>], vector<16xf32>,
      %add3A_841 = arith.addf %gather3A_839, %gather3A_840 : vector<16xf32>
      %gather3A_842 = tpu.vector_load_idx %arg18[%add3A_318, %broadcast_in_dim3A_838] : memref<320x32xf32, #tpu.memory_space<vmem>>[vector<16xi32>, vector<16xi32>], vector<16xf32>,
      %mul3A_843 = arith.mulf %add3A_841, %div3A_325 : vector<16xf32>
      %add3A_844 = arith.addf %mul3A_843, %gather3A_842 : vector<16xf32>
      %max3A_845 = arith.constant 0.000000e+00 : f32
      %max3A_846 = vector.broadcast %max3A_845 : f32 to vector<16xf32>
      %max3A_847 = arith.maximumf %add3A_844, %max3A_846 : vector<16xf32>
      %get3A_848 = arith.constant 22 : i32
      %get3A_849 = arith.index_cast %get3A_848 : i32 to index
      %get3A_850 = arith.constant 0 : index
      %get3A_851 = tpu.vector_load %arg27[%get3A_849, %get3A_850] {strides = array<i32>} : memref<65x16xf32, #tpu.memory_space<vmem>>, vector<16xf32>,
      %mul3A_852 = arith.mulf %max3A_847, %get3A_851 : vector<16xf32>
      %add3A_853 = arith.addf %add3A_830, %mul3A_852 : vector<16xf32>
      %get3A_854 = arith.constant 54 : i32
      %get3A_855 = arith.index_cast %get3A_854 : i32 to index
      %get3A_856 = arith.constant 0 : index
      %get3A_857 = tpu.vector_load %arg27[%get3A_855, %get3A_856] {strides = array<i32>} : memref<65x16xf32, #tpu.memory_space<vmem>>, vector<16xf32>,
      %mul3A_858 = arith.mulf %max3A_847, %get3A_857 : vector<16xf32>
      %add3A_859 = arith.addf %add3A_836, %mul3A_858 : vector<16xf32>
      %broadcast_in_dim3A_860 = arith.constant 23 : i32
      %broadcast_in_dim3A_861 = vector.broadcast %broadcast_in_dim3A_860 : i32 to vector<16xi32>
      %gather3A_862 = tpu.vector_load_idx %arg16[%add3A_318, %broadcast_in_dim3A_861] : memref<320x40xf32, #tpu.memory_space<vmem>>[vector<16xi32>, vector<16xi32>], vector<16xf32>,
      %gather3A_863 = tpu.vector_load_idx %arg17[%add3A_318, %broadcast_in_dim3A_861] : memref<320x40xf32, #tpu.memory_space<vmem>>[vector<16xi32>, vector<16xi32>], vector<16xf32>,
      %add3A_864 = arith.addf %gather3A_862, %gather3A_863 : vector<16xf32>
      %gather3A_865 = tpu.vector_load_idx %arg18[%add3A_318, %broadcast_in_dim3A_861] : memref<320x32xf32, #tpu.memory_space<vmem>>[vector<16xi32>, vector<16xi32>], vector<16xf32>,
      %mul3A_866 = arith.mulf %add3A_864, %div3A_325 : vector<16xf32>
      %add3A_867 = arith.addf %mul3A_866, %gather3A_865 : vector<16xf32>
      %max3A_868 = arith.constant 0.000000e+00 : f32
      %max3A_869 = vector.broadcast %max3A_868 : f32 to vector<16xf32>
      %max3A_870 = arith.maximumf %add3A_867, %max3A_869 : vector<16xf32>
      %get3A_871 = arith.constant 23 : i32
      %get3A_872 = arith.index_cast %get3A_871 : i32 to index
      %get3A_873 = arith.constant 0 : index
      %get3A_874 = tpu.vector_load %arg27[%get3A_872, %get3A_873] {strides = array<i32>} : memref<65x16xf32, #tpu.memory_space<vmem>>, vector<16xf32>,
      %mul3A_875 = arith.mulf %max3A_870, %get3A_874 : vector<16xf32>
      %add3A_876 = arith.addf %add3A_853, %mul3A_875 : vector<16xf32>
      %get3A_877 = arith.constant 55 : i32
      %get3A_878 = arith.index_cast %get3A_877 : i32 to index
      %get3A_879 = arith.constant 0 : index
      %get3A_880 = tpu.vector_load %arg27[%get3A_878, %get3A_879] {strides = array<i32>} : memref<65x16xf32, #tpu.memory_space<vmem>>, vector<16xf32>,
      %mul3A_881 = arith.mulf %max3A_870, %get3A_880 : vector<16xf32>
      %add3A_882 = arith.addf %add3A_859, %mul3A_881 : vector<16xf32>
      %broadcast_in_dim3A_883 = arith.constant 24 : i32
      %broadcast_in_dim3A_884 = vector.broadcast %broadcast_in_dim3A_883 : i32 to vector<16xi32>
      %gather3A_885 = tpu.vector_load_idx %arg16[%add3A_318, %broadcast_in_dim3A_884] : memref<320x40xf32, #tpu.memory_space<vmem>>[vector<16xi32>, vector<16xi32>], vector<16xf32>,
      %gather3A_886 = tpu.vector_load_idx %arg17[%add3A_318, %broadcast_in_dim3A_884] : memref<320x40xf32, #tpu.memory_space<vmem>>[vector<16xi32>, vector<16xi32>], vector<16xf32>,
      %add3A_887 = arith.addf %gather3A_885, %gather3A_886 : vector<16xf32>
      %gather3A_888 = tpu.vector_load_idx %arg18[%add3A_318, %broadcast_in_dim3A_884] : memref<320x32xf32, #tpu.memory_space<vmem>>[vector<16xi32>, vector<16xi32>], vector<16xf32>,
      %mul3A_889 = arith.mulf %add3A_887, %div3A_325 : vector<16xf32>
      %add3A_890 = arith.addf %mul3A_889, %gather3A_888 : vector<16xf32>
      %max3A_891 = arith.constant 0.000000e+00 : f32
      %max3A_892 = vector.broadcast %max3A_891 : f32 to vector<16xf32>
      %max3A_893 = arith.maximumf %add3A_890, %max3A_892 : vector<16xf32>
      %get3A_894 = arith.constant 24 : i32
      %get3A_895 = arith.index_cast %get3A_894 : i32 to index
      %get3A_896 = arith.constant 0 : index
      %get3A_897 = tpu.vector_load %arg27[%get3A_895, %get3A_896] {strides = array<i32>} : memref<65x16xf32, #tpu.memory_space<vmem>>, vector<16xf32>,
      %mul3A_898 = arith.mulf %max3A_893, %get3A_897 : vector<16xf32>
      %add3A_899 = arith.addf %add3A_876, %mul3A_898 : vector<16xf32>
      %get3A_900 = arith.constant 56 : i32
      %get3A_901 = arith.index_cast %get3A_900 : i32 to index
      %get3A_902 = arith.constant 0 : index
      %get3A_903 = tpu.vector_load %arg27[%get3A_901, %get3A_902] {strides = array<i32>} : memref<65x16xf32, #tpu.memory_space<vmem>>, vector<16xf32>,
      %mul3A_904 = arith.mulf %max3A_893, %get3A_903 : vector<16xf32>
      %add3A_905 = arith.addf %add3A_882, %mul3A_904 : vector<16xf32>
      %broadcast_in_dim3A_906 = arith.constant 25 : i32
      %broadcast_in_dim3A_907 = vector.broadcast %broadcast_in_dim3A_906 : i32 to vector<16xi32>
      %gather3A_908 = tpu.vector_load_idx %arg16[%add3A_318, %broadcast_in_dim3A_907] : memref<320x40xf32, #tpu.memory_space<vmem>>[vector<16xi32>, vector<16xi32>], vector<16xf32>,
      %gather3A_909 = tpu.vector_load_idx %arg17[%add3A_318, %broadcast_in_dim3A_907] : memref<320x40xf32, #tpu.memory_space<vmem>>[vector<16xi32>, vector<16xi32>], vector<16xf32>,
      %add3A_910 = arith.addf %gather3A_908, %gather3A_909 : vector<16xf32>
      %gather3A_911 = tpu.vector_load_idx %arg18[%add3A_318, %broadcast_in_dim3A_907] : memref<320x32xf32, #tpu.memory_space<vmem>>[vector<16xi32>, vector<16xi32>], vector<16xf32>,
      %mul3A_912 = arith.mulf %add3A_910, %div3A_325 : vector<16xf32>
      %add3A_913 = arith.addf %mul3A_912, %gather3A_911 : vector<16xf32>
      %max3A_914 = arith.constant 0.000000e+00 : f32
      %max3A_915 = vector.broadcast %max3A_914 : f32 to vector<16xf32>
      %max3A_916 = arith.maximumf %add3A_913, %max3A_915 : vector<16xf32>
      %get3A_917 = arith.constant 25 : i32
      %get3A_918 = arith.index_cast %get3A_917 : i32 to index
      %get3A_919 = arith.constant 0 : index
      %get3A_920 = tpu.vector_load %arg27[%get3A_918, %get3A_919] {strides = array<i32>} : memref<65x16xf32, #tpu.memory_space<vmem>>, vector<16xf32>,
      %mul3A_921 = arith.mulf %max3A_916, %get3A_920 : vector<16xf32>
      %add3A_922 = arith.addf %add3A_899, %mul3A_921 : vector<16xf32>
      %get3A_923 = arith.constant 57 : i32
      %get3A_924 = arith.index_cast %get3A_923 : i32 to index
      %get3A_925 = arith.constant 0 : index
      %get3A_926 = tpu.vector_load %arg27[%get3A_924, %get3A_925] {strides = array<i32>} : memref<65x16xf32, #tpu.memory_space<vmem>>, vector<16xf32>,
      %mul3A_927 = arith.mulf %max3A_916, %get3A_926 : vector<16xf32>
      %add3A_928 = arith.addf %add3A_905, %mul3A_927 : vector<16xf32>
      %broadcast_in_dim3A_929 = arith.constant 26 : i32
      %broadcast_in_dim3A_930 = vector.broadcast %broadcast_in_dim3A_929 : i32 to vector<16xi32>
      %gather3A_931 = tpu.vector_load_idx %arg16[%add3A_318, %broadcast_in_dim3A_930] : memref<320x40xf32, #tpu.memory_space<vmem>>[vector<16xi32>, vector<16xi32>], vector<16xf32>,
      %gather3A_932 = tpu.vector_load_idx %arg17[%add3A_318, %broadcast_in_dim3A_930] : memref<320x40xf32, #tpu.memory_space<vmem>>[vector<16xi32>, vector<16xi32>], vector<16xf32>,
      %add3A_933 = arith.addf %gather3A_931, %gather3A_932 : vector<16xf32>
      %gather3A_934 = tpu.vector_load_idx %arg18[%add3A_318, %broadcast_in_dim3A_930] : memref<320x32xf32, #tpu.memory_space<vmem>>[vector<16xi32>, vector<16xi32>], vector<16xf32>,
      %mul3A_935 = arith.mulf %add3A_933, %div3A_325 : vector<16xf32>
      %add3A_936 = arith.addf %mul3A_935, %gather3A_934 : vector<16xf32>
      %max3A_937 = arith.constant 0.000000e+00 : f32
      %max3A_938 = vector.broadcast %max3A_937 : f32 to vector<16xf32>
      %max3A_939 = arith.maximumf %add3A_936, %max3A_938 : vector<16xf32>
      %get3A_940 = arith.constant 26 : i32
      %get3A_941 = arith.index_cast %get3A_940 : i32 to index
      %get3A_942 = arith.constant 0 : index
      %get3A_943 = tpu.vector_load %arg27[%get3A_941, %get3A_942] {strides = array<i32>} : memref<65x16xf32, #tpu.memory_space<vmem>>, vector<16xf32>,
      %mul3A_944 = arith.mulf %max3A_939, %get3A_943 : vector<16xf32>
      %add3A_945 = arith.addf %add3A_922, %mul3A_944 : vector<16xf32>
      %get3A_946 = arith.constant 58 : i32
      %get3A_947 = arith.index_cast %get3A_946 : i32 to index
      %get3A_948 = arith.constant 0 : index
      %get3A_949 = tpu.vector_load %arg27[%get3A_947, %get3A_948] {strides = array<i32>} : memref<65x16xf32, #tpu.memory_space<vmem>>, vector<16xf32>,
      %mul3A_950 = arith.mulf %max3A_939, %get3A_949 : vector<16xf32>
      %add3A_951 = arith.addf %add3A_928, %mul3A_950 : vector<16xf32>
      %broadcast_in_dim3A_952 = arith.constant 27 : i32
      %broadcast_in_dim3A_953 = vector.broadcast %broadcast_in_dim3A_952 : i32 to vector<16xi32>
      %gather3A_954 = tpu.vector_load_idx %arg16[%add3A_318, %broadcast_in_dim3A_953] : memref<320x40xf32, #tpu.memory_space<vmem>>[vector<16xi32>, vector<16xi32>], vector<16xf32>,
      %gather3A_955 = tpu.vector_load_idx %arg17[%add3A_318, %broadcast_in_dim3A_953] : memref<320x40xf32, #tpu.memory_space<vmem>>[vector<16xi32>, vector<16xi32>], vector<16xf32>,
      %add3A_956 = arith.addf %gather3A_954, %gather3A_955 : vector<16xf32>
      %gather3A_957 = tpu.vector_load_idx %arg18[%add3A_318, %broadcast_in_dim3A_953] : memref<320x32xf32, #tpu.memory_space<vmem>>[vector<16xi32>, vector<16xi32>], vector<16xf32>,
      %mul3A_958 = arith.mulf %add3A_956, %div3A_325 : vector<16xf32>
      %add3A_959 = arith.addf %mul3A_958, %gather3A_957 : vector<16xf32>
      %max3A_960 = arith.constant 0.000000e+00 : f32
      %max3A_961 = vector.broadcast %max3A_960 : f32 to vector<16xf32>
      %max3A_962 = arith.maximumf %add3A_959, %max3A_961 : vector<16xf32>
      %get3A_963 = arith.constant 27 : i32
      %get3A_964 = arith.index_cast %get3A_963 : i32 to index
      %get3A_965 = arith.constant 0 : index
      %get3A_966 = tpu.vector_load %arg27[%get3A_964, %get3A_965] {strides = array<i32>} : memref<65x16xf32, #tpu.memory_space<vmem>>, vector<16xf32>,
      %mul3A_967 = arith.mulf %max3A_962, %get3A_966 : vector<16xf32>
      %add3A_968 = arith.addf %add3A_945, %mul3A_967 : vector<16xf32>
      %get3A_969 = arith.constant 59 : i32
      %get3A_970 = arith.index_cast %get3A_969 : i32 to index
      %get3A_971 = arith.constant 0 : index
      %get3A_972 = tpu.vector_load %arg27[%get3A_970, %get3A_971] {strides = array<i32>} : memref<65x16xf32, #tpu.memory_space<vmem>>, vector<16xf32>,
      %mul3A_973 = arith.mulf %max3A_962, %get3A_972 : vector<16xf32>
      %add3A_974 = arith.addf %add3A_951, %mul3A_973 : vector<16xf32>
      %broadcast_in_dim3A_975 = arith.constant 28 : i32
      %broadcast_in_dim3A_976 = vector.broadcast %broadcast_in_dim3A_975 : i32 to vector<16xi32>
      %gather3A_977 = tpu.vector_load_idx %arg16[%add3A_318, %broadcast_in_dim3A_976] : memref<320x40xf32, #tpu.memory_space<vmem>>[vector<16xi32>, vector<16xi32>], vector<16xf32>,
      %gather3A_978 = tpu.vector_load_idx %arg17[%add3A_318, %broadcast_in_dim3A_976] : memref<320x40xf32, #tpu.memory_space<vmem>>[vector<16xi32>, vector<16xi32>], vector<16xf32>,
      %add3A_979 = arith.addf %gather3A_977, %gather3A_978 : vector<16xf32>
      %gather3A_980 = tpu.vector_load_idx %arg18[%add3A_318, %broadcast_in_dim3A_976] : memref<320x32xf32, #tpu.memory_space<vmem>>[vector<16xi32>, vector<16xi32>], vector<16xf32>,
      %mul3A_981 = arith.mulf %add3A_979, %div3A_325 : vector<16xf32>
      %add3A_982 = arith.addf %mul3A_981, %gather3A_980 : vector<16xf32>
      %max3A_983 = arith.constant 0.000000e+00 : f32
      %max3A_984 = vector.broadcast %max3A_983 : f32 to vector<16xf32>
      %max3A_985 = arith.maximumf %add3A_982, %max3A_984 : vector<16xf32>
      %get3A_986 = arith.constant 28 : i32
      %get3A_987 = arith.index_cast %get3A_986 : i32 to index
      %get3A_988 = arith.constant 0 : index
      %get3A_989 = tpu.vector_load %arg27[%get3A_987, %get3A_988] {strides = array<i32>} : memref<65x16xf32, #tpu.memory_space<vmem>>, vector<16xf32>,
      %mul3A_990 = arith.mulf %max3A_985, %get3A_989 : vector<16xf32>
      %add3A_991 = arith.addf %add3A_968, %mul3A_990 : vector<16xf32>
      %get3A_992 = arith.constant 60 : i32
      %get3A_993 = arith.index_cast %get3A_992 : i32 to index
      %get3A_994 = arith.constant 0 : index
      %get3A_995 = tpu.vector_load %arg27[%get3A_993, %get3A_994] {strides = array<i32>} : memref<65x16xf32, #tpu.memory_space<vmem>>, vector<16xf32>,
      %mul3A_996 = arith.mulf %max3A_985, %get3A_995 : vector<16xf32>
      %add3A_997 = arith.addf %add3A_974, %mul3A_996 : vector<16xf32>
      %broadcast_in_dim3A_998 = arith.constant 29 : i32
      %broadcast_in_dim3A_999 = vector.broadcast %broadcast_in_dim3A_998 : i32 to vector<16xi32>
      %gather3A_1000 = tpu.vector_load_idx %arg16[%add3A_318, %broadcast_in_dim3A_999] : memref<320x40xf32, #tpu.memory_space<vmem>>[vector<16xi32>, vector<16xi32>], vector<16xf32>,
      %gather3A_1001 = tpu.vector_load_idx %arg17[%add3A_318, %broadcast_in_dim3A_999] : memref<320x40xf32, #tpu.memory_space<vmem>>[vector<16xi32>, vector<16xi32>], vector<16xf32>,
      %add3A_1002 = arith.addf %gather3A_1000, %gather3A_1001 : vector<16xf32>
      %gather3A_1003 = tpu.vector_load_idx %arg18[%add3A_318, %broadcast_in_dim3A_999] : memref<320x32xf32, #tpu.memory_space<vmem>>[vector<16xi32>, vector<16xi32>], vector<16xf32>,
      %mul3A_1004 = arith.mulf %add3A_1002, %div3A_325 : vector<16xf32>
      %add3A_1005 = arith.addf %mul3A_1004, %gather3A_1003 : vector<16xf32>
      %max3A_1006 = arith.constant 0.000000e+00 : f32
      %max3A_1007 = vector.broadcast %max3A_1006 : f32 to vector<16xf32>
      %max3A_1008 = arith.maximumf %add3A_1005, %max3A_1007 : vector<16xf32>
      %get3A_1009 = arith.constant 29 : i32
      %get3A_1010 = arith.index_cast %get3A_1009 : i32 to index
      %get3A_1011 = arith.constant 0 : index
      %get3A_1012 = tpu.vector_load %arg27[%get3A_1010, %get3A_1011] {strides = array<i32>} : memref<65x16xf32, #tpu.memory_space<vmem>>, vector<16xf32>,
      %mul3A_1013 = arith.mulf %max3A_1008, %get3A_1012 : vector<16xf32>
      %add3A_1014 = arith.addf %add3A_991, %mul3A_1013 : vector<16xf32>
      %get3A_1015 = arith.constant 61 : i32
      %get3A_1016 = arith.index_cast %get3A_1015 : i32 to index
      %get3A_1017 = arith.constant 0 : index
      %get3A_1018 = tpu.vector_load %arg27[%get3A_1016, %get3A_1017] {strides = array<i32>} : memref<65x16xf32, #tpu.memory_space<vmem>>, vector<16xf32>,
      %mul3A_1019 = arith.mulf %max3A_1008, %get3A_1018 : vector<16xf32>
      %add3A_1020 = arith.addf %add3A_997, %mul3A_1019 : vector<16xf32>
      %broadcast_in_dim3A_1021 = arith.constant 30 : i32
      %broadcast_in_dim3A_1022 = vector.broadcast %broadcast_in_dim3A_1021 : i32 to vector<16xi32>
      %gather3A_1023 = tpu.vector_load_idx %arg16[%add3A_318, %broadcast_in_dim3A_1022] : memref<320x40xf32, #tpu.memory_space<vmem>>[vector<16xi32>, vector<16xi32>], vector<16xf32>,
      %gather3A_1024 = tpu.vector_load_idx %arg17[%add3A_318, %broadcast_in_dim3A_1022] : memref<320x40xf32, #tpu.memory_space<vmem>>[vector<16xi32>, vector<16xi32>], vector<16xf32>,
      %add3A_1025 = arith.addf %gather3A_1023, %gather3A_1024 : vector<16xf32>
      %gather3A_1026 = tpu.vector_load_idx %arg18[%add3A_318, %broadcast_in_dim3A_1022] : memref<320x32xf32, #tpu.memory_space<vmem>>[vector<16xi32>, vector<16xi32>], vector<16xf32>,
      %mul3A_1027 = arith.mulf %add3A_1025, %div3A_325 : vector<16xf32>
      %add3A_1028 = arith.addf %mul3A_1027, %gather3A_1026 : vector<16xf32>
      %max3A_1029 = arith.constant 0.000000e+00 : f32
      %max3A_1030 = vector.broadcast %max3A_1029 : f32 to vector<16xf32>
      %max3A_1031 = arith.maximumf %add3A_1028, %max3A_1030 : vector<16xf32>
      %get3A_1032 = arith.constant 30 : i32
      %get3A_1033 = arith.index_cast %get3A_1032 : i32 to index
      %get3A_1034 = arith.constant 0 : index
      %get3A_1035 = tpu.vector_load %arg27[%get3A_1033, %get3A_1034] {strides = array<i32>} : memref<65x16xf32, #tpu.memory_space<vmem>>, vector<16xf32>,
      %mul3A_1036 = arith.mulf %max3A_1031, %get3A_1035 : vector<16xf32>
      %add3A_1037 = arith.addf %add3A_1014, %mul3A_1036 : vector<16xf32>
      %get3A_1038 = arith.constant 62 : i32
      %get3A_1039 = arith.index_cast %get3A_1038 : i32 to index
      %get3A_1040 = arith.constant 0 : index
      %get3A_1041 = tpu.vector_load %arg27[%get3A_1039, %get3A_1040] {strides = array<i32>} : memref<65x16xf32, #tpu.memory_space<vmem>>, vector<16xf32>,
      %mul3A_1042 = arith.mulf %max3A_1031, %get3A_1041 : vector<16xf32>
      %add3A_1043 = arith.addf %add3A_1020, %mul3A_1042 : vector<16xf32>
      %broadcast_in_dim3A_1044 = arith.constant 31 : i32
      %broadcast_in_dim3A_1045 = vector.broadcast %broadcast_in_dim3A_1044 : i32 to vector<16xi32>
      %gather3A_1046 = tpu.vector_load_idx %arg16[%add3A_318, %broadcast_in_dim3A_1045] : memref<320x40xf32, #tpu.memory_space<vmem>>[vector<16xi32>, vector<16xi32>], vector<16xf32>,
      %gather3A_1047 = tpu.vector_load_idx %arg17[%add3A_318, %broadcast_in_dim3A_1045] : memref<320x40xf32, #tpu.memory_space<vmem>>[vector<16xi32>, vector<16xi32>], vector<16xf32>,
      %add3A_1048 = arith.addf %gather3A_1046, %gather3A_1047 : vector<16xf32>
      %gather3A_1049 = tpu.vector_load_idx %arg18[%add3A_318, %broadcast_in_dim3A_1045] : memref<320x32xf32, #tpu.memory_space<vmem>>[vector<16xi32>, vector<16xi32>], vector<16xf32>,
      %mul3A_1050 = arith.mulf %add3A_1048, %div3A_325 : vector<16xf32>
      %add3A_1051 = arith.addf %mul3A_1050, %gather3A_1049 : vector<16xf32>
      %max3A_1052 = arith.constant 0.000000e+00 : f32
      %max3A_1053 = vector.broadcast %max3A_1052 : f32 to vector<16xf32>
      %max3A_1054 = arith.maximumf %add3A_1051, %max3A_1053 : vector<16xf32>
      %get3A_1055 = arith.constant 31 : i32
      %get3A_1056 = arith.index_cast %get3A_1055 : i32 to index
      %get3A_1057 = arith.constant 0 : index
      %get3A_1058 = tpu.vector_load %arg27[%get3A_1056, %get3A_1057] {strides = array<i32>} : memref<65x16xf32, #tpu.memory_space<vmem>>, vector<16xf32>,
      %mul3A_1059 = arith.mulf %max3A_1054, %get3A_1058 : vector<16xf32>
      %add3A_1060 = arith.addf %add3A_1037, %mul3A_1059 : vector<16xf32>
      %get3A_1061 = arith.constant 63 : i32
      %get3A_1062 = arith.index_cast %get3A_1061 : i32 to index
      %get3A_1063 = arith.constant 0 : index
      %get3A_1064 = tpu.vector_load %arg27[%get3A_1062, %get3A_1063] {strides = array<i32>} : memref<65x16xf32, #tpu.memory_space<vmem>>, vector<16xf32>,
      %mul3A_1065 = arith.mulf %max3A_1054, %get3A_1064 : vector<16xf32>
      %add3A_1066 = arith.addf %add3A_1043, %mul3A_1065 : vector<16xf32>
      %swap3A = arith.index_cast %mul3A_316 : i32 to index
      %swap3A_1067 = tpu.vector_load %arg19[%swap3A] {strides = array<i32>} : memref<320xf32, #tpu.memory_space<vmem>>, vector<16xf32>,
      tpu.vector_store %arg19[%swap3A], %add3A_1060 {strides = array<i32>} : memref<320xf32, #tpu.memory_space<vmem>>, vector<16xf32>,
      %swap3A_1068 = arith.index_cast %mul3A_316 : i32 to index
      %swap3A_1069 = tpu.vector_load %arg20[%swap3A_1068] {strides = array<i32>} : memref<320xf32, #tpu.memory_space<vmem>>, vector<16xf32>,
      tpu.vector_store %arg20[%swap3A_1068], %add3A_1066 {strides = array<i32>} : memref<320xf32, #tpu.memory_space<vmem>>, vector<16xf32>,
      %swap3A_1070 = arith.index_cast %mul3A_316 : i32 to index
      %swap3A_1071 = tpu.vector_load %arg21[%swap3A_1070] {strides = array<i32>} : memref<320xf32, #tpu.memory_space<vmem>>, vector<16xf32>,
      tpu.vector_store %arg21[%swap3A_1070], %div3A_325 {strides = array<i32>} : memref<320xf32, #tpu.memory_space<vmem>>, vector<16xf32>,
    }
    %scan3A_174 = arith.constant 20 : i32
    "tpu.region"() ({
      %run_scoped3A = tpu.sem_alloc : memref<!tpu.dma_semaphore, #tpu.memory_space<semaphore_mem>>
      %dma_start3A_314 = tpu.memref_slice %arg30[%add3A_168] : memref<10240xf32, #tpu.memory_space<vmem_shared>> -> memref<320xf32, #tpu.memory_space<vmem_shared>>
      %dma_start3A_315 = tpu.memref_slice %arg30[%add3A_168] : memref<10240xf32, #tpu.memory_space<vmem_shared>> -> memref<320xf32, #tpu.memory_space<vmem_shared>>
      tpu.enqueue_dma source(%arg19 : memref<320xf32, #tpu.memory_space<vmem>>) target(%dma_start3A_315 : memref<320xf32, #tpu.memory_space<vmem_shared>>) target_semaphore(%run_scoped3A : memref<!tpu.dma_semaphore, #tpu.memory_space<semaphore_mem>>)
      %dma_wait3A_316 = tpu.memref_slice %arg30[%add3A_168] : memref<10240xf32, #tpu.memory_space<vmem_shared>> -> memref<320xf32, #tpu.memory_space<vmem_shared>>
      %dma_wait3A_317 = tpu.memref_slice %arg30[%add3A_168] : memref<10240xf32, #tpu.memory_space<vmem_shared>> -> memref<320xf32, #tpu.memory_space<vmem_shared>>
      tpu.wait_dma2 semaphore(%run_scoped3A : memref<!tpu.dma_semaphore, #tpu.memory_space<semaphore_mem>>) src(%arg19 : memref<320xf32, #tpu.memory_space<vmem>>) dst(%dma_wait3A_317 : memref<320xf32, #tpu.memory_space<vmem_shared>>)
      tpu.yield
    }) : () -> ()
    "tpu.region"() ({
      %run_scoped3A = tpu.sem_alloc : memref<!tpu.dma_semaphore, #tpu.memory_space<semaphore_mem>>
      %dma_start3A_314 = tpu.memref_slice %arg31[%add3A_168] : memref<10240xf32, #tpu.memory_space<vmem_shared>> -> memref<320xf32, #tpu.memory_space<vmem_shared>>
      %dma_start3A_315 = tpu.memref_slice %arg31[%add3A_168] : memref<10240xf32, #tpu.memory_space<vmem_shared>> -> memref<320xf32, #tpu.memory_space<vmem_shared>>
      tpu.enqueue_dma source(%arg20 : memref<320xf32, #tpu.memory_space<vmem>>) target(%dma_start3A_315 : memref<320xf32, #tpu.memory_space<vmem_shared>>) target_semaphore(%run_scoped3A : memref<!tpu.dma_semaphore, #tpu.memory_space<semaphore_mem>>)
      %dma_wait3A_316 = tpu.memref_slice %arg31[%add3A_168] : memref<10240xf32, #tpu.memory_space<vmem_shared>> -> memref<320xf32, #tpu.memory_space<vmem_shared>>
      %dma_wait3A_317 = tpu.memref_slice %arg31[%add3A_168] : memref<10240xf32, #tpu.memory_space<vmem_shared>> -> memref<320xf32, #tpu.memory_space<vmem_shared>>
      tpu.wait_dma2 semaphore(%run_scoped3A : memref<!tpu.dma_semaphore, #tpu.memory_space<semaphore_mem>>) src(%arg20 : memref<320xf32, #tpu.memory_space<vmem>>) dst(%dma_wait3A_317 : memref<320xf32, #tpu.memory_space<vmem_shared>>)
      tpu.yield
    }) : () -> ()
    "tpu.region"() ({
      %run_scoped3A = tpu.sem_alloc : memref<!tpu.dma_semaphore, #tpu.memory_space<semaphore_mem>>
      %dma_start3A_314 = tpu.memref_slice %arg32[%add3A_168] : memref<10240xf32, #tpu.memory_space<vmem_shared>> -> memref<320xf32, #tpu.memory_space<vmem_shared>>
      %dma_start3A_315 = tpu.memref_slice %arg32[%add3A_168] : memref<10240xf32, #tpu.memory_space<vmem_shared>> -> memref<320xf32, #tpu.memory_space<vmem_shared>>
      tpu.enqueue_dma source(%arg21 : memref<320xf32, #tpu.memory_space<vmem>>) target(%dma_start3A_315 : memref<320xf32, #tpu.memory_space<vmem_shared>>) target_semaphore(%run_scoped3A : memref<!tpu.dma_semaphore, #tpu.memory_space<semaphore_mem>>)
      %dma_wait3A_316 = tpu.memref_slice %arg32[%add3A_168] : memref<10240xf32, #tpu.memory_space<vmem_shared>> -> memref<320xf32, #tpu.memory_space<vmem_shared>>
      %dma_wait3A_317 = tpu.memref_slice %arg32[%add3A_168] : memref<10240xf32, #tpu.memory_space<vmem_shared>> -> memref<320xf32, #tpu.memory_space<vmem_shared>>
      tpu.wait_dma2 semaphore(%run_scoped3A : memref<!tpu.dma_semaphore, #tpu.memory_space<semaphore_mem>>) src(%arg21 : memref<320xf32, #tpu.memory_space<vmem>>) dst(%dma_wait3A_317 : memref<320xf32, #tpu.memory_space<vmem_shared>>)
      tpu.yield
    }) : () -> ()
    %barrier3A_175 = arith.constant 0 : index
    tpu.barrier barrier_id(%barrier3A_175)
    %dma_start3A_176 = arith.constant 0 : i32
    %dma_start3A_177 = arith.constant 0 : i32
    %dma_start3A_178 = arith.constant 0 : i32
    %dma_start3A_179 = tpu.memref_slice %arg15[%dma_start3A_177, %dma_start3A_178] : memref<8x80xf32, #tpu.memory_space<vmem>> -> memref<1x80xf32, #tpu.memory_space<vmem>>
    %dma_start3A_180 = tpu.memref_squeeze %dma_start3A_179 : memref<1x80xf32, #tpu.memory_space<vmem>> -> memref<80xf32, #tpu.memory_space<vmem>>
    %dma_start3A_181 = arith.constant 0 : i32
    %dma_start3A_182 = tpu.memref_slice %arg12[%dma_start3A_176, %dma_start3A_181] : memref<128x80xi32, #tpu.memory_space<vmem>> -> memref<1x80xi32, #tpu.memory_space<vmem>>
    %dma_start3A_183 = tpu.memref_squeeze %dma_start3A_182 : memref<1x80xi32, #tpu.memory_space<vmem>> -> memref<80xi32, #tpu.memory_space<vmem>>
    %dma_start3A_184 = arith.constant 0 : i32
    %dma_start3A_185 = tpu.memref_slice %arg30[%dma_start3A_184] : memref<10240xf32, #tpu.memory_space<vmem_shared>> -> memref<10240xf32, #tpu.memory_space<vmem_shared>>
    tpu.enqueue_indirect_dma source(%dma_start3A_185 : memref<10240xf32, #tpu.memory_space<vmem_shared>>) target(%dma_start3A_180 : memref<80xf32, #tpu.memory_space<vmem>>) offsets(%dma_start3A_183 : memref<80xi32, #tpu.memory_space<vmem>>) semaphore(%arg33 : memref<!tpu.dma_semaphore, #tpu.memory_space<semaphore_mem>>)
    %dma_start3A_186 = arith.constant 1 : i32
    %dma_start3A_187 = arith.constant 1 : i32
    %dma_start3A_188 = arith.constant 0 : i32
    %dma_start3A_189 = tpu.memref_slice %arg15[%dma_start3A_187, %dma_start3A_188] : memref<8x80xf32, #tpu.memory_space<vmem>> -> memref<1x80xf32, #tpu.memory_space<vmem>>
    %dma_start3A_190 = tpu.memref_squeeze %dma_start3A_189 : memref<1x80xf32, #tpu.memory_space<vmem>> -> memref<80xf32, #tpu.memory_space<vmem>>
    %dma_start3A_191 = arith.constant 0 : i32
    %dma_start3A_192 = tpu.memref_slice %arg12[%dma_start3A_186, %dma_start3A_191] : memref<128x80xi32, #tpu.memory_space<vmem>> -> memref<1x80xi32, #tpu.memory_space<vmem>>
    %dma_start3A_193 = tpu.memref_squeeze %dma_start3A_192 : memref<1x80xi32, #tpu.memory_space<vmem>> -> memref<80xi32, #tpu.memory_space<vmem>>
    %dma_start3A_194 = arith.constant 0 : i32
    %dma_start3A_195 = tpu.memref_slice %arg30[%dma_start3A_194] : memref<10240xf32, #tpu.memory_space<vmem_shared>> -> memref<10240xf32, #tpu.memory_space<vmem_shared>>
    tpu.enqueue_indirect_dma source(%dma_start3A_195 : memref<10240xf32, #tpu.memory_space<vmem_shared>>) target(%dma_start3A_190 : memref<80xf32, #tpu.memory_space<vmem>>) offsets(%dma_start3A_193 : memref<80xi32, #tpu.memory_space<vmem>>) semaphore(%arg34 : memref<!tpu.dma_semaphore, #tpu.memory_space<semaphore_mem>>)
    %dma_start3A_196 = arith.constant 2 : i32
    %dma_start3A_197 = arith.constant 2 : i32
    %dma_start3A_198 = arith.constant 0 : i32
    %dma_start3A_199 = tpu.memref_slice %arg15[%dma_start3A_197, %dma_start3A_198] : memref<8x80xf32, #tpu.memory_space<vmem>> -> memref<1x80xf32, #tpu.memory_space<vmem>>
    %dma_start3A_200 = tpu.memref_squeeze %dma_start3A_199 : memref<1x80xf32, #tpu.memory_space<vmem>> -> memref<80xf32, #tpu.memory_space<vmem>>
    %dma_start3A_201 = arith.constant 0 : i32
    %dma_start3A_202 = tpu.memref_slice %arg12[%dma_start3A_196, %dma_start3A_201] : memref<128x80xi32, #tpu.memory_space<vmem>> -> memref<1x80xi32, #tpu.memory_space<vmem>>
    %dma_start3A_203 = tpu.memref_squeeze %dma_start3A_202 : memref<1x80xi32, #tpu.memory_space<vmem>> -> memref<80xi32, #tpu.memory_space<vmem>>
    %dma_start3A_204 = arith.constant 0 : i32
    %dma_start3A_205 = tpu.memref_slice %arg30[%dma_start3A_204] : memref<10240xf32, #tpu.memory_space<vmem_shared>> -> memref<10240xf32, #tpu.memory_space<vmem_shared>>
    tpu.enqueue_indirect_dma source(%dma_start3A_205 : memref<10240xf32, #tpu.memory_space<vmem_shared>>) target(%dma_start3A_200 : memref<80xf32, #tpu.memory_space<vmem>>) offsets(%dma_start3A_203 : memref<80xi32, #tpu.memory_space<vmem>>) semaphore(%arg35 : memref<!tpu.dma_semaphore, #tpu.memory_space<semaphore_mem>>)
    %dma_start3A_206 = arith.constant 3 : i32
    %dma_start3A_207 = arith.constant 3 : i32
    %dma_start3A_208 = arith.constant 0 : i32
    %dma_start3A_209 = tpu.memref_slice %arg15[%dma_start3A_207, %dma_start3A_208] : memref<8x80xf32, #tpu.memory_space<vmem>> -> memref<1x80xf32, #tpu.memory_space<vmem>>
    %dma_start3A_210 = tpu.memref_squeeze %dma_start3A_209 : memref<1x80xf32, #tpu.memory_space<vmem>> -> memref<80xf32, #tpu.memory_space<vmem>>
    %dma_start3A_211 = arith.constant 0 : i32
    %dma_start3A_212 = tpu.memref_slice %arg12[%dma_start3A_206, %dma_start3A_211] : memref<128x80xi32, #tpu.memory_space<vmem>> -> memref<1x80xi32, #tpu.memory_space<vmem>>
    %dma_start3A_213 = tpu.memref_squeeze %dma_start3A_212 : memref<1x80xi32, #tpu.memory_space<vmem>> -> memref<80xi32, #tpu.memory_space<vmem>>
    %dma_start3A_214 = arith.constant 0 : i32
    %dma_start3A_215 = tpu.memref_slice %arg30[%dma_start3A_214] : memref<10240xf32, #tpu.memory_space<vmem_shared>> -> memref<10240xf32, #tpu.memory_space<vmem_shared>>
    tpu.enqueue_indirect_dma source(%dma_start3A_215 : memref<10240xf32, #tpu.memory_space<vmem_shared>>) target(%dma_start3A_210 : memref<80xf32, #tpu.memory_space<vmem>>) offsets(%dma_start3A_213 : memref<80xi32, #tpu.memory_space<vmem>>) semaphore(%arg36 : memref<!tpu.dma_semaphore, #tpu.memory_space<semaphore_mem>>)
    %scan3A_216 = arith.constant 0 : i32
    %scan3A_217 = arith.constant 0 : i32
    %scan3A_218 = arith.constant 16 : i32
    %scan3A_219 = arith.addi %scan3A_217, %scan3A_218 : i32
    %scan3A_220 = arith.constant 1 : i32
    scf.for %scan3A_314 = %scan3A_217 to %scan3A_219 step %scan3A_220  : i32 {
      %mul3A_315 = arith.constant 8 : i32
      %mul3A_316 = arith.muli %scan3A_314, %mul3A_315 : i32
      %add3A_317 = arith.constant 0 : i32
      %add3A_318 = arith.addi %mul3A_316, %add3A_317 : i32
      %dma_wait3A_319 = arith.constant 0 : i32
      %dma_wait3A_320 = arith.constant 0 : i32
      %dma_wait3A_321 = tpu.memref_slice %arg15[%dma_wait3A_319, %dma_wait3A_320] : memref<8x80xf32, #tpu.memory_space<vmem>> -> memref<1x80xf32, #tpu.memory_space<vmem>>
      %dma_wait3A_322 = tpu.memref_squeeze %dma_wait3A_321 : memref<1x80xf32, #tpu.memory_space<vmem>> -> memref<80xf32, #tpu.memory_space<vmem>>
      %dma_wait3A_323 = arith.constant 0 : i32
      %dma_wait3A_324 = tpu.memref_slice %arg12[%add3A_318, %dma_wait3A_323] : memref<128x80xi32, #tpu.memory_space<vmem>> -> memref<1x80xi32, #tpu.memory_space<vmem>>
      %dma_wait3A_325 = tpu.memref_squeeze %dma_wait3A_324 : memref<1x80xi32, #tpu.memory_space<vmem>> -> memref<80xi32, #tpu.memory_space<vmem>>
      %dma_wait3A_326 = arith.constant 0 : i32
      %dma_wait3A_327 = tpu.memref_slice %arg30[%dma_wait3A_326] : memref<10240xf32, #tpu.memory_space<vmem_shared>> -> memref<10240xf32, #tpu.memory_space<vmem_shared>>
      tpu.wait_indirect_dma semaphore(%arg33 : memref<!tpu.dma_semaphore, #tpu.memory_space<semaphore_mem>>) src(%dma_wait3A_327 : memref<10240xf32, #tpu.memory_space<vmem_shared>>) dst(%dma_wait3A_322 : memref<80xf32, #tpu.memory_space<vmem>>)
      %dma_start3A_328 = arith.constant 0 : i32
      %dma_start3A_329 = arith.constant 0 : i32
      %dma_start3A_330 = tpu.memref_slice %arg15[%dma_start3A_328, %dma_start3A_329] : memref<8x80xf32, #tpu.memory_space<vmem>> -> memref<1x80xf32, #tpu.memory_space<vmem>>
      %dma_start3A_331 = tpu.memref_squeeze %dma_start3A_330 : memref<1x80xf32, #tpu.memory_space<vmem>> -> memref<80xf32, #tpu.memory_space<vmem>>
      %dma_start3A_332 = arith.constant 0 : i32
      %dma_start3A_333 = tpu.memref_slice %arg13[%add3A_318, %dma_start3A_332] : memref<128x80xi32, #tpu.memory_space<vmem>> -> memref<1x80xi32, #tpu.memory_space<vmem>>
      %dma_start3A_334 = tpu.memref_squeeze %dma_start3A_333 : memref<1x80xi32, #tpu.memory_space<vmem>> -> memref<80xi32, #tpu.memory_space<vmem>>
      %dma_start3A_335 = arith.constant 0 : i32
      %dma_start3A_336 = tpu.memref_slice %arg29[%dma_start3A_335] : memref<10240xf32, #tpu.memory_space<vmem_shared>> -> memref<10240xf32, #tpu.memory_space<vmem_shared>>
      tpu.enqueue_indirect_dma source(%dma_start3A_331 : memref<80xf32, #tpu.memory_space<vmem>>) target(%dma_start3A_336 : memref<10240xf32, #tpu.memory_space<vmem_shared>>) offsets(%dma_start3A_334 : memref<80xi32, #tpu.memory_space<vmem>>) semaphore(%arg41 : memref<!tpu.dma_semaphore, #tpu.memory_space<semaphore_mem>>) {add = true}
      %add3A_337 = arith.constant 4 : i32
      %add3A_338 = arith.addi %add3A_318, %add3A_337 : i32
      %lt3A = arith.constant 128 : i32
      %lt3A_339 = arith.cmpi slt, %add3A_338, %lt3A : i32
      %ge3A = arith.constant 4 : i32
      %ge3A_340 = arith.cmpi sge, %add3A_318, %ge3A : i32
      %and3A = arith.andi %lt3A_339, %ge3A_340 : i1
      %convert_element_type3A_341 = arith.extui %and3A : i1 to i32
      %cond3A_342 = arith.constant 0 : i32
      %cond3A_343 = arith.cmpi ne, %convert_element_type3A_341, %cond3A_342 : i32
      scf.if %cond3A_343 {
        %dma_wait3A_608 = arith.constant 4 : i32
        %dma_wait3A_609 = arith.constant 0 : i32
        %dma_wait3A_610 = arith.constant 0 : i32
        %dma_wait3A_611 = tpu.memref_slice %arg15[%dma_wait3A_608, %dma_wait3A_610] : memref<8x80xf32, #tpu.memory_space<vmem>> -> memref<1x80xf32, #tpu.memory_space<vmem>>
        %dma_wait3A_612 = tpu.memref_squeeze %dma_wait3A_611 : memref<1x80xf32, #tpu.memory_space<vmem>> -> memref<80xf32, #tpu.memory_space<vmem>>
        %dma_wait3A_613 = arith.constant 0 : i32
        %dma_wait3A_614 = tpu.memref_slice %arg13[%dma_wait3A_609, %dma_wait3A_613] : memref<128x80xi32, #tpu.memory_space<vmem>> -> memref<1x80xi32, #tpu.memory_space<vmem>>
        %dma_wait3A_615 = tpu.memref_squeeze %dma_wait3A_614 : memref<1x80xi32, #tpu.memory_space<vmem>> -> memref<80xi32, #tpu.memory_space<vmem>>
        %dma_wait3A_616 = arith.constant 0 : i32
        %dma_wait3A_617 = tpu.memref_slice %arg29[%dma_wait3A_616] : memref<10240xf32, #tpu.memory_space<vmem_shared>> -> memref<10240xf32, #tpu.memory_space<vmem_shared>>
        tpu.wait_indirect_dma semaphore(%arg45 : memref<!tpu.dma_semaphore, #tpu.memory_space<semaphore_mem>>) src(%dma_wait3A_612 : memref<80xf32, #tpu.memory_space<vmem>>) dst(%dma_wait3A_617 : memref<10240xf32, #tpu.memory_space<vmem_shared>>)
      } else {
      }
      %lt3A_344 = arith.constant 128 : i32
      %lt3A_345 = arith.cmpi slt, %add3A_338, %lt3A_344 : i32
      %convert_element_type3A_346 = arith.extui %lt3A_345 : i1 to i32
      %cond3A_347 = arith.constant 0 : i32
      %cond3A_348 = arith.cmpi ne, %convert_element_type3A_346, %cond3A_347 : i32
      scf.if %cond3A_348 {
        %dma_start3A_608 = arith.constant 4 : i32
        %dma_start3A_609 = arith.constant 0 : i32
        %dma_start3A_610 = tpu.memref_slice %arg15[%dma_start3A_608, %dma_start3A_609] : memref<8x80xf32, #tpu.memory_space<vmem>> -> memref<1x80xf32, #tpu.memory_space<vmem>>
        %dma_start3A_611 = tpu.memref_squeeze %dma_start3A_610 : memref<1x80xf32, #tpu.memory_space<vmem>> -> memref<80xf32, #tpu.memory_space<vmem>>
        %dma_start3A_612 = arith.constant 0 : i32
        %dma_start3A_613 = tpu.memref_slice %arg12[%add3A_338, %dma_start3A_612] : memref<128x80xi32, #tpu.memory_space<vmem>> -> memref<1x80xi32, #tpu.memory_space<vmem>>
        %dma_start3A_614 = tpu.memref_squeeze %dma_start3A_613 : memref<1x80xi32, #tpu.memory_space<vmem>> -> memref<80xi32, #tpu.memory_space<vmem>>
        %dma_start3A_615 = arith.constant 0 : i32
        %dma_start3A_616 = tpu.memref_slice %arg30[%dma_start3A_615] : memref<10240xf32, #tpu.memory_space<vmem_shared>> -> memref<10240xf32, #tpu.memory_space<vmem_shared>>
        tpu.enqueue_indirect_dma source(%dma_start3A_616 : memref<10240xf32, #tpu.memory_space<vmem_shared>>) target(%dma_start3A_611 : memref<80xf32, #tpu.memory_space<vmem>>) offsets(%dma_start3A_614 : memref<80xi32, #tpu.memory_space<vmem>>) semaphore(%arg37 : memref<!tpu.dma_semaphore, #tpu.memory_space<semaphore_mem>>)
      } else {
      }
      %mul3A_349 = arith.constant 8 : i32
      %mul3A_350 = arith.muli %scan3A_314, %mul3A_349 : i32
      %add3A_351 = arith.constant 1 : i32
      %add3A_352 = arith.addi %mul3A_350, %add3A_351 : i32
      %dma_wait3A_353 = arith.constant 1 : i32
      %dma_wait3A_354 = arith.constant 0 : i32
      %dma_wait3A_355 = tpu.memref_slice %arg15[%dma_wait3A_353, %dma_wait3A_354] : memref<8x80xf32, #tpu.memory_space<vmem>> -> memref<1x80xf32, #tpu.memory_space<vmem>>
      %dma_wait3A_356 = tpu.memref_squeeze %dma_wait3A_355 : memref<1x80xf32, #tpu.memory_space<vmem>> -> memref<80xf32, #tpu.memory_space<vmem>>
      %dma_wait3A_357 = arith.constant 0 : i32
      %dma_wait3A_358 = tpu.memref_slice %arg12[%add3A_352, %dma_wait3A_357] : memref<128x80xi32, #tpu.memory_space<vmem>> -> memref<1x80xi32, #tpu.memory_space<vmem>>
      %dma_wait3A_359 = tpu.memref_squeeze %dma_wait3A_358 : memref<1x80xi32, #tpu.memory_space<vmem>> -> memref<80xi32, #tpu.memory_space<vmem>>
      %dma_wait3A_360 = arith.constant 0 : i32
      %dma_wait3A_361 = tpu.memref_slice %arg30[%dma_wait3A_360] : memref<10240xf32, #tpu.memory_space<vmem_shared>> -> memref<10240xf32, #tpu.memory_space<vmem_shared>>
      tpu.wait_indirect_dma semaphore(%arg34 : memref<!tpu.dma_semaphore, #tpu.memory_space<semaphore_mem>>) src(%dma_wait3A_361 : memref<10240xf32, #tpu.memory_space<vmem_shared>>) dst(%dma_wait3A_356 : memref<80xf32, #tpu.memory_space<vmem>>)
      %dma_start3A_362 = arith.constant 1 : i32
      %dma_start3A_363 = arith.constant 0 : i32
      %dma_start3A_364 = tpu.memref_slice %arg15[%dma_start3A_362, %dma_start3A_363] : memref<8x80xf32, #tpu.memory_space<vmem>> -> memref<1x80xf32, #tpu.memory_space<vmem>>
      %dma_start3A_365 = tpu.memref_squeeze %dma_start3A_364 : memref<1x80xf32, #tpu.memory_space<vmem>> -> memref<80xf32, #tpu.memory_space<vmem>>
      %dma_start3A_366 = arith.constant 0 : i32
      %dma_start3A_367 = tpu.memref_slice %arg13[%add3A_352, %dma_start3A_366] : memref<128x80xi32, #tpu.memory_space<vmem>> -> memref<1x80xi32, #tpu.memory_space<vmem>>
      %dma_start3A_368 = tpu.memref_squeeze %dma_start3A_367 : memref<1x80xi32, #tpu.memory_space<vmem>> -> memref<80xi32, #tpu.memory_space<vmem>>
      %dma_start3A_369 = arith.constant 0 : i32
      %dma_start3A_370 = tpu.memref_slice %arg29[%dma_start3A_369] : memref<10240xf32, #tpu.memory_space<vmem_shared>> -> memref<10240xf32, #tpu.memory_space<vmem_shared>>
      tpu.enqueue_indirect_dma source(%dma_start3A_365 : memref<80xf32, #tpu.memory_space<vmem>>) target(%dma_start3A_370 : memref<10240xf32, #tpu.memory_space<vmem_shared>>) offsets(%dma_start3A_368 : memref<80xi32, #tpu.memory_space<vmem>>) semaphore(%arg42 : memref<!tpu.dma_semaphore, #tpu.memory_space<semaphore_mem>>) {add = true}
      %add3A_371 = arith.constant 4 : i32
      %add3A_372 = arith.addi %add3A_352, %add3A_371 : i32
      %lt3A_373 = arith.constant 128 : i32
      %lt3A_374 = arith.cmpi slt, %add3A_372, %lt3A_373 : i32
      %ge3A_375 = arith.constant 4 : i32
      %ge3A_376 = arith.cmpi sge, %add3A_352, %ge3A_375 : i32
      %and3A_377 = arith.andi %lt3A_374, %ge3A_376 : i1
      %convert_element_type3A_378 = arith.extui %and3A_377 : i1 to i32
      %cond3A_379 = arith.constant 0 : i32
      %cond3A_380 = arith.cmpi ne, %convert_element_type3A_378, %cond3A_379 : i32
      scf.if %cond3A_380 {
        %dma_wait3A_608 = arith.constant 5 : i32
        %dma_wait3A_609 = arith.constant 0 : i32
        %dma_wait3A_610 = arith.constant 0 : i32
        %dma_wait3A_611 = tpu.memref_slice %arg15[%dma_wait3A_608, %dma_wait3A_610] : memref<8x80xf32, #tpu.memory_space<vmem>> -> memref<1x80xf32, #tpu.memory_space<vmem>>
        %dma_wait3A_612 = tpu.memref_squeeze %dma_wait3A_611 : memref<1x80xf32, #tpu.memory_space<vmem>> -> memref<80xf32, #tpu.memory_space<vmem>>
        %dma_wait3A_613 = arith.constant 0 : i32
        %dma_wait3A_614 = tpu.memref_slice %arg13[%dma_wait3A_609, %dma_wait3A_613] : memref<128x80xi32, #tpu.memory_space<vmem>> -> memref<1x80xi32, #tpu.memory_space<vmem>>
        %dma_wait3A_615 = tpu.memref_squeeze %dma_wait3A_614 : memref<1x80xi32, #tpu.memory_space<vmem>> -> memref<80xi32, #tpu.memory_space<vmem>>
        %dma_wait3A_616 = arith.constant 0 : i32
        %dma_wait3A_617 = tpu.memref_slice %arg29[%dma_wait3A_616] : memref<10240xf32, #tpu.memory_space<vmem_shared>> -> memref<10240xf32, #tpu.memory_space<vmem_shared>>
        tpu.wait_indirect_dma semaphore(%arg46 : memref<!tpu.dma_semaphore, #tpu.memory_space<semaphore_mem>>) src(%dma_wait3A_612 : memref<80xf32, #tpu.memory_space<vmem>>) dst(%dma_wait3A_617 : memref<10240xf32, #tpu.memory_space<vmem_shared>>)
      } else {
      }
      %lt3A_381 = arith.constant 128 : i32
      %lt3A_382 = arith.cmpi slt, %add3A_372, %lt3A_381 : i32
      %convert_element_type3A_383 = arith.extui %lt3A_382 : i1 to i32
      %cond3A_384 = arith.constant 0 : i32
      %cond3A_385 = arith.cmpi ne, %convert_element_type3A_383, %cond3A_384 : i32
      scf.if %cond3A_385 {
        %dma_start3A_608 = arith.constant 5 : i32
        %dma_start3A_609 = arith.constant 0 : i32
        %dma_start3A_610 = tpu.memref_slice %arg15[%dma_start3A_608, %dma_start3A_609] : memref<8x80xf32, #tpu.memory_space<vmem>> -> memref<1x80xf32, #tpu.memory_space<vmem>>
        %dma_start3A_611 = tpu.memref_squeeze %dma_start3A_610 : memref<1x80xf32, #tpu.memory_space<vmem>> -> memref<80xf32, #tpu.memory_space<vmem>>
        %dma_start3A_612 = arith.constant 0 : i32
        %dma_start3A_613 = tpu.memref_slice %arg12[%add3A_372, %dma_start3A_612] : memref<128x80xi32, #tpu.memory_space<vmem>> -> memref<1x80xi32, #tpu.memory_space<vmem>>
        %dma_start3A_614 = tpu.memref_squeeze %dma_start3A_613 : memref<1x80xi32, #tpu.memory_space<vmem>> -> memref<80xi32, #tpu.memory_space<vmem>>
        %dma_start3A_615 = arith.constant 0 : i32
        %dma_start3A_616 = tpu.memref_slice %arg30[%dma_start3A_615] : memref<10240xf32, #tpu.memory_space<vmem_shared>> -> memref<10240xf32, #tpu.memory_space<vmem_shared>>
        tpu.enqueue_indirect_dma source(%dma_start3A_616 : memref<10240xf32, #tpu.memory_space<vmem_shared>>) target(%dma_start3A_611 : memref<80xf32, #tpu.memory_space<vmem>>) offsets(%dma_start3A_614 : memref<80xi32, #tpu.memory_space<vmem>>) semaphore(%arg38 : memref<!tpu.dma_semaphore, #tpu.memory_space<semaphore_mem>>)
      } else {
      }
      %mul3A_386 = arith.constant 8 : i32
      %mul3A_387 = arith.muli %scan3A_314, %mul3A_386 : i32
      %add3A_388 = arith.constant 2 : i32
      %add3A_389 = arith.addi %mul3A_387, %add3A_388 : i32
      %dma_wait3A_390 = arith.constant 2 : i32
      %dma_wait3A_391 = arith.constant 0 : i32
      %dma_wait3A_392 = tpu.memref_slice %arg15[%dma_wait3A_390, %dma_wait3A_391] : memref<8x80xf32, #tpu.memory_space<vmem>> -> memref<1x80xf32, #tpu.memory_space<vmem>>
      %dma_wait3A_393 = tpu.memref_squeeze %dma_wait3A_392 : memref<1x80xf32, #tpu.memory_space<vmem>> -> memref<80xf32, #tpu.memory_space<vmem>>
      %dma_wait3A_394 = arith.constant 0 : i32
      %dma_wait3A_395 = tpu.memref_slice %arg12[%add3A_389, %dma_wait3A_394] : memref<128x80xi32, #tpu.memory_space<vmem>> -> memref<1x80xi32, #tpu.memory_space<vmem>>
      %dma_wait3A_396 = tpu.memref_squeeze %dma_wait3A_395 : memref<1x80xi32, #tpu.memory_space<vmem>> -> memref<80xi32, #tpu.memory_space<vmem>>
      %dma_wait3A_397 = arith.constant 0 : i32
      %dma_wait3A_398 = tpu.memref_slice %arg30[%dma_wait3A_397] : memref<10240xf32, #tpu.memory_space<vmem_shared>> -> memref<10240xf32, #tpu.memory_space<vmem_shared>>
      tpu.wait_indirect_dma semaphore(%arg35 : memref<!tpu.dma_semaphore, #tpu.memory_space<semaphore_mem>>) src(%dma_wait3A_398 : memref<10240xf32, #tpu.memory_space<vmem_shared>>) dst(%dma_wait3A_393 : memref<80xf32, #tpu.memory_space<vmem>>)
      %dma_start3A_399 = arith.constant 2 : i32
      %dma_start3A_400 = arith.constant 0 : i32
      %dma_start3A_401 = tpu.memref_slice %arg15[%dma_start3A_399, %dma_start3A_400] : memref<8x80xf32, #tpu.memory_space<vmem>> -> memref<1x80xf32, #tpu.memory_space<vmem>>
      %dma_start3A_402 = tpu.memref_squeeze %dma_start3A_401 : memref<1x80xf32, #tpu.memory_space<vmem>> -> memref<80xf32, #tpu.memory_space<vmem>>
      %dma_start3A_403 = arith.constant 0 : i32
      %dma_start3A_404 = tpu.memref_slice %arg13[%add3A_389, %dma_start3A_403] : memref<128x80xi32, #tpu.memory_space<vmem>> -> memref<1x80xi32, #tpu.memory_space<vmem>>
      %dma_start3A_405 = tpu.memref_squeeze %dma_start3A_404 : memref<1x80xi32, #tpu.memory_space<vmem>> -> memref<80xi32, #tpu.memory_space<vmem>>
      %dma_start3A_406 = arith.constant 0 : i32
      %dma_start3A_407 = tpu.memref_slice %arg29[%dma_start3A_406] : memref<10240xf32, #tpu.memory_space<vmem_shared>> -> memref<10240xf32, #tpu.memory_space<vmem_shared>>
      tpu.enqueue_indirect_dma source(%dma_start3A_402 : memref<80xf32, #tpu.memory_space<vmem>>) target(%dma_start3A_407 : memref<10240xf32, #tpu.memory_space<vmem_shared>>) offsets(%dma_start3A_405 : memref<80xi32, #tpu.memory_space<vmem>>) semaphore(%arg43 : memref<!tpu.dma_semaphore, #tpu.memory_space<semaphore_mem>>) {add = true}
      %add3A_408 = arith.constant 4 : i32
      %add3A_409 = arith.addi %add3A_389, %add3A_408 : i32
      %lt3A_410 = arith.constant 128 : i32
      %lt3A_411 = arith.cmpi slt, %add3A_409, %lt3A_410 : i32
      %ge3A_412 = arith.constant 4 : i32
      %ge3A_413 = arith.cmpi sge, %add3A_389, %ge3A_412 : i32
      %and3A_414 = arith.andi %lt3A_411, %ge3A_413 : i1
      %convert_element_type3A_415 = arith.extui %and3A_414 : i1 to i32
      %cond3A_416 = arith.constant 0 : i32
      %cond3A_417 = arith.cmpi ne, %convert_element_type3A_415, %cond3A_416 : i32
      scf.if %cond3A_417 {
        %dma_wait3A_608 = arith.constant 6 : i32
        %dma_wait3A_609 = arith.constant 0 : i32
        %dma_wait3A_610 = arith.constant 0 : i32
        %dma_wait3A_611 = tpu.memref_slice %arg15[%dma_wait3A_608, %dma_wait3A_610] : memref<8x80xf32, #tpu.memory_space<vmem>> -> memref<1x80xf32, #tpu.memory_space<vmem>>
        %dma_wait3A_612 = tpu.memref_squeeze %dma_wait3A_611 : memref<1x80xf32, #tpu.memory_space<vmem>> -> memref<80xf32, #tpu.memory_space<vmem>>
        %dma_wait3A_613 = arith.constant 0 : i32
        %dma_wait3A_614 = tpu.memref_slice %arg13[%dma_wait3A_609, %dma_wait3A_613] : memref<128x80xi32, #tpu.memory_space<vmem>> -> memref<1x80xi32, #tpu.memory_space<vmem>>
        %dma_wait3A_615 = tpu.memref_squeeze %dma_wait3A_614 : memref<1x80xi32, #tpu.memory_space<vmem>> -> memref<80xi32, #tpu.memory_space<vmem>>
        %dma_wait3A_616 = arith.constant 0 : i32
        %dma_wait3A_617 = tpu.memref_slice %arg29[%dma_wait3A_616] : memref<10240xf32, #tpu.memory_space<vmem_shared>> -> memref<10240xf32, #tpu.memory_space<vmem_shared>>
        tpu.wait_indirect_dma semaphore(%arg47 : memref<!tpu.dma_semaphore, #tpu.memory_space<semaphore_mem>>) src(%dma_wait3A_612 : memref<80xf32, #tpu.memory_space<vmem>>) dst(%dma_wait3A_617 : memref<10240xf32, #tpu.memory_space<vmem_shared>>)
      } else {
      }
      %lt3A_418 = arith.constant 128 : i32
      %lt3A_419 = arith.cmpi slt, %add3A_409, %lt3A_418 : i32
      %convert_element_type3A_420 = arith.extui %lt3A_419 : i1 to i32
      %cond3A_421 = arith.constant 0 : i32
      %cond3A_422 = arith.cmpi ne, %convert_element_type3A_420, %cond3A_421 : i32
      scf.if %cond3A_422 {
        %dma_start3A_608 = arith.constant 6 : i32
        %dma_start3A_609 = arith.constant 0 : i32
        %dma_start3A_610 = tpu.memref_slice %arg15[%dma_start3A_608, %dma_start3A_609] : memref<8x80xf32, #tpu.memory_space<vmem>> -> memref<1x80xf32, #tpu.memory_space<vmem>>
        %dma_start3A_611 = tpu.memref_squeeze %dma_start3A_610 : memref<1x80xf32, #tpu.memory_space<vmem>> -> memref<80xf32, #tpu.memory_space<vmem>>
        %dma_start3A_612 = arith.constant 0 : i32
        %dma_start3A_613 = tpu.memref_slice %arg12[%add3A_409, %dma_start3A_612] : memref<128x80xi32, #tpu.memory_space<vmem>> -> memref<1x80xi32, #tpu.memory_space<vmem>>
        %dma_start3A_614 = tpu.memref_squeeze %dma_start3A_613 : memref<1x80xi32, #tpu.memory_space<vmem>> -> memref<80xi32, #tpu.memory_space<vmem>>
        %dma_start3A_615 = arith.constant 0 : i32
        %dma_start3A_616 = tpu.memref_slice %arg30[%dma_start3A_615] : memref<10240xf32, #tpu.memory_space<vmem_shared>> -> memref<10240xf32, #tpu.memory_space<vmem_shared>>
        tpu.enqueue_indirect_dma source(%dma_start3A_616 : memref<10240xf32, #tpu.memory_space<vmem_shared>>) target(%dma_start3A_611 : memref<80xf32, #tpu.memory_space<vmem>>) offsets(%dma_start3A_614 : memref<80xi32, #tpu.memory_space<vmem>>) semaphore(%arg39 : memref<!tpu.dma_semaphore, #tpu.memory_space<semaphore_mem>>)
      } else {
      }
      %mul3A_423 = arith.constant 8 : i32
      %mul3A_424 = arith.muli %scan3A_314, %mul3A_423 : i32
      %add3A_425 = arith.constant 3 : i32
      %add3A_426 = arith.addi %mul3A_424, %add3A_425 : i32
      %dma_wait3A_427 = arith.constant 3 : i32
      %dma_wait3A_428 = arith.constant 0 : i32
      %dma_wait3A_429 = tpu.memref_slice %arg15[%dma_wait3A_427, %dma_wait3A_428] : memref<8x80xf32, #tpu.memory_space<vmem>> -> memref<1x80xf32, #tpu.memory_space<vmem>>
      %dma_wait3A_430 = tpu.memref_squeeze %dma_wait3A_429 : memref<1x80xf32, #tpu.memory_space<vmem>> -> memref<80xf32, #tpu.memory_space<vmem>>
      %dma_wait3A_431 = arith.constant 0 : i32
      %dma_wait3A_432 = tpu.memref_slice %arg12[%add3A_426, %dma_wait3A_431] : memref<128x80xi32, #tpu.memory_space<vmem>> -> memref<1x80xi32, #tpu.memory_space<vmem>>
      %dma_wait3A_433 = tpu.memref_squeeze %dma_wait3A_432 : memref<1x80xi32, #tpu.memory_space<vmem>> -> memref<80xi32, #tpu.memory_space<vmem>>
      %dma_wait3A_434 = arith.constant 0 : i32
      %dma_wait3A_435 = tpu.memref_slice %arg30[%dma_wait3A_434] : memref<10240xf32, #tpu.memory_space<vmem_shared>> -> memref<10240xf32, #tpu.memory_space<vmem_shared>>
      tpu.wait_indirect_dma semaphore(%arg36 : memref<!tpu.dma_semaphore, #tpu.memory_space<semaphore_mem>>) src(%dma_wait3A_435 : memref<10240xf32, #tpu.memory_space<vmem_shared>>) dst(%dma_wait3A_430 : memref<80xf32, #tpu.memory_space<vmem>>)
      %dma_start3A_436 = arith.constant 3 : i32
      %dma_start3A_437 = arith.constant 0 : i32
      %dma_start3A_438 = tpu.memref_slice %arg15[%dma_start3A_436, %dma_start3A_437] : memref<8x80xf32, #tpu.memory_space<vmem>> -> memref<1x80xf32, #tpu.memory_space<vmem>>
      %dma_start3A_439 = tpu.memref_squeeze %dma_start3A_438 : memref<1x80xf32, #tpu.memory_space<vmem>> -> memref<80xf32, #tpu.memory_space<vmem>>
      %dma_start3A_440 = arith.constant 0 : i32
      %dma_start3A_441 = tpu.memref_slice %arg13[%add3A_426, %dma_start3A_440] : memref<128x80xi32, #tpu.memory_space<vmem>> -> memref<1x80xi32, #tpu.memory_space<vmem>>
      %dma_start3A_442 = tpu.memref_squeeze %dma_start3A_441 : memref<1x80xi32, #tpu.memory_space<vmem>> -> memref<80xi32, #tpu.memory_space<vmem>>
      %dma_start3A_443 = arith.constant 0 : i32
      %dma_start3A_444 = tpu.memref_slice %arg29[%dma_start3A_443] : memref<10240xf32, #tpu.memory_space<vmem_shared>> -> memref<10240xf32, #tpu.memory_space<vmem_shared>>
      tpu.enqueue_indirect_dma source(%dma_start3A_439 : memref<80xf32, #tpu.memory_space<vmem>>) target(%dma_start3A_444 : memref<10240xf32, #tpu.memory_space<vmem_shared>>) offsets(%dma_start3A_442 : memref<80xi32, #tpu.memory_space<vmem>>) semaphore(%arg44 : memref<!tpu.dma_semaphore, #tpu.memory_space<semaphore_mem>>) {add = true}
      %add3A_445 = arith.constant 4 : i32
      %add3A_446 = arith.addi %add3A_426, %add3A_445 : i32
      %lt3A_447 = arith.constant 128 : i32
      %lt3A_448 = arith.cmpi slt, %add3A_446, %lt3A_447 : i32
      %ge3A_449 = arith.constant 4 : i32
      %ge3A_450 = arith.cmpi sge, %add3A_426, %ge3A_449 : i32
      %and3A_451 = arith.andi %lt3A_448, %ge3A_450 : i1
      %convert_element_type3A_452 = arith.extui %and3A_451 : i1 to i32
      %cond3A_453 = arith.constant 0 : i32
      %cond3A_454 = arith.cmpi ne, %convert_element_type3A_452, %cond3A_453 : i32
      scf.if %cond3A_454 {
        %dma_wait3A_608 = arith.constant 7 : i32
        %dma_wait3A_609 = arith.constant 0 : i32
        %dma_wait3A_610 = arith.constant 0 : i32
        %dma_wait3A_611 = tpu.memref_slice %arg15[%dma_wait3A_608, %dma_wait3A_610] : memref<8x80xf32, #tpu.memory_space<vmem>> -> memref<1x80xf32, #tpu.memory_space<vmem>>
        %dma_wait3A_612 = tpu.memref_squeeze %dma_wait3A_611 : memref<1x80xf32, #tpu.memory_space<vmem>> -> memref<80xf32, #tpu.memory_space<vmem>>
        %dma_wait3A_613 = arith.constant 0 : i32
        %dma_wait3A_614 = tpu.memref_slice %arg13[%dma_wait3A_609, %dma_wait3A_613] : memref<128x80xi32, #tpu.memory_space<vmem>> -> memref<1x80xi32, #tpu.memory_space<vmem>>
        %dma_wait3A_615 = tpu.memref_squeeze %dma_wait3A_614 : memref<1x80xi32, #tpu.memory_space<vmem>> -> memref<80xi32, #tpu.memory_space<vmem>>
        %dma_wait3A_616 = arith.constant 0 : i32
        %dma_wait3A_617 = tpu.memref_slice %arg29[%dma_wait3A_616] : memref<10240xf32, #tpu.memory_space<vmem_shared>> -> memref<10240xf32, #tpu.memory_space<vmem_shared>>
        tpu.wait_indirect_dma semaphore(%arg48 : memref<!tpu.dma_semaphore, #tpu.memory_space<semaphore_mem>>) src(%dma_wait3A_612 : memref<80xf32, #tpu.memory_space<vmem>>) dst(%dma_wait3A_617 : memref<10240xf32, #tpu.memory_space<vmem_shared>>)
      } else {
      }
      %lt3A_455 = arith.constant 128 : i32
      %lt3A_456 = arith.cmpi slt, %add3A_446, %lt3A_455 : i32
      %convert_element_type3A_457 = arith.extui %lt3A_456 : i1 to i32
      %cond3A_458 = arith.constant 0 : i32
      %cond3A_459 = arith.cmpi ne, %convert_element_type3A_457, %cond3A_458 : i32
      scf.if %cond3A_459 {
        %dma_start3A_608 = arith.constant 7 : i32
        %dma_start3A_609 = arith.constant 0 : i32
        %dma_start3A_610 = tpu.memref_slice %arg15[%dma_start3A_608, %dma_start3A_609] : memref<8x80xf32, #tpu.memory_space<vmem>> -> memref<1x80xf32, #tpu.memory_space<vmem>>
        %dma_start3A_611 = tpu.memref_squeeze %dma_start3A_610 : memref<1x80xf32, #tpu.memory_space<vmem>> -> memref<80xf32, #tpu.memory_space<vmem>>
        %dma_start3A_612 = arith.constant 0 : i32
        %dma_start3A_613 = tpu.memref_slice %arg12[%add3A_446, %dma_start3A_612] : memref<128x80xi32, #tpu.memory_space<vmem>> -> memref<1x80xi32, #tpu.memory_space<vmem>>
        %dma_start3A_614 = tpu.memref_squeeze %dma_start3A_613 : memref<1x80xi32, #tpu.memory_space<vmem>> -> memref<80xi32, #tpu.memory_space<vmem>>
        %dma_start3A_615 = arith.constant 0 : i32
        %dma_start3A_616 = tpu.memref_slice %arg30[%dma_start3A_615] : memref<10240xf32, #tpu.memory_space<vmem_shared>> -> memref<10240xf32, #tpu.memory_space<vmem_shared>>
        tpu.enqueue_indirect_dma source(%dma_start3A_616 : memref<10240xf32, #tpu.memory_space<vmem_shared>>) target(%dma_start3A_611 : memref<80xf32, #tpu.memory_space<vmem>>) offsets(%dma_start3A_614 : memref<80xi32, #tpu.memory_space<vmem>>) semaphore(%arg40 : memref<!tpu.dma_semaphore, #tpu.memory_space<semaphore_mem>>)
      } else {
      }
      %mul3A_460 = arith.constant 8 : i32
      %mul3A_461 = arith.muli %scan3A_314, %mul3A_460 : i32
      %add3A_462 = arith.constant 4 : i32
      %add3A_463 = arith.addi %mul3A_461, %add3A_462 : i32
      %dma_wait3A_464 = arith.constant 4 : i32
      %dma_wait3A_465 = arith.constant 0 : i32
      %dma_wait3A_466 = tpu.memref_slice %arg15[%dma_wait3A_464, %dma_wait3A_465] : memref<8x80xf32, #tpu.memory_space<vmem>> -> memref<1x80xf32, #tpu.memory_space<vmem>>
      %dma_wait3A_467 = tpu.memref_squeeze %dma_wait3A_466 : memref<1x80xf32, #tpu.memory_space<vmem>> -> memref<80xf32, #tpu.memory_space<vmem>>
      %dma_wait3A_468 = arith.constant 0 : i32
      %dma_wait3A_469 = tpu.memref_slice %arg12[%add3A_463, %dma_wait3A_468] : memref<128x80xi32, #tpu.memory_space<vmem>> -> memref<1x80xi32, #tpu.memory_space<vmem>>
      %dma_wait3A_470 = tpu.memref_squeeze %dma_wait3A_469 : memref<1x80xi32, #tpu.memory_space<vmem>> -> memref<80xi32, #tpu.memory_space<vmem>>
      %dma_wait3A_471 = arith.constant 0 : i32
      %dma_wait3A_472 = tpu.memref_slice %arg30[%dma_wait3A_471] : memref<10240xf32, #tpu.memory_space<vmem_shared>> -> memref<10240xf32, #tpu.memory_space<vmem_shared>>
      tpu.wait_indirect_dma semaphore(%arg37 : memref<!tpu.dma_semaphore, #tpu.memory_space<semaphore_mem>>) src(%dma_wait3A_472 : memref<10240xf32, #tpu.memory_space<vmem_shared>>) dst(%dma_wait3A_467 : memref<80xf32, #tpu.memory_space<vmem>>)
      %dma_start3A_473 = arith.constant 4 : i32
      %dma_start3A_474 = arith.constant 0 : i32
      %dma_start3A_475 = tpu.memref_slice %arg15[%dma_start3A_473, %dma_start3A_474] : memref<8x80xf32, #tpu.memory_space<vmem>> -> memref<1x80xf32, #tpu.memory_space<vmem>>
      %dma_start3A_476 = tpu.memref_squeeze %dma_start3A_475 : memref<1x80xf32, #tpu.memory_space<vmem>> -> memref<80xf32, #tpu.memory_space<vmem>>
      %dma_start3A_477 = arith.constant 0 : i32
      %dma_start3A_478 = tpu.memref_slice %arg13[%add3A_463, %dma_start3A_477] : memref<128x80xi32, #tpu.memory_space<vmem>> -> memref<1x80xi32, #tpu.memory_space<vmem>>
      %dma_start3A_479 = tpu.memref_squeeze %dma_start3A_478 : memref<1x80xi32, #tpu.memory_space<vmem>> -> memref<80xi32, #tpu.memory_space<vmem>>
      %dma_start3A_480 = arith.constant 0 : i32
      %dma_start3A_481 = tpu.memref_slice %arg29[%dma_start3A_480] : memref<10240xf32, #tpu.memory_space<vmem_shared>> -> memref<10240xf32, #tpu.memory_space<vmem_shared>>
      tpu.enqueue_indirect_dma source(%dma_start3A_476 : memref<80xf32, #tpu.memory_space<vmem>>) target(%dma_start3A_481 : memref<10240xf32, #tpu.memory_space<vmem_shared>>) offsets(%dma_start3A_479 : memref<80xi32, #tpu.memory_space<vmem>>) semaphore(%arg45 : memref<!tpu.dma_semaphore, #tpu.memory_space<semaphore_mem>>) {add = true}
      %add3A_482 = arith.constant 4 : i32
      %add3A_483 = arith.addi %add3A_463, %add3A_482 : i32
      %lt3A_484 = arith.constant 128 : i32
      %lt3A_485 = arith.cmpi slt, %add3A_483, %lt3A_484 : i32
      %ge3A_486 = arith.constant 4 : i32
      %ge3A_487 = arith.cmpi sge, %add3A_463, %ge3A_486 : i32
      %and3A_488 = arith.andi %lt3A_485, %ge3A_487 : i1
      %convert_element_type3A_489 = arith.extui %and3A_488 : i1 to i32
      %cond3A_490 = arith.constant 0 : i32
      %cond3A_491 = arith.cmpi ne, %convert_element_type3A_489, %cond3A_490 : i32
      scf.if %cond3A_491 {
        %dma_wait3A_608 = arith.constant 0 : i32
        %dma_wait3A_609 = arith.constant 0 : i32
        %dma_wait3A_610 = arith.constant 0 : i32
        %dma_wait3A_611 = tpu.memref_slice %arg15[%dma_wait3A_608, %dma_wait3A_610] : memref<8x80xf32, #tpu.memory_space<vmem>> -> memref<1x80xf32, #tpu.memory_space<vmem>>
        %dma_wait3A_612 = tpu.memref_squeeze %dma_wait3A_611 : memref<1x80xf32, #tpu.memory_space<vmem>> -> memref<80xf32, #tpu.memory_space<vmem>>
        %dma_wait3A_613 = arith.constant 0 : i32
        %dma_wait3A_614 = tpu.memref_slice %arg13[%dma_wait3A_609, %dma_wait3A_613] : memref<128x80xi32, #tpu.memory_space<vmem>> -> memref<1x80xi32, #tpu.memory_space<vmem>>
        %dma_wait3A_615 = tpu.memref_squeeze %dma_wait3A_614 : memref<1x80xi32, #tpu.memory_space<vmem>> -> memref<80xi32, #tpu.memory_space<vmem>>
        %dma_wait3A_616 = arith.constant 0 : i32
        %dma_wait3A_617 = tpu.memref_slice %arg29[%dma_wait3A_616] : memref<10240xf32, #tpu.memory_space<vmem_shared>> -> memref<10240xf32, #tpu.memory_space<vmem_shared>>
        tpu.wait_indirect_dma semaphore(%arg41 : memref<!tpu.dma_semaphore, #tpu.memory_space<semaphore_mem>>) src(%dma_wait3A_612 : memref<80xf32, #tpu.memory_space<vmem>>) dst(%dma_wait3A_617 : memref<10240xf32, #tpu.memory_space<vmem_shared>>)
      } else {
      }
      %lt3A_492 = arith.constant 128 : i32
      %lt3A_493 = arith.cmpi slt, %add3A_483, %lt3A_492 : i32
      %convert_element_type3A_494 = arith.extui %lt3A_493 : i1 to i32
      %cond3A_495 = arith.constant 0 : i32
      %cond3A_496 = arith.cmpi ne, %convert_element_type3A_494, %cond3A_495 : i32
      scf.if %cond3A_496 {
        %dma_start3A_608 = arith.constant 0 : i32
        %dma_start3A_609 = arith.constant 0 : i32
        %dma_start3A_610 = tpu.memref_slice %arg15[%dma_start3A_608, %dma_start3A_609] : memref<8x80xf32, #tpu.memory_space<vmem>> -> memref<1x80xf32, #tpu.memory_space<vmem>>
        %dma_start3A_611 = tpu.memref_squeeze %dma_start3A_610 : memref<1x80xf32, #tpu.memory_space<vmem>> -> memref<80xf32, #tpu.memory_space<vmem>>
        %dma_start3A_612 = arith.constant 0 : i32
        %dma_start3A_613 = tpu.memref_slice %arg12[%add3A_483, %dma_start3A_612] : memref<128x80xi32, #tpu.memory_space<vmem>> -> memref<1x80xi32, #tpu.memory_space<vmem>>
        %dma_start3A_614 = tpu.memref_squeeze %dma_start3A_613 : memref<1x80xi32, #tpu.memory_space<vmem>> -> memref<80xi32, #tpu.memory_space<vmem>>
        %dma_start3A_615 = arith.constant 0 : i32
        %dma_start3A_616 = tpu.memref_slice %arg30[%dma_start3A_615] : memref<10240xf32, #tpu.memory_space<vmem_shared>> -> memref<10240xf32, #tpu.memory_space<vmem_shared>>
        tpu.enqueue_indirect_dma source(%dma_start3A_616 : memref<10240xf32, #tpu.memory_space<vmem_shared>>) target(%dma_start3A_611 : memref<80xf32, #tpu.memory_space<vmem>>) offsets(%dma_start3A_614 : memref<80xi32, #tpu.memory_space<vmem>>) semaphore(%arg33 : memref<!tpu.dma_semaphore, #tpu.memory_space<semaphore_mem>>)
      } else {
      }
      %mul3A_497 = arith.constant 8 : i32
      %mul3A_498 = arith.muli %scan3A_314, %mul3A_497 : i32
      %add3A_499 = arith.constant 5 : i32
      %add3A_500 = arith.addi %mul3A_498, %add3A_499 : i32
      %dma_wait3A_501 = arith.constant 5 : i32
      %dma_wait3A_502 = arith.constant 0 : i32
      %dma_wait3A_503 = tpu.memref_slice %arg15[%dma_wait3A_501, %dma_wait3A_502] : memref<8x80xf32, #tpu.memory_space<vmem>> -> memref<1x80xf32, #tpu.memory_space<vmem>>
      %dma_wait3A_504 = tpu.memref_squeeze %dma_wait3A_503 : memref<1x80xf32, #tpu.memory_space<vmem>> -> memref<80xf32, #tpu.memory_space<vmem>>
      %dma_wait3A_505 = arith.constant 0 : i32
      %dma_wait3A_506 = tpu.memref_slice %arg12[%add3A_500, %dma_wait3A_505] : memref<128x80xi32, #tpu.memory_space<vmem>> -> memref<1x80xi32, #tpu.memory_space<vmem>>
      %dma_wait3A_507 = tpu.memref_squeeze %dma_wait3A_506 : memref<1x80xi32, #tpu.memory_space<vmem>> -> memref<80xi32, #tpu.memory_space<vmem>>
      %dma_wait3A_508 = arith.constant 0 : i32
      %dma_wait3A_509 = tpu.memref_slice %arg30[%dma_wait3A_508] : memref<10240xf32, #tpu.memory_space<vmem_shared>> -> memref<10240xf32, #tpu.memory_space<vmem_shared>>
      tpu.wait_indirect_dma semaphore(%arg38 : memref<!tpu.dma_semaphore, #tpu.memory_space<semaphore_mem>>) src(%dma_wait3A_509 : memref<10240xf32, #tpu.memory_space<vmem_shared>>) dst(%dma_wait3A_504 : memref<80xf32, #tpu.memory_space<vmem>>)
      %dma_start3A_510 = arith.constant 5 : i32
      %dma_start3A_511 = arith.constant 0 : i32
      %dma_start3A_512 = tpu.memref_slice %arg15[%dma_start3A_510, %dma_start3A_511] : memref<8x80xf32, #tpu.memory_space<vmem>> -> memref<1x80xf32, #tpu.memory_space<vmem>>
      %dma_start3A_513 = tpu.memref_squeeze %dma_start3A_512 : memref<1x80xf32, #tpu.memory_space<vmem>> -> memref<80xf32, #tpu.memory_space<vmem>>
      %dma_start3A_514 = arith.constant 0 : i32
      %dma_start3A_515 = tpu.memref_slice %arg13[%add3A_500, %dma_start3A_514] : memref<128x80xi32, #tpu.memory_space<vmem>> -> memref<1x80xi32, #tpu.memory_space<vmem>>
      %dma_start3A_516 = tpu.memref_squeeze %dma_start3A_515 : memref<1x80xi32, #tpu.memory_space<vmem>> -> memref<80xi32, #tpu.memory_space<vmem>>
      %dma_start3A_517 = arith.constant 0 : i32
      %dma_start3A_518 = tpu.memref_slice %arg29[%dma_start3A_517] : memref<10240xf32, #tpu.memory_space<vmem_shared>> -> memref<10240xf32, #tpu.memory_space<vmem_shared>>
      tpu.enqueue_indirect_dma source(%dma_start3A_513 : memref<80xf32, #tpu.memory_space<vmem>>) target(%dma_start3A_518 : memref<10240xf32, #tpu.memory_space<vmem_shared>>) offsets(%dma_start3A_516 : memref<80xi32, #tpu.memory_space<vmem>>) semaphore(%arg46 : memref<!tpu.dma_semaphore, #tpu.memory_space<semaphore_mem>>) {add = true}
      %add3A_519 = arith.constant 4 : i32
      %add3A_520 = arith.addi %add3A_500, %add3A_519 : i32
      %lt3A_521 = arith.constant 128 : i32
      %lt3A_522 = arith.cmpi slt, %add3A_520, %lt3A_521 : i32
      %ge3A_523 = arith.constant 4 : i32
      %ge3A_524 = arith.cmpi sge, %add3A_500, %ge3A_523 : i32
      %and3A_525 = arith.andi %lt3A_522, %ge3A_524 : i1
      %convert_element_type3A_526 = arith.extui %and3A_525 : i1 to i32
      %cond3A_527 = arith.constant 0 : i32
      %cond3A_528 = arith.cmpi ne, %convert_element_type3A_526, %cond3A_527 : i32
      scf.if %cond3A_528 {
        %dma_wait3A_608 = arith.constant 1 : i32
        %dma_wait3A_609 = arith.constant 0 : i32
        %dma_wait3A_610 = arith.constant 0 : i32
        %dma_wait3A_611 = tpu.memref_slice %arg15[%dma_wait3A_608, %dma_wait3A_610] : memref<8x80xf32, #tpu.memory_space<vmem>> -> memref<1x80xf32, #tpu.memory_space<vmem>>
        %dma_wait3A_612 = tpu.memref_squeeze %dma_wait3A_611 : memref<1x80xf32, #tpu.memory_space<vmem>> -> memref<80xf32, #tpu.memory_space<vmem>>
        %dma_wait3A_613 = arith.constant 0 : i32
        %dma_wait3A_614 = tpu.memref_slice %arg13[%dma_wait3A_609, %dma_wait3A_613] : memref<128x80xi32, #tpu.memory_space<vmem>> -> memref<1x80xi32, #tpu.memory_space<vmem>>
        %dma_wait3A_615 = tpu.memref_squeeze %dma_wait3A_614 : memref<1x80xi32, #tpu.memory_space<vmem>> -> memref<80xi32, #tpu.memory_space<vmem>>
        %dma_wait3A_616 = arith.constant 0 : i32
        %dma_wait3A_617 = tpu.memref_slice %arg29[%dma_wait3A_616] : memref<10240xf32, #tpu.memory_space<vmem_shared>> -> memref<10240xf32, #tpu.memory_space<vmem_shared>>
        tpu.wait_indirect_dma semaphore(%arg42 : memref<!tpu.dma_semaphore, #tpu.memory_space<semaphore_mem>>) src(%dma_wait3A_612 : memref<80xf32, #tpu.memory_space<vmem>>) dst(%dma_wait3A_617 : memref<10240xf32, #tpu.memory_space<vmem_shared>>)
      } else {
      }
      %lt3A_529 = arith.constant 128 : i32
      %lt3A_530 = arith.cmpi slt, %add3A_520, %lt3A_529 : i32
      %convert_element_type3A_531 = arith.extui %lt3A_530 : i1 to i32
      %cond3A_532 = arith.constant 0 : i32
      %cond3A_533 = arith.cmpi ne, %convert_element_type3A_531, %cond3A_532 : i32
      scf.if %cond3A_533 {
        %dma_start3A_608 = arith.constant 1 : i32
        %dma_start3A_609 = arith.constant 0 : i32
        %dma_start3A_610 = tpu.memref_slice %arg15[%dma_start3A_608, %dma_start3A_609] : memref<8x80xf32, #tpu.memory_space<vmem>> -> memref<1x80xf32, #tpu.memory_space<vmem>>
        %dma_start3A_611 = tpu.memref_squeeze %dma_start3A_610 : memref<1x80xf32, #tpu.memory_space<vmem>> -> memref<80xf32, #tpu.memory_space<vmem>>
        %dma_start3A_612 = arith.constant 0 : i32
        %dma_start3A_613 = tpu.memref_slice %arg12[%add3A_520, %dma_start3A_612] : memref<128x80xi32, #tpu.memory_space<vmem>> -> memref<1x80xi32, #tpu.memory_space<vmem>>
        %dma_start3A_614 = tpu.memref_squeeze %dma_start3A_613 : memref<1x80xi32, #tpu.memory_space<vmem>> -> memref<80xi32, #tpu.memory_space<vmem>>
        %dma_start3A_615 = arith.constant 0 : i32
        %dma_start3A_616 = tpu.memref_slice %arg30[%dma_start3A_615] : memref<10240xf32, #tpu.memory_space<vmem_shared>> -> memref<10240xf32, #tpu.memory_space<vmem_shared>>
        tpu.enqueue_indirect_dma source(%dma_start3A_616 : memref<10240xf32, #tpu.memory_space<vmem_shared>>) target(%dma_start3A_611 : memref<80xf32, #tpu.memory_space<vmem>>) offsets(%dma_start3A_614 : memref<80xi32, #tpu.memory_space<vmem>>) semaphore(%arg34 : memref<!tpu.dma_semaphore, #tpu.memory_space<semaphore_mem>>)
      } else {
      }
      %mul3A_534 = arith.constant 8 : i32
      %mul3A_535 = arith.muli %scan3A_314, %mul3A_534 : i32
      %add3A_536 = arith.constant 6 : i32
      %add3A_537 = arith.addi %mul3A_535, %add3A_536 : i32
      %dma_wait3A_538 = arith.constant 6 : i32
      %dma_wait3A_539 = arith.constant 0 : i32
      %dma_wait3A_540 = tpu.memref_slice %arg15[%dma_wait3A_538, %dma_wait3A_539] : memref<8x80xf32, #tpu.memory_space<vmem>> -> memref<1x80xf32, #tpu.memory_space<vmem>>
      %dma_wait3A_541 = tpu.memref_squeeze %dma_wait3A_540 : memref<1x80xf32, #tpu.memory_space<vmem>> -> memref<80xf32, #tpu.memory_space<vmem>>
      %dma_wait3A_542 = arith.constant 0 : i32
      %dma_wait3A_543 = tpu.memref_slice %arg12[%add3A_537, %dma_wait3A_542] : memref<128x80xi32, #tpu.memory_space<vmem>> -> memref<1x80xi32, #tpu.memory_space<vmem>>
      %dma_wait3A_544 = tpu.memref_squeeze %dma_wait3A_543 : memref<1x80xi32, #tpu.memory_space<vmem>> -> memref<80xi32, #tpu.memory_space<vmem>>
      %dma_wait3A_545 = arith.constant 0 : i32
      %dma_wait3A_546 = tpu.memref_slice %arg30[%dma_wait3A_545] : memref<10240xf32, #tpu.memory_space<vmem_shared>> -> memref<10240xf32, #tpu.memory_space<vmem_shared>>
      tpu.wait_indirect_dma semaphore(%arg39 : memref<!tpu.dma_semaphore, #tpu.memory_space<semaphore_mem>>) src(%dma_wait3A_546 : memref<10240xf32, #tpu.memory_space<vmem_shared>>) dst(%dma_wait3A_541 : memref<80xf32, #tpu.memory_space<vmem>>)
      %dma_start3A_547 = arith.constant 6 : i32
      %dma_start3A_548 = arith.constant 0 : i32
      %dma_start3A_549 = tpu.memref_slice %arg15[%dma_start3A_547, %dma_start3A_548] : memref<8x80xf32, #tpu.memory_space<vmem>> -> memref<1x80xf32, #tpu.memory_space<vmem>>
      %dma_start3A_550 = tpu.memref_squeeze %dma_start3A_549 : memref<1x80xf32, #tpu.memory_space<vmem>> -> memref<80xf32, #tpu.memory_space<vmem>>
      %dma_start3A_551 = arith.constant 0 : i32
      %dma_start3A_552 = tpu.memref_slice %arg13[%add3A_537, %dma_start3A_551] : memref<128x80xi32, #tpu.memory_space<vmem>> -> memref<1x80xi32, #tpu.memory_space<vmem>>
      %dma_start3A_553 = tpu.memref_squeeze %dma_start3A_552 : memref<1x80xi32, #tpu.memory_space<vmem>> -> memref<80xi32, #tpu.memory_space<vmem>>
      %dma_start3A_554 = arith.constant 0 : i32
      %dma_start3A_555 = tpu.memref_slice %arg29[%dma_start3A_554] : memref<10240xf32, #tpu.memory_space<vmem_shared>> -> memref<10240xf32, #tpu.memory_space<vmem_shared>>
      tpu.enqueue_indirect_dma source(%dma_start3A_550 : memref<80xf32, #tpu.memory_space<vmem>>) target(%dma_start3A_555 : memref<10240xf32, #tpu.memory_space<vmem_shared>>) offsets(%dma_start3A_553 : memref<80xi32, #tpu.memory_space<vmem>>) semaphore(%arg47 : memref<!tpu.dma_semaphore, #tpu.memory_space<semaphore_mem>>) {add = true}
      %add3A_556 = arith.constant 4 : i32
      %add3A_557 = arith.addi %add3A_537, %add3A_556 : i32
      %lt3A_558 = arith.constant 128 : i32
      %lt3A_559 = arith.cmpi slt, %add3A_557, %lt3A_558 : i32
      %ge3A_560 = arith.constant 4 : i32
      %ge3A_561 = arith.cmpi sge, %add3A_537, %ge3A_560 : i32
      %and3A_562 = arith.andi %lt3A_559, %ge3A_561 : i1
      %convert_element_type3A_563 = arith.extui %and3A_562 : i1 to i32
      %cond3A_564 = arith.constant 0 : i32
      %cond3A_565 = arith.cmpi ne, %convert_element_type3A_563, %cond3A_564 : i32
      scf.if %cond3A_565 {
        %dma_wait3A_608 = arith.constant 2 : i32
        %dma_wait3A_609 = arith.constant 0 : i32
        %dma_wait3A_610 = arith.constant 0 : i32
        %dma_wait3A_611 = tpu.memref_slice %arg15[%dma_wait3A_608, %dma_wait3A_610] : memref<8x80xf32, #tpu.memory_space<vmem>> -> memref<1x80xf32, #tpu.memory_space<vmem>>
        %dma_wait3A_612 = tpu.memref_squeeze %dma_wait3A_611 : memref<1x80xf32, #tpu.memory_space<vmem>> -> memref<80xf32, #tpu.memory_space<vmem>>
        %dma_wait3A_613 = arith.constant 0 : i32
        %dma_wait3A_614 = tpu.memref_slice %arg13[%dma_wait3A_609, %dma_wait3A_613] : memref<128x80xi32, #tpu.memory_space<vmem>> -> memref<1x80xi32, #tpu.memory_space<vmem>>
        %dma_wait3A_615 = tpu.memref_squeeze %dma_wait3A_614 : memref<1x80xi32, #tpu.memory_space<vmem>> -> memref<80xi32, #tpu.memory_space<vmem>>
        %dma_wait3A_616 = arith.constant 0 : i32
        %dma_wait3A_617 = tpu.memref_slice %arg29[%dma_wait3A_616] : memref<10240xf32, #tpu.memory_space<vmem_shared>> -> memref<10240xf32, #tpu.memory_space<vmem_shared>>
        tpu.wait_indirect_dma semaphore(%arg43 : memref<!tpu.dma_semaphore, #tpu.memory_space<semaphore_mem>>) src(%dma_wait3A_612 : memref<80xf32, #tpu.memory_space<vmem>>) dst(%dma_wait3A_617 : memref<10240xf32, #tpu.memory_space<vmem_shared>>)
      } else {
      }
      %lt3A_566 = arith.constant 128 : i32
      %lt3A_567 = arith.cmpi slt, %add3A_557, %lt3A_566 : i32
      %convert_element_type3A_568 = arith.extui %lt3A_567 : i1 to i32
      %cond3A_569 = arith.constant 0 : i32
      %cond3A_570 = arith.cmpi ne, %convert_element_type3A_568, %cond3A_569 : i32
      scf.if %cond3A_570 {
        %dma_start3A_608 = arith.constant 2 : i32
        %dma_start3A_609 = arith.constant 0 : i32
        %dma_start3A_610 = tpu.memref_slice %arg15[%dma_start3A_608, %dma_start3A_609] : memref<8x80xf32, #tpu.memory_space<vmem>> -> memref<1x80xf32, #tpu.memory_space<vmem>>
        %dma_start3A_611 = tpu.memref_squeeze %dma_start3A_610 : memref<1x80xf32, #tpu.memory_space<vmem>> -> memref<80xf32, #tpu.memory_space<vmem>>
        %dma_start3A_612 = arith.constant 0 : i32
        %dma_start3A_613 = tpu.memref_slice %arg12[%add3A_557, %dma_start3A_612] : memref<128x80xi32, #tpu.memory_space<vmem>> -> memref<1x80xi32, #tpu.memory_space<vmem>>
        %dma_start3A_614 = tpu.memref_squeeze %dma_start3A_613 : memref<1x80xi32, #tpu.memory_space<vmem>> -> memref<80xi32, #tpu.memory_space<vmem>>
        %dma_start3A_615 = arith.constant 0 : i32
        %dma_start3A_616 = tpu.memref_slice %arg30[%dma_start3A_615] : memref<10240xf32, #tpu.memory_space<vmem_shared>> -> memref<10240xf32, #tpu.memory_space<vmem_shared>>
        tpu.enqueue_indirect_dma source(%dma_start3A_616 : memref<10240xf32, #tpu.memory_space<vmem_shared>>) target(%dma_start3A_611 : memref<80xf32, #tpu.memory_space<vmem>>) offsets(%dma_start3A_614 : memref<80xi32, #tpu.memory_space<vmem>>) semaphore(%arg35 : memref<!tpu.dma_semaphore, #tpu.memory_space<semaphore_mem>>)
      } else {
      }
      %mul3A_571 = arith.constant 8 : i32
      %mul3A_572 = arith.muli %scan3A_314, %mul3A_571 : i32
      %add3A_573 = arith.constant 7 : i32
      %add3A_574 = arith.addi %mul3A_572, %add3A_573 : i32
      %dma_wait3A_575 = arith.constant 7 : i32
      %dma_wait3A_576 = arith.constant 0 : i32
      %dma_wait3A_577 = tpu.memref_slice %arg15[%dma_wait3A_575, %dma_wait3A_576] : memref<8x80xf32, #tpu.memory_space<vmem>> -> memref<1x80xf32, #tpu.memory_space<vmem>>
      %dma_wait3A_578 = tpu.memref_squeeze %dma_wait3A_577 : memref<1x80xf32, #tpu.memory_space<vmem>> -> memref<80xf32, #tpu.memory_space<vmem>>
      %dma_wait3A_579 = arith.constant 0 : i32
      %dma_wait3A_580 = tpu.memref_slice %arg12[%add3A_574, %dma_wait3A_579] : memref<128x80xi32, #tpu.memory_space<vmem>> -> memref<1x80xi32, #tpu.memory_space<vmem>>
      %dma_wait3A_581 = tpu.memref_squeeze %dma_wait3A_580 : memref<1x80xi32, #tpu.memory_space<vmem>> -> memref<80xi32, #tpu.memory_space<vmem>>
      %dma_wait3A_582 = arith.constant 0 : i32
      %dma_wait3A_583 = tpu.memref_slice %arg30[%dma_wait3A_582] : memref<10240xf32, #tpu.memory_space<vmem_shared>> -> memref<10240xf32, #tpu.memory_space<vmem_shared>>
      tpu.wait_indirect_dma semaphore(%arg40 : memref<!tpu.dma_semaphore, #tpu.memory_space<semaphore_mem>>) src(%dma_wait3A_583 : memref<10240xf32, #tpu.memory_space<vmem_shared>>) dst(%dma_wait3A_578 : memref<80xf32, #tpu.memory_space<vmem>>)
      %dma_start3A_584 = arith.constant 7 : i32
      %dma_start3A_585 = arith.constant 0 : i32
      %dma_start3A_586 = tpu.memref_slice %arg15[%dma_start3A_584, %dma_start3A_585] : memref<8x80xf32, #tpu.memory_space<vmem>> -> memref<1x80xf32, #tpu.memory_space<vmem>>
      %dma_start3A_587 = tpu.memref_squeeze %dma_start3A_586 : memref<1x80xf32, #tpu.memory_space<vmem>> -> memref<80xf32, #tpu.memory_space<vmem>>
      %dma_start3A_588 = arith.constant 0 : i32
      %dma_start3A_589 = tpu.memref_slice %arg13[%add3A_574, %dma_start3A_588] : memref<128x80xi32, #tpu.memory_space<vmem>> -> memref<1x80xi32, #tpu.memory_space<vmem>>
      %dma_start3A_590 = tpu.memref_squeeze %dma_start3A_589 : memref<1x80xi32, #tpu.memory_space<vmem>> -> memref<80xi32, #tpu.memory_space<vmem>>
      %dma_start3A_591 = arith.constant 0 : i32
      %dma_start3A_592 = tpu.memref_slice %arg29[%dma_start3A_591] : memref<10240xf32, #tpu.memory_space<vmem_shared>> -> memref<10240xf32, #tpu.memory_space<vmem_shared>>
      tpu.enqueue_indirect_dma source(%dma_start3A_587 : memref<80xf32, #tpu.memory_space<vmem>>) target(%dma_start3A_592 : memref<10240xf32, #tpu.memory_space<vmem_shared>>) offsets(%dma_start3A_590 : memref<80xi32, #tpu.memory_space<vmem>>) semaphore(%arg48 : memref<!tpu.dma_semaphore, #tpu.memory_space<semaphore_mem>>) {add = true}
      %add3A_593 = arith.constant 4 : i32
      %add3A_594 = arith.addi %add3A_574, %add3A_593 : i32
      %lt3A_595 = arith.constant 128 : i32
      %lt3A_596 = arith.cmpi slt, %add3A_594, %lt3A_595 : i32
      %ge3A_597 = arith.constant 4 : i32
      %ge3A_598 = arith.cmpi sge, %add3A_574, %ge3A_597 : i32
      %and3A_599 = arith.andi %lt3A_596, %ge3A_598 : i1
      %convert_element_type3A_600 = arith.extui %and3A_599 : i1 to i32
      %cond3A_601 = arith.constant 0 : i32
      %cond3A_602 = arith.cmpi ne, %convert_element_type3A_600, %cond3A_601 : i32
      scf.if %cond3A_602 {
        %dma_wait3A_608 = arith.constant 3 : i32
        %dma_wait3A_609 = arith.constant 0 : i32
        %dma_wait3A_610 = arith.constant 0 : i32
        %dma_wait3A_611 = tpu.memref_slice %arg15[%dma_wait3A_608, %dma_wait3A_610] : memref<8x80xf32, #tpu.memory_space<vmem>> -> memref<1x80xf32, #tpu.memory_space<vmem>>
        %dma_wait3A_612 = tpu.memref_squeeze %dma_wait3A_611 : memref<1x80xf32, #tpu.memory_space<vmem>> -> memref<80xf32, #tpu.memory_space<vmem>>
        %dma_wait3A_613 = arith.constant 0 : i32
        %dma_wait3A_614 = tpu.memref_slice %arg13[%dma_wait3A_609, %dma_wait3A_613] : memref<128x80xi32, #tpu.memory_space<vmem>> -> memref<1x80xi32, #tpu.memory_space<vmem>>
        %dma_wait3A_615 = tpu.memref_squeeze %dma_wait3A_614 : memref<1x80xi32, #tpu.memory_space<vmem>> -> memref<80xi32, #tpu.memory_space<vmem>>
        %dma_wait3A_616 = arith.constant 0 : i32
        %dma_wait3A_617 = tpu.memref_slice %arg29[%dma_wait3A_616] : memref<10240xf32, #tpu.memory_space<vmem_shared>> -> memref<10240xf32, #tpu.memory_space<vmem_shared>>
        tpu.wait_indirect_dma semaphore(%arg44 : memref<!tpu.dma_semaphore, #tpu.memory_space<semaphore_mem>>) src(%dma_wait3A_612 : memref<80xf32, #tpu.memory_space<vmem>>) dst(%dma_wait3A_617 : memref<10240xf32, #tpu.memory_space<vmem_shared>>)
      } else {
      }
      %lt3A_603 = arith.constant 128 : i32
      %lt3A_604 = arith.cmpi slt, %add3A_594, %lt3A_603 : i32
      %convert_element_type3A_605 = arith.extui %lt3A_604 : i1 to i32
      %cond3A_606 = arith.constant 0 : i32
      %cond3A_607 = arith.cmpi ne, %convert_element_type3A_605, %cond3A_606 : i32
      scf.if %cond3A_607 {
        %dma_start3A_608 = arith.constant 3 : i32
        %dma_start3A_609 = arith.constant 0 : i32
        %dma_start3A_610 = tpu.memref_slice %arg15[%dma_start3A_608, %dma_start3A_609] : memref<8x80xf32, #tpu.memory_space<vmem>> -> memref<1x80xf32, #tpu.memory_space<vmem>>
        %dma_start3A_611 = tpu.memref_squeeze %dma_start3A_610 : memref<1x80xf32, #tpu.memory_space<vmem>> -> memref<80xf32, #tpu.memory_space<vmem>>
        %dma_start3A_612 = arith.constant 0 : i32
        %dma_start3A_613 = tpu.memref_slice %arg12[%add3A_594, %dma_start3A_612] : memref<128x80xi32, #tpu.memory_space<vmem>> -> memref<1x80xi32, #tpu.memory_space<vmem>>
        %dma_start3A_614 = tpu.memref_squeeze %dma_start3A_613 : memref<1x80xi32, #tpu.memory_space<vmem>> -> memref<80xi32, #tpu.memory_space<vmem>>
        %dma_start3A_615 = arith.constant 0 : i32
        %dma_start3A_616 = tpu.memref_slice %arg30[%dma_start3A_615] : memref<10240xf32, #tpu.memory_space<vmem_shared>> -> memref<10240xf32, #tpu.memory_space<vmem_shared>>
        tpu.enqueue_indirect_dma source(%dma_start3A_616 : memref<10240xf32, #tpu.memory_space<vmem_shared>>) target(%dma_start3A_611 : memref<80xf32, #tpu.memory_space<vmem>>) offsets(%dma_start3A_614 : memref<80xi32, #tpu.memory_space<vmem>>) semaphore(%arg36 : memref<!tpu.dma_semaphore, #tpu.memory_space<semaphore_mem>>)
      } else {
      }
    }
    %scan3A_221 = arith.constant 16 : i32
    %dma_wait3A_222 = arith.constant 0 : i32
    %dma_wait3A_223 = arith.constant 0 : i32
    %dma_wait3A_224 = arith.constant 0 : i32
    %dma_wait3A_225 = tpu.memref_slice %arg15[%dma_wait3A_222, %dma_wait3A_224] : memref<8x80xf32, #tpu.memory_space<vmem>> -> memref<1x80xf32, #tpu.memory_space<vmem>>
    %dma_wait3A_226 = tpu.memref_squeeze %dma_wait3A_225 : memref<1x80xf32, #tpu.memory_space<vmem>> -> memref<80xf32, #tpu.memory_space<vmem>>
    %dma_wait3A_227 = arith.constant 0 : i32
    %dma_wait3A_228 = tpu.memref_slice %arg13[%dma_wait3A_223, %dma_wait3A_227] : memref<128x80xi32, #tpu.memory_space<vmem>> -> memref<1x80xi32, #tpu.memory_space<vmem>>
    %dma_wait3A_229 = tpu.memref_squeeze %dma_wait3A_228 : memref<1x80xi32, #tpu.memory_space<vmem>> -> memref<80xi32, #tpu.memory_space<vmem>>
    %dma_wait3A_230 = arith.constant 0 : i32
    %dma_wait3A_231 = tpu.memref_slice %arg29[%dma_wait3A_230] : memref<10240xf32, #tpu.memory_space<vmem_shared>> -> memref<10240xf32, #tpu.memory_space<vmem_shared>>
    tpu.wait_indirect_dma semaphore(%arg41 : memref<!tpu.dma_semaphore, #tpu.memory_space<semaphore_mem>>) src(%dma_wait3A_226 : memref<80xf32, #tpu.memory_space<vmem>>) dst(%dma_wait3A_231 : memref<10240xf32, #tpu.memory_space<vmem_shared>>)
    %dma_wait3A_232 = arith.constant 1 : i32
    %dma_wait3A_233 = arith.constant 0 : i32
    %dma_wait3A_234 = arith.constant 0 : i32
    %dma_wait3A_235 = tpu.memref_slice %arg15[%dma_wait3A_232, %dma_wait3A_234] : memref<8x80xf32, #tpu.memory_space<vmem>> -> memref<1x80xf32, #tpu.memory_space<vmem>>
    %dma_wait3A_236 = tpu.memref_squeeze %dma_wait3A_235 : memref<1x80xf32, #tpu.memory_space<vmem>> -> memref<80xf32, #tpu.memory_space<vmem>>
    %dma_wait3A_237 = arith.constant 0 : i32
    %dma_wait3A_238 = tpu.memref_slice %arg13[%dma_wait3A_233, %dma_wait3A_237] : memref<128x80xi32, #tpu.memory_space<vmem>> -> memref<1x80xi32, #tpu.memory_space<vmem>>
    %dma_wait3A_239 = tpu.memref_squeeze %dma_wait3A_238 : memref<1x80xi32, #tpu.memory_space<vmem>> -> memref<80xi32, #tpu.memory_space<vmem>>
    %dma_wait3A_240 = arith.constant 0 : i32
    %dma_wait3A_241 = tpu.memref_slice %arg29[%dma_wait3A_240] : memref<10240xf32, #tpu.memory_space<vmem_shared>> -> memref<10240xf32, #tpu.memory_space<vmem_shared>>
    tpu.wait_indirect_dma semaphore(%arg42 : memref<!tpu.dma_semaphore, #tpu.memory_space<semaphore_mem>>) src(%dma_wait3A_236 : memref<80xf32, #tpu.memory_space<vmem>>) dst(%dma_wait3A_241 : memref<10240xf32, #tpu.memory_space<vmem_shared>>)
    %dma_wait3A_242 = arith.constant 2 : i32
    %dma_wait3A_243 = arith.constant 0 : i32
    %dma_wait3A_244 = arith.constant 0 : i32
    %dma_wait3A_245 = tpu.memref_slice %arg15[%dma_wait3A_242, %dma_wait3A_244] : memref<8x80xf32, #tpu.memory_space<vmem>> -> memref<1x80xf32, #tpu.memory_space<vmem>>
    %dma_wait3A_246 = tpu.memref_squeeze %dma_wait3A_245 : memref<1x80xf32, #tpu.memory_space<vmem>> -> memref<80xf32, #tpu.memory_space<vmem>>
    %dma_wait3A_247 = arith.constant 0 : i32
    %dma_wait3A_248 = tpu.memref_slice %arg13[%dma_wait3A_243, %dma_wait3A_247] : memref<128x80xi32, #tpu.memory_space<vmem>> -> memref<1x80xi32, #tpu.memory_space<vmem>>
    %dma_wait3A_249 = tpu.memref_squeeze %dma_wait3A_248 : memref<1x80xi32, #tpu.memory_space<vmem>> -> memref<80xi32, #tpu.memory_space<vmem>>
    %dma_wait3A_250 = arith.constant 0 : i32
    %dma_wait3A_251 = tpu.memref_slice %arg29[%dma_wait3A_250] : memref<10240xf32, #tpu.memory_space<vmem_shared>> -> memref<10240xf32, #tpu.memory_space<vmem_shared>>
    tpu.wait_indirect_dma semaphore(%arg43 : memref<!tpu.dma_semaphore, #tpu.memory_space<semaphore_mem>>) src(%dma_wait3A_246 : memref<80xf32, #tpu.memory_space<vmem>>) dst(%dma_wait3A_251 : memref<10240xf32, #tpu.memory_space<vmem_shared>>)
    %dma_wait3A_252 = arith.constant 3 : i32
    %dma_wait3A_253 = arith.constant 0 : i32
    %dma_wait3A_254 = arith.constant 0 : i32
    %dma_wait3A_255 = tpu.memref_slice %arg15[%dma_wait3A_252, %dma_wait3A_254] : memref<8x80xf32, #tpu.memory_space<vmem>> -> memref<1x80xf32, #tpu.memory_space<vmem>>
    %dma_wait3A_256 = tpu.memref_squeeze %dma_wait3A_255 : memref<1x80xf32, #tpu.memory_space<vmem>> -> memref<80xf32, #tpu.memory_space<vmem>>
    %dma_wait3A_257 = arith.constant 0 : i32
    %dma_wait3A_258 = tpu.memref_slice %arg13[%dma_wait3A_253, %dma_wait3A_257] : memref<128x80xi32, #tpu.memory_space<vmem>> -> memref<1x80xi32, #tpu.memory_space<vmem>>
    %dma_wait3A_259 = tpu.memref_squeeze %dma_wait3A_258 : memref<1x80xi32, #tpu.memory_space<vmem>> -> memref<80xi32, #tpu.memory_space<vmem>>
    %dma_wait3A_260 = arith.constant 0 : i32
    %dma_wait3A_261 = tpu.memref_slice %arg29[%dma_wait3A_260] : memref<10240xf32, #tpu.memory_space<vmem_shared>> -> memref<10240xf32, #tpu.memory_space<vmem_shared>>
    tpu.wait_indirect_dma semaphore(%arg44 : memref<!tpu.dma_semaphore, #tpu.memory_space<semaphore_mem>>) src(%dma_wait3A_256 : memref<80xf32, #tpu.memory_space<vmem>>) dst(%dma_wait3A_261 : memref<10240xf32, #tpu.memory_space<vmem_shared>>)
    %dma_wait3A_262 = arith.constant 4 : i32
    %dma_wait3A_263 = arith.constant 0 : i32
    %dma_wait3A_264 = arith.constant 0 : i32
    %dma_wait3A_265 = tpu.memref_slice %arg15[%dma_wait3A_262, %dma_wait3A_264] : memref<8x80xf32, #tpu.memory_space<vmem>> -> memref<1x80xf32, #tpu.memory_space<vmem>>
    %dma_wait3A_266 = tpu.memref_squeeze %dma_wait3A_265 : memref<1x80xf32, #tpu.memory_space<vmem>> -> memref<80xf32, #tpu.memory_space<vmem>>
    %dma_wait3A_267 = arith.constant 0 : i32
    %dma_wait3A_268 = tpu.memref_slice %arg13[%dma_wait3A_263, %dma_wait3A_267] : memref<128x80xi32, #tpu.memory_space<vmem>> -> memref<1x80xi32, #tpu.memory_space<vmem>>
    %dma_wait3A_269 = tpu.memref_squeeze %dma_wait3A_268 : memref<1x80xi32, #tpu.memory_space<vmem>> -> memref<80xi32, #tpu.memory_space<vmem>>
    %dma_wait3A_270 = arith.constant 0 : i32
    %dma_wait3A_271 = tpu.memref_slice %arg29[%dma_wait3A_270] : memref<10240xf32, #tpu.memory_space<vmem_shared>> -> memref<10240xf32, #tpu.memory_space<vmem_shared>>
    tpu.wait_indirect_dma semaphore(%arg45 : memref<!tpu.dma_semaphore, #tpu.memory_space<semaphore_mem>>) src(%dma_wait3A_266 : memref<80xf32, #tpu.memory_space<vmem>>) dst(%dma_wait3A_271 : memref<10240xf32, #tpu.memory_space<vmem_shared>>)
    %dma_wait3A_272 = arith.constant 5 : i32
    %dma_wait3A_273 = arith.constant 0 : i32
    %dma_wait3A_274 = arith.constant 0 : i32
    %dma_wait3A_275 = tpu.memref_slice %arg15[%dma_wait3A_272, %dma_wait3A_274] : memref<8x80xf32, #tpu.memory_space<vmem>> -> memref<1x80xf32, #tpu.memory_space<vmem>>
    %dma_wait3A_276 = tpu.memref_squeeze %dma_wait3A_275 : memref<1x80xf32, #tpu.memory_space<vmem>> -> memref<80xf32, #tpu.memory_space<vmem>>
    %dma_wait3A_277 = arith.constant 0 : i32
    %dma_wait3A_278 = tpu.memref_slice %arg13[%dma_wait3A_273, %dma_wait3A_277] : memref<128x80xi32, #tpu.memory_space<vmem>> -> memref<1x80xi32, #tpu.memory_space<vmem>>
    %dma_wait3A_279 = tpu.memref_squeeze %dma_wait3A_278 : memref<1x80xi32, #tpu.memory_space<vmem>> -> memref<80xi32, #tpu.memory_space<vmem>>
    %dma_wait3A_280 = arith.constant 0 : i32
    %dma_wait3A_281 = tpu.memref_slice %arg29[%dma_wait3A_280] : memref<10240xf32, #tpu.memory_space<vmem_shared>> -> memref<10240xf32, #tpu.memory_space<vmem_shared>>
    tpu.wait_indirect_dma semaphore(%arg46 : memref<!tpu.dma_semaphore, #tpu.memory_space<semaphore_mem>>) src(%dma_wait3A_276 : memref<80xf32, #tpu.memory_space<vmem>>) dst(%dma_wait3A_281 : memref<10240xf32, #tpu.memory_space<vmem_shared>>)
    %dma_wait3A_282 = arith.constant 6 : i32
    %dma_wait3A_283 = arith.constant 0 : i32
    %dma_wait3A_284 = arith.constant 0 : i32
    %dma_wait3A_285 = tpu.memref_slice %arg15[%dma_wait3A_282, %dma_wait3A_284] : memref<8x80xf32, #tpu.memory_space<vmem>> -> memref<1x80xf32, #tpu.memory_space<vmem>>
    %dma_wait3A_286 = tpu.memref_squeeze %dma_wait3A_285 : memref<1x80xf32, #tpu.memory_space<vmem>> -> memref<80xf32, #tpu.memory_space<vmem>>
    %dma_wait3A_287 = arith.constant 0 : i32
    %dma_wait3A_288 = tpu.memref_slice %arg13[%dma_wait3A_283, %dma_wait3A_287] : memref<128x80xi32, #tpu.memory_space<vmem>> -> memref<1x80xi32, #tpu.memory_space<vmem>>
    %dma_wait3A_289 = tpu.memref_squeeze %dma_wait3A_288 : memref<1x80xi32, #tpu.memory_space<vmem>> -> memref<80xi32, #tpu.memory_space<vmem>>
    %dma_wait3A_290 = arith.constant 0 : i32
    %dma_wait3A_291 = tpu.memref_slice %arg29[%dma_wait3A_290] : memref<10240xf32, #tpu.memory_space<vmem_shared>> -> memref<10240xf32, #tpu.memory_space<vmem_shared>>
    tpu.wait_indirect_dma semaphore(%arg47 : memref<!tpu.dma_semaphore, #tpu.memory_space<semaphore_mem>>) src(%dma_wait3A_286 : memref<80xf32, #tpu.memory_space<vmem>>) dst(%dma_wait3A_291 : memref<10240xf32, #tpu.memory_space<vmem_shared>>)
    %dma_wait3A_292 = arith.constant 7 : i32
    %dma_wait3A_293 = arith.constant 0 : i32
    %dma_wait3A_294 = arith.constant 0 : i32
    %dma_wait3A_295 = tpu.memref_slice %arg15[%dma_wait3A_292, %dma_wait3A_294] : memref<8x80xf32, #tpu.memory_space<vmem>> -> memref<1x80xf32, #tpu.memory_space<vmem>>
    %dma_wait3A_296 = tpu.memref_squeeze %dma_wait3A_295 : memref<1x80xf32, #tpu.memory_space<vmem>> -> memref<80xf32, #tpu.memory_space<vmem>>
    %dma_wait3A_297 = arith.constant 0 : i32
    %dma_wait3A_298 = tpu.memref_slice %arg13[%dma_wait3A_293, %dma_wait3A_297] : memref<128x80xi32, #tpu.memory_space<vmem>> -> memref<1x80xi32, #tpu.memory_space<vmem>>
    %dma_wait3A_299 = tpu.memref_squeeze %dma_wait3A_298 : memref<1x80xi32, #tpu.memory_space<vmem>> -> memref<80xi32, #tpu.memory_space<vmem>>
    %dma_wait3A_300 = arith.constant 0 : i32
    %dma_wait3A_301 = tpu.memref_slice %arg29[%dma_wait3A_300] : memref<10240xf32, #tpu.memory_space<vmem_shared>> -> memref<10240xf32, #tpu.memory_space<vmem_shared>>
    tpu.wait_indirect_dma semaphore(%arg48 : memref<!tpu.dma_semaphore, #tpu.memory_space<semaphore_mem>>) src(%dma_wait3A_296 : memref<80xf32, #tpu.memory_space<vmem>>) dst(%dma_wait3A_301 : memref<10240xf32, #tpu.memory_space<vmem_shared>>)
    %barrier3A_302 = arith.constant 0 : index
    tpu.barrier barrier_id(%barrier3A_302)
    %eq3A_303 = arith.constant 0 : i32
    %eq3A_304 = arith.cmpi eq, %arg1, %eq3A_303 : i32
    %convert_element_type3A_305 = arith.extui %eq3A_304 : i1 to i32
    %cond3A_306 = arith.constant 0 : i32
    %cond3A_307 = arith.cmpi ne, %convert_element_type3A_305, %cond3A_306 : i32
    scf.if %cond3A_307 {
      "tpu.region"() ({
        %run_scoped3A = tpu.sem_alloc : memref<!tpu.dma_semaphore, #tpu.memory_space<semaphore_mem>>
        %dma_start3A_324 = arith.constant 0 : i32
        %dma_start3A_325 = tpu.memref_slice %arg11[%arg0, %dma_start3A_324] : memref<2x10240xf32, #tpu.memory_space<hbm>> -> memref<1x10240xf32, #tpu.memory_space<hbm>>
        %dma_start3A_326 = tpu.memref_squeeze %dma_start3A_325 : memref<1x10240xf32, #tpu.memory_space<hbm>> -> memref<10240xf32, #tpu.memory_space<hbm>>
        tpu.enqueue_dma source(%arg29 : memref<10240xf32, #tpu.memory_space<vmem_shared>>) target(%dma_start3A_326 : memref<10240xf32, #tpu.memory_space<hbm>>) target_semaphore(%run_scoped3A : memref<!tpu.dma_semaphore, #tpu.memory_space<semaphore_mem>>)
        %dma_wait3A_327 = arith.constant 0 : i32
        %dma_wait3A_328 = tpu.memref_slice %arg11[%arg0, %dma_wait3A_327] : memref<2x10240xf32, #tpu.memory_space<hbm>> -> memref<1x10240xf32, #tpu.memory_space<hbm>>
        %dma_wait3A_329 = tpu.memref_squeeze %dma_wait3A_328 : memref<1x10240xf32, #tpu.memory_space<hbm>> -> memref<10240xf32, #tpu.memory_space<hbm>>
        tpu.wait_dma2 semaphore(%run_scoped3A : memref<!tpu.dma_semaphore, #tpu.memory_space<semaphore_mem>>) src(%arg29 : memref<10240xf32, #tpu.memory_space<vmem_shared>>) dst(%dma_wait3A_329 : memref<10240xf32, #tpu.memory_space<hbm>>)
        tpu.yield
      }) : () -> ()
      %ne3A = arith.constant 0 : i32
      "tpu.trace_start"() <{level = 10 : i32, message = "sync_cores"}> : () -> ()
      %ne3A_314 = arith.cmpi ne, %arg0, %ne3A : i32
      %convert_element_type3A_315 = arith.extui %ne3A_314 : i1 to i32
      %cond3A_316 = arith.constant 0 : i32
      %cond3A_317 = arith.cmpi ne, %convert_element_type3A_315, %cond3A_316 : i32
      scf.if %cond3A_317 {
        %semaphore_signal3A = arith.constant 1 : i32
        %semaphore_signal3A_324 = arith.constant 0 : i32
        tpu.sem_signal %arg49, %semaphore_signal3A core_id %semaphore_signal3A_324 : memref<!tpu.semaphore, #tpu.memory_space<semaphore_mem>>
      } else {
      }
      %ne3A_318 = arith.constant 1 : i32
      %ne3A_319 = arith.cmpi ne, %arg0, %ne3A_318 : i32
      %convert_element_type3A_320 = arith.extui %ne3A_319 : i1 to i32
      %cond3A_321 = arith.constant 0 : i32
      %cond3A_322 = arith.cmpi ne, %convert_element_type3A_320, %cond3A_321 : i32
      scf.if %cond3A_322 {
        %semaphore_signal3A = arith.constant 1 : i32
        %semaphore_signal3A_324 = arith.constant 1 : i32
        tpu.sem_signal %arg49, %semaphore_signal3A core_id %semaphore_signal3A_324 : memref<!tpu.semaphore, #tpu.memory_space<semaphore_mem>>
      } else {
      }
      %semaphore_wait3A = arith.constant 1 : i32
      %semaphore_wait3A_323 = arith.constant true
      tpu.sem_wait %arg49, %semaphore_wait3A : memref<!tpu.semaphore, #tpu.memory_space<semaphore_mem>>
      "tpu.trace_stop"() : () -> ()
    } else {
    }
    %barrier3A_308 = arith.constant 0 : index
    tpu.barrier barrier_id(%barrier3A_308)
    %eq3A_309 = arith.constant 0 : i32
    %eq3A_310 = arith.cmpi eq, %arg0, %eq3A_309 : i32
    %convert_element_type3A_311 = arith.extui %eq3A_310 : i1 to i32
    %cond3A_312 = arith.constant 0 : i32
    %cond3A_313 = arith.cmpi ne, %convert_element_type3A_311, %cond3A_312 : i32
    scf.if %cond3A_313 {
      "tpu.region"() ({
        %run_scoped3A_832 = tpu.sem_alloc : memref<!tpu.dma_semaphore, #tpu.memory_space<semaphore_mem>>
        %dma_start3A_833 = tpu.memref_slice %arg29[%mul3A_3] : memref<10240xf32, #tpu.memory_space<vmem_shared>> -> memref<640xf32, #tpu.memory_space<vmem_shared>>
        %dma_start3A_834 = tpu.memref_slice %arg29[%mul3A_3] : memref<10240xf32, #tpu.memory_space<vmem_shared>> -> memref<640xf32, #tpu.memory_space<vmem_shared>>
        tpu.enqueue_dma source(%dma_start3A_834 : memref<640xf32, #tpu.memory_space<vmem_shared>>) target(%arg22 : memref<640xf32, #tpu.memory_space<vmem>>) target_semaphore(%run_scoped3A_832 : memref<!tpu.dma_semaphore, #tpu.memory_space<semaphore_mem>>)
        %dma_wait3A_835 = tpu.memref_slice %arg29[%mul3A_3] : memref<10240xf32, #tpu.memory_space<vmem_shared>> -> memref<640xf32, #tpu.memory_space<vmem_shared>>
        %dma_wait3A_836 = tpu.memref_slice %arg29[%mul3A_3] : memref<10240xf32, #tpu.memory_space<vmem_shared>> -> memref<640xf32, #tpu.memory_space<vmem_shared>>
        tpu.wait_dma2 semaphore(%run_scoped3A_832 : memref<!tpu.dma_semaphore, #tpu.memory_space<semaphore_mem>>) src(%dma_wait3A_836 : memref<640xf32, #tpu.memory_space<vmem_shared>>) dst(%arg22 : memref<640xf32, #tpu.memory_space<vmem>>)
        tpu.yield
      }) : () -> ()
      %run_scoped3A = arith.constant 1 : i32
      "tpu.region"() ({
        %run_scoped3A_832 = tpu.sem_alloc : memref<!tpu.dma_semaphore, #tpu.memory_space<semaphore_mem>>
        %dma_start3A_833 = tpu.memref_slice %arg11[%run_scoped3A, %mul3A_3] : memref<2x10240xf32, #tpu.memory_space<hbm>> -> memref<1x640xf32, #tpu.memory_space<hbm>>
        %dma_start3A_834 = tpu.memref_squeeze %dma_start3A_833 : memref<1x640xf32, #tpu.memory_space<hbm>> -> memref<640xf32, #tpu.memory_space<hbm>>
        %dma_start3A_835 = tpu.memref_slice %arg11[%run_scoped3A, %mul3A_3] : memref<2x10240xf32, #tpu.memory_space<hbm>> -> memref<1x640xf32, #tpu.memory_space<hbm>>
        %dma_start3A_836 = tpu.memref_squeeze %dma_start3A_835 : memref<1x640xf32, #tpu.memory_space<hbm>> -> memref<640xf32, #tpu.memory_space<hbm>>
        tpu.enqueue_dma source(%dma_start3A_836 : memref<640xf32, #tpu.memory_space<hbm>>) target(%arg23 : memref<640xf32, #tpu.memory_space<vmem>>) target_semaphore(%run_scoped3A_832 : memref<!tpu.dma_semaphore, #tpu.memory_space<semaphore_mem>>)
        %dma_wait3A_837 = tpu.memref_slice %arg11[%run_scoped3A, %mul3A_3] : memref<2x10240xf32, #tpu.memory_space<hbm>> -> memref<1x640xf32, #tpu.memory_space<hbm>>
        %dma_wait3A_838 = tpu.memref_squeeze %dma_wait3A_837 : memref<1x640xf32, #tpu.memory_space<hbm>> -> memref<640xf32, #tpu.memory_space<hbm>>
        %dma_wait3A_839 = tpu.memref_slice %arg11[%run_scoped3A, %mul3A_3] : memref<2x10240xf32, #tpu.memory_space<hbm>> -> memref<1x640xf32, #tpu.memory_space<hbm>>
        %dma_wait3A_840 = tpu.memref_squeeze %dma_wait3A_839 : memref<1x640xf32, #tpu.memory_space<hbm>> -> memref<640xf32, #tpu.memory_space<hbm>>
        tpu.wait_dma2 semaphore(%run_scoped3A_832 : memref<!tpu.dma_semaphore, #tpu.memory_space<semaphore_mem>>) src(%dma_wait3A_840 : memref<640xf32, #tpu.memory_space<hbm>>) dst(%arg23 : memref<640xf32, #tpu.memory_space<vmem>>)
        tpu.yield
      }) : () -> ()
      "tpu.region"() ({
        %run_scoped3A_832 = tpu.sem_alloc : memref<!tpu.dma_semaphore, #tpu.memory_space<semaphore_mem>>
        %dma_start3A_833 = tpu.memref_slice %arg32[%mul3A_3] : memref<10240xf32, #tpu.memory_space<vmem_shared>> -> memref<640xf32, #tpu.memory_space<vmem_shared>>
        %dma_start3A_834 = tpu.memref_slice %arg32[%mul3A_3] : memref<10240xf32, #tpu.memory_space<vmem_shared>> -> memref<640xf32, #tpu.memory_space<vmem_shared>>
        tpu.enqueue_dma source(%dma_start3A_834 : memref<640xf32, #tpu.memory_space<vmem_shared>>) target(%arg24 : memref<640xf32, #tpu.memory_space<vmem>>) target_semaphore(%run_scoped3A_832 : memref<!tpu.dma_semaphore, #tpu.memory_space<semaphore_mem>>)
        %dma_wait3A_835 = tpu.memref_slice %arg32[%mul3A_3] : memref<10240xf32, #tpu.memory_space<vmem_shared>> -> memref<640xf32, #tpu.memory_space<vmem_shared>>
        %dma_wait3A_836 = tpu.memref_slice %arg32[%mul3A_3] : memref<10240xf32, #tpu.memory_space<vmem_shared>> -> memref<640xf32, #tpu.memory_space<vmem_shared>>
        tpu.wait_dma2 semaphore(%run_scoped3A_832 : memref<!tpu.dma_semaphore, #tpu.memory_space<semaphore_mem>>) src(%dma_wait3A_836 : memref<640xf32, #tpu.memory_space<vmem_shared>>) dst(%arg24 : memref<640xf32, #tpu.memory_space<vmem>>)
        tpu.yield
      }) : () -> ()
      "tpu.region"() ({
        %run_scoped3A_832 = tpu.sem_alloc : memref<!tpu.dma_semaphore, #tpu.memory_space<semaphore_mem>>
        %dma_start3A_833 = tpu.memref_slice %arg31[%mul3A_3] : memref<10240xf32, #tpu.memory_space<vmem_shared>> -> memref<640xf32, #tpu.memory_space<vmem_shared>>
        %dma_start3A_834 = tpu.memref_slice %arg31[%mul3A_3] : memref<10240xf32, #tpu.memory_space<vmem_shared>> -> memref<640xf32, #tpu.memory_space<vmem_shared>>
        tpu.enqueue_dma source(%dma_start3A_834 : memref<640xf32, #tpu.memory_space<vmem_shared>>) target(%arg25 : memref<640xf32, #tpu.memory_space<vmem>>) target_semaphore(%run_scoped3A_832 : memref<!tpu.dma_semaphore, #tpu.memory_space<semaphore_mem>>)
        %dma_wait3A_835 = tpu.memref_slice %arg31[%mul3A_3] : memref<10240xf32, #tpu.memory_space<vmem_shared>> -> memref<640xf32, #tpu.memory_space<vmem_shared>>
        %dma_wait3A_836 = tpu.memref_slice %arg31[%mul3A_3] : memref<10240xf32, #tpu.memory_space<vmem_shared>> -> memref<640xf32, #tpu.memory_space<vmem_shared>>
        tpu.wait_dma2 semaphore(%run_scoped3A_832 : memref<!tpu.dma_semaphore, #tpu.memory_space<semaphore_mem>>) src(%dma_wait3A_836 : memref<640xf32, #tpu.memory_space<vmem_shared>>) dst(%arg25 : memref<640xf32, #tpu.memory_space<vmem>>)
        tpu.yield
      }) : () -> ()
      %get3A = arith.constant 0 : index
      %get3A_314 = tpu.vector_load %arg22[%get3A] {strides = array<i32>} : memref<640xf32, #tpu.memory_space<vmem>>, vector<16xf32>,
      %get3A_315 = arith.constant 0 : index
      %get3A_316 = tpu.vector_load %arg23[%get3A_315] {strides = array<i32>} : memref<640xf32, #tpu.memory_space<vmem>>, vector<16xf32>,
      %add3A_317 = arith.addf %get3A_314, %get3A_316 : vector<16xf32>
      %get3A_318 = arith.constant 0 : index
      %get3A_319 = tpu.vector_load %arg24[%get3A_318] {strides = array<i32>} : memref<640xf32, #tpu.memory_space<vmem>>, vector<16xf32>,
      %mul3A_320 = arith.mulf %add3A_317, %get3A_319 : vector<16xf32>
      %get3A_321 = arith.constant 0 : index
      %get3A_322 = tpu.vector_load %arg25[%get3A_321] {strides = array<i32>} : memref<640xf32, #tpu.memory_space<vmem>>, vector<16xf32>,
      %add3A_323 = arith.addf %mul3A_320, %get3A_322 : vector<16xf32>
      %swap3A = arith.constant 0 : index
      %swap3A_324 = tpu.vector_load %arg26[%swap3A] {strides = array<i32>} : memref<640xf32, #tpu.memory_space<vmem>>, vector<16xf32>,
      tpu.vector_store %arg26[%swap3A], %add3A_323 {strides = array<i32>} : memref<640xf32, #tpu.memory_space<vmem>>, vector<16xf32>,
      %get3A_325 = arith.constant 16 : index
      %get3A_326 = tpu.vector_load %arg22[%get3A_325] {strides = array<i32>} : memref<640xf32, #tpu.memory_space<vmem>>, vector<16xf32>,
      %get3A_327 = arith.constant 16 : index
      %get3A_328 = tpu.vector_load %arg23[%get3A_327] {strides = array<i32>} : memref<640xf32, #tpu.memory_space<vmem>>, vector<16xf32>,
      %add3A_329 = arith.addf %get3A_326, %get3A_328 : vector<16xf32>
      %get3A_330 = arith.constant 16 : index
      %get3A_331 = tpu.vector_load %arg24[%get3A_330] {strides = array<i32>} : memref<640xf32, #tpu.memory_space<vmem>>, vector<16xf32>,
      %mul3A_332 = arith.mulf %add3A_329, %get3A_331 : vector<16xf32>
      %get3A_333 = arith.constant 16 : index
      %get3A_334 = tpu.vector_load %arg25[%get3A_333] {strides = array<i32>} : memref<640xf32, #tpu.memory_space<vmem>>, vector<16xf32>,
      %add3A_335 = arith.addf %mul3A_332, %get3A_334 : vector<16xf32>
      %swap3A_336 = arith.constant 16 : index
      %swap3A_337 = tpu.vector_load %arg26[%swap3A_336] {strides = array<i32>} : memref<640xf32, #tpu.memory_space<vmem>>, vector<16xf32>,
      tpu.vector_store %arg26[%swap3A_336], %add3A_335 {strides = array<i32>} : memref<640xf32, #tpu.memory_space<vmem>>, vector<16xf32>,
      %get3A_338 = arith.constant 32 : index
      %get3A_339 = tpu.vector_load %arg22[%get3A_338] {strides = array<i32>} : memref<640xf32, #tpu.memory_space<vmem>>, vector<16xf32>,
      %get3A_340 = arith.constant 32 : index
      %get3A_341 = tpu.vector_load %arg23[%get3A_340] {strides = array<i32>} : memref<640xf32, #tpu.memory_space<vmem>>, vector<16xf32>,
      %add3A_342 = arith.addf %get3A_339, %get3A_341 : vector<16xf32>
      %get3A_343 = arith.constant 32 : index
      %get3A_344 = tpu.vector_load %arg24[%get3A_343] {strides = array<i32>} : memref<640xf32, #tpu.memory_space<vmem>>, vector<16xf32>,
      %mul3A_345 = arith.mulf %add3A_342, %get3A_344 : vector<16xf32>
      %get3A_346 = arith.constant 32 : index
      %get3A_347 = tpu.vector_load %arg25[%get3A_346] {strides = array<i32>} : memref<640xf32, #tpu.memory_space<vmem>>, vector<16xf32>,
      %add3A_348 = arith.addf %mul3A_345, %get3A_347 : vector<16xf32>
      %swap3A_349 = arith.constant 32 : index
      %swap3A_350 = tpu.vector_load %arg26[%swap3A_349] {strides = array<i32>} : memref<640xf32, #tpu.memory_space<vmem>>, vector<16xf32>,
      tpu.vector_store %arg26[%swap3A_349], %add3A_348 {strides = array<i32>} : memref<640xf32, #tpu.memory_space<vmem>>, vector<16xf32>,
      %get3A_351 = arith.constant 48 : index
      %get3A_352 = tpu.vector_load %arg22[%get3A_351] {strides = array<i32>} : memref<640xf32, #tpu.memory_space<vmem>>, vector<16xf32>,
      %get3A_353 = arith.constant 48 : index
      %get3A_354 = tpu.vector_load %arg23[%get3A_353] {strides = array<i32>} : memref<640xf32, #tpu.memory_space<vmem>>, vector<16xf32>,
      %add3A_355 = arith.addf %get3A_352, %get3A_354 : vector<16xf32>
      %get3A_356 = arith.constant 48 : index
      %get3A_357 = tpu.vector_load %arg24[%get3A_356] {strides = array<i32>} : memref<640xf32, #tpu.memory_space<vmem>>, vector<16xf32>,
      %mul3A_358 = arith.mulf %add3A_355, %get3A_357 : vector<16xf32>
      %get3A_359 = arith.constant 48 : index
      %get3A_360 = tpu.vector_load %arg25[%get3A_359] {strides = array<i32>} : memref<640xf32, #tpu.memory_space<vmem>>, vector<16xf32>,
      %add3A_361 = arith.addf %mul3A_358, %get3A_360 : vector<16xf32>
      %swap3A_362 = arith.constant 48 : index
      %swap3A_363 = tpu.vector_load %arg26[%swap3A_362] {strides = array<i32>} : memref<640xf32, #tpu.memory_space<vmem>>, vector<16xf32>,
      tpu.vector_store %arg26[%swap3A_362], %add3A_361 {strides = array<i32>} : memref<640xf32, #tpu.memory_space<vmem>>, vector<16xf32>,
      %get3A_364 = arith.constant 64 : index
      %get3A_365 = tpu.vector_load %arg22[%get3A_364] {strides = array<i32>} : memref<640xf32, #tpu.memory_space<vmem>>, vector<16xf32>,
      %get3A_366 = arith.constant 64 : index
      %get3A_367 = tpu.vector_load %arg23[%get3A_366] {strides = array<i32>} : memref<640xf32, #tpu.memory_space<vmem>>, vector<16xf32>,
      %add3A_368 = arith.addf %get3A_365, %get3A_367 : vector<16xf32>
      %get3A_369 = arith.constant 64 : index
      %get3A_370 = tpu.vector_load %arg24[%get3A_369] {strides = array<i32>} : memref<640xf32, #tpu.memory_space<vmem>>, vector<16xf32>,
      %mul3A_371 = arith.mulf %add3A_368, %get3A_370 : vector<16xf32>
      %get3A_372 = arith.constant 64 : index
      %get3A_373 = tpu.vector_load %arg25[%get3A_372] {strides = array<i32>} : memref<640xf32, #tpu.memory_space<vmem>>, vector<16xf32>,
      %add3A_374 = arith.addf %mul3A_371, %get3A_373 : vector<16xf32>
      %swap3A_375 = arith.constant 64 : index
      %swap3A_376 = tpu.vector_load %arg26[%swap3A_375] {strides = array<i32>} : memref<640xf32, #tpu.memory_space<vmem>>, vector<16xf32>,
      tpu.vector_store %arg26[%swap3A_375], %add3A_374 {strides = array<i32>} : memref<640xf32, #tpu.memory_space<vmem>>, vector<16xf32>,
      %get3A_377 = arith.constant 80 : index
      %get3A_378 = tpu.vector_load %arg22[%get3A_377] {strides = array<i32>} : memref<640xf32, #tpu.memory_space<vmem>>, vector<16xf32>,
      %get3A_379 = arith.constant 80 : index
      %get3A_380 = tpu.vector_load %arg23[%get3A_379] {strides = array<i32>} : memref<640xf32, #tpu.memory_space<vmem>>, vector<16xf32>,
      %add3A_381 = arith.addf %get3A_378, %get3A_380 : vector<16xf32>
      %get3A_382 = arith.constant 80 : index
      %get3A_383 = tpu.vector_load %arg24[%get3A_382] {strides = array<i32>} : memref<640xf32, #tpu.memory_space<vmem>>, vector<16xf32>,
      %mul3A_384 = arith.mulf %add3A_381, %get3A_383 : vector<16xf32>
      %get3A_385 = arith.constant 80 : index
      %get3A_386 = tpu.vector_load %arg25[%get3A_385] {strides = array<i32>} : memref<640xf32, #tpu.memory_space<vmem>>, vector<16xf32>,
      %add3A_387 = arith.addf %mul3A_384, %get3A_386 : vector<16xf32>
      %swap3A_388 = arith.constant 80 : index
      %swap3A_389 = tpu.vector_load %arg26[%swap3A_388] {strides = array<i32>} : memref<640xf32, #tpu.memory_space<vmem>>, vector<16xf32>,
      tpu.vector_store %arg26[%swap3A_388], %add3A_387 {strides = array<i32>} : memref<640xf32, #tpu.memory_space<vmem>>, vector<16xf32>,
      %get3A_390 = arith.constant 96 : index
      %get3A_391 = tpu.vector_load %arg22[%get3A_390] {strides = array<i32>} : memref<640xf32, #tpu.memory_space<vmem>>, vector<16xf32>,
      %get3A_392 = arith.constant 96 : index
      %get3A_393 = tpu.vector_load %arg23[%get3A_392] {strides = array<i32>} : memref<640xf32, #tpu.memory_space<vmem>>, vector<16xf32>,
      %add3A_394 = arith.addf %get3A_391, %get3A_393 : vector<16xf32>
      %get3A_395 = arith.constant 96 : index
      %get3A_396 = tpu.vector_load %arg24[%get3A_395] {strides = array<i32>} : memref<640xf32, #tpu.memory_space<vmem>>, vector<16xf32>,
      %mul3A_397 = arith.mulf %add3A_394, %get3A_396 : vector<16xf32>
      %get3A_398 = arith.constant 96 : index
      %get3A_399 = tpu.vector_load %arg25[%get3A_398] {strides = array<i32>} : memref<640xf32, #tpu.memory_space<vmem>>, vector<16xf32>,
      %add3A_400 = arith.addf %mul3A_397, %get3A_399 : vector<16xf32>
      %swap3A_401 = arith.constant 96 : index
      %swap3A_402 = tpu.vector_load %arg26[%swap3A_401] {strides = array<i32>} : memref<640xf32, #tpu.memory_space<vmem>>, vector<16xf32>,
      tpu.vector_store %arg26[%swap3A_401], %add3A_400 {strides = array<i32>} : memref<640xf32, #tpu.memory_space<vmem>>, vector<16xf32>,
      %get3A_403 = arith.constant 112 : index
      %get3A_404 = tpu.vector_load %arg22[%get3A_403] {strides = array<i32>} : memref<640xf32, #tpu.memory_space<vmem>>, vector<16xf32>,
      %get3A_405 = arith.constant 112 : index
      %get3A_406 = tpu.vector_load %arg23[%get3A_405] {strides = array<i32>} : memref<640xf32, #tpu.memory_space<vmem>>, vector<16xf32>,
      %add3A_407 = arith.addf %get3A_404, %get3A_406 : vector<16xf32>
      %get3A_408 = arith.constant 112 : index
      %get3A_409 = tpu.vector_load %arg24[%get3A_408] {strides = array<i32>} : memref<640xf32, #tpu.memory_space<vmem>>, vector<16xf32>,
      %mul3A_410 = arith.mulf %add3A_407, %get3A_409 : vector<16xf32>
      %get3A_411 = arith.constant 112 : index
      %get3A_412 = tpu.vector_load %arg25[%get3A_411] {strides = array<i32>} : memref<640xf32, #tpu.memory_space<vmem>>, vector<16xf32>,
      %add3A_413 = arith.addf %mul3A_410, %get3A_412 : vector<16xf32>
      %swap3A_414 = arith.constant 112 : index
      %swap3A_415 = tpu.vector_load %arg26[%swap3A_414] {strides = array<i32>} : memref<640xf32, #tpu.memory_space<vmem>>, vector<16xf32>,
      tpu.vector_store %arg26[%swap3A_414], %add3A_413 {strides = array<i32>} : memref<640xf32, #tpu.memory_space<vmem>>, vector<16xf32>,
      %get3A_416 = arith.constant 128 : index
      %get3A_417 = tpu.vector_load %arg22[%get3A_416] {strides = array<i32>} : memref<640xf32, #tpu.memory_space<vmem>>, vector<16xf32>,
      %get3A_418 = arith.constant 128 : index
      %get3A_419 = tpu.vector_load %arg23[%get3A_418] {strides = array<i32>} : memref<640xf32, #tpu.memory_space<vmem>>, vector<16xf32>,
      %add3A_420 = arith.addf %get3A_417, %get3A_419 : vector<16xf32>
      %get3A_421 = arith.constant 128 : index
      %get3A_422 = tpu.vector_load %arg24[%get3A_421] {strides = array<i32>} : memref<640xf32, #tpu.memory_space<vmem>>, vector<16xf32>,
      %mul3A_423 = arith.mulf %add3A_420, %get3A_422 : vector<16xf32>
      %get3A_424 = arith.constant 128 : index
      %get3A_425 = tpu.vector_load %arg25[%get3A_424] {strides = array<i32>} : memref<640xf32, #tpu.memory_space<vmem>>, vector<16xf32>,
      %add3A_426 = arith.addf %mul3A_423, %get3A_425 : vector<16xf32>
      %swap3A_427 = arith.constant 128 : index
      %swap3A_428 = tpu.vector_load %arg26[%swap3A_427] {strides = array<i32>} : memref<640xf32, #tpu.memory_space<vmem>>, vector<16xf32>,
      tpu.vector_store %arg26[%swap3A_427], %add3A_426 {strides = array<i32>} : memref<640xf32, #tpu.memory_space<vmem>>, vector<16xf32>,
      %get3A_429 = arith.constant 144 : index
      %get3A_430 = tpu.vector_load %arg22[%get3A_429] {strides = array<i32>} : memref<640xf32, #tpu.memory_space<vmem>>, vector<16xf32>,
      %get3A_431 = arith.constant 144 : index
      %get3A_432 = tpu.vector_load %arg23[%get3A_431] {strides = array<i32>} : memref<640xf32, #tpu.memory_space<vmem>>, vector<16xf32>,
      %add3A_433 = arith.addf %get3A_430, %get3A_432 : vector<16xf32>
      %get3A_434 = arith.constant 144 : index
      %get3A_435 = tpu.vector_load %arg24[%get3A_434] {strides = array<i32>} : memref<640xf32, #tpu.memory_space<vmem>>, vector<16xf32>,
      %mul3A_436 = arith.mulf %add3A_433, %get3A_435 : vector<16xf32>
      %get3A_437 = arith.constant 144 : index
      %get3A_438 = tpu.vector_load %arg25[%get3A_437] {strides = array<i32>} : memref<640xf32, #tpu.memory_space<vmem>>, vector<16xf32>,
      %add3A_439 = arith.addf %mul3A_436, %get3A_438 : vector<16xf32>
      %swap3A_440 = arith.constant 144 : index
      %swap3A_441 = tpu.vector_load %arg26[%swap3A_440] {strides = array<i32>} : memref<640xf32, #tpu.memory_space<vmem>>, vector<16xf32>,
      tpu.vector_store %arg26[%swap3A_440], %add3A_439 {strides = array<i32>} : memref<640xf32, #tpu.memory_space<vmem>>, vector<16xf32>,
      %get3A_442 = arith.constant 160 : index
      %get3A_443 = tpu.vector_load %arg22[%get3A_442] {strides = array<i32>} : memref<640xf32, #tpu.memory_space<vmem>>, vector<16xf32>,
      %get3A_444 = arith.constant 160 : index
      %get3A_445 = tpu.vector_load %arg23[%get3A_444] {strides = array<i32>} : memref<640xf32, #tpu.memory_space<vmem>>, vector<16xf32>,
      %add3A_446 = arith.addf %get3A_443, %get3A_445 : vector<16xf32>
      %get3A_447 = arith.constant 160 : index
      %get3A_448 = tpu.vector_load %arg24[%get3A_447] {strides = array<i32>} : memref<640xf32, #tpu.memory_space<vmem>>, vector<16xf32>,
      %mul3A_449 = arith.mulf %add3A_446, %get3A_448 : vector<16xf32>
      %get3A_450 = arith.constant 160 : index
      %get3A_451 = tpu.vector_load %arg25[%get3A_450] {strides = array<i32>} : memref<640xf32, #tpu.memory_space<vmem>>, vector<16xf32>,
      %add3A_452 = arith.addf %mul3A_449, %get3A_451 : vector<16xf32>
      %swap3A_453 = arith.constant 160 : index
      %swap3A_454 = tpu.vector_load %arg26[%swap3A_453] {strides = array<i32>} : memref<640xf32, #tpu.memory_space<vmem>>, vector<16xf32>,
      tpu.vector_store %arg26[%swap3A_453], %add3A_452 {strides = array<i32>} : memref<640xf32, #tpu.memory_space<vmem>>, vector<16xf32>,
      %get3A_455 = arith.constant 176 : index
      %get3A_456 = tpu.vector_load %arg22[%get3A_455] {strides = array<i32>} : memref<640xf32, #tpu.memory_space<vmem>>, vector<16xf32>,
      %get3A_457 = arith.constant 176 : index
      %get3A_458 = tpu.vector_load %arg23[%get3A_457] {strides = array<i32>} : memref<640xf32, #tpu.memory_space<vmem>>, vector<16xf32>,
      %add3A_459 = arith.addf %get3A_456, %get3A_458 : vector<16xf32>
      %get3A_460 = arith.constant 176 : index
      %get3A_461 = tpu.vector_load %arg24[%get3A_460] {strides = array<i32>} : memref<640xf32, #tpu.memory_space<vmem>>, vector<16xf32>,
      %mul3A_462 = arith.mulf %add3A_459, %get3A_461 : vector<16xf32>
      %get3A_463 = arith.constant 176 : index
      %get3A_464 = tpu.vector_load %arg25[%get3A_463] {strides = array<i32>} : memref<640xf32, #tpu.memory_space<vmem>>, vector<16xf32>,
      %add3A_465 = arith.addf %mul3A_462, %get3A_464 : vector<16xf32>
      %swap3A_466 = arith.constant 176 : index
      %swap3A_467 = tpu.vector_load %arg26[%swap3A_466] {strides = array<i32>} : memref<640xf32, #tpu.memory_space<vmem>>, vector<16xf32>,
      tpu.vector_store %arg26[%swap3A_466], %add3A_465 {strides = array<i32>} : memref<640xf32, #tpu.memory_space<vmem>>, vector<16xf32>,
      %get3A_468 = arith.constant 192 : index
      %get3A_469 = tpu.vector_load %arg22[%get3A_468] {strides = array<i32>} : memref<640xf32, #tpu.memory_space<vmem>>, vector<16xf32>,
      %get3A_470 = arith.constant 192 : index
      %get3A_471 = tpu.vector_load %arg23[%get3A_470] {strides = array<i32>} : memref<640xf32, #tpu.memory_space<vmem>>, vector<16xf32>,
      %add3A_472 = arith.addf %get3A_469, %get3A_471 : vector<16xf32>
      %get3A_473 = arith.constant 192 : index
      %get3A_474 = tpu.vector_load %arg24[%get3A_473] {strides = array<i32>} : memref<640xf32, #tpu.memory_space<vmem>>, vector<16xf32>,
      %mul3A_475 = arith.mulf %add3A_472, %get3A_474 : vector<16xf32>
      %get3A_476 = arith.constant 192 : index
      %get3A_477 = tpu.vector_load %arg25[%get3A_476] {strides = array<i32>} : memref<640xf32, #tpu.memory_space<vmem>>, vector<16xf32>,
      %add3A_478 = arith.addf %mul3A_475, %get3A_477 : vector<16xf32>
      %swap3A_479 = arith.constant 192 : index
      %swap3A_480 = tpu.vector_load %arg26[%swap3A_479] {strides = array<i32>} : memref<640xf32, #tpu.memory_space<vmem>>, vector<16xf32>,
      tpu.vector_store %arg26[%swap3A_479], %add3A_478 {strides = array<i32>} : memref<640xf32, #tpu.memory_space<vmem>>, vector<16xf32>,
      %get3A_481 = arith.constant 208 : index
      %get3A_482 = tpu.vector_load %arg22[%get3A_481] {strides = array<i32>} : memref<640xf32, #tpu.memory_space<vmem>>, vector<16xf32>,
      %get3A_483 = arith.constant 208 : index
      %get3A_484 = tpu.vector_load %arg23[%get3A_483] {strides = array<i32>} : memref<640xf32, #tpu.memory_space<vmem>>, vector<16xf32>,
      %add3A_485 = arith.addf %get3A_482, %get3A_484 : vector<16xf32>
      %get3A_486 = arith.constant 208 : index
      %get3A_487 = tpu.vector_load %arg24[%get3A_486] {strides = array<i32>} : memref<640xf32, #tpu.memory_space<vmem>>, vector<16xf32>,
      %mul3A_488 = arith.mulf %add3A_485, %get3A_487 : vector<16xf32>
      %get3A_489 = arith.constant 208 : index
      %get3A_490 = tpu.vector_load %arg25[%get3A_489] {strides = array<i32>} : memref<640xf32, #tpu.memory_space<vmem>>, vector<16xf32>,
      %add3A_491 = arith.addf %mul3A_488, %get3A_490 : vector<16xf32>
      %swap3A_492 = arith.constant 208 : index
      %swap3A_493 = tpu.vector_load %arg26[%swap3A_492] {strides = array<i32>} : memref<640xf32, #tpu.memory_space<vmem>>, vector<16xf32>,
      tpu.vector_store %arg26[%swap3A_492], %add3A_491 {strides = array<i32>} : memref<640xf32, #tpu.memory_space<vmem>>, vector<16xf32>,
      %get3A_494 = arith.constant 224 : index
      %get3A_495 = tpu.vector_load %arg22[%get3A_494] {strides = array<i32>} : memref<640xf32, #tpu.memory_space<vmem>>, vector<16xf32>,
      %get3A_496 = arith.constant 224 : index
      %get3A_497 = tpu.vector_load %arg23[%get3A_496] {strides = array<i32>} : memref<640xf32, #tpu.memory_space<vmem>>, vector<16xf32>,
      %add3A_498 = arith.addf %get3A_495, %get3A_497 : vector<16xf32>
      %get3A_499 = arith.constant 224 : index
      %get3A_500 = tpu.vector_load %arg24[%get3A_499] {strides = array<i32>} : memref<640xf32, #tpu.memory_space<vmem>>, vector<16xf32>,
      %mul3A_501 = arith.mulf %add3A_498, %get3A_500 : vector<16xf32>
      %get3A_502 = arith.constant 224 : index
      %get3A_503 = tpu.vector_load %arg25[%get3A_502] {strides = array<i32>} : memref<640xf32, #tpu.memory_space<vmem>>, vector<16xf32>,
      %add3A_504 = arith.addf %mul3A_501, %get3A_503 : vector<16xf32>
      %swap3A_505 = arith.constant 224 : index
      %swap3A_506 = tpu.vector_load %arg26[%swap3A_505] {strides = array<i32>} : memref<640xf32, #tpu.memory_space<vmem>>, vector<16xf32>,
      tpu.vector_store %arg26[%swap3A_505], %add3A_504 {strides = array<i32>} : memref<640xf32, #tpu.memory_space<vmem>>, vector<16xf32>,
      %get3A_507 = arith.constant 240 : index
      %get3A_508 = tpu.vector_load %arg22[%get3A_507] {strides = array<i32>} : memref<640xf32, #tpu.memory_space<vmem>>, vector<16xf32>,
      %get3A_509 = arith.constant 240 : index
      %get3A_510 = tpu.vector_load %arg23[%get3A_509] {strides = array<i32>} : memref<640xf32, #tpu.memory_space<vmem>>, vector<16xf32>,
      %add3A_511 = arith.addf %get3A_508, %get3A_510 : vector<16xf32>
      %get3A_512 = arith.constant 240 : index
      %get3A_513 = tpu.vector_load %arg24[%get3A_512] {strides = array<i32>} : memref<640xf32, #tpu.memory_space<vmem>>, vector<16xf32>,
      %mul3A_514 = arith.mulf %add3A_511, %get3A_513 : vector<16xf32>
      %get3A_515 = arith.constant 240 : index
      %get3A_516 = tpu.vector_load %arg25[%get3A_515] {strides = array<i32>} : memref<640xf32, #tpu.memory_space<vmem>>, vector<16xf32>,
      %add3A_517 = arith.addf %mul3A_514, %get3A_516 : vector<16xf32>
      %swap3A_518 = arith.constant 240 : index
      %swap3A_519 = tpu.vector_load %arg26[%swap3A_518] {strides = array<i32>} : memref<640xf32, #tpu.memory_space<vmem>>, vector<16xf32>,
      tpu.vector_store %arg26[%swap3A_518], %add3A_517 {strides = array<i32>} : memref<640xf32, #tpu.memory_space<vmem>>, vector<16xf32>,
      %get3A_520 = arith.constant 256 : index
      %get3A_521 = tpu.vector_load %arg22[%get3A_520] {strides = array<i32>} : memref<640xf32, #tpu.memory_space<vmem>>, vector<16xf32>,
      %get3A_522 = arith.constant 256 : index
      %get3A_523 = tpu.vector_load %arg23[%get3A_522] {strides = array<i32>} : memref<640xf32, #tpu.memory_space<vmem>>, vector<16xf32>,
      %add3A_524 = arith.addf %get3A_521, %get3A_523 : vector<16xf32>
      %get3A_525 = arith.constant 256 : index
      %get3A_526 = tpu.vector_load %arg24[%get3A_525] {strides = array<i32>} : memref<640xf32, #tpu.memory_space<vmem>>, vector<16xf32>,
      %mul3A_527 = arith.mulf %add3A_524, %get3A_526 : vector<16xf32>
      %get3A_528 = arith.constant 256 : index
      %get3A_529 = tpu.vector_load %arg25[%get3A_528] {strides = array<i32>} : memref<640xf32, #tpu.memory_space<vmem>>, vector<16xf32>,
      %add3A_530 = arith.addf %mul3A_527, %get3A_529 : vector<16xf32>
      %swap3A_531 = arith.constant 256 : index
      %swap3A_532 = tpu.vector_load %arg26[%swap3A_531] {strides = array<i32>} : memref<640xf32, #tpu.memory_space<vmem>>, vector<16xf32>,
      tpu.vector_store %arg26[%swap3A_531], %add3A_530 {strides = array<i32>} : memref<640xf32, #tpu.memory_space<vmem>>, vector<16xf32>,
      %get3A_533 = arith.constant 272 : index
      %get3A_534 = tpu.vector_load %arg22[%get3A_533] {strides = array<i32>} : memref<640xf32, #tpu.memory_space<vmem>>, vector<16xf32>,
      %get3A_535 = arith.constant 272 : index
      %get3A_536 = tpu.vector_load %arg23[%get3A_535] {strides = array<i32>} : memref<640xf32, #tpu.memory_space<vmem>>, vector<16xf32>,
      %add3A_537 = arith.addf %get3A_534, %get3A_536 : vector<16xf32>
      %get3A_538 = arith.constant 272 : index
      %get3A_539 = tpu.vector_load %arg24[%get3A_538] {strides = array<i32>} : memref<640xf32, #tpu.memory_space<vmem>>, vector<16xf32>,
      %mul3A_540 = arith.mulf %add3A_537, %get3A_539 : vector<16xf32>
      %get3A_541 = arith.constant 272 : index
      %get3A_542 = tpu.vector_load %arg25[%get3A_541] {strides = array<i32>} : memref<640xf32, #tpu.memory_space<vmem>>, vector<16xf32>,
      %add3A_543 = arith.addf %mul3A_540, %get3A_542 : vector<16xf32>
      %swap3A_544 = arith.constant 272 : index
      %swap3A_545 = tpu.vector_load %arg26[%swap3A_544] {strides = array<i32>} : memref<640xf32, #tpu.memory_space<vmem>>, vector<16xf32>,
      tpu.vector_store %arg26[%swap3A_544], %add3A_543 {strides = array<i32>} : memref<640xf32, #tpu.memory_space<vmem>>, vector<16xf32>,
      %get3A_546 = arith.constant 288 : index
      %get3A_547 = tpu.vector_load %arg22[%get3A_546] {strides = array<i32>} : memref<640xf32, #tpu.memory_space<vmem>>, vector<16xf32>,
      %get3A_548 = arith.constant 288 : index
      %get3A_549 = tpu.vector_load %arg23[%get3A_548] {strides = array<i32>} : memref<640xf32, #tpu.memory_space<vmem>>, vector<16xf32>,
      %add3A_550 = arith.addf %get3A_547, %get3A_549 : vector<16xf32>
      %get3A_551 = arith.constant 288 : index
      %get3A_552 = tpu.vector_load %arg24[%get3A_551] {strides = array<i32>} : memref<640xf32, #tpu.memory_space<vmem>>, vector<16xf32>,
      %mul3A_553 = arith.mulf %add3A_550, %get3A_552 : vector<16xf32>
      %get3A_554 = arith.constant 288 : index
      %get3A_555 = tpu.vector_load %arg25[%get3A_554] {strides = array<i32>} : memref<640xf32, #tpu.memory_space<vmem>>, vector<16xf32>,
      %add3A_556 = arith.addf %mul3A_553, %get3A_555 : vector<16xf32>
      %swap3A_557 = arith.constant 288 : index
      %swap3A_558 = tpu.vector_load %arg26[%swap3A_557] {strides = array<i32>} : memref<640xf32, #tpu.memory_space<vmem>>, vector<16xf32>,
      tpu.vector_store %arg26[%swap3A_557], %add3A_556 {strides = array<i32>} : memref<640xf32, #tpu.memory_space<vmem>>, vector<16xf32>,
      %get3A_559 = arith.constant 304 : index
      %get3A_560 = tpu.vector_load %arg22[%get3A_559] {strides = array<i32>} : memref<640xf32, #tpu.memory_space<vmem>>, vector<16xf32>,
      %get3A_561 = arith.constant 304 : index
      %get3A_562 = tpu.vector_load %arg23[%get3A_561] {strides = array<i32>} : memref<640xf32, #tpu.memory_space<vmem>>, vector<16xf32>,
      %add3A_563 = arith.addf %get3A_560, %get3A_562 : vector<16xf32>
      %get3A_564 = arith.constant 304 : index
      %get3A_565 = tpu.vector_load %arg24[%get3A_564] {strides = array<i32>} : memref<640xf32, #tpu.memory_space<vmem>>, vector<16xf32>,
      %mul3A_566 = arith.mulf %add3A_563, %get3A_565 : vector<16xf32>
      %get3A_567 = arith.constant 304 : index
      %get3A_568 = tpu.vector_load %arg25[%get3A_567] {strides = array<i32>} : memref<640xf32, #tpu.memory_space<vmem>>, vector<16xf32>,
      %add3A_569 = arith.addf %mul3A_566, %get3A_568 : vector<16xf32>
      %swap3A_570 = arith.constant 304 : index
      %swap3A_571 = tpu.vector_load %arg26[%swap3A_570] {strides = array<i32>} : memref<640xf32, #tpu.memory_space<vmem>>, vector<16xf32>,
      tpu.vector_store %arg26[%swap3A_570], %add3A_569 {strides = array<i32>} : memref<640xf32, #tpu.memory_space<vmem>>, vector<16xf32>,
      %get3A_572 = arith.constant 320 : index
      %get3A_573 = tpu.vector_load %arg22[%get3A_572] {strides = array<i32>} : memref<640xf32, #tpu.memory_space<vmem>>, vector<16xf32>,
      %get3A_574 = arith.constant 320 : index
      %get3A_575 = tpu.vector_load %arg23[%get3A_574] {strides = array<i32>} : memref<640xf32, #tpu.memory_space<vmem>>, vector<16xf32>,
      %add3A_576 = arith.addf %get3A_573, %get3A_575 : vector<16xf32>
      %get3A_577 = arith.constant 320 : index
      %get3A_578 = tpu.vector_load %arg24[%get3A_577] {strides = array<i32>} : memref<640xf32, #tpu.memory_space<vmem>>, vector<16xf32>,
      %mul3A_579 = arith.mulf %add3A_576, %get3A_578 : vector<16xf32>
      %get3A_580 = arith.constant 320 : index
      %get3A_581 = tpu.vector_load %arg25[%get3A_580] {strides = array<i32>} : memref<640xf32, #tpu.memory_space<vmem>>, vector<16xf32>,
      %add3A_582 = arith.addf %mul3A_579, %get3A_581 : vector<16xf32>
      %swap3A_583 = arith.constant 320 : index
      %swap3A_584 = tpu.vector_load %arg26[%swap3A_583] {strides = array<i32>} : memref<640xf32, #tpu.memory_space<vmem>>, vector<16xf32>,
      tpu.vector_store %arg26[%swap3A_583], %add3A_582 {strides = array<i32>} : memref<640xf32, #tpu.memory_space<vmem>>, vector<16xf32>,
      %get3A_585 = arith.constant 336 : index
      %get3A_586 = tpu.vector_load %arg22[%get3A_585] {strides = array<i32>} : memref<640xf32, #tpu.memory_space<vmem>>, vector<16xf32>,
      %get3A_587 = arith.constant 336 : index
      %get3A_588 = tpu.vector_load %arg23[%get3A_587] {strides = array<i32>} : memref<640xf32, #tpu.memory_space<vmem>>, vector<16xf32>,
      %add3A_589 = arith.addf %get3A_586, %get3A_588 : vector<16xf32>
      %get3A_590 = arith.constant 336 : index
      %get3A_591 = tpu.vector_load %arg24[%get3A_590] {strides = array<i32>} : memref<640xf32, #tpu.memory_space<vmem>>, vector<16xf32>,
      %mul3A_592 = arith.mulf %add3A_589, %get3A_591 : vector<16xf32>
      %get3A_593 = arith.constant 336 : index
      %get3A_594 = tpu.vector_load %arg25[%get3A_593] {strides = array<i32>} : memref<640xf32, #tpu.memory_space<vmem>>, vector<16xf32>,
      %add3A_595 = arith.addf %mul3A_592, %get3A_594 : vector<16xf32>
      %swap3A_596 = arith.constant 336 : index
      %swap3A_597 = tpu.vector_load %arg26[%swap3A_596] {strides = array<i32>} : memref<640xf32, #tpu.memory_space<vmem>>, vector<16xf32>,
      tpu.vector_store %arg26[%swap3A_596], %add3A_595 {strides = array<i32>} : memref<640xf32, #tpu.memory_space<vmem>>, vector<16xf32>,
      %get3A_598 = arith.constant 352 : index
      %get3A_599 = tpu.vector_load %arg22[%get3A_598] {strides = array<i32>} : memref<640xf32, #tpu.memory_space<vmem>>, vector<16xf32>,
      %get3A_600 = arith.constant 352 : index
      %get3A_601 = tpu.vector_load %arg23[%get3A_600] {strides = array<i32>} : memref<640xf32, #tpu.memory_space<vmem>>, vector<16xf32>,
      %add3A_602 = arith.addf %get3A_599, %get3A_601 : vector<16xf32>
      %get3A_603 = arith.constant 352 : index
      %get3A_604 = tpu.vector_load %arg24[%get3A_603] {strides = array<i32>} : memref<640xf32, #tpu.memory_space<vmem>>, vector<16xf32>,
      %mul3A_605 = arith.mulf %add3A_602, %get3A_604 : vector<16xf32>
      %get3A_606 = arith.constant 352 : index
      %get3A_607 = tpu.vector_load %arg25[%get3A_606] {strides = array<i32>} : memref<640xf32, #tpu.memory_space<vmem>>, vector<16xf32>,
      %add3A_608 = arith.addf %mul3A_605, %get3A_607 : vector<16xf32>
      %swap3A_609 = arith.constant 352 : index
      %swap3A_610 = tpu.vector_load %arg26[%swap3A_609] {strides = array<i32>} : memref<640xf32, #tpu.memory_space<vmem>>, vector<16xf32>,
      tpu.vector_store %arg26[%swap3A_609], %add3A_608 {strides = array<i32>} : memref<640xf32, #tpu.memory_space<vmem>>, vector<16xf32>,
      %get3A_611 = arith.constant 368 : index
      %get3A_612 = tpu.vector_load %arg22[%get3A_611] {strides = array<i32>} : memref<640xf32, #tpu.memory_space<vmem>>, vector<16xf32>,
      %get3A_613 = arith.constant 368 : index
      %get3A_614 = tpu.vector_load %arg23[%get3A_613] {strides = array<i32>} : memref<640xf32, #tpu.memory_space<vmem>>, vector<16xf32>,
      %add3A_615 = arith.addf %get3A_612, %get3A_614 : vector<16xf32>
      %get3A_616 = arith.constant 368 : index
      %get3A_617 = tpu.vector_load %arg24[%get3A_616] {strides = array<i32>} : memref<640xf32, #tpu.memory_space<vmem>>, vector<16xf32>,
      %mul3A_618 = arith.mulf %add3A_615, %get3A_617 : vector<16xf32>
      %get3A_619 = arith.constant 368 : index
      %get3A_620 = tpu.vector_load %arg25[%get3A_619] {strides = array<i32>} : memref<640xf32, #tpu.memory_space<vmem>>, vector<16xf32>,
      %add3A_621 = arith.addf %mul3A_618, %get3A_620 : vector<16xf32>
      %swap3A_622 = arith.constant 368 : index
      %swap3A_623 = tpu.vector_load %arg26[%swap3A_622] {strides = array<i32>} : memref<640xf32, #tpu.memory_space<vmem>>, vector<16xf32>,
      tpu.vector_store %arg26[%swap3A_622], %add3A_621 {strides = array<i32>} : memref<640xf32, #tpu.memory_space<vmem>>, vector<16xf32>,
      %get3A_624 = arith.constant 384 : index
      %get3A_625 = tpu.vector_load %arg22[%get3A_624] {strides = array<i32>} : memref<640xf32, #tpu.memory_space<vmem>>, vector<16xf32>,
      %get3A_626 = arith.constant 384 : index
      %get3A_627 = tpu.vector_load %arg23[%get3A_626] {strides = array<i32>} : memref<640xf32, #tpu.memory_space<vmem>>, vector<16xf32>,
      %add3A_628 = arith.addf %get3A_625, %get3A_627 : vector<16xf32>
      %get3A_629 = arith.constant 384 : index
      %get3A_630 = tpu.vector_load %arg24[%get3A_629] {strides = array<i32>} : memref<640xf32, #tpu.memory_space<vmem>>, vector<16xf32>,
      %mul3A_631 = arith.mulf %add3A_628, %get3A_630 : vector<16xf32>
      %get3A_632 = arith.constant 384 : index
      %get3A_633 = tpu.vector_load %arg25[%get3A_632] {strides = array<i32>} : memref<640xf32, #tpu.memory_space<vmem>>, vector<16xf32>,
      %add3A_634 = arith.addf %mul3A_631, %get3A_633 : vector<16xf32>
      %swap3A_635 = arith.constant 384 : index
      %swap3A_636 = tpu.vector_load %arg26[%swap3A_635] {strides = array<i32>} : memref<640xf32, #tpu.memory_space<vmem>>, vector<16xf32>,
      tpu.vector_store %arg26[%swap3A_635], %add3A_634 {strides = array<i32>} : memref<640xf32, #tpu.memory_space<vmem>>, vector<16xf32>,
      %get3A_637 = arith.constant 400 : index
      %get3A_638 = tpu.vector_load %arg22[%get3A_637] {strides = array<i32>} : memref<640xf32, #tpu.memory_space<vmem>>, vector<16xf32>,
      %get3A_639 = arith.constant 400 : index
      %get3A_640 = tpu.vector_load %arg23[%get3A_639] {strides = array<i32>} : memref<640xf32, #tpu.memory_space<vmem>>, vector<16xf32>,
      %add3A_641 = arith.addf %get3A_638, %get3A_640 : vector<16xf32>
      %get3A_642 = arith.constant 400 : index
      %get3A_643 = tpu.vector_load %arg24[%get3A_642] {strides = array<i32>} : memref<640xf32, #tpu.memory_space<vmem>>, vector<16xf32>,
      %mul3A_644 = arith.mulf %add3A_641, %get3A_643 : vector<16xf32>
      %get3A_645 = arith.constant 400 : index
      %get3A_646 = tpu.vector_load %arg25[%get3A_645] {strides = array<i32>} : memref<640xf32, #tpu.memory_space<vmem>>, vector<16xf32>,
      %add3A_647 = arith.addf %mul3A_644, %get3A_646 : vector<16xf32>
      %swap3A_648 = arith.constant 400 : index
      %swap3A_649 = tpu.vector_load %arg26[%swap3A_648] {strides = array<i32>} : memref<640xf32, #tpu.memory_space<vmem>>, vector<16xf32>,
      tpu.vector_store %arg26[%swap3A_648], %add3A_647 {strides = array<i32>} : memref<640xf32, #tpu.memory_space<vmem>>, vector<16xf32>,
      %get3A_650 = arith.constant 416 : index
      %get3A_651 = tpu.vector_load %arg22[%get3A_650] {strides = array<i32>} : memref<640xf32, #tpu.memory_space<vmem>>, vector<16xf32>,
      %get3A_652 = arith.constant 416 : index
      %get3A_653 = tpu.vector_load %arg23[%get3A_652] {strides = array<i32>} : memref<640xf32, #tpu.memory_space<vmem>>, vector<16xf32>,
      %add3A_654 = arith.addf %get3A_651, %get3A_653 : vector<16xf32>
      %get3A_655 = arith.constant 416 : index
      %get3A_656 = tpu.vector_load %arg24[%get3A_655] {strides = array<i32>} : memref<640xf32, #tpu.memory_space<vmem>>, vector<16xf32>,
      %mul3A_657 = arith.mulf %add3A_654, %get3A_656 : vector<16xf32>
      %get3A_658 = arith.constant 416 : index
      %get3A_659 = tpu.vector_load %arg25[%get3A_658] {strides = array<i32>} : memref<640xf32, #tpu.memory_space<vmem>>, vector<16xf32>,
      %add3A_660 = arith.addf %mul3A_657, %get3A_659 : vector<16xf32>
      %swap3A_661 = arith.constant 416 : index
      %swap3A_662 = tpu.vector_load %arg26[%swap3A_661] {strides = array<i32>} : memref<640xf32, #tpu.memory_space<vmem>>, vector<16xf32>,
      tpu.vector_store %arg26[%swap3A_661], %add3A_660 {strides = array<i32>} : memref<640xf32, #tpu.memory_space<vmem>>, vector<16xf32>,
      %get3A_663 = arith.constant 432 : index
      %get3A_664 = tpu.vector_load %arg22[%get3A_663] {strides = array<i32>} : memref<640xf32, #tpu.memory_space<vmem>>, vector<16xf32>,
      %get3A_665 = arith.constant 432 : index
      %get3A_666 = tpu.vector_load %arg23[%get3A_665] {strides = array<i32>} : memref<640xf32, #tpu.memory_space<vmem>>, vector<16xf32>,
      %add3A_667 = arith.addf %get3A_664, %get3A_666 : vector<16xf32>
      %get3A_668 = arith.constant 432 : index
      %get3A_669 = tpu.vector_load %arg24[%get3A_668] {strides = array<i32>} : memref<640xf32, #tpu.memory_space<vmem>>, vector<16xf32>,
      %mul3A_670 = arith.mulf %add3A_667, %get3A_669 : vector<16xf32>
      %get3A_671 = arith.constant 432 : index
      %get3A_672 = tpu.vector_load %arg25[%get3A_671] {strides = array<i32>} : memref<640xf32, #tpu.memory_space<vmem>>, vector<16xf32>,
      %add3A_673 = arith.addf %mul3A_670, %get3A_672 : vector<16xf32>
      %swap3A_674 = arith.constant 432 : index
      %swap3A_675 = tpu.vector_load %arg26[%swap3A_674] {strides = array<i32>} : memref<640xf32, #tpu.memory_space<vmem>>, vector<16xf32>,
      tpu.vector_store %arg26[%swap3A_674], %add3A_673 {strides = array<i32>} : memref<640xf32, #tpu.memory_space<vmem>>, vector<16xf32>,
      %get3A_676 = arith.constant 448 : index
      %get3A_677 = tpu.vector_load %arg22[%get3A_676] {strides = array<i32>} : memref<640xf32, #tpu.memory_space<vmem>>, vector<16xf32>,
      %get3A_678 = arith.constant 448 : index
      %get3A_679 = tpu.vector_load %arg23[%get3A_678] {strides = array<i32>} : memref<640xf32, #tpu.memory_space<vmem>>, vector<16xf32>,
      %add3A_680 = arith.addf %get3A_677, %get3A_679 : vector<16xf32>
      %get3A_681 = arith.constant 448 : index
      %get3A_682 = tpu.vector_load %arg24[%get3A_681] {strides = array<i32>} : memref<640xf32, #tpu.memory_space<vmem>>, vector<16xf32>,
      %mul3A_683 = arith.mulf %add3A_680, %get3A_682 : vector<16xf32>
      %get3A_684 = arith.constant 448 : index
      %get3A_685 = tpu.vector_load %arg25[%get3A_684] {strides = array<i32>} : memref<640xf32, #tpu.memory_space<vmem>>, vector<16xf32>,
      %add3A_686 = arith.addf %mul3A_683, %get3A_685 : vector<16xf32>
      %swap3A_687 = arith.constant 448 : index
      %swap3A_688 = tpu.vector_load %arg26[%swap3A_687] {strides = array<i32>} : memref<640xf32, #tpu.memory_space<vmem>>, vector<16xf32>,
      tpu.vector_store %arg26[%swap3A_687], %add3A_686 {strides = array<i32>} : memref<640xf32, #tpu.memory_space<vmem>>, vector<16xf32>,
      %get3A_689 = arith.constant 464 : index
      %get3A_690 = tpu.vector_load %arg22[%get3A_689] {strides = array<i32>} : memref<640xf32, #tpu.memory_space<vmem>>, vector<16xf32>,
      %get3A_691 = arith.constant 464 : index
      %get3A_692 = tpu.vector_load %arg23[%get3A_691] {strides = array<i32>} : memref<640xf32, #tpu.memory_space<vmem>>, vector<16xf32>,
      %add3A_693 = arith.addf %get3A_690, %get3A_692 : vector<16xf32>
      %get3A_694 = arith.constant 464 : index
      %get3A_695 = tpu.vector_load %arg24[%get3A_694] {strides = array<i32>} : memref<640xf32, #tpu.memory_space<vmem>>, vector<16xf32>,
      %mul3A_696 = arith.mulf %add3A_693, %get3A_695 : vector<16xf32>
      %get3A_697 = arith.constant 464 : index
      %get3A_698 = tpu.vector_load %arg25[%get3A_697] {strides = array<i32>} : memref<640xf32, #tpu.memory_space<vmem>>, vector<16xf32>,
      %add3A_699 = arith.addf %mul3A_696, %get3A_698 : vector<16xf32>
      %swap3A_700 = arith.constant 464 : index
      %swap3A_701 = tpu.vector_load %arg26[%swap3A_700] {strides = array<i32>} : memref<640xf32, #tpu.memory_space<vmem>>, vector<16xf32>,
      tpu.vector_store %arg26[%swap3A_700], %add3A_699 {strides = array<i32>} : memref<640xf32, #tpu.memory_space<vmem>>, vector<16xf32>,
      %get3A_702 = arith.constant 480 : index
      %get3A_703 = tpu.vector_load %arg22[%get3A_702] {strides = array<i32>} : memref<640xf32, #tpu.memory_space<vmem>>, vector<16xf32>,
      %get3A_704 = arith.constant 480 : index
      %get3A_705 = tpu.vector_load %arg23[%get3A_704] {strides = array<i32>} : memref<640xf32, #tpu.memory_space<vmem>>, vector<16xf32>,
      %add3A_706 = arith.addf %get3A_703, %get3A_705 : vector<16xf32>
      %get3A_707 = arith.constant 480 : index
      %get3A_708 = tpu.vector_load %arg24[%get3A_707] {strides = array<i32>} : memref<640xf32, #tpu.memory_space<vmem>>, vector<16xf32>,
      %mul3A_709 = arith.mulf %add3A_706, %get3A_708 : vector<16xf32>
      %get3A_710 = arith.constant 480 : index
      %get3A_711 = tpu.vector_load %arg25[%get3A_710] {strides = array<i32>} : memref<640xf32, #tpu.memory_space<vmem>>, vector<16xf32>,
      %add3A_712 = arith.addf %mul3A_709, %get3A_711 : vector<16xf32>
      %swap3A_713 = arith.constant 480 : index
      %swap3A_714 = tpu.vector_load %arg26[%swap3A_713] {strides = array<i32>} : memref<640xf32, #tpu.memory_space<vmem>>, vector<16xf32>,
      tpu.vector_store %arg26[%swap3A_713], %add3A_712 {strides = array<i32>} : memref<640xf32, #tpu.memory_space<vmem>>, vector<16xf32>,
      %get3A_715 = arith.constant 496 : index
      %get3A_716 = tpu.vector_load %arg22[%get3A_715] {strides = array<i32>} : memref<640xf32, #tpu.memory_space<vmem>>, vector<16xf32>,
      %get3A_717 = arith.constant 496 : index
      %get3A_718 = tpu.vector_load %arg23[%get3A_717] {strides = array<i32>} : memref<640xf32, #tpu.memory_space<vmem>>, vector<16xf32>,
      %add3A_719 = arith.addf %get3A_716, %get3A_718 : vector<16xf32>
      %get3A_720 = arith.constant 496 : index
      %get3A_721 = tpu.vector_load %arg24[%get3A_720] {strides = array<i32>} : memref<640xf32, #tpu.memory_space<vmem>>, vector<16xf32>,
      %mul3A_722 = arith.mulf %add3A_719, %get3A_721 : vector<16xf32>
      %get3A_723 = arith.constant 496 : index
      %get3A_724 = tpu.vector_load %arg25[%get3A_723] {strides = array<i32>} : memref<640xf32, #tpu.memory_space<vmem>>, vector<16xf32>,
      %add3A_725 = arith.addf %mul3A_722, %get3A_724 : vector<16xf32>
      %swap3A_726 = arith.constant 496 : index
      %swap3A_727 = tpu.vector_load %arg26[%swap3A_726] {strides = array<i32>} : memref<640xf32, #tpu.memory_space<vmem>>, vector<16xf32>,
      tpu.vector_store %arg26[%swap3A_726], %add3A_725 {strides = array<i32>} : memref<640xf32, #tpu.memory_space<vmem>>, vector<16xf32>,
      %get3A_728 = arith.constant 512 : index
      %get3A_729 = tpu.vector_load %arg22[%get3A_728] {strides = array<i32>} : memref<640xf32, #tpu.memory_space<vmem>>, vector<16xf32>,
      %get3A_730 = arith.constant 512 : index
      %get3A_731 = tpu.vector_load %arg23[%get3A_730] {strides = array<i32>} : memref<640xf32, #tpu.memory_space<vmem>>, vector<16xf32>,
      %add3A_732 = arith.addf %get3A_729, %get3A_731 : vector<16xf32>
      %get3A_733 = arith.constant 512 : index
      %get3A_734 = tpu.vector_load %arg24[%get3A_733] {strides = array<i32>} : memref<640xf32, #tpu.memory_space<vmem>>, vector<16xf32>,
      %mul3A_735 = arith.mulf %add3A_732, %get3A_734 : vector<16xf32>
      %get3A_736 = arith.constant 512 : index
      %get3A_737 = tpu.vector_load %arg25[%get3A_736] {strides = array<i32>} : memref<640xf32, #tpu.memory_space<vmem>>, vector<16xf32>,
      %add3A_738 = arith.addf %mul3A_735, %get3A_737 : vector<16xf32>
      %swap3A_739 = arith.constant 512 : index
      %swap3A_740 = tpu.vector_load %arg26[%swap3A_739] {strides = array<i32>} : memref<640xf32, #tpu.memory_space<vmem>>, vector<16xf32>,
      tpu.vector_store %arg26[%swap3A_739], %add3A_738 {strides = array<i32>} : memref<640xf32, #tpu.memory_space<vmem>>, vector<16xf32>,
      %get3A_741 = arith.constant 528 : index
      %get3A_742 = tpu.vector_load %arg22[%get3A_741] {strides = array<i32>} : memref<640xf32, #tpu.memory_space<vmem>>, vector<16xf32>,
      %get3A_743 = arith.constant 528 : index
      %get3A_744 = tpu.vector_load %arg23[%get3A_743] {strides = array<i32>} : memref<640xf32, #tpu.memory_space<vmem>>, vector<16xf32>,
      %add3A_745 = arith.addf %get3A_742, %get3A_744 : vector<16xf32>
      %get3A_746 = arith.constant 528 : index
      %get3A_747 = tpu.vector_load %arg24[%get3A_746] {strides = array<i32>} : memref<640xf32, #tpu.memory_space<vmem>>, vector<16xf32>,
      %mul3A_748 = arith.mulf %add3A_745, %get3A_747 : vector<16xf32>
      %get3A_749 = arith.constant 528 : index
      %get3A_750 = tpu.vector_load %arg25[%get3A_749] {strides = array<i32>} : memref<640xf32, #tpu.memory_space<vmem>>, vector<16xf32>,
      %add3A_751 = arith.addf %mul3A_748, %get3A_750 : vector<16xf32>
      %swap3A_752 = arith.constant 528 : index
      %swap3A_753 = tpu.vector_load %arg26[%swap3A_752] {strides = array<i32>} : memref<640xf32, #tpu.memory_space<vmem>>, vector<16xf32>,
      tpu.vector_store %arg26[%swap3A_752], %add3A_751 {strides = array<i32>} : memref<640xf32, #tpu.memory_space<vmem>>, vector<16xf32>,
      %get3A_754 = arith.constant 544 : index
      %get3A_755 = tpu.vector_load %arg22[%get3A_754] {strides = array<i32>} : memref<640xf32, #tpu.memory_space<vmem>>, vector<16xf32>,
      %get3A_756 = arith.constant 544 : index
      %get3A_757 = tpu.vector_load %arg23[%get3A_756] {strides = array<i32>} : memref<640xf32, #tpu.memory_space<vmem>>, vector<16xf32>,
      %add3A_758 = arith.addf %get3A_755, %get3A_757 : vector<16xf32>
      %get3A_759 = arith.constant 544 : index
      %get3A_760 = tpu.vector_load %arg24[%get3A_759] {strides = array<i32>} : memref<640xf32, #tpu.memory_space<vmem>>, vector<16xf32>,
      %mul3A_761 = arith.mulf %add3A_758, %get3A_760 : vector<16xf32>
      %get3A_762 = arith.constant 544 : index
      %get3A_763 = tpu.vector_load %arg25[%get3A_762] {strides = array<i32>} : memref<640xf32, #tpu.memory_space<vmem>>, vector<16xf32>,
      %add3A_764 = arith.addf %mul3A_761, %get3A_763 : vector<16xf32>
      %swap3A_765 = arith.constant 544 : index
      %swap3A_766 = tpu.vector_load %arg26[%swap3A_765] {strides = array<i32>} : memref<640xf32, #tpu.memory_space<vmem>>, vector<16xf32>,
      tpu.vector_store %arg26[%swap3A_765], %add3A_764 {strides = array<i32>} : memref<640xf32, #tpu.memory_space<vmem>>, vector<16xf32>,
      %get3A_767 = arith.constant 560 : index
      %get3A_768 = tpu.vector_load %arg22[%get3A_767] {strides = array<i32>} : memref<640xf32, #tpu.memory_space<vmem>>, vector<16xf32>,
      %get3A_769 = arith.constant 560 : index
      %get3A_770 = tpu.vector_load %arg23[%get3A_769] {strides = array<i32>} : memref<640xf32, #tpu.memory_space<vmem>>, vector<16xf32>,
      %add3A_771 = arith.addf %get3A_768, %get3A_770 : vector<16xf32>
      %get3A_772 = arith.constant 560 : index
      %get3A_773 = tpu.vector_load %arg24[%get3A_772] {strides = array<i32>} : memref<640xf32, #tpu.memory_space<vmem>>, vector<16xf32>,
      %mul3A_774 = arith.mulf %add3A_771, %get3A_773 : vector<16xf32>
      %get3A_775 = arith.constant 560 : index
      %get3A_776 = tpu.vector_load %arg25[%get3A_775] {strides = array<i32>} : memref<640xf32, #tpu.memory_space<vmem>>, vector<16xf32>,
      %add3A_777 = arith.addf %mul3A_774, %get3A_776 : vector<16xf32>
      %swap3A_778 = arith.constant 560 : index
      %swap3A_779 = tpu.vector_load %arg26[%swap3A_778] {strides = array<i32>} : memref<640xf32, #tpu.memory_space<vmem>>, vector<16xf32>,
      tpu.vector_store %arg26[%swap3A_778], %add3A_777 {strides = array<i32>} : memref<640xf32, #tpu.memory_space<vmem>>, vector<16xf32>,
      %get3A_780 = arith.constant 576 : index
      %get3A_781 = tpu.vector_load %arg22[%get3A_780] {strides = array<i32>} : memref<640xf32, #tpu.memory_space<vmem>>, vector<16xf32>,
      %get3A_782 = arith.constant 576 : index
      %get3A_783 = tpu.vector_load %arg23[%get3A_782] {strides = array<i32>} : memref<640xf32, #tpu.memory_space<vmem>>, vector<16xf32>,
      %add3A_784 = arith.addf %get3A_781, %get3A_783 : vector<16xf32>
      %get3A_785 = arith.constant 576 : index
      %get3A_786 = tpu.vector_load %arg24[%get3A_785] {strides = array<i32>} : memref<640xf32, #tpu.memory_space<vmem>>, vector<16xf32>,
      %mul3A_787 = arith.mulf %add3A_784, %get3A_786 : vector<16xf32>
      %get3A_788 = arith.constant 576 : index
      %get3A_789 = tpu.vector_load %arg25[%get3A_788] {strides = array<i32>} : memref<640xf32, #tpu.memory_space<vmem>>, vector<16xf32>,
      %add3A_790 = arith.addf %mul3A_787, %get3A_789 : vector<16xf32>
      %swap3A_791 = arith.constant 576 : index
      %swap3A_792 = tpu.vector_load %arg26[%swap3A_791] {strides = array<i32>} : memref<640xf32, #tpu.memory_space<vmem>>, vector<16xf32>,
      tpu.vector_store %arg26[%swap3A_791], %add3A_790 {strides = array<i32>} : memref<640xf32, #tpu.memory_space<vmem>>, vector<16xf32>,
      %get3A_793 = arith.constant 592 : index
      %get3A_794 = tpu.vector_load %arg22[%get3A_793] {strides = array<i32>} : memref<640xf32, #tpu.memory_space<vmem>>, vector<16xf32>,
      %get3A_795 = arith.constant 592 : index
      %get3A_796 = tpu.vector_load %arg23[%get3A_795] {strides = array<i32>} : memref<640xf32, #tpu.memory_space<vmem>>, vector<16xf32>,
      %add3A_797 = arith.addf %get3A_794, %get3A_796 : vector<16xf32>
      %get3A_798 = arith.constant 592 : index
      %get3A_799 = tpu.vector_load %arg24[%get3A_798] {strides = array<i32>} : memref<640xf32, #tpu.memory_space<vmem>>, vector<16xf32>,
      %mul3A_800 = arith.mulf %add3A_797, %get3A_799 : vector<16xf32>
      %get3A_801 = arith.constant 592 : index
      %get3A_802 = tpu.vector_load %arg25[%get3A_801] {strides = array<i32>} : memref<640xf32, #tpu.memory_space<vmem>>, vector<16xf32>,
      %add3A_803 = arith.addf %mul3A_800, %get3A_802 : vector<16xf32>
      %swap3A_804 = arith.constant 592 : index
      %swap3A_805 = tpu.vector_load %arg26[%swap3A_804] {strides = array<i32>} : memref<640xf32, #tpu.memory_space<vmem>>, vector<16xf32>,
      tpu.vector_store %arg26[%swap3A_804], %add3A_803 {strides = array<i32>} : memref<640xf32, #tpu.memory_space<vmem>>, vector<16xf32>,
      %get3A_806 = arith.constant 608 : index
      %get3A_807 = tpu.vector_load %arg22[%get3A_806] {strides = array<i32>} : memref<640xf32, #tpu.memory_space<vmem>>, vector<16xf32>,
      %get3A_808 = arith.constant 608 : index
      %get3A_809 = tpu.vector_load %arg23[%get3A_808] {strides = array<i32>} : memref<640xf32, #tpu.memory_space<vmem>>, vector<16xf32>,
      %add3A_810 = arith.addf %get3A_807, %get3A_809 : vector<16xf32>
      %get3A_811 = arith.constant 608 : index
      %get3A_812 = tpu.vector_load %arg24[%get3A_811] {strides = array<i32>} : memref<640xf32, #tpu.memory_space<vmem>>, vector<16xf32>,
      %mul3A_813 = arith.mulf %add3A_810, %get3A_812 : vector<16xf32>
      %get3A_814 = arith.constant 608 : index
      %get3A_815 = tpu.vector_load %arg25[%get3A_814] {strides = array<i32>} : memref<640xf32, #tpu.memory_space<vmem>>, vector<16xf32>,
      %add3A_816 = arith.addf %mul3A_813, %get3A_815 : vector<16xf32>
      %swap3A_817 = arith.constant 608 : index
      %swap3A_818 = tpu.vector_load %arg26[%swap3A_817] {strides = array<i32>} : memref<640xf32, #tpu.memory_space<vmem>>, vector<16xf32>,
      tpu.vector_store %arg26[%swap3A_817], %add3A_816 {strides = array<i32>} : memref<640xf32, #tpu.memory_space<vmem>>, vector<16xf32>,
      %get3A_819 = arith.constant 624 : index
      %get3A_820 = tpu.vector_load %arg22[%get3A_819] {strides = array<i32>} : memref<640xf32, #tpu.memory_space<vmem>>, vector<16xf32>,
      %get3A_821 = arith.constant 624 : index
      %get3A_822 = tpu.vector_load %arg23[%get3A_821] {strides = array<i32>} : memref<640xf32, #tpu.memory_space<vmem>>, vector<16xf32>,
      %add3A_823 = arith.addf %get3A_820, %get3A_822 : vector<16xf32>
      %get3A_824 = arith.constant 624 : index
      %get3A_825 = tpu.vector_load %arg24[%get3A_824] {strides = array<i32>} : memref<640xf32, #tpu.memory_space<vmem>>, vector<16xf32>,
      %mul3A_826 = arith.mulf %add3A_823, %get3A_825 : vector<16xf32>
      %get3A_827 = arith.constant 624 : index
      %get3A_828 = tpu.vector_load %arg25[%get3A_827] {strides = array<i32>} : memref<640xf32, #tpu.memory_space<vmem>>, vector<16xf32>,
      %add3A_829 = arith.addf %mul3A_826, %get3A_828 : vector<16xf32>
      %swap3A_830 = arith.constant 624 : index
      %swap3A_831 = tpu.vector_load %arg26[%swap3A_830] {strides = array<i32>} : memref<640xf32, #tpu.memory_space<vmem>>, vector<16xf32>,
      tpu.vector_store %arg26[%swap3A_830], %add3A_829 {strides = array<i32>} : memref<640xf32, #tpu.memory_space<vmem>>, vector<16xf32>,
      "tpu.region"() ({
        %run_scoped3A_832 = tpu.sem_alloc : memref<!tpu.dma_semaphore, #tpu.memory_space<semaphore_mem>>
        %dma_start3A_833 = tpu.memref_slice %arg9[%mul3A_3] : memref<10240xf32, #tpu.memory_space<hbm>> -> memref<640xf32, #tpu.memory_space<hbm>>
        %dma_start3A_834 = tpu.memref_slice %arg9[%mul3A_3] : memref<10240xf32, #tpu.memory_space<hbm>> -> memref<640xf32, #tpu.memory_space<hbm>>
        tpu.enqueue_dma source(%arg26 : memref<640xf32, #tpu.memory_space<vmem>>) target(%dma_start3A_834 : memref<640xf32, #tpu.memory_space<hbm>>) target_semaphore(%run_scoped3A_832 : memref<!tpu.dma_semaphore, #tpu.memory_space<semaphore_mem>>)
        %dma_wait3A_835 = tpu.memref_slice %arg9[%mul3A_3] : memref<10240xf32, #tpu.memory_space<hbm>> -> memref<640xf32, #tpu.memory_space<hbm>>
        %dma_wait3A_836 = tpu.memref_slice %arg9[%mul3A_3] : memref<10240xf32, #tpu.memory_space<hbm>> -> memref<640xf32, #tpu.memory_space<hbm>>
        tpu.wait_dma2 semaphore(%run_scoped3A_832 : memref<!tpu.dma_semaphore, #tpu.memory_space<semaphore_mem>>) src(%arg26 : memref<640xf32, #tpu.memory_space<vmem>>) dst(%dma_wait3A_836 : memref<640xf32, #tpu.memory_space<hbm>>)
        tpu.yield
      }) : () -> ()
    } else {
    }
    return
  }
}

module attributes {stable_mosaic.version = 14 : i64} {
  func.func @_tc_pre(%arg0: memref<10000x128xf32, #tpu.memory_space<vmem>>, %arg1: memref<128x40xf32, #tpu.memory_space<vmem>>, %arg2: memref<128x32xf32, #tpu.memory_space<vmem>>, %arg3: memref<1x40xf32, #tpu.memory_space<vmem>>, %arg4: memref<1x32xf32, #tpu.memory_space<vmem>>, %arg5: memref<10240x40xf32, #tpu.memory_space<vmem>>, %arg6: memref<10240x32xf32, #tpu.memory_space<vmem>>) attributes {dimension_semantics = [], scalar_prefetch = 0 : i64, scratch_operands = 0 : i64, tpu.core_type = #tpu.core_type<tc>} {
    %get3A = arith.constant 0 : index
    %get3A_0 = arith.constant 0 : index
    %get3A_1 = vector.load %arg0[%get3A, %get3A_0] : memref<10000x128xf32, #tpu.memory_space<vmem>>, vector<10000x128xf32>
    %get3A_2 = arith.constant 0 : index
    %get3A_3 = arith.constant 0 : index
    %get3A_4 = vector.load %arg1[%get3A_2, %get3A_3] : memref<128x40xf32, #tpu.memory_space<vmem>>, vector<128x40xf32>
    %dot_general3A = arith.constant dense<0.000000e+00> : vector<10000x40xf32>
    %dot_general3A_5 = tpu.matmul %get3A_1, %get3A_4, %dot_general3A {dimension_numbers = #tpu.dot_dimension_numbers<[1], [0], [0], [1], [0, 0, 1, 1], [], []>, transpose_lhs_hint = false} : vector<10000x128xf32>, vector<128x40xf32>, vector<10000x40xf32> -> vector<10000x40xf32>
    %get3A_6 = arith.constant 0 : index
    %get3A_7 = arith.constant 0 : index
    %get3A_8 = vector.load %arg3[%get3A_6, %get3A_7] : memref<1x40xf32, #tpu.memory_space<vmem>>, vector<1x40xf32>
    %add3A = vector.broadcast %get3A_8 : vector<1x40xf32> to vector<10000x40xf32>
    %add3A_9 = arith.addf %dot_general3A_5, %add3A : vector<10000x40xf32>
    %swap3A = arith.constant 0 : index
    %swap3A_10 = arith.constant 0 : index
    %swap3A_11 = vector.load %arg5[%swap3A, %swap3A_10] : memref<10240x40xf32, #tpu.memory_space<vmem>>, vector<10000x40xf32>
    tpu.vector_store %arg5[%swap3A, %swap3A_10], %add3A_9 {strides = array<i32>} : memref<10240x40xf32, #tpu.memory_space<vmem>>, vector<10000x40xf32>,
    %broadcast_in_dim3A = arith.constant 0.000000e+00 : f32
    %broadcast_in_dim3A_12 = vector.broadcast %broadcast_in_dim3A : f32 to vector<240x40xf32>
    %swap3A_13 = arith.constant 10000 : index
    %swap3A_14 = arith.constant 0 : index
    %swap3A_15 = vector.load %arg5[%swap3A_13, %swap3A_14] : memref<10240x40xf32, #tpu.memory_space<vmem>>, vector<240x40xf32>
    tpu.vector_store %arg5[%swap3A_13, %swap3A_14], %broadcast_in_dim3A_12 {strides = array<i32>} : memref<10240x40xf32, #tpu.memory_space<vmem>>, vector<240x40xf32>,
    %get3A_16 = arith.constant 0 : index
    %get3A_17 = arith.constant 0 : index
    %get3A_18 = vector.load %arg2[%get3A_16, %get3A_17] : memref<128x32xf32, #tpu.memory_space<vmem>>, vector<128x32xf32>
    %dot_general3A_19 = arith.constant dense<0.000000e+00> : vector<10000x32xf32>
    %dot_general3A_20 = tpu.matmul %get3A_1, %get3A_18, %dot_general3A_19 {dimension_numbers = #tpu.dot_dimension_numbers<[1], [0], [0], [1], [0, 0, 1, 1], [], []>, transpose_lhs_hint = false} : vector<10000x128xf32>, vector<128x32xf32>, vector<10000x32xf32> -> vector<10000x32xf32>
    %get3A_21 = arith.constant 0 : index
    %get3A_22 = arith.constant 0 : index
    %get3A_23 = vector.load %arg4[%get3A_21, %get3A_22] : memref<1x32xf32, #tpu.memory_space<vmem>>, vector<1x32xf32>
    %add3A_24 = vector.broadcast %get3A_23 : vector<1x32xf32> to vector<10000x32xf32>
    %add3A_25 = arith.addf %dot_general3A_20, %add3A_24 : vector<10000x32xf32>
    %swap3A_26 = arith.constant 0 : index
    %swap3A_27 = arith.constant 0 : index
    %swap3A_28 = vector.load %arg6[%swap3A_26, %swap3A_27] : memref<10240x32xf32, #tpu.memory_space<vmem>>, vector<10000x32xf32>
    tpu.vector_store %arg6[%swap3A_26, %swap3A_27], %add3A_25 {strides = array<i32>} : memref<10240x32xf32, #tpu.memory_space<vmem>>, vector<10000x32xf32>,
    %broadcast_in_dim3A_29 = arith.constant 0.000000e+00 : f32
    %broadcast_in_dim3A_30 = vector.broadcast %broadcast_in_dim3A_29 : f32 to vector<240x32xf32>
    %swap3A_31 = arith.constant 10000 : index
    %swap3A_32 = arith.constant 0 : index
    %swap3A_33 = vector.load %arg6[%swap3A_31, %swap3A_32] : memref<10240x32xf32, #tpu.memory_space<vmem>>, vector<240x32xf32>
    tpu.vector_store %arg6[%swap3A_31, %swap3A_32], %broadcast_in_dim3A_30 {strides = array<i32>} : memref<10240x32xf32, #tpu.memory_space<vmem>>, vector<240x32xf32>,
    return
  }
}

</mosaic_0001>

<sc_bundles>
// kernel: kernel.4.cloned.1.call-start
scs
__scs_entry_jumppad:
0x0: {  	(pc) =	sbr.rel $0x88, $3  }
0x1: {  	(tag) =	ssettag $0x0;
	lr =	simm.s32 $0x1  }
0x2: {  	[smem:$0x3F99] =	sst lr;
	_ =	strace $0xD0000000  }
0x3: {  	_ = 	snop  }
0x4: {  	_ = 	snop  }
0x5: {  	_ = 	snop  }
0x6: {  	_ = 	snop  }
0x7: {  	_ = 	snop  }
__scs_overlays_trampoline_lowered:
0x8: {  	[smem:$0x3FA8] =	sst s0  }
0x9: {  	[smem:$0x3FA9] =	sst s1  }
0xa: {  	[smem:$0x3FAA] =	sst s2  }
0xb: {  	[smem:$0x3FAB] =	sst s3  }
0xc: {  	[smem:$0x3FAC] =	sst s4  }
0xd: {  	[smem:$0x3FAD] =	sst s5  }
0xe: {  	[smem:$0x3FAE] =	sst s6  }
0xf: {  	[smem:$0x3FAF] =	sst s7  }
0x10: {  	[smem:$0x3FB0] =	sst s8  }
0x11: {  	[smem:$0x3FB1] =	sst s9;
	s0 =	simm.s32 @!p0 $0x0  }
0x12: {  	s1 =	sld [smem:$0x3F97];
	s0 =	simm.s32 @p0 $0x1  }
0x13: {  	[smem:$0x3FB2] =	sst s0;
	s0 =	simm.s32 @!p1 $0x0  }
0x14: {  	s2 =	sld [smem:$0x3F96];
	s0 =	simm.s32 @p1 $0x1  }
0x15: {  	[smem:$0x3FB3] =	sst s0;
	s0 =	simm.s32 @!p2 $0x0  }
0x16: {  	s3 =	sld [smem:$0x3FDB];
	s0 =	simm.s32 @p2 $0x1  }
0x17: {  	s4 =	simm.s32 $0x1BF5;
	[smem:$0x3FB5] =	sst s0  }
0x18: {  	s0 =	sld [smem:$0x3F98];
	_ =	swait.ge [sflag:s4], $0x0  }
0x19: {  	s7 =	sld [smem:$0x3F99]  }
0x1a: {  	s8 =	sadd.s32 $0xFFFFE003, lr  }
0x1b: {  	s9 =	sadd.s32 $0xFFFFFEF7, lr;
	s5 =	simm.s32 $0xFFFFFFFF;
	p2 =	slt.u32 s8, $0xFFFFF086  }
0x1c: {  	p1 =	slt.u32 s9, $0xF7A;
	s5 =	simm.s32 @!p2 $0x0  }
0x1d: {  	s5 =	simm.s32 @p1 $0x1;
	p0 =	seq.s32 s7, s2  }
0x1e: {  	s7 =	smul.u32 @!p0 $0xF7A, s2;
	p2 =	seq.s32 @!p0 s5, $0x0  }
0x1f: {  	s9 =	smul.u32 $0xF7A, s1;
	s8 =	simm.s32 @!p0 $0x1BF5;
	p2 =	por !p2, p0  }
0x20: {  	[sflag:s8] =	ssyncset.s32 @!p0 $0xFFFFF086;
	s6 =	sadd.s32 @!p0 s3, s7;
	s7 =	simm.s32 @!p0 $0x108  }
0x21: {  	s3 =	sadd.s32 s3, s9;
	s6 =	sadd.s32 @!p0 $0x88, s6;
	s7 =	simm.s32 @p2 $0x1082  }
0x22: {  	[simem:s7], [sflag:s8] =	dma.local @!p0 [hbm:s6], $0xF7A  }
0x23: {  	s9 =	sor.u32 $0xD0000000, s2;
	s6 =	simm.s32 $0x108;
	_ =	swait.ge @!p0 [sflag:s8], $0x0  }
0x24: {  	s3 =	sadd.s32 $0x88, s3;
	s6 =	simm.s32 @!p1 $0x1082;
	[sflag:s4] =	ssyncset.s32 $0xFFFFF086  }
0x25: {  	[simem:s6], [sflag:s4] =	dma.local [hbm:s3], $0xF7A  }
0x26: {  	[smem:$0x3F99] =	sst s1;
	(tag) =	ssettag s2;
	_ =	strace s9  }
0x27: {  	s1 =	sld [smem:$0x3FA9]  }
0x28: {  	s2 =	sld [smem:$0x3FAA]  }
0x29: {  	s4 =	sld [smem:$0x3FAC]  }
0x2a: {  	p0 =	seq.s32 s5, $0x0;
	s5 =	sld [smem:$0x3FAD]  }
0x2b: {  	s6 =	sld [smem:$0x3FAE]  }
0x2c: {  	s7 =	sld [smem:$0x3FAF]  }
0x2d: {  	s3 =	simm.s32 $0x108;
	s8 =	sld [smem:$0x3FB0]  }
0x2e: {  	s3 =	simm.s32 @!p0 $0x1082;
	s9 =	sld [smem:$0x3FB1]  }
0x2f: {  	lr =	sadd.s32 s0, s3;
	s0 =	sld [smem:$0x3FA8]  }
0x30: {  	s3 =	sld [smem:$0x3FAB]  }
0x31: {  	[smem:$0x3FB4] =	sst s10  }
0x32: {  	s10 =	sld [smem:$0x3FB2];
	_ =	sdelay $0x3  }
0x33: {  	p0 =	seq.s32 s10, $0x1;
	s10 =	sld [smem:$0x3FB4];
	_ =	sdelay $0x3  }
0x34: {  	[smem:$0x3FB4] =	sst s10  }
0x35: {  	s10 =	sld [smem:$0x3FB3];
	_ =	sdelay $0x3  }
0x36: {  	p1 =	seq.s32 s10, $0x1;
	s10 =	sld [smem:$0x3FB4];
	_ =	sdelay $0x3  }
0x37: {  	[smem:$0x3FB4] =	sst s10  }
0x38: {  	s10 =	sld [smem:$0x3FB5]  }
0x39: {  	_ = 	snop;
	(pc) =	sbr.ind lr, $3  }
0x3a: {  	_ = 	snop  }
0x3b: {  	_ = 	snop  }
0x3c: {  	p2 =	seq.s32 s10, $0x1;
	s10 =	sld [smem:$0x3FB4]  }
0x3d: {  	_ =	shalt  }
0x3e: {  	_ =	shalt  }
0x3f: {  	_ =	shalt  }
0x40: {  	_ =	shalt  }
0x41: {  	_ =	shalt  }
0x42: {  	_ =	shalt  }
0x43: {  	_ =	shalt  }
0x44: {  	_ =	shalt  }
0x45: {  	_ =	shalt  }
0x46: {  	_ =	shalt  }
0x47: {  	_ =	shalt  }
0x48: {  	_ =	shalt  }
0x49: {  	_ =	shalt  }
0x4a: {  	_ =	shalt  }
0x4b: {  	_ =	shalt  }
0x4c: {  	_ =	shalt  }
0x4d: {  	_ =	shalt  }
0x4e: {  	_ =	shalt  }
0x4f: {  	_ =	shalt  }
0x50: {  	_ =	shalt  }
0x51: {  	_ =	shalt  }
0x52: {  	_ =	shalt  }
0x53: {  	_ =	shalt  }
0x54: {  	_ =	shalt  }
0x55: {  	_ =	shalt  }
0x56: {  	_ =	shalt  }
0x57: {  	_ =	shalt  }
0x58: {  	_ =	shalt  }
0x59: {  	_ =	shalt  }
0x5a: {  	_ =	shalt  }
0x5b: {  	_ =	shalt  }
0x5c: {  	_ =	shalt  }
0x5d: {  	_ =	shalt  }
0x5e: {  	_ =	shalt  }
0x5f: {  	_ =	shalt  }
0x60: {  	_ =	shalt  }
0x61: {  	_ =	shalt  }
0x62: {  	_ =	shalt  }
0x63: {  	_ =	shalt  }
0x64: {  	_ =	shalt  }
0x65: {  	_ =	shalt  }
0x66: {  	_ =	shalt  }
0x67: {  	_ =	shalt  }
0x68: {  	_ =	shalt  }
0x69: {  	_ =	shalt  }
0x6a: {  	_ =	shalt  }
0x6b: {  	_ =	shalt  }
0x6c: {  	_ =	shalt  }
0x6d: {  	_ =	shalt  }
0x6e: {  	_ =	shalt  }
0x6f: {  	_ =	shalt  }
0x70: {  	_ =	shalt  }
0x71: {  	_ =	shalt  }
0x72: {  	_ =	shalt  }
0x73: {  	_ =	shalt  }
0x74: {  	_ =	shalt  }
0x75: {  	_ =	shalt  }
0x76: {  	_ =	shalt  }
0x77: {  	_ =	shalt  }
0x78: {  	_ =	shalt  }
0x79: {  	_ =	shalt  }
0x7a: {  	_ =	shalt  }
0x7b: {  	_ =	shalt  }
0x7c: {  	_ =	shalt  }
0x7d: {  	_ =	shalt  }
0x7e: {  	_ =	shalt  }
0x7f: {  	_ =	shalt  }
0x80: {  	_ =	shalt  }
0x81: {  	_ =	shalt  }
0x82: {  	_ =	shalt  }
0x83: {  	_ =	shalt  }
0x84: {  	_ =	shalt  }
0x85: {  	_ =	shalt  }
0x86: {  	_ =	shalt  }
0x87: {  	_ =	shalt  }
.Lfunc_end0:
.L_simem_size_0:
called_computation_lowered:
.L_overlay_start_0:
0x88: {  	s2 =	sld [smem:$0x3FD9]  }
0x89: {  	s3 =	sld [smem:$0x3FFE];
	_ =	sdelay $0x1  }
0x8a: {  	s1 =	srdreg.scid  }
0x8b: {  	s0 =	sand.u32 $0x1, s1  }
0x8c: {  	s17 =	sshll.u32 s0, $0xA;
	s2 =	sadd.s32 s3, s2  }
0x8d: {  	s2 =	sadd.s32 s2, s17  }
0x8e: {  	[smem:$0x3FC0] =	sst s2  }
0x8f: {  	_ = 	snop  }
0x90: {  	s2 =	sld [smem:$0x3FD0];
	(tm) =	ssettm $0x1  }
0x91: {  	s18 =	sld [smem:$0x3FFB];
	_ =	sdelay $0x3  }
0x92: {  	_ =	strace s18  }
0x93: {  	s3 =	sld [smem:$0x3FFC];
	_ =	sdelay $0x3  }
0x94: {  	_ =	strace s3  }
0x95: {  	s3 =	sld [smem:$0x3FFD];
	_ =	sdelay $0x3  }
0x96: {  	_ =	strace s3  }
0x97: {  	_ =	strace $0x8FFFFFFF  }
0x98: {  	s19 =	sld [smem:$0x3FDB];
	_ =	sdelay $0x1  }
0x99: {  	s4 =	simm.s32 $_scs_section_size  }
0x9a: {  	s5 =	simm.s32 $_size__tile_overlayer_lowered;
	s6 =	simm.s32 $_tile_overlayer_lowered  }
0x9b: {  	s22 =	simm.s32 $0x1BFF;
	s21 =	sshll.u32 s6, $0x1;
	s3 =	sadd.s32 s4, s19  }
0x9c: {  	s7 =	simm.s32 $0x0;
	s20 =	sshll.u32 s5, $0x1;
	s5 =	sadd.s32 s21, s3  }
0x9d: {  	[timem:s7], [sflag:s22] =	dma.local [hbm:s5], s20  }
0x9e: {  	_ =	swait.ge [sflag:s22], s20  }
0x9f: {  	s4 =	ssub.s32 $0x0, s20;
	[sflag:s22] =	ssyncset.done $0x0  }
0xa0: {  	[sflag:s22] =	ssyncadd.s32 s4;
	_ =	sdelay $0x1  }
0xa1: {  	s23 =	simm.s32 $0x1B8B  }
0xa2: {  	_ =	swait.ge [sflag:s23], $0x1  }
0xa3: {  	[sflag:s23] =	ssyncset.done $0x0  }
0xa4: {  	s25 =	simm.s32 $0x1B8E;
	s24 =	sld [smem:$0x3FFE];
	[sflag:s23] =	ssyncadd.s32 $0xFFFFFFFF  }
0xa5: {  	s26 =	simm.s32 $execute0_lowered;
	[smem:$0x3FD2] =	sst s25  }
0xa6: {  	s5 =	sshll.u32 s26, $0x1;
	_ =	strace $0x80000046;
	[dreg:$0x1] =	wrdreg $0xFFFFFFFF  }
0xa7: {  	s28 =	simm.s32 $_size_execute0_lowered;
	s3 =	sadd.s32 s3, s5;
	[dreg:$0x0] =	wrdreg $0x0  }
0xa8: {  	s5 =	sshll.u32 s28, $0x1;
	[dreg:$0x2] =	wrdreg s3  }
0xa9: {  	[dreg:$0x3] =	wrdreg s5  }
0xaa: {  	[dreg:$0x4] =	wrdreg $0xC0  }
0xab: {  	_ =	task [dreg:s7], $0x5FFFF  }
0xac: {  	[dreg:$0x1] =	wrdreg $0xFFFFFFFF  }
0xad: {  	[dreg:$0x0] =	wrdreg $0x60  }
0xae: {  	[dreg:$0x2] =	wrdreg s24  }
0xaf: {  	[dreg:$0x3] =	wrdreg s2  }
0xb0: {  	[dreg:$0x4] =	wrdreg $0x156D00  }
0xb1: {  	[dreg:$0x5] =	wrdreg $0x1BAD00  }
0xb2: {  	[dreg:$0x6] =	wrdreg $0x1BD500  }
0xb3: {  	[dreg:$0x7] =	wrdreg $0x1BFD00  }
0xb4: {  	[dreg:$0x8] =	wrdreg $0x1C2500  }
0xb5: {  	[dreg:$0x9] =	wrdreg $0x9  }
0xb6: {  	_ =	task.clear_ibuf [dreg:s7], $0xAFFFF;
	_ =	strace $0x90000046  }
0xb7: {  	s29 =	simm.s32 $0x9;
	_ =	strace $0x8000004A  }
0xb8: {  	_ =	swait.ge [sflag:s29], $0x1  }
0xb9: {  	[sflag:s29] =	ssyncadd.s32 $0xFFFFFFFF  }
0xba: {  	_ =	strace $0x9000004A  }
0xbb: {  	_ =	sfence  }
0xbc: {  	s30 =	sld [smem:$0x0];
	_ =	sdelay $0x2  }
0xbd: {  	s31 =	sshll.u32 s1, $0xD;
	s1 =	sshrl.u32 s1, $0x2  }
0xbe: {  	s3 =	sand.u32 $0x4000, s31;
	s1 =	sadd.s32 s1, s30  }
0xbf: {  	s0 =	sor.u32 s3, s0;
	s1 =	sshll.u32 s1, $0x11  }
0xc0: {  	s0 =	sor.u32 s1, s0  }
0xc1: {  	s0 =	sadd.s32 $0x8F2B, s0  }
0xc2: {  	[sflag:s0] =	ssyncadd.remote.s32 $0x1  }
0xc3: {  	_ =	sfence.sel $0xFFFF  }
0xc4: {  	[dreg:$0x0] =	wrdreg $0xFFFFFFFF;
	(pc) =	sbr.abs _section_cstart, $3  }
0xc5: {  	[dreg:$0x1] =	wrdreg $0xFFFFFFFF  }
0xc6: {  	_ =	task.clear_ibuf [dreg:s7], $0x2FFFF;
	_ =	strace $0x9FFFFFFF  }
0xc7: {  	(tm) =	ssettm $0x7FFFFFFF  }
tec
execute0_lowered:
.L_overlay_start_1:
0x0: {  	(tag) =	ssettag $0x1  }
0x1: {  	s0 =	rddreg [dreg:$0x0]  }
0x2: {  	s2 =	rddreg [dreg:$0x2]  }
0x3: {  	s3 =	rddreg [dreg:$0x3]  }
0x4: {  	s4 =	rddreg [dreg:$0x4]  }
0x5: {  	s1 =	srdreg.scid;
	s7 =	rddreg [dreg:$0x5]  }
0x6: {  	s5 =	stileid.u32;
	s10 =	rddreg [dreg:$0x6]  }
0x7: {  	s21 =	simm.s32 $0x0;
	s28 =	simm.s32 $0xE880;
	s31 =	simm.s32 $0x11A80  }
0x8: {  	s30 =	simm.s32 $0xB4F0;
	s29 =	simm.s32 $0xB630;
	s6 =	sand.u32 $0x1, s1  }
0x9: {  	s9 =	sshll.u32 s5, $0x7;
	[smem:$0x7FF] =	sst s21;
	s12 =	smul.u32 $0x280, s5  }
0xa: {  	s14 =	sadd.s32 $0xC800, s0;
	s15 =	sadd.s32 $0x37600, s0;
	s23 =	smul.u32 $0xA00, s5  }
0xb: {  	p0 =	sne.s32 s5, $0x0;
	s8 =	sshll.u32 s6, $0xB;
	_ =	strace $0x80000047  }
0xc: {  	s13 =	sxor.u32 $0x1, s6;
	s16 =	ssub.s32 $0x2, s6;
	s17 =	smul.u32 $0xC800, s6  }
0xd: {  	p1 =	sne.s32 s6, $0x0;
	s8 =	sor.u32 s9, s8;
	s9 =	smul.u32 $0x6400, s5  }
0xe: {  	s13 =	smul.u32 $0x64000, s13;
	s18 =	sadd.s32 $0x140, s12;
	s19 =	sshrl.u32 s16, $0x1  }
0xf: {  	s25 =	sadd.s32 s14, s23;
	s23 =	sadd.s32 $0x50600, s0;
	s8 =	smul.u32 $0xA, s8  }
0x10: {  	s5 =	sshll.u32 s5, $0x6;
	s21 =	smul.u32 $0x28, s18;
	s16 =	ssub.s32 s16, s19  }
0x11: {  	s17 =	sadd.s32 s15, s17;
	[dreg:$0xa] =	wrdreg s25;
	s26 =	sshll.u32 s18, $0x2  }
0x12: {  	s5 =	sor.u32 $0x1C12, s5;
	s11 =	sshrl.u32 s9, $0x3;
	s20 =	sadd.s32 s9, s13  }
0x13: {  	[dreg:$0x8] =	wrdreg s17;
	s19 =	sadd.s32 s14, s26;
	s9 =	sadd.s32 s9, s2  }
0x14: {  	[dreg:$0x10] =	wrdreg s5;
	s14 =	sadd.s32 s12, s7;
	s5 =	simm.s32 $0xB  }
0x15: {  	s8 =	sadd.s32 s8, s0;
	s22 =	sshrl.u32 s20, $0x3;
	[dreg:$0xc] =	wrdreg s19  }
0x16: {  	s13 =	sadd.s32 s13, s21;
	s20 =	smul.u32 $0x500, s6;
	[dreg:$0xe] =	wrdreg s9  }
0x17: {  	s11 =	sadd.s32 s11, s0;
	s9 =	sadd.s32 s12, s3;
	[dreg:$0x15] =	wrdreg s14  }
0x18: {  	s17 =	sadd.s32 s21, s2;
	s19 =	sadd.s32 s18, s7;
	[dreg:$0x13] =	wrdreg s9  }
0x19: {  	s21 =	sadd.s32 s18, s4;
	s14 =	simm.s32 $0xB5E0;
	[dreg:$0x17] =	wrdreg s17  }
0x1a: {  	s24 =	sadd.s32 s15, s22;
	s13 =	sshrl.u32 s13, $0x3;
	[dreg:$0x18] =	wrdreg s19  }
0x1b: {  	s22 =	sshrl.u32 s12, $0x3;
	s25 =	sadd.s32 $0x2A800, s11;
	[dreg:$0x1a] =	wrdreg s21  }
0x1c: {  	s26 =	sadd.s32 $0x20800, s8;
	s8 =	sadd.s32 $0x16800, s8;
	[dreg:$0x9] =	wrdreg s24  }
0x1d: {  	s11 =	sadd.s32 s12, s4;
	s21 =	simm.s32 $0x6900;
	[dreg:$0xf] =	wrdreg s25  }
0x1e: {  	s19 =	simm.s32 $0x4;
	s17 =	simm.s32 $0xA780;
	[dreg:$0x11] =	wrdreg s26  }
0x1f: {  	s9 =	simm.s32 $0x0;
	s13 =	sadd.s32 s15, s13;
	[dreg:$0x12] =	wrdreg s8  }
0x20: {  	s6 =	sadd.s32 s23, s22;
	s24 =	sadd.s32 s22, s0;
	[dreg:$0x14] =	wrdreg s11  }
0x21: {  	s15 =	sadd.s32 s12, s10;
	s25 =	sshrl.u32 s1, $0x2;
	s1 =	sand.u32 $0x3, s1  }
0x22: {  	s26 =	smax.u32 s16, $0x1;
	s11 =	simm.s32 $0x12;
	[dreg:$0xb] =	wrdreg s13  }
0x23: {  	s8 =	simm.s32 $0xF0;
	s12 =	simm.s32 $0x1;
	[dreg:$0x16] =	wrdreg s15  }
0x24: {  	s16 =	simm.s32 $0x3;
	s13 =	sadd.s32 s23, s20;
	[dreg:$0x1e] =	wrdreg s25  }
0x25: {  	s20 =	sadd.s32 s18, s10;
	s22 =	sadd.s32 $0x500, s6;
	[dreg:$0x1f] =	wrdreg s26  }
0x26: {  	s23 =	sadd.s32 $0x37000, s24;
	s24 =	sadd.s32 $0x51000, s24;
	[dreg:$0xd] =	wrdreg s13  }
.Ltmp0:
0x27: {  	s1 =	sxor.u32 $0x5, s1;
	[dreg:$0x19] =	wrdreg s20;
	(pc) =	sbr.rel .LBB2_1-.Ltmp0, $4  }
0x28: {  	s26 =	simm.s32 $0x50;
	s10 =	simm.s32 $0x2;
	[dreg:$0x1b] =	wrdreg s22  }
0x29: {  	s25 =	simm.s32 $0x8;
	s18 =	simm.s32 $0xC;
	[dreg:$0x1c] =	wrdreg s23  }
0x2a: {  	s6 =	simm.s32 $0xB680;
	s15 =	simm.s32 $0xB540;
	[dreg:$0x1d] =	wrdreg s24  }
0x2b: {  	v0 =	vlaneseq.u32;
	[smem:$0x7FD] =	sst s1;
	s23 =	simm.s32 $0x5;
	s24 =	simm.s32 $0x7  }
.LBB2_13:
0x2c: {  	s9 =	sadd.s32 $0x1, s9;
	s1 =	rddreg [dreg:$0x1f]  }
0x2d: {  	p2 =	sne.s32 s9, s1  }
.Ltmp1:
0x2e: {  	_ = 	snop;
	(pc) =	sbr.rel @!p2 .LBB2_14-.Ltmp1, $2  }
0x2f: {  	_ =	sdelay $0x2  }
0x30: {  	s21 =	simm.s32 $0x6900;
	s8 =	simm.s32 $0xF0  }
.LBB2_1:
0x31: {  	[smem:$0x7FC] =	sst s9  }
0x32: {  	s1 =	rddreg [dreg:$0xe]  }
0x33: {  	s7 =	rddreg [dreg:$0xf]  }
0x34: {  	s22 =	rddreg [dreg:$0x10];
	s1 =	sshrl.u32 s1, $0x3  }
0x35: {  	[spmem:s1], [sflag:s22] =	dma.local [hbm:s7], $0xC80  }
0x36: {  	_ =	swait.ge [sflag:s11], $0xC80  }
0x37: {  	[sflag:s11] =	ssyncset.done $0x0;
	s13 =	rddreg [dreg:$0x13]  }
0x38: {  	s20 =	rddreg [dreg:$0x1c];
	[sflag:s11] =	ssyncadd.s32 $0xFFFFF380;
	s1 =	sshrl.u32 s13, $0x3  }
0x39: {  	[spmem:s1], [sflag:s22] =	dma.local [hbm:s20], $0x50  }
0x3a: {  	_ =	swait.ge [sflag:s11], $0x50  }
0x3b: {  	[sflag:s11] =	ssyncset.done $0x0  }
0x3c: {  	s7 =	simm.s32 $0x0;
	s22 =	rddreg [dreg:$0x11];
	[sflag:s11] =	ssyncadd.s32 $0xFFFFFFB0  }
0x3d: {  	[tilespmem:s7], [sflag:$0x12] =	stream.linear.gather [hbm4b:s22+s7], $0x2800, $0x38;
	[tilespmem:$0x1C4D0] =	vst v63  }
0x3e: {  	_ =	swait.ge [sflag:s11], $0x2800  }
0x3f: {  	[sflag:s11] =	ssyncset.done $0x0  }
0x40: {  	s13 =	simm.s32 $0x2800;
	s9 =	rddreg [dreg:$0x12];
	[sflag:s11] =	ssyncadd.s32 $0xFFFFD800  }
0x41: {  	[tilespmem:s13], [sflag:$0x12] =	stream.linear.gather [hbm4b:s9+s7], $0x2800, $0x38;
	[tilespmem:$0x1C4D0] =	vst v63  }
0x42: {  	_ =	swait.ge [sflag:s11], $0x2800  }
0x43: {  	[sflag:s11] =	ssyncset.done $0x0  }
0x44: {  	[sflag:s11] =	ssyncadd.s32 $0xFFFFD800  }
0x45: {  	s22 =	simm.s32 $0x152C0;
	s20 =	rddreg [dreg:$0x1]  }
0x46: {  	[tilespmem:s22], [sflag:$0x12] =	stream.linear.gather [hbm4b:s20+s7], $0x410, $0x38;
	[tilespmem:$0x1C4D0] =	vst v63  }
0x47: {  	_ =	swait.ge [sflag:s11], $0x410  }
0x48: {  	[sflag:s11] =	ssyncset.done $0x0  }
0x49: {  	[sflag:s11] =	ssyncadd.s32 $0xFFFFFBF0  }
0x4a: {  	s11 =	simm.s32 $0x5000;
	[bflag:$0x0] =	sbarrier.arrive $0xFFFF  }
0x4b: {  	[tilespmem:s11], [sflag:$0x1] =	stream.indirect.gather [hbm4b:s0+s26], $0x28, s7, s26, $0xb8;
	[tilespmem:$0x1C4D0] =	vst v63  }
0x4c: {  	s13 =	simm.s32 $0x5C80  }
0x4d: {  	[tilespmem:s13], [sflag:$0x2] =	stream.indirect.gather [hbm4b:s0+s26], $0x28, s26, s26, $0xb8;
	[tilespmem:$0x1C4D0] =	vst v63  }
0x4e: {  	s20 =	simm.s32 $0xA0  }
0x4f: {  	[tilespmem:s21], [sflag:$0x3] =	stream.indirect.gather [hbm4b:s0+s26], $0x28, s20, s26, $0xb8;
	[tilespmem:$0x1C4D0] =	vst v63  }
0x50: {  	s22 =	simm.s32 $0x7580  }
0x51: {  	[tilespmem:s22], [sflag:$0x4] =	stream.indirect.gather [hbm4b:s0+s26], $0x28, s8, s26, $0xb8;
	[tilespmem:$0x1C4D0] =	vst v63  }
0x52: {  	s1 =	simm.s32 $0x0;
	s8 =	simm.s32 $0x7580  }
.LBB2_2:
0x53: {  	_ =	swait.ge [sflag:s12], $0xC80  }
0x54: {  	s7 =	sshra.s32 s1, $0x2;
	s9 =	simm.s32 $0x5000;
	[sflag:s12] =	ssyncset.done $0x0  }
0x55: {  	p2 =	seq.s32 s1, $0x0;
	s20 =	sadd.s32 $0x2800, s7;
	[sflag:s12] =	ssyncadd.s32 $0xFFFFF380  }
0x56: {  	[spmem:s2] =	stream.indirect.scatter.add.f32 [tilespmem:s9], [sflag:$0x9], $0x28, s20, s26, $0xb8;
	[tilespmem:$0x1C4D0] =	vst v63  }
0x57: {  	s20 =	simm.s32 @!p2 $0xD  }
0x58: {  	_ =	swait.ge @!p2 [sflag:s20], $0xC80  }
0x59: {  	[sflag:s20] =	ssyncset.done @!p2 $0x0  }
0x5a: {  	s11 =	simm.s32 $0x8200;
	s9 =	sadd.s32 $0x140, s7;
	[sflag:s20] =	ssyncadd.s32 @!p2 $0xFFFFF380  }
0x5b: {  	[tilespmem:s11], [sflag:$0x5] =	stream.indirect.gather [hbm4b:s0+s26], $0x28, s9, s26, $0xb8;
	[tilespmem:$0x1C4D0] =	vst v63  }
0x5c: {  	_ =	swait.ge [sflag:s10], $0xC80  }
0x5d: {  	s22 =	simm.s32 $0x5C80;
	[sflag:s10] =	ssyncset.done $0x0  }
0x5e: {  	s13 =	sadd.s32 $0x2850, s7;
	s20 =	simm.s32 @!p2 $0xE;
	[sflag:s10] =	ssyncadd.s32 $0xFFFFF380  }
0x5f: {  	[spmem:s2] =	stream.indirect.scatter.add.f32 [tilespmem:s22], [sflag:$0xA], $0x28, s13, s26, $0xb8;
	[tilespmem:$0x1C4D0] =	vst v63  }
0x60: {  	_ =	swait.ge @!p2 [sflag:s20], $0xC80  }
0x61: {  	[sflag:s20] =	ssyncset.done @!p2 $0x0  }
0x62: {  	s13 =	sadd.s32 $0x190, s7;
	s22 =	simm.s32 $0x8E80;
	[sflag:s20] =	ssyncadd.s32 @!p2 $0xFFFFF380  }
0x63: {  	[tilespmem:s22], [sflag:$0x6] =	stream.indirect.gather [hbm4b:s0+s26], $0x28, s13, s26, $0xb8;
	[tilespmem:$0x1C4D0] =	vst v63  }
0x64: {  	_ =	swait.ge [sflag:s16], $0xC80  }
0x65: {  	[sflag:s16] =	ssyncset.done $0x0  }
0x66: {  	s20 =	simm.s32 @!p2 $0xF;
	s13 =	sadd.s32 $0x28A0, s7;
	[sflag:s16] =	ssyncadd.s32 $0xFFFFF380  }
0x67: {  	[spmem:s2] =	stream.indirect.scatter.add.f32 [tilespmem:s21], [sflag:$0xB], $0x28, s13, s26, $0xb8;
	[tilespmem:$0x1C4D0] =	vst v63  }
0x68: {  	_ =	swait.ge @!p2 [sflag:s20], $0xC80  }
0x69: {  	[sflag:s20] =	ssyncset.done @!p2 $0x0  }
0x6a: {  	s22 =	simm.s32 $0x9B00;
	s21 =	sadd.s32 $0x1E0, s7;
	[sflag:s20] =	ssyncadd.s32 @!p2 $0xFFFFF380  }
0x6b: {  	[tilespmem:s22], [sflag:$0x7] =	stream.indirect.gather [hbm4b:s0+s26], $0x28, s21, s26, $0xb8;
	[tilespmem:$0x1C4D0] =	vst v63  }
0x6c: {  	_ =	swait.ge [sflag:s19], $0xC80  }
0x6d: {  	[sflag:s19] =	ssyncset.done $0x0  }
0x6e: {  	s9 =	sadd.s32 $0x28F0, s7;
	s20 =	simm.s32 @!p2 $0x10;
	[sflag:s19] =	ssyncadd.s32 $0xFFFFF380  }
0x6f: {  	[spmem:s2] =	stream.indirect.scatter.add.f32 [tilespmem:s8], [sflag:$0xC], $0x28, s9, s26, $0xb8;
	[tilespmem:$0x1C4D0] =	vst v63  }
0x70: {  	_ =	swait.ge @!p2 [sflag:s20], $0xC80  }
0x71: {  	[sflag:s20] =	ssyncset.done @!p2 $0x0  }
0x72: {  	s13 =	sadd.s32 $0x230, s7;
	[sflag:s20] =	ssyncadd.s32 @!p2 $0xFFFFF380  }
0x73: {  	[tilespmem:s17], [sflag:$0x8] =	stream.indirect.gather [hbm4b:s0+s26], $0x28, s13, s26, $0xb8;
	[tilespmem:$0x1C4D0] =	vst v63  }
0x74: {  	_ =	swait.ge [sflag:s23], $0xC80  }
0x75: {  	p2 =	seq.s32 s1, $0x9600;
	[sflag:s23] =	ssyncset.done $0x0  }
0x76: {  	s17 =	sadd.s32 $0x2940, s7;
	s20 =	simm.s32 @p2 $0x6;
	[sflag:s23] =	ssyncadd.s32 $0xFFFFF380  }
0x77: {  	[spmem:s2] =	stream.indirect.scatter.add.f32 [tilespmem:s11], [sflag:$0xD], $0x28, s17, s26, $0xb8;
	[tilespmem:$0x1C4D0] =	vst v63  }
0x78: {  	_ =	swait.ge @p2 [sflag:s20], $0xC80  }
0x79: {  	[sflag:s20] =	ssyncset.done @p2 $0x0  }
0x7a: {  	[sflag:s20] =	ssyncadd.s32 @p2 $0xFFFFF380;
	s20 =	sshra.s32 @p2 s1, $0x2  }
0x7b: {  	s21 =	simm.s32 @p2 $0x50;
	s9 =	simm.s32 @p2 $0x8E80;
	s20 =	sadd.s32 @p2 $0x2990, s20  }
0x7c: {  	[spmem:s2] =	stream.indirect.scatter.add.f32 @p2 [tilespmem:s9], [sflag:$0xE], $0x28, s20, s21, $0xb8;
	[tilespmem:$0x1C4D0] =	vst v63  }
0x7d: {  	s9 =	simm.s32 @!p2 $0x9  }
0x7e: {  	_ =	swait.ge @!p2 [sflag:s9], $0xC80  }
0x7f: {  	[sflag:s9] =	ssyncset.done @!p2 $0x0  }
0x80: {  	[sflag:s9] =	ssyncadd.s32 @!p2 $0xFFFFF380;
	s9 =	sshra.s32 @!p2 s1, $0x2  }
0x81: {  	s11 =	simm.s32 @!p2 $0x5000;
	s21 =	simm.s32 @!p2 $0x50;
	s20 =	sadd.s32 @!p2 $0x280, s9  }
0x82: {  	[tilespmem:s11], [sflag:$0x1] =	stream.indirect.gather @!p2 [hbm4b:s0+s21], $0x28, s20, s21, $0xb8;
	[tilespmem:$0x1C4D0] =	vst v63  }
0x83: {  	s11 =	simm.s32 @!p2 $0x6  }
0x84: {  	_ =	swait.ge @!p2 [sflag:s11], $0xC80  }
0x85: {  	[sflag:s11] =	ssyncset.done @!p2 $0x0  }
0x86: {  	s20 =	simm.s32 @!p2 $0x8E80;
	[sflag:s11] =	ssyncadd.s32 @!p2 $0xFFFFF380;
	s11 =	sadd.s32 @!p2 $0x2990, s9  }
0x87: {  	[spmem:s2] =	stream.indirect.scatter.add.f32 @!p2 [tilespmem:s20], [sflag:$0xE], $0x28, s11, s21, $0xb8;
	[tilespmem:$0x1C4D0] =	vst v63  }
0x88: {  	s11 =	simm.s32 @!p2 $0xA  }
0x89: {  	_ =	swait.ge @!p2 [sflag:s11], $0xC80  }
0x8a: {  	[sflag:s11] =	ssyncset.done @!p2 $0x0  }
0x8b: {  	s9 =	sadd.s32 @!p2 $0x2D0, s9;
	[sflag:s11] =	ssyncadd.s32 @!p2 $0xFFFFF380;
	s11 =	simm.s32 @!p2 $0x5C80  }
0x8c: {  	[tilespmem:s11], [sflag:$0x2] =	stream.indirect.gather @!p2 [hbm4b:s0+s21], $0x28, s9, s21, $0xb8;
	[tilespmem:$0x1C4D0] =	vst v63  }
.Ltmp2:
0x8d: {  	_ = 	snop;
	(pc) =	sbr.rel @p2 .LBB2_4-.Ltmp2, $4  }
0x8e: {  	s8 =	simm.s32 $0x6900;
	_ =	swait.ge [sflag:s24], $0xC80  }
0x8f: {  	s13 =	simm.s32 $0xA780;
	s17 =	simm.s32 $0x7580;
	[sflag:s24] =	ssyncset.done $0x0  }
0x90: {  	s20 =	sadd.s32 $0x2A30, s7;
	s21 =	sadd.s32 $0x29E0, s7;
	[sflag:s24] =	ssyncadd.s32 $0xFFFFF380  }
0x91: {  	[spmem:s2] =	stream.indirect.scatter.add.f32 [tilespmem:s22], [sflag:$0xF], $0x28, s21, s26, $0xb8;
	[tilespmem:$0x1C4D0] =	vst v63  }
0x92: {  	_ =	swait.ge [sflag:s5], $0xC80  }
0x93: {  	[sflag:s5] =	ssyncset.done $0x0  }
0x94: {  	s9 =	sadd.s32 $0x320, s7;
	[sflag:s5] =	ssyncadd.s32 $0xFFFFF380  }
0x95: {  	[tilespmem:s8], [sflag:$0x3] =	stream.indirect.gather [hbm4b:s0+s26], $0x28, s9, s26, $0xb8;
	[tilespmem:$0x1C4D0] =	vst v63  }
0x96: {  	_ =	swait.ge [sflag:s25], $0xC80  }
0x97: {  	[sflag:s25] =	ssyncset.done $0x0  }
0x98: {  	[sflag:s25] =	ssyncadd.s32 $0xFFFFF380  }
0x99: {  	[spmem:s2] =	stream.indirect.scatter.add.f32 [tilespmem:s13], [sflag:$0x10], $0x28, s20, s26, $0xb8;
	[tilespmem:$0x1C4D0] =	vst v63  }
.Ltmp3:
0x9a: {  	_ =	swait.ge [sflag:s18], $0xC80;
	(pc) =	sbr.rel .LBB2_2-.Ltmp3, $4  }
0x9b: {  	[sflag:s18] =	ssyncset.done $0x0  }
0x9c: {  	s22 =	sadd.s32 $0x370, s7;
	s1 =	sadd.s32 $0xA00, s1;
	[sflag:s18] =	ssyncadd.s32 $0xFFFFF380  }
0x9d: {  	[tilespmem:s17], [sflag:$0x4] =	stream.indirect.gather [hbm4b:s0+s26], $0x28, s22, s26, $0xb8;
	[tilespmem:$0x1C4D0] =	vst v63  }
0x9e: {  	s21 =	simm.s32 $0x6900;
	s8 =	simm.s32 $0x7580;
	s17 =	simm.s32 $0xA780  }
.LBB2_4:
0x9f: {  	_ =	swait.ge [sflag:s25], $0xC80  }
0xa0: {  	[sflag:s25] =	ssyncset.done $0x0  }
0xa1: {  	[sflag:s25] =	ssyncadd.s32 $0xFFFFF380  }
0xa2: {  	[spmem:s2] =	stream.indirect.scatter.add.f32 [tilespmem:s13], [sflag:$0x10], $0x28, s20, s26, $0xb8;
	[tilespmem:$0x1C4D0] =	vst v63  }
0xa3: {  	s13 =	simm.s32 $0x9  }
0xa4: {  	_ =	swait.ge [sflag:s13], $0xC80  }
0xa5: {  	[sflag:s13] =	ssyncset.done $0x0  }
0xa6: {  	s22 =	simm.s32 $0xA;
	[sflag:s13] =	ssyncadd.s32 $0xFFFFF380  }
0xa7: {  	_ =	swait.ge [sflag:s22], $0xC80  }
0xa8: {  	[sflag:s22] =	ssyncset.done $0x0  }
0xa9: {  	[sflag:s22] =	ssyncadd.s32 $0xFFFFF380  }
0xaa: {  	_ =	swait.ge [sflag:s5], $0xC80  }
0xab: {  	[sflag:s5] =	ssyncset.done $0x0  }
0xac: {  	[sflag:s5] =	ssyncadd.s32 $0xFFFFF380  }
0xad: {  	_ =	swait.ge [sflag:s18], $0xC80  }
0xae: {  	[sflag:s18] =	ssyncset.done $0x0  }
0xaf: {  	s1 =	simm.s32 $0xD;
	[sflag:s18] =	ssyncadd.s32 $0xFFFFF380  }
0xb0: {  	_ =	swait.ge [sflag:s1], $0xC80  }
0xb1: {  	[sflag:s1] =	ssyncset.done $0x0  }
0xb2: {  	s8 =	simm.s32 $0xE;
	[sflag:s1] =	ssyncadd.s32 $0xFFFFF380  }
0xb3: {  	_ =	swait.ge [sflag:s8], $0xC80  }
0xb4: {  	[sflag:s8] =	ssyncset.done $0x0  }
0xb5: {  	s9 =	simm.s32 $0xF;
	[sflag:s8] =	ssyncadd.s32 $0xFFFFF380  }
0xb6: {  	_ =	swait.ge [sflag:s9], $0xC80  }
0xb7: {  	[sflag:s9] =	ssyncset.done $0x0  }
0xb8: {  	s11 =	simm.s32 $0x10;
	[sflag:s9] =	ssyncadd.s32 $0xFFFFF380  }
0xb9: {  	_ =	swait.ge [sflag:s11], $0xC80  }
0xba: {  	[sflag:s11] =	ssyncset.done $0x0  }
0xbb: {  	[sflag:s11] =	ssyncadd.s32 $0xFFFFF380  }
0xbc: {  	[bflag:$0x0] =	sbarrier.arrive $0xFFFF  }
0xbd: {  	s7 =	rddreg [dreg:$0x8]  }
0xbe: {  	s1 =	sshrl.u32 @!p0 s2, $0x3;
	s9 =	rddreg [dreg:$0x10]  }
0xbf: {  	[hbm:s7], [sflag:s9] =	dma.local @!p0 [spmem:s1], $0xC800  }
0xc0: {  	s1 =	simm.s32 @!p0 $0x12  }
0xc1: {  	_ =	swait.ge @!p0 [sflag:s1], $0xC800  }
0xc2: {  	[sflag:s1] =	ssyncset.done @!p0 $0x0  }
0xc3: {  	[sflag:s1] =	ssyncadd.s32 @!p0 $0xFFFF3800  }
0xc4: {  	s1 =	simm.s32 @!p0 $0x100000;
	_ =	strace @!p0 $0x80000048  }
0xc5: {  	[smem:s1], [sflag:$0x0] =	smem.add.s32 @!p0 $0x0;
	s1 =	simm.s32 @!p0 $0x0  }
0xc6: {  	_ =	swait.done @!p0 [sflag:s1]  }
0xc7: {  	s7 =	ssyncread @!p0 [sflag:$0x0];
	_ =	sdelay $0x1  }
0xc8: {  	s9 =	rddreg [dreg:$0x1e]  }
0xc9: {  	s7 =	sadd.s32 @!p0 s9, s7;
	s9 =	sld [smem:$0x7FD];
	_ =	sdelay $0x2  }
0xca: {  	s7 =	sshll.u32 @!p0 s7, $0x11;
	s8 =	sshll.u32 @!p0 s9, $0xE  }
0xcb: {  	[sflag:s1] =	ssyncset.s32 @!p0 $0x0;
	s7 =	sor.u32 @!p0 s7, s8  }
0xcc: {  	[sflag:s1] =	ssyncset.done @!p0 $0x0;
	s1 =	sor.u32 @!p0 $0x1C11, s7  }
0xcd: {  	[smem:$0x7FB] =	sst s8;
	[sflag:s1] =	ssyncadd.remote.s32 @!p0 $0x1;
	s1 =	simm.s32 @!p0 $0x11  }
0xce: {  	_ =	swait.ge @!p0 [sflag:s1], $0x1  }
0xcf: {  	[sflag:s1] =	ssyncset.done @!p0 $0x0  }
0xd0: {  	[sflag:s1] =	ssyncadd.s32 @!p0 $0xFFFFFFFF  }
0xd1: {  	_ =	strace @!p0 $0x90000048  }
0xd2: {  	[bflag:$0x0] =	sbarrier.arrive $0xFFFF  }
0xd3: {  	s11 =	simm.s32 $0x12;
	s17 =	rddreg [dreg:$0xe]  }
0xd4: {  	[tilespmem:s6], [sflag:$0x12] =	stream.linear.gather [spmem:s17], $0x3200, $0x38;
	[tilespmem:$0x1C4D0] =	vst v63  }
0xd5: {  	_ =	swait.ge [sflag:s11], $0x3200  }
0xd6: {  	[sflag:s11] =	ssyncset.done $0x0  }
0xd7: {  	s7 =	simm.s32 $0x0;
	s20 =	rddreg [dreg:$0x9];
	[sflag:s11] =	ssyncadd.s32 $0xFFFFCE00  }
0xd8: {  	[tilespmem:s28], [sflag:$0x12] =	stream.linear.gather [hbm4b:s20+s7], $0x3200, $0x38;
	[tilespmem:$0x1C4D0] =	vst v63  }
0xd9: {  	_ =	swait.ge [sflag:s11], $0x3200  }
0xda: {  	[sflag:s11] =	ssyncset.done $0x0  }
0xdb: {  	s21 =	rddreg [dreg:$0xa];
	[sflag:s11] =	ssyncadd.s32 $0xFFFFCE00  }
0xdc: {  	[tilespmem:s31], [sflag:$0x12] =	stream.linear.gather [hbm4b:s21+s7], $0x2800, $0x38;
	[tilespmem:$0x1C4D0] =	vst v63  }
0xdd: {  	_ =	swait.ge [sflag:s11], $0x2800  }
0xde: {  	s1 =	simm.s32 $0x14280;
	s17 =	simm.s32 $0xA780;
	[sflag:s11] =	ssyncset.done $0x0  }
0xdf: {  	s20 =	simm.s32 $0x143C0;
	s21 =	simm.s32 $0x14500;
	[sflag:s11] =	ssyncadd.s32 $0xFFFFD800  }
.LBB2_5:
0xe0: {  	v5 =	vld [tilespmem:$0x156C0]  }
0xe1: {  	v16 =	vld [tilespmem:$0x152C0]  }
0xe2: {  	v18 =	vld [tilespmem:$0x154C0]  }
0xe3: {  	v22 =	vld [tilespmem:$0x152D0]  }
0xe4: {  	v28 =	vld [tilespmem:$0x154D0]  }
0xe5: {  	v37 =	vld [tilespmem:$0x152E0]  }
0xe6: {  	v38 =	vld [tilespmem:$0x154E0]  }
0xe7: {  	v41 =	vld [tilespmem:$0x152F0]  }
0xe8: {  	v42 =	vld [tilespmem:$0x154F0]  }
0xe9: {  	v46 =	vld [tilespmem:$0x15300]  }
0xea: {  	v47 =	vld [tilespmem:$0x15500]  }
0xeb: {  	v51 =	vld [tilespmem:$0x15310]  }
0xec: {  	v1 =	vor.u32 s7, v0;
	v0 =	vld [tilespmem:$0x15340]  }
0xed: {  	v52 =	vld [tilespmem:$0x15510];
	v2 =	vmul.u32 $0x28, v1;
	v1 =	vshll.u32 v1, $0x5  }
0xee: {  	v56 =	vld [tilespmem:$0x15320]  }
0xef: {  	v27 =	vld [tilespmem:$0x15520]  }
0xf0: {  	v31 =	vld [tilespmem:$0x15330];
	v9 =	vor.u32 $0x1, v1  }
0xf1: {  	v57 =	vor.u32 $0x2, v1;
	[tilespmem:$0x1FFD0] =	vst v0;
	v0 =	vld [tilespmem:$0x15550]  }
0xf2: {  	v59 =	vor.u32 $0x3, v1;
	v10 =	vld.idx.msk [tilespmem:v1+s31+$0x0], $0xffff  }
0xf3: {  	v61 =	vor.u32 $0x4, v1;
	v26 =	vld.idx.msk [tilespmem:v2+s6+$0x0], $0xffff  }
0xf4: {  	v63 =	vor.u32 $0x5, v1;
	v8 =	vld.idx.msk [tilespmem:v2+s28+$0x0], $0xffff  }
0xf5: {  	v13 =	vor.u32 $0x6, v1;
	v20 =	vld.idx.msk [tilespmem:v9+s31+$0x0], $0xffff  }
0xf6: {  	v19 =	vor.u32 $0x7, v1;
	v30 =	vld.idx.msk [tilespmem:v57+s31+$0x0], $0xffff  }
0xf7: {  	v40 =	vld.idx.msk [tilespmem:v59+s31+$0x0], $0xffff  }
0xf8: {  	v25 =	vor.u32 $0x8, v1;
	v45 =	vld.idx.msk [tilespmem:v61+s31+$0x0], $0xffff  }
0xf9: {  	v33 =	vor.u32 $0x9, v1;
	v50 =	vld.idx.msk [tilespmem:v63+s31+$0x0], $0xffff  }
0xfa: {  	v3 =	vadd.s32 $0x20, v2;
	v55 =	vld.idx.msk [tilespmem:v13+s31+$0x0], $0xffff  }
0xfb: {  	v59 =	vld.idx.msk [tilespmem:v19+s31+$0x0], $0xffff  }
0xfc: {  	v7 =	vor.u32 $0x1, v2;
	v19 =	vld [tilespmem:$0x15530]  }
0xfd: {  	v35 =	vld.idx.msk [tilespmem:v25+s31+$0x0], $0xffff  }
0xfe: {  	v11 =	vor.u32 $0x2, v2;
	v33 =	vld.idx.msk [tilespmem:v33+s31+$0x0], $0xffff  }
0xff: {  	v4 =	vld.idx.msk [tilespmem:v3+s6+$0x0], $0xffff  }
0x100: {  	v58 =	vor.u32 $0x3, v2;
	v3 =	vld.idx.msk [tilespmem:v3+s28+$0x0], $0xffff  }
0x101: {  	v14 =	vld.idx.msk [tilespmem:v7+s6+$0x0], $0xffff  }
0x102: {  	v60 =	vor.u32 $0x4, v2;
	v15 =	vld.idx.msk [tilespmem:v7+s28+$0x0], $0xffff  }
0x103: {  	v21 =	vld.idx.msk [tilespmem:v11+s6+$0x0], $0xffff  }
0x104: {  	v62 =	vor.u32 $0x5, v2;
	v24 =	vld.idx.msk [tilespmem:v11+s28+$0x0], $0xffff  }
0x105: {  	v36 =	vld.idx.msk [tilespmem:v58+s6+$0x0], $0xffff  }
0x106: {  	v12 =	vor.u32 $0x6, v2;
	v39 =	vld.idx.msk [tilespmem:v58+s28+$0x0], $0xffff  }
0x107: {  	v43 =	vld.idx.msk [tilespmem:v60+s6+$0x0], $0xffff  }
0x108: {  	v17 =	vor.u32 $0x7, v2;
	v44 =	vld.idx.msk [tilespmem:v60+s28+$0x0], $0xffff  }
0x109: {  	v48 =	vld.idx.msk [tilespmem:v62+s6+$0x0], $0xffff  }
0x10a: {  	v23 =	vadd.s32 $0x8, v2;
	v49 =	vld.idx.msk [tilespmem:v62+s28+$0x0], $0xffff  }
0x10b: {  	v53 =	vld.idx.msk [tilespmem:v12+s6+$0x0], $0xffff  }
0x10c: {  	v54 =	vld.idx.msk [tilespmem:v12+s28+$0x0], $0xffff  }
0x10d: {  	v29 =	vadd.s32 $0x9, v2;
	v57 =	vld.idx.msk [tilespmem:v17+s6+$0x0], $0xffff  }
0x10e: {  	v58 =	vld.idx.msk [tilespmem:v17+s28+$0x0], $0xffff  }
0x10f: {  	v60 =	vld.idx.msk [tilespmem:v23+s6+$0x0], $0xffff  }
0x110: {  	v34 =	vor.u32 $0xA, v1;
	v61 =	vld.idx.msk [tilespmem:v23+s28+$0x0], $0xffff  }
0x111: {  	v12 =	vld [tilespmem:$0x15540]  }
0x112: {  	v13 =	vadd.s32 $0xA, v2;
	v62 =	vld.idx.msk [tilespmem:v29+s6+$0x0], $0xffff  }
0x113: {  	v63 =	vld.idx.msk [tilespmem:v29+s28+$0x0], $0xffff  }
0x114: {  	v6 =	vadd.s32 $0xD, v2;
	v17 =	vld [tilespmem:$0x15350];
	v3 =	vadd.f32 v3, v4  }
0x115: {  	v23 =	vld.idx.msk [tilespmem:v34+s31+$0x0], $0xffff  }
0x116: {  	v25 =	vadd.s32 $0xC, v2;
	[tilespmem:$0x1FFE0] =	vst v0;
	v0 =	vld [tilespmem:$0x15360];
	v3 =	vmax.f32 v3, $1.000000000e+00  }
0x117: {  	v11 =	vld.idx.msk [tilespmem:v13+s6+$0x0], $0xffff;
	(erf) = vrcp.f32 v3  }
0x118: {  	v4 =	vld.idx.msk [tilespmem:v13+s28+$0x0], $0xffff;
	v13 =	vor.u32 $0xB, v1;
	v54 =	vadd.f32 v54, v53  }
0x119: {  	v9 =	vld.idx.msk [tilespmem:v6+s6+$0x0], $0xffff;
	v53 =	vadd.f32 v58, v57;
	v57 =	vadd.f32 v61, v60;
	v60 =	vadd.s32 $0x12, v2  }
0x11a: {  	v7 =	vld [tilespmem:$0x15370];
	v3 =	vadd.s32 $0xB, v2  }
0x11b: {  	v8 =	vadd.f32 v8, v26;
	v26 =	vld.idx.msk [tilespmem:v25+s6+$0x0], $0xffff  }
0x11c: {  	v29 =	vld.idx.msk [tilespmem:v25+s28+$0x0], $0xffff;
	[tilespmem:$0x1FFF0] =	vst v0;
	v0 =	vor.u32 $0xC, v1  }
0x11d: {  	v13 =	vld.idx.msk [tilespmem:v13+s31+$0x0], $0xffff  }
0x11e: {  	v4 =	vadd.f32 v4, v11;
	v11 =	vld.idx.msk [tilespmem:v60+s6+$0x0], $0xffff  }
0x11f: {  	v32 =	vld.idx.msk [tilespmem:v3+s6+$0x0], $0xffff  }
0x120: {  	v21 =	vadd.f32 v24, v21;
	v24 =	vadd.f32 v39, v36;
	v39 =	vadd.s32 $0xE, v2;
	v34 =	vld.idx.msk [tilespmem:v3+s28+$0x0], $0xffff;
	v3 =	vpop (erf)  }
0x121: {  	v25 =	vmul.f32 v8, v3;
	v8 =	vld.idx.msk [tilespmem:v0+s31+$0x0], $0xffff  }
0x122: {  	v0 =	vadd.f32 v15, v14;
	v14 =	vor.u32 $0xD, v1;
	v15 =	vld.idx.msk [tilespmem:v6+s28+$0x0], $0xffff  }
0x123: {  	v36 =	vmul.f32 v21, v3;
	v21 =	vld [tilespmem:$0x15380]  }
0x124: {  	v10 =	vadd.f32 v25, v10;
	v6 =	vmul.f32 v0, v3;
	v25 =	vld [tilespmem:$0x15560]  }
0x125: {  	v26 =	vadd.f32 v29, v26;
	v30 =	vadd.f32 v36, v30;
	v36 =	vld.idx.msk [tilespmem:v39+s6+$0x0], $0xffff  }
0x126: {  	v44 =	vadd.f32 v44, v43;
	v10 =	vmax.f32 v10, $0.0e+00;
	v6 =	vadd.f32 v6, v20;
	v20 =	vld [tilespmem:$0x15570]  }
0x127: {  	v26 =	vmul.f32 v26, v3;
	v0 =	vor.u32 $0xE, v1;
	v16 =	vmul.f32 v10, v16;
	v14 =	vld.idx.msk [tilespmem:v14+s31+$0x0], $0xffff  }
0x128: {  	v10 =	vmul.f32 v10, v18;
	v18 =	vmul.f32 v24, v3;
	v24 =	vld [tilespmem:$0x15580];
	v6 =	vmax.f32 v6, $0.0e+00  }
0x129: {  	v8 =	vadd.f32 v26, v8;
	v26 =	vld [tilespmem:$0x15420];
	v16 =	vadd.f32 $0.0e+00, v16;
	v22 =	vmul.f32 v6, v22  }
0x12a: {  	v5 =	vadd.f32 v10, v5;
	v10 =	vld [tilespmem:$0x15390];
	v18 =	vadd.f32 v18, v40;
	v40 =	vadd.s32 $0xF, v2  }
0x12b: {  	v16 =	vadd.f32 v22, v16;
	v22 =	vmul.f32 v6, v28;
	v6 =	vld [tilespmem:$0x15590];
	v28 =	vmax.f32 v30, $0.0e+00  }
0x12c: {  	v48 =	vadd.f32 v49, v48;
	v30 =	vld.idx.msk [tilespmem:v0+s31+$0x0], $0xffff;
	v43 =	vmul.f32 v28, v37  }
0x12d: {  	v28 =	vmul.f32 v28, v38;
	v38 =	vld.idx.msk [tilespmem:v39+s28+$0x0], $0xffff;
	v37 =	vmax.f32 v18, $0.0e+00;
	v18 =	vmul.f32 v44, v3  }
0x12e: {  	v0 =	vor.u32 $0xF, v1;
	v5 =	vadd.f32 v22, v5;
	v22 =	vadd.f32 v43, v16;
	v16 =	vld [tilespmem:$0x153A0]  }
0x12f: {  	v39 =	vmul.f32 v48, v3;
	v49 =	vadd.f32 v18, v45;
	v18 =	vld [tilespmem:$0x155A0]  }
0x130: {  	v44 =	vmul.f32 v37, v41;
	v41 =	vld.idx.msk [tilespmem:v40+s6+$0x0], $0xffff  }
0x131: {  	v8 =	vmax.f32 v8, $0.0e+00;
	v40 =	vld.idx.msk [tilespmem:v40+s28+$0x0], $0xffff;
	v39 =	vadd.f32 v39, v50  }
0x132: {  	v37 =	vmul.f32 v37, v42;
	v43 =	vadd.s32 $0x10, v2;
	v5 =	vadd.f32 v28, v5;
	v28 =	vld [tilespmem:$0x153B0]  }
0x133: {  	v50 =	vmul.f32 v54, v3;
	v48 =	vmax.f32 v49, $0.0e+00;
	v0 =	vld.idx.msk [tilespmem:v0+s31+$0x0], $0xffff;
	v39 =	vmax.f32 v39, $0.0e+00  }
0x134: {  	v22 =	vadd.f32 v44, v22;
	v49 =	vmul.f32 v48, v46;
	v54 =	vmul.f32 v39, v51;
	v51 =	vld [tilespmem:$0x153C0]  }
0x135: {  	v39 =	vmul.f32 v39, v52;
	v52 =	vmul.f32 v8, v21;
	v21 =	vld [tilespmem:$0x15600]  }
0x136: {  	v5 =	vadd.f32 v37, v5;
	v42 =	vadd.f32 v49, v22;
	v22 =	vld [tilespmem:$0x155B0]  }
0x137: {  	v44 =	vmul.f32 v48, v47;
	v37 =	vadd.f32 v50, v55;
	v55 =	vmul.f32 v53, v3;
	v47 =	vld.idx.msk [tilespmem:v43+s6+$0x0], $0xffff  }
0x138: {  	v46 =	vor.u32 $0x10, v1;
	v48 =	vadd.s32 $0x11, v2;
	v43 =	vld.idx.msk [tilespmem:v43+s28+$0x0], $0xffff  }
0x139: {  	v49 =	vmax.f32 v37, $0.0e+00;
	v58 =	vadd.f32 v55, v59;
	v37 =	vld [tilespmem:$0x155C0];
	v59 =	vmul.f32 v57, v3  }
0x13a: {  	v56 =	vmul.f32 v49, v56;
	v27 =	vmul.f32 v49, v27;
	v49 =	vld [tilespmem:$0x153D0]  }
0x13b: {  	v42 =	vadd.f32 v54, v42;
	v54 =	vld [tilespmem:$0x1FFD0]  }
0x13c: {  	v53 =	vadd.s32 $0x13, v2;
	v35 =	vadd.f32 v59, v35;
	v59 =	vld [tilespmem:$0x1FFE0]  }
0x13d: {  	v5 =	vadd.f32 v44, v5;
	v45 =	vld.idx.msk [tilespmem:v46+s31+$0x0], $0xffff  }
0x13e: {  	v50 =	vld.idx.msk [tilespmem:v48+s6+$0x0], $0xffff  }
0x13f: {  	v4 =	vmul.f32 v4, v3;
	v5 =	vadd.f32 v39, v5;
	v39 =	vmax.f32 v58, $0.0e+00;
	v48 =	vld.idx.msk [tilespmem:v48+s28+$0x0], $0xffff  }
0x140: {  	v31 =	vmul.f32 v39, v31;
	v19 =	vmul.f32 v39, v19;
	v39 =	vld [tilespmem:$0x155D0]  }
0x141: {  	v61 =	vadd.f32 v63, v62;
	v62 =	vor.u32 $0x12, v1;
	v4 =	vadd.f32 v4, v23;
	v23 =	vld.idx.msk [tilespmem:v53+s6+$0x0], $0xffff  }
0x142: {  	v29 =	vld.idx.msk [tilespmem:v53+s28+$0x0], $0xffff  }
0x143: {  	v63 =	vmul.f32 v61, v3;
	v53 =	vadd.f32 v38, v36;
	v36 =	vld [tilespmem:$0x15680]  }
0x144: {  	v58 =	vadd.s32 $0x14, v2;
	v42 =	vadd.f32 v56, v42;
	v56 =	vadd.f32 v34, v32;
	v32 =	vld [tilespmem:$0x153E0]  }
0x145: {  	v46 =	vor.u32 $0x11, v1;
	v5 =	vadd.f32 v27, v5;
	v34 =	vld [tilespmem:$0x15410]  }
0x146: {  	v35 =	vmax.f32 v35, $0.0e+00;
	v27 =	vadd.f32 v63, v33;
	v31 =	vadd.f32 v31, v42;
	v42 =	vld.idx.msk [tilespmem:v62+s31+$0x0], $0xffff  }
0x147: {  	v12 =	vmul.f32 v35, v12;
	v5 =	vadd.f32 v19, v5;
	v19 =	vmul.f32 v35, v54;
	v35 =	vld.idx.msk [tilespmem:v60+s28+$0x0], $0xffff  }
0x148: {  	v9 =	vadd.f32 v15, v9;
	v55 =	vor.u32 $0x13, v1;
	v60 =	vld [tilespmem:$0x1FFF0]  }
0x149: {  	v27 =	vmax.f32 v27, $0.0e+00;
	v57 =	vmul.f32 v56, v3;
	v62 =	vadd.s32 $0x15, v2;
	v15 =	vld.idx.msk [tilespmem:v58+s6+$0x0], $0xffff  }
0x14a: {  	v17 =	vmul.f32 v27, v17;
	v27 =	vmul.f32 v27, v59;
	v44 =	vld.idx.msk [tilespmem:v46+s31+$0x0], $0xffff;
	v5 =	vadd.f32 v12, v5  }
0x14b: {  	v12 =	vld [tilespmem:$0x155E0];
	v13 =	vadd.f32 v57, v13;
	v19 =	vadd.f32 v19, v31  }
0x14c: {  	v9 =	vmul.f32 v9, v3;
	v54 =	vadd.s32 $0x16, v2;
	v5 =	vadd.f32 v27, v5;
	v27 =	vld [tilespmem:$0x153F0]  }
0x14d: {  	v46 =	vor.u32 $0x15, v1;
	v13 =	vmax.f32 v13, $0.0e+00;
	v17 =	vadd.f32 v17, v19;
	v19 =	vld.idx.msk [tilespmem:v55+s31+$0x0], $0xffff  }
0x14e: {  	v57 =	vadd.f32 v40, v41;
	v40 =	vor.u32 $0x17, v1;
	v63 =	vmul.f32 v13, v7;
	v7 =	vld.idx.msk [tilespmem:v62+s6+$0x0], $0xffff  }
0x14f: {  	v4 =	vmax.f32 v4, $0.0e+00;
	v9 =	vadd.f32 v9, v14;
	v56 =	vmul.f32 v53, v3;
	v14 =	vld.idx.msk [tilespmem:v62+s28+$0x0], $0xffff  }
0x150: {  	v33 =	vmul.f32 v4, v60;
	v4 =	vmul.f32 v4, v25;
	v25 =	vld [tilespmem:$0x155F0]  }
0x151: {  	v61 =	vor.u32 $0x14, v1;
	v55 =	vmax.f32 v9, $0.0e+00;
	v9 =	vadd.f32 v56, v30;
	v30 =	vld.idx.msk [tilespmem:v54+s6+$0x0], $0xffff  }
0x152: {  	v8 =	vmul.f32 v8, v24;
	v59 =	vadd.f32 v43, v47;
	v41 =	vadd.f32 v48, v50;
	v31 =	vld.idx.msk [tilespmem:v46+s31+$0x0], $0xffff  }
0x153: {  	v48 =	vor.u32 $0x18, v1;
	v62 =	vadd.s32 $0x17, v2;
	v10 =	vmul.f32 v55, v10;
	v24 =	vld.idx.msk [tilespmem:v40+s31+$0x0], $0xffff  }
0x154: {  	v56 =	vor.u32 $0x19, v1;
	v6 =	vmul.f32 v55, v6;
	v60 =	vmul.f32 v57, v3;
	v40 =	vld [tilespmem:$0x15450]  }
0x155: {  	v11 =	vadd.f32 v35, v11;
	v17 =	vadd.f32 v33, v17;
	v33 =	vmul.f32 v13, v20;
	v13 =	vld.idx.msk [tilespmem:v58+s28+$0x0], $0xffff  }
0x156: {  	v9 =	vmax.f32 v9, $0.0e+00;
	v4 =	vadd.f32 v4, v5;
	v20 =	vld.idx.msk [tilespmem:v61+s31+$0x0], $0xffff;
	v58 =	vor.u32 $0x16, v1  }
0x157: {  	v61 =	vmul.f32 v59, v3;
	v0 =	vadd.f32 v60, v0;
	v5 =	vadd.f32 v63, v17;
	v17 =	vld [tilespmem:$0x15400]  }
0x158: {  	v11 =	vmul.f32 v11, v3;
	v4 =	vadd.f32 v33, v4;
	v63 =	vmul.f32 v9, v16;
	v33 =	vld.idx.msk [tilespmem:v62+s6+$0x0], $0xffff  }
0x159: {  	v9 =	vmul.f32 v9, v18;
	v38 =	vadd.f32 v61, v45;
	v0 =	vmax.f32 v0, $0.0e+00;
	v47 =	vld.idx.msk [tilespmem:v62+s28+$0x0], $0xffff  }
0x15a: {  	v45 =	vadd.s32 $0x18, v2;
	v11 =	vadd.f32 v11, v42;
	v43 =	vmul.f32 v0, v28;
	v28 =	vld [tilespmem:$0x15620]  }
0x15b: {  	v7 =	vadd.f32 v14, v7;
	v61 =	vadd.s32 $0x1A, v2;
	v4 =	vadd.f32 v8, v4;
	v8 =	vld.idx.msk [tilespmem:v54+s28+$0x0], $0xffff  }
0x15c: {  	v0 =	vmul.f32 v0, v22;
	v5 =	vadd.f32 v52, v5;
	v52 =	vadd.f32 v29, v23;
	v23 =	vld [tilespmem:$0x15630]  }
0x15d: {  	v16 =	vmax.f32 v38, $0.0e+00;
	v11 =	vmax.f32 v11, $0.0e+00;
	v7 =	vmul.f32 v7, v3;
	v18 =	vld.idx.msk [tilespmem:v58+s31+$0x0], $0xffff  }
0x15e: {  	v54 =	vadd.s32 $0x19, v2;
	v46 =	vmul.f32 v16, v51;
	v55 =	vmul.f32 v11, v32;
	v32 =	vld.idx.msk [tilespmem:v48+s31+$0x0], $0xffff  }
0x15f: {  	v51 =	vmul.f32 v16, v37;
	v58 =	vmul.f32 v11, v12;
	v12 =	vld [tilespmem:$0x15640];
	v5 =	vadd.f32 v10, v5  }
0x160: {  	v59 =	vadd.f32 v13, v15;
	v37 =	vld.idx.msk [tilespmem:v56+s31+$0x0], $0xffff;
	v4 =	vadd.f32 v6, v4;
	v6 =	vmul.f32 v41, v3  }
0x161: {  	v16 =	vmul.f32 v52, v3;
	v41 =	vadd.f32 v7, v31;
	v29 =	vld.idx.msk [tilespmem:v45+s6+$0x0], $0xffff;
	v5 =	vadd.f32 v63, v5  }
0x162: {  	v38 =	vor.u32 $0x1A, v1;
	v35 =	vld.idx.msk [tilespmem:v45+s28+$0x0], $0xffff;
	v4 =	vadd.f32 v9, v4;
	v6 =	vadd.f32 v6, v44  }
0x163: {  	v52 =	vadd.s32 $0x1C, v2;
	v42 =	vld.idx.msk [tilespmem:v61+s6+$0x0], $0xffff;
	v57 =	vadd.f32 v16, v19;
	v44 =	vadd.f32 v47, v33  }
0x164: {  	v11 =	vmul.f32 v59, v3;
	v14 =	vld.idx.msk [tilespmem:v61+s28+$0x0], $0xffff;
	v8 =	vadd.f32 v8, v30;
	v5 =	vadd.f32 v43, v5  }
0x165: {  	v48 =	vld [tilespmem:$0x15460];
	v0 =	vadd.f32 v0, v4;
	v6 =	vmax.f32 v6, $0.0e+00;
	v43 =	vadd.s32 $0x1B, v2  }
0x166: {  	v60 =	vld.idx.msk [tilespmem:v54+s6+$0x0], $0xffff;
	v53 =	vmul.f32 v6, v49;
	v6 =	vmul.f32 v6, v39;
	v39 =	vadd.f32 v11, v20  }
0x167: {  	v63 =	vld.idx.msk [tilespmem:v54+s28+$0x0], $0xffff;
	v8 =	vmul.f32 v8, v3;
	v49 =	vmul.f32 v44, v3;
	v50 =	vadd.f32 v46, v5  }
0x168: {  	v10 =	vld [tilespmem:$0x15610];
	v44 =	vor.u32 $0x1E, v1;
	v0 =	vadd.f32 v51, v0;
	v56 =	vadd.f32 v35, v29  }
0x169: {  	v7 =	vld [tilespmem:$0x15650];
	v46 =	vor.u32 $0x1B, v1;
	v14 =	vadd.f32 v14, v42;
	v8 =	vadd.f32 v8, v18  }
0x16a: {  	v9 =	vld [tilespmem:$0x15430];
	v5 =	vmax.f32 v39, $0.0e+00;
	v4 =	vadd.f32 v53, v50;
	v0 =	vadd.f32 v6, v0  }
0x16b: {  	v16 =	vld [tilespmem:$0x15440];
	v6 =	vmax.f32 v57, $0.0e+00;
	v17 =	vmul.f32 v5, v17;
	v5 =	vmul.f32 v5, v21  }
0x16c: {  	v33 =	vld [tilespmem:$0x15480];
	v53 =	vadd.f32 v49, v24;
	v57 =	vor.u32 $0x1C, v1;
	v13 =	vadd.f32 v63, v60  }
0x16d: {  	v45 =	vld.idx.msk [tilespmem:v38+s31+$0x0], $0xffff;
	v59 =	vmul.f32 v56, v3;
	v63 =	vadd.s32 $0x1D, v2;
	v62 =	vmul.f32 v6, v27  }
0x16e: {  	v50 =	vld [tilespmem:$0x15660];
	v6 =	vmul.f32 v6, v25;
	v8 =	vmax.f32 v8, $0.0e+00;
	v0 =	vadd.f32 v58, v0  }
0x16f: {  	v14 =	vmul.f32 v14, v3;
	v51 =	vld.idx.msk [tilespmem:v43+s6+$0x0], $0xffff;
	v4 =	vadd.f32 v55, v4;
	v55 =	vmul.f32 v8, v26  }
0x170: {  	v54 =	vld.idx.msk [tilespmem:v43+s28+$0x0], $0xffff;
	v8 =	vmul.f32 v8, v28;
	v61 =	vmul.f32 v13, v3;
	v0 =	vadd.f32 v6, v0  }
0x171: {  	v60 =	vld [tilespmem:$0x15670];
	v30 =	vadd.f32 v59, v32;
	v4 =	vadd.f32 v62, v4;
	v6 =	vmax.f32 v41, $0.0e+00  }
0x172: {  	v21 =	vld.idx.msk [tilespmem:v52+s28+$0x0], $0xffff;
	v47 =	vmul.f32 v6, v34;
	v6 =	vmul.f32 v6, v10;
	v0 =	vadd.f32 v5, v0  }
0x173: {  	v58 =	vld [tilespmem:$0x15470];
	v41 =	vadd.f32 v14, v45;
	v34 =	vadd.s32 $0x1E, v2;
	v4 =	vadd.f32 v17, v4  }
0x174: {  	v32 =	vor.u32 $0x1D, v1;
	v62 =	vld.idx.msk [tilespmem:v52+s6+$0x0], $0xffff;
	v2 =	vadd.s32 $0x1F, v2;
	v0 =	vadd.f32 v6, v0  }
0x175: {  	v25 =	vld.idx.msk [tilespmem:v46+s31+$0x0], $0xffff;
	v5 =	vadd.f32 v54, v51;
	v45 =	vmax.f32 v41, $0.0e+00;
	v4 =	vadd.f32 v47, v4  }
0x176: {  	v31 =	vld.idx.msk [tilespmem:v57+s31+$0x0], $0xffff;
	v17 =	vmul.f32 v45, v48;
	v0 =	vadd.f32 v8, v0;
	v8 =	vadd.f32 v61, v37  }
0x177: {  	v48 =	vmul.f32 v45, v50;
	v6 =	vmax.f32 v53, $0.0e+00;
	v5 =	vmul.f32 v5, v3;
	v37 =	vld.idx.msk [tilespmem:v63+s6+$0x0], $0xffff  }
0x178: {  	v9 =	vmul.f32 v6, v9;
	v4 =	vadd.f32 v55, v4;
	v43 =	vld.idx.msk [tilespmem:v34+s6+$0x0], $0xffff;
	v8 =	vmax.f32 v8, $0.0e+00  }
0x179: {  	v6 =	vmul.f32 v6, v23;
	v13 =	vadd.f32 v21, v62;
	v39 =	vmul.f32 v8, v40;
	v40 =	vld.idx.msk [tilespmem:v63+s28+$0x0], $0xffff  }
0x17a: {  	v5 =	vadd.f32 v5, v25;
	v46 =	vld.idx.msk [tilespmem:v34+s28+$0x0], $0xffff;
	v4 =	vadd.f32 v9, v4;
	v9 =	vmax.f32 v30, $0.0e+00  }
0x17b: {  	v1 =	vor.u32 $0x1F, v1;
	v47 =	vld.idx.msk [tilespmem:v2+s6+$0x0], $0xffff;
	v50 =	vmul.f32 v13, v3;
	v35 =	vmul.f32 v9, v16  }
0x17c: {  	v2 =	vld.idx.msk [tilespmem:v2+s28+$0x0], $0xffff;
	v0 =	vadd.f32 v6, v0;
	v5 =	vmax.f32 v5, $0.0e+00;
	v38 =	vmul.f32 v9, v12  }
0x17d: {  	v42 =	vld.idx.msk [tilespmem:v32+s31+$0x0], $0xffff;
	v7 =	vmul.f32 v8, v7;
	v10 =	vadd.f32 v50, v31;
	v4 =	vadd.f32 v35, v4  }
0x17e: {  	v52 =	vmul.f32 v5, v58;
	v9 =	vld.idx.msk [tilespmem:v44+s31+$0x0], $0xffff;
	v0 =	vadd.f32 v38, v0;
	v49 =	vadd.f32 v40, v37  }
0x17f: {  	v51 =	vld [tilespmem:$0x15490];
	v5 =	vmul.f32 v5, v60;
	v6 =	vadd.f32 v46, v43;
	v4 =	vadd.f32 v39, v4  }
0x180: {  	v1 =	vld.idx.msk [tilespmem:v1+s31+$0x0], $0xffff;
	v55 =	vmax.f32 v10, $0.0e+00;
	v0 =	vadd.f32 v7, v0;
	v8 =	vmul.f32 v49, v3  }
0x181: {  	v53 =	vld [tilespmem:$0x15690];
	v2 =	vadd.f32 v2, v47;
	v6 =	vmul.f32 v6, v3;
	v4 =	vadd.f32 v17, v4  }
0x182: {  	v56 =	vld [tilespmem:$0x154A0];
	v57 =	vmul.f32 v55, v33;
	v0 =	vadd.f32 v48, v0;
	v54 =	vadd.f32 v8, v42  }
0x183: {  	v58 =	vld [tilespmem:$0x156A0];
	v2 =	vmul.f32 v2, v3;
	v6 =	vadd.f32 v6, v9;
	v4 =	vadd.f32 v52, v4  }
0x184: {  	v59 =	vld [tilespmem:$0x154B0];
	v0 =	vadd.f32 v5, v0;
	v8 =	vmul.f32 v55, v36;
	v7 =	vmax.f32 v54, $0.0e+00  }
0x185: {  	v61 =	vld [tilespmem:$0x156B0];
	v1 =	vadd.f32 v2, v1;
	v4 =	vadd.f32 v57, v4;
	v60 =	vmul.f32 v7, v51  }
0x186: {  	v2 =	vmax.f32 v6, $0.0e+00;
	v0 =	vadd.f32 v8, v0;
	v7 =	vmul.f32 v7, v53  }
0x187: {  	v62 =	vmul.f32 v2, v56;
	v4 =	vadd.f32 v60, v4  }
0x188: {  	v1 =	vmax.f32 v1, $0.0e+00;
	v2 =	vmul.f32 v2, v58;
	v0 =	vadd.f32 v7, v0  }
0x189: {  	v63 =	vmul.f32 v1, v59;
	v4 =	vadd.f32 v62, v4  }
0x18a: {  	p2 =	sne.s32 s7, $0x130;
	v1 =	vmul.f32 v1, v61;
	v0 =	vadd.f32 v2, v0  }
.Ltmp4:
0x18b: {  	v2 =	vadd.f32 v63, v4;
	(pc) =	sbr.rel @p2 .LBB2_5-.Ltmp4, $4  }
0x18c: {  	v0 =	vadd.f32 v1, v0  }
0x18d: {  	[tilespmem:s1+$0x0] =	vst v2  }
0x18e: {  	s7 =	sadd.s32 $0x10, s7;
	[tilespmem:s20+$0x0] =	vst v0  }
0x18f: {  	s1 =	sadd.s32 $0x10, s1;
	v0 =	vlaneseq.u32;
	s20 =	sadd.s32 $0x10, s20;
	[tilespmem:s21+$0x0] =	vst v3;
	s21 =	sadd.s32 $0x10, s21  }
0x190: {  	s7 =	simm.s32 $0x14280;
	s1 =	rddreg [dreg:$0x14]  }
0x191: {  	[spmem:s1] =	stream.linear.scatter [tilespmem:s7], [sflag:$0x12], $0x140, $0x38;
	[tilespmem:$0x1C4D0] =	vst v63  }
0x192: {  	_ =	swait.ge [sflag:s11], $0x140  }
0x193: {  	[sflag:s11] =	ssyncset.done $0x0  }
0x194: {  	s20 =	simm.s32 $0x143C0;
	s21 =	rddreg [dreg:$0x15];
	[sflag:s11] =	ssyncadd.s32 $0xFFFFFEC0  }
0x195: {  	[spmem:s21] =	stream.linear.scatter [tilespmem:s20], [sflag:$0x12], $0x140, $0x38;
	[tilespmem:$0x1C4D0] =	vst v63  }
0x196: {  	_ =	swait.ge [sflag:s11], $0x140  }
0x197: {  	[sflag:s11] =	ssyncset.done $0x0  }
0x198: {  	s21 =	simm.s32 $0x14500;
	s8 =	rddreg [dreg:$0x16];
	[sflag:s11] =	ssyncadd.s32 $0xFFFFFEC0  }
0x199: {  	[spmem:s8] =	stream.linear.scatter [tilespmem:s21], [sflag:$0x12], $0x140, $0x38;
	[tilespmem:$0x1C4D0] =	vst v63  }
0x19a: {  	_ =	swait.ge [sflag:s11], $0x140  }
0x19b: {  	[sflag:s11] =	ssyncset.done $0x0  }
0x19c: {  	s9 =	rddreg [dreg:$0x17];
	[sflag:s11] =	ssyncadd.s32 $0xFFFFFEC0  }
0x19d: {  	[tilespmem:s6], [sflag:$0x12] =	stream.linear.gather [spmem:s9], $0x3200, $0x38;
	[tilespmem:$0x1C4D0] =	vst v63  }
0x19e: {  	_ =	swait.ge [sflag:s11], $0x3200  }
0x19f: {  	[sflag:s11] =	ssyncset.done $0x0  }
0x1a0: {  	s1 =	simm.s32 $0x0;
	s9 =	rddreg [dreg:$0xb];
	[sflag:s11] =	ssyncadd.s32 $0xFFFFCE00  }
0x1a1: {  	[tilespmem:s28], [sflag:$0x12] =	stream.linear.gather [hbm4b:s9+s1], $0x3200, $0x38;
	[tilespmem:$0x1C4D0] =	vst v63  }
0x1a2: {  	_ =	swait.ge [sflag:s11], $0x3200  }
0x1a3: {  	[sflag:s11] =	ssyncset.done $0x0  }
0x1a4: {  	s8 =	rddreg [dreg:$0xc];
	[sflag:s11] =	ssyncadd.s32 $0xFFFFCE00  }
0x1a5: {  	[tilespmem:s31], [sflag:$0x12] =	stream.linear.gather [hbm4b:s8+s1], $0x2800, $0x38;
	[tilespmem:$0x1C4D0] =	vst v63  }
0x1a6: {  	_ =	swait.ge [sflag:s11], $0x2800  }
0x1a7: {  	[sflag:s11] =	ssyncset.done $0x0  }
0x1a8: {  	s8 =	simm.s32 $0xF0;
	[sflag:s11] =	ssyncadd.s32 $0xFFFFD800  }
.LBB2_7:
0x1a9: {  	v5 =	vld [tilespmem:$0x156C0]  }
0x1aa: {  	v16 =	vld [tilespmem:$0x152C0]  }
0x1ab: {  	v18 =	vld [tilespmem:$0x154C0]  }
0x1ac: {  	v22 =	vld [tilespmem:$0x152D0]  }
0x1ad: {  	v28 =	vld [tilespmem:$0x154D0]  }
0x1ae: {  	v37 =	vld [tilespmem:$0x152E0]  }
0x1af: {  	v38 =	vld [tilespmem:$0x154E0]  }
0x1b0: {  	v41 =	vld [tilespmem:$0x152F0]  }
0x1b1: {  	v0 =	vlaneseq.u32;
	v42 =	vld [tilespmem:$0x154F0]  }
0x1b2: {  	v46 =	vld [tilespmem:$0x15300];
	v0 =	vor.u32 s1, v0  }
0x1b3: {  	v47 =	vld [tilespmem:$0x15500];
	v2 =	vmul.u32 $0x28, v0;
	v1 =	vshll.u32 v0, $0x5  }
0x1b4: {  	v51 =	vld [tilespmem:$0x15310]  }
0x1b5: {  	v52 =	vld [tilespmem:$0x15510];
	v7 =	vor.u32 $0x1, v1  }
0x1b6: {  	v56 =	vld [tilespmem:$0x15320];
	v19 =	vor.u32 $0x2, v1  }
0x1b7: {  	v17 =	vld [tilespmem:$0x15350];
	v23 =	vor.u32 $0x3, v1  }
0x1b8: {  	v26 =	vor.u32 $0x4, v1;
	v10 =	vld.idx.msk [tilespmem:v1+s31+$0x0], $0xffff  }
0x1b9: {  	v29 =	vor.u32 $0x5, v1;
	v8 =	vld.idx.msk [tilespmem:v2+s28+$0x0], $0xffff  }
0x1ba: {  	v32 =	vor.u32 $0x6, v1;
	v20 =	vld.idx.msk [tilespmem:v7+s31+$0x0], $0xffff  }
0x1bb: {  	v34 =	vor.u32 $0x7, v1;
	v30 =	vld.idx.msk [tilespmem:v19+s31+$0x0], $0xffff  }
0x1bc: {  	v40 =	vld.idx.msk [tilespmem:v23+s31+$0x0], $0xffff  }
0x1bd: {  	v45 =	vld.idx.msk [tilespmem:v26+s31+$0x0], $0xffff  }
0x1be: {  	v3 =	vadd.s32 $0x20, v2;
	v50 =	vld.idx.msk [tilespmem:v29+s31+$0x0], $0xffff  }
0x1bf: {  	v55 =	vld.idx.msk [tilespmem:v32+s31+$0x0], $0xffff  }
0x1c0: {  	v59 =	vld.idx.msk [tilespmem:v34+s31+$0x0], $0xffff  }
0x1c1: {  	v6 =	vor.u32 $0x1, v2;
	v19 =	vld [tilespmem:$0x15530]  }
0x1c2: {  	v34 =	vld [tilespmem:$0x15360]  }
0x1c3: {  	v11 =	vor.u32 $0x2, v2;
	v4 =	vld.idx.msk [tilespmem:v3+s6+$0x0], $0xffff  }
0x1c4: {  	v0 =	vld.idx.msk [tilespmem:v3+s28+$0x0], $0xffff  }
0x1c5: {  	v12 =	vor.u32 $0x3, v2;
	v3 =	vld.idx.msk [tilespmem:v2+s6+$0x0], $0xffff  }
0x1c6: {  	v9 =	vld.idx.msk [tilespmem:v6+s6+$0x0], $0xffff  }
0x1c7: {  	v25 =	vor.u32 $0x4, v2;
	v6 =	vld.idx.msk [tilespmem:v6+s28+$0x0], $0xffff  }
0x1c8: {  	v21 =	vld.idx.msk [tilespmem:v11+s6+$0x0], $0xffff  }
0x1c9: {  	v27 =	vor.u32 $0x5, v2;
	v24 =	vld.idx.msk [tilespmem:v11+s28+$0x0], $0xffff  }
0x1ca: {  	v36 =	vld.idx.msk [tilespmem:v12+s6+$0x0], $0xffff  }
0x1cb: {  	v31 =	vor.u32 $0x6, v2;
	v39 =	vld.idx.msk [tilespmem:v12+s28+$0x0], $0xffff  }
0x1cc: {  	v43 =	vld.idx.msk [tilespmem:v25+s6+$0x0], $0xffff  }
0x1cd: {  	v44 =	vld.idx.msk [tilespmem:v25+s28+$0x0], $0xffff  }
0x1ce: {  	v33 =	vor.u32 $0x7, v2;
	v48 =	vld.idx.msk [tilespmem:v27+s6+$0x0], $0xffff  }
0x1cf: {  	v49 =	vld.idx.msk [tilespmem:v27+s28+$0x0], $0xffff  }
0x1d0: {  	v53 =	vld.idx.msk [tilespmem:v31+s6+$0x0], $0xffff  }
0x1d1: {  	v35 =	vadd.s32 $0x8, v2;
	v54 =	vld.idx.msk [tilespmem:v31+s28+$0x0], $0xffff  }
0x1d2: {  	v27 =	vld [tilespmem:$0x15520]  }
0x1d3: {  	v13 =	vadd.s32 $0x9, v2;
	v57 =	vld.idx.msk [tilespmem:v33+s6+$0x0], $0xffff  }
0x1d4: {  	v58 =	vld.idx.msk [tilespmem:v33+s28+$0x0], $0xffff  }
0x1d5: {  	v14 =	vadd.s32 $0xA, v2;
	v31 =	vld [tilespmem:$0x15330]  }
0x1d6: {  	v23 =	vor.u32 $0x8, v1;
	v60 =	vld.idx.msk [tilespmem:v35+s6+$0x0], $0xffff  }
0x1d7: {  	v26 =	vor.u32 $0xA, v1;
	v61 =	vld.idx.msk [tilespmem:v35+s28+$0x0], $0xffff  }
0x1d8: {  	v25 =	vor.u32 $0x9, v1;
	v62 =	vld.idx.msk [tilespmem:v13+s6+$0x0], $0xffff  }
0x1d9: {  	v63 =	vld.idx.msk [tilespmem:v13+s28+$0x0], $0xffff  }
0x1da: {  	v29 =	vor.u32 $0xB, v1;
	v13 =	vld.idx.msk [tilespmem:v14+s28+$0x0], $0xffff  }
0x1db: {  	v15 =	vadd.s32 $0xC, v2;
	v35 =	vld.idx.msk [tilespmem:v23+s31+$0x0], $0xffff;
	v0 =	vadd.f32 v0, v4  }
0x1dc: {  	v23 =	vld.idx.msk [tilespmem:v26+s31+$0x0], $0xffff  }
0x1dd: {  	v33 =	vld.idx.msk [tilespmem:v25+s31+$0x0], $0xffff;
	v0 =	vmax.f32 v0, $1.000000000e+00  }
0x1de: {  	v25 =	vor.u32 $0xC, v1;
	(erf) = vrcp.f32 v0;
	v0 =	vld [tilespmem:$0x15550]  }
0x1df: {  	v7 =	vld.idx.msk [tilespmem:v29+s31+$0x0], $0xffff  }
0x1e0: {  	v26 =	vld.idx.msk [tilespmem:v15+s6+$0x0], $0xffff  }
0x1e1: {  	v29 =	vld.idx.msk [tilespmem:v15+s28+$0x0], $0xffff;
	v54 =	vadd.f32 v54, v53  }
0x1e2: {  	v4 =	vld.idx.msk [tilespmem:v14+s6+$0x0], $0xffff;
	v53 =	vadd.f32 v58, v57;
	v58 =	vadd.f32 v61, v60;
	v61 =	vadd.s32 $0x12, v2  }
0x1e3: {  	v15 =	vld.idx.msk [tilespmem:v25+s31+$0x0], $0xffff;
	[tilespmem:$0x1FFA0] =	vst v0;
	v0 =	vadd.s32 $0xB, v2  }
0x1e4: {  	v11 =	vld [tilespmem:$0x15340]  }
0x1e5: {  	v12 =	vld [tilespmem:$0x15540]  }
0x1e6: {  	v25 =	vld [tilespmem:$0x15560]  }
0x1e7: {  	v8 =	vadd.f32 v8, v3;
	v4 =	vadd.f32 v13, v4;
	v13 =	vld.idx.msk [tilespmem:v61+s6+$0x0], $0xffff  }
0x1e8: {  	v6 =	vadd.f32 v6, v9;
	v21 =	vadd.f32 v24, v21;
	[tilespmem:$0x1FFC0] =	vst v15;
	v15 =	vor.u32 $0xD, v1;
	v3 =	vpop (erf);
	v32 =	vld.idx.msk [tilespmem:v0+s6+$0x0], $0xffff  }
0x1e9: {  	[tilespmem:$0x1FFB0] =	vst v34;
	v24 =	vadd.f32 v39, v36;
	v39 =	vadd.s32 $0xE, v2;
	v34 =	vld.idx.msk [tilespmem:v0+s28+$0x0], $0xffff;
	v14 =	vmul.f32 v8, v3  }
0x1ea: {  	v0 =	vadd.s32 $0xD, v2;
	v6 =	vmul.f32 v6, v3;
	v36 =	vmul.f32 v21, v3;
	v21 =	vld [tilespmem:$0x15380]  }
0x1eb: {  	v10 =	vadd.f32 v14, v10;
	v14 =	vld [tilespmem:$0x15370]  }
0x1ec: {  	v6 =	vadd.f32 v6, v20;
	v20 =	vld [tilespmem:$0x15570]  }
0x1ed: {  	v15 =	vld.idx.msk [tilespmem:v15+s31+$0x0], $0xffff  }
0x1ee: {  	v30 =	vadd.f32 v36, v30;
	v36 =	vld.idx.msk [tilespmem:v39+s6+$0x0], $0xffff;
	v10 =	vmax.f32 v10, $0.0e+00  }
0x1ef: {  	v6 =	vmax.f32 v6, $0.0e+00;
	v9 =	vld.idx.msk [tilespmem:v0+s6+$0x0], $0xffff;
	v16 =	vmul.f32 v10, v16  }
0x1f0: {  	v8 =	vld.idx.msk [tilespmem:v0+s28+$0x0], $0xffff;
	v10 =	vmul.f32 v10, v18;
	v18 =	vmul.f32 v24, v3;
	v0 =	vor.u32 $0xE, v1  }
0x1f1: {  	v44 =	vadd.f32 v44, v43;
	v22 =	vmul.f32 v6, v22;
	v24 =	vld [tilespmem:$0x15580];
	v16 =	vadd.f32 $0.0e+00, v16  }
0x1f2: {  	v5 =	vadd.f32 v10, v5;
	v10 =	vld [tilespmem:$0x15390];
	v18 =	vadd.f32 v18, v40;
	v40 =	vadd.s32 $0xF, v2  }
0x1f3: {  	v16 =	vadd.f32 v22, v16;
	v22 =	vmul.f32 v6, v28;
	v6 =	vld [tilespmem:$0x15590];
	v28 =	vmax.f32 v30, $0.0e+00  }
0x1f4: {  	v43 =	vmul.f32 v28, v37;
	v28 =	vmul.f32 v28, v38;
	v38 =	vld.idx.msk [tilespmem:v39+s28+$0x0], $0xffff  }
0x1f5: {  	v48 =	vadd.f32 v49, v48;
	v37 =	vmax.f32 v18, $0.0e+00;
	v18 =	vmul.f32 v44, v3;
	v30 =	vld.idx.msk [tilespmem:v0+s31+$0x0], $0xffff  }
0x1f6: {  	v0 =	vor.u32 $0xF, v1;
	v5 =	vadd.f32 v22, v5;
	v22 =	vadd.f32 v43, v16;
	v16 =	vld [tilespmem:$0x153A0]  }
0x1f7: {  	v39 =	vmul.f32 v48, v3;
	v49 =	vadd.f32 v18, v45;
	v18 =	vld [tilespmem:$0x155A0]  }
0x1f8: {  	v44 =	vmul.f32 v37, v41;
	v41 =	vld.idx.msk [tilespmem:v40+s6+$0x0], $0xffff  }
0x1f9: {  	v43 =	vadd.s32 $0x10, v2;
	v40 =	vld.idx.msk [tilespmem:v40+s28+$0x0], $0xffff;
	v39 =	vadd.f32 v39, v50  }
0x1fa: {  	v37 =	vmul.f32 v37, v42;
	v5 =	vadd.f32 v28, v5;
	v28 =	vld [tilespmem:$0x153B0];
	v48 =	vmax.f32 v49, $0.0e+00  }
0x1fb: {  	v22 =	vadd.f32 v44, v22;
	v39 =	vmax.f32 v39, $0.0e+00;
	v49 =	vmul.f32 v48, v46;
	v0 =	vld.idx.msk [tilespmem:v0+s31+$0x0], $0xffff  }
0x1fc: {  	v50 =	vmul.f32 v54, v3;
	v54 =	vmul.f32 v39, v51;
	v51 =	vld [tilespmem:$0x153C0]  }
0x1fd: {  	v5 =	vadd.f32 v37, v5;
	v42 =	vadd.f32 v49, v22;
	v22 =	vld [tilespmem:$0x155B0]  }
0x1fe: {  	v44 =	vmul.f32 v48, v47;
	v37 =	vadd.f32 v50, v55;
	v55 =	vmul.f32 v53, v3;
	v47 =	vld.idx.msk [tilespmem:v43+s6+$0x0], $0xffff  }
0x1ff: {  	v60 =	vmul.f32 v58, v3;
	v46 =	vor.u32 $0x10, v1;
	v39 =	vmul.f32 v39, v52;
	v43 =	vld.idx.msk [tilespmem:v43+s28+$0x0], $0xffff  }
0x200: {  	v5 =	vadd.f32 v44, v5;
	v49 =	vmax.f32 v37, $0.0e+00;
	v59 =	vadd.f32 v55, v59;
	v37 =	vld [tilespmem:$0x155C0]  }
0x201: {  	v48 =	vadd.s32 $0x11, v2;
	v57 =	vmul.f32 v49, v56;
	v27 =	vmul.f32 v49, v27;
	v49 =	vld [tilespmem:$0x153D0]  }
0x202: {  	v5 =	vadd.f32 v39, v5;
	v39 =	vmax.f32 v59, $0.0e+00;
	v59 =	vadd.f32 v34, v32;
	v32 =	vld [tilespmem:$0x153E0]  }
0x203: {  	v42 =	vadd.f32 v54, v42;
	v54 =	vadd.f32 v63, v62;
	v62 =	vld [tilespmem:$0x1FFA0]  }
0x204: {  	v35 =	vadd.f32 v60, v35;
	v55 =	vor.u32 $0x12, v1;
	v63 =	vld [tilespmem:$0x1FFB0]  }
0x205: {  	v4 =	vmul.f32 v4, v3;
	v45 =	vld.idx.msk [tilespmem:v46+s31+$0x0], $0xffff  }
0x206: {  	v35 =	vmax.f32 v35, $0.0e+00;
	v50 =	vld.idx.msk [tilespmem:v48+s6+$0x0], $0xffff  }
0x207: {  	v4 =	vadd.f32 v4, v23;
	v11 =	vmul.f32 v35, v11;
	v46 =	vor.u32 $0x11, v1;
	v48 =	vld.idx.msk [tilespmem:v48+s28+$0x0], $0xffff  }
0x208: {  	v31 =	vmul.f32 v39, v31;
	v19 =	vmul.f32 v39, v19;
	v39 =	vld [tilespmem:$0x155D0];
	v5 =	vadd.f32 v27, v5  }
0x209: {  	v4 =	vmax.f32 v4, $0.0e+00;
	v12 =	vmul.f32 v35, v12;
	v56 =	vmul.f32 v54, v3;
	v35 =	vld.idx.msk [tilespmem:v55+s31+$0x0], $0xffff  }
0x20a: {  	v42 =	vadd.f32 v57, v42;
	v57 =	vadd.s32 $0x13, v2;
	v5 =	vadd.f32 v19, v5;
	v19 =	vld.idx.msk [tilespmem:v61+s28+$0x0], $0xffff  }
0x20b: {  	v27 =	vadd.f32 v56, v33;
	v33 =	vmul.f32 v4, v63;
	v4 =	vmul.f32 v4, v25;
	v25 =	vld [tilespmem:$0x155F0]  }
0x20c: {  	v44 =	vld.idx.msk [tilespmem:v46+s31+$0x0], $0xffff  }
0x20d: {  	v55 =	vor.u32 $0x15, v1;
	v5 =	vadd.f32 v12, v5;
	v12 =	vld [tilespmem:$0x155E0]  }
0x20e: {  	v26 =	vadd.f32 v29, v26;
	v58 =	vor.u32 $0x13, v1;
	v46 =	vld [tilespmem:$0x1FFC0]  }
0x20f: {  	v8 =	vadd.f32 v8, v9;
	v31 =	vadd.f32 v31, v42;
	v23 =	vld.idx.msk [tilespmem:v57+s6+$0x0], $0xffff  }
0x210: {  	v60 =	vmul.f32 v59, v3;
	v61 =	vadd.s32 $0x14, v2;
	v27 =	vmax.f32 v27, $0.0e+00;
	v29 =	vld.idx.msk [tilespmem:v57+s28+$0x0], $0xffff  }
0x211: {  	v11 =	vadd.f32 v11, v31;
	v17 =	vmul.f32 v27, v17;
	v57 =	vadd.f32 v38, v36;
	v36 =	vld [tilespmem:$0x15410]  }
0x212: {  	v8 =	vmul.f32 v8, v3;
	v63 =	vadd.s32 $0x17, v2;
	v27 =	vmul.f32 v27, v62;
	v31 =	vld.idx.msk [tilespmem:v55+s31+$0x0], $0xffff  }
0x213: {  	v26 =	vmul.f32 v26, v3;
	v7 =	vadd.f32 v60, v7;
	v11 =	vadd.f32 v17, v11;
	v17 =	vld.idx.msk [tilespmem:v58+s31+$0x0], $0xffff  }
0x214: {  	v8 =	vadd.f32 v8, v15;
	v42 =	vor.u32 $0x14, v1;
	v5 =	vadd.f32 v27, v5;
	v27 =	vld [tilespmem:$0x153F0]  }
0x215: {  	v52 =	vadd.s32 $0x15, v2;
	v59 =	vadd.f32 v40, v41;
	v7 =	vmax.f32 v7, $0.0e+00;
	v9 =	vld.idx.msk [tilespmem:v61+s6+$0x0], $0xffff  }
0x216: {  	v53 =	vmul.f32 v7, v14;
	v7 =	vmul.f32 v7, v20;
	v14 =	vld.idx.msk [tilespmem:v61+s28+$0x0], $0xffff;
	v61 =	vadd.f32 v43, v47  }
0x217: {  	v62 =	vmul.f32 v59, v3;
	v43 =	vadd.f32 v48, v50;
	v50 =	vld.idx.msk [tilespmem:v63+s28+$0x0], $0xffff;
	v26 =	vadd.f32 v26, v46  }
0x218: {  	v58 =	vadd.s32 $0x16, v2;
	v15 =	vmul.f32 v57, v3;
	v11 =	vadd.f32 v33, v11;
	v46 =	vld.idx.msk [tilespmem:v63+s6+$0x0], $0xffff  }
0x219: {  	v0 =	vadd.f32 v62, v0;
	v4 =	vadd.f32 v4, v5;
	v54 =	vmax.f32 v26, $0.0e+00;
	v26 =	vld.idx.msk [tilespmem:v42+s31+$0x0], $0xffff  }
0x21a: {  	v15 =	vadd.f32 v15, v30;
	v30 =	vmul.f32 v61, v3;
	v5 =	vadd.f32 v53, v11;
	v11 =	vld [tilespmem:$0x15400]  }
0x21b: {  	v4 =	vadd.f32 v7, v4;
	v7 =	vld.idx.msk [tilespmem:v52+s6+$0x0], $0xffff  }
0x21c: {  	v60 =	vor.u32 $0x16, v1;
	v0 =	vmax.f32 v0, $0.0e+00;
	v41 =	vadd.f32 v30, v45;
	v30 =	vld [tilespmem:$0x15420]  }
0x21d: {  	v8 =	vmax.f32 v8, $0.0e+00;
	v45 =	vmul.f32 v0, v28;
	v28 =	vld [tilespmem:$0x15620]  }
0x21e: {  	v13 =	vadd.f32 v19, v13;
	v47 =	vadd.s32 $0x18, v2;
	v56 =	vmul.f32 v54, v21;
	v21 =	vld [tilespmem:$0x15600]  }
0x21f: {  	v10 =	vmul.f32 v8, v10;
	v6 =	vmul.f32 v8, v6;
	v33 =	vld.idx.msk [tilespmem:v58+s6+$0x0], $0xffff  }
0x220: {  	v62 =	vadd.s32 $0x1A, v2;
	v13 =	vmul.f32 v13, v3;
	v15 =	vmax.f32 v15, $0.0e+00;
	v8 =	vld.idx.msk [tilespmem:v58+s28+$0x0], $0xffff  }
0x221: {  	v40 =	vmul.f32 v15, v16;
	v15 =	vmul.f32 v15, v18;
	v18 =	vld.idx.msk [tilespmem:v60+s31+$0x0], $0xffff  }
0x222: {  	v20 =	vmul.f32 v54, v24;
	v54 =	vadd.f32 v29, v23;
	v23 =	vld [tilespmem:$0x15630]  }
0x223: {  	v42 =	vor.u32 $0x17, v1;
	v13 =	vadd.f32 v13, v35;
	v29 =	vld.idx.msk [tilespmem:v47+s6+$0x0], $0xffff  }
0x224: {  	v0 =	vmul.f32 v0, v22;
	v34 =	vld.idx.msk [tilespmem:v47+s28+$0x0], $0xffff;
	v58 =	vor.u32 $0x19, v1;
	v9 =	vadd.f32 v14, v9  }
0x225: {  	v14 =	vld.idx.msk [tilespmem:v62+s28+$0x0], $0xffff;
	v16 =	vmax.f32 v41, $0.0e+00;
	v13 =	vmax.f32 v13, $0.0e+00;
	v5 =	vadd.f32 v56, v5  }
0x226: {  	v41 =	vld [tilespmem:$0x15450];
	v4 =	vadd.f32 v20, v4;
	v48 =	vmul.f32 v16, v51;
	v51 =	vor.u32 $0x18, v1  }
0x227: {  	v20 =	vld.idx.msk [tilespmem:v52+s28+$0x0], $0xffff;
	v53 =	vmul.f32 v16, v37;
	v56 =	vadd.s32 $0x19, v2;
	v16 =	vmul.f32 v54, v3  }
0x228: {  	v57 =	vmul.f32 v13, v32;
	v60 =	vmul.f32 v13, v12;
	v12 =	vld [tilespmem:$0x15640];
	v19 =	vadd.f32 v50, v46  }
0x229: {  	v9 =	vmul.f32 v9, v3;
	v50 =	vld [tilespmem:$0x15660];
	v5 =	vadd.f32 v10, v5;
	v4 =	vadd.f32 v6, v4  }
0x22a: {  	v10 =	vld [tilespmem:$0x15610];
	v6 =	vmul.f32 v43, v3;
	v59 =	vadd.f32 v16, v17;
	v8 =	vadd.f32 v8, v33  }
0x22b: {  	v46 =	vor.u32 $0x1B, v1;
	v43 =	vld.idx.msk [tilespmem:v62+s6+$0x0], $0xffff;
	v5 =	vadd.f32 v40, v5;
	v4 =	vadd.f32 v15, v4  }
0x22c: {  	v6 =	vadd.f32 v6, v44;
	v40 =	vadd.f32 v9, v26;
	v44 =	vadd.s32 $0x1B, v2;
	v61 =	vld.idx.msk [tilespmem:v56+s6+$0x0], $0xffff  }
0x22d: {  	v7 =	vadd.f32 v20, v7;
	v35 =	vld.idx.msk [tilespmem:v56+s28+$0x0], $0xffff;
	v8 =	vmul.f32 v8, v3;
	v56 =	vadd.f32 v34, v29  }
0x22e: {  	v24 =	vld.idx.msk [tilespmem:v42+s31+$0x0], $0xffff;
	v34 =	vor.u32 $0x1D, v1;
	v5 =	vadd.f32 v45, v5;
	v6 =	vmax.f32 v6, $0.0e+00  }
0x22f: {  	v16 =	vld [tilespmem:$0x15440];
	v0 =	vadd.f32 v0, v4;
	v55 =	vmul.f32 v6, v49;
	v6 =	vmul.f32 v6, v39  }
0x230: {  	v38 =	vld.idx.msk [tilespmem:v58+s31+$0x0], $0xffff;
	v7 =	vmul.f32 v7, v3;
	v39 =	vor.u32 $0x1A, v1;
	v8 =	vadd.f32 v8, v18  }
0x231: {  	v58 =	vld [tilespmem:$0x15470];
	v49 =	vmul.f32 v19, v3;
	v14 =	vadd.f32 v14, v43;
	v52 =	vadd.f32 v48, v5  }
0x232: {  	v32 =	vld.idx.msk [tilespmem:v51+s31+$0x0], $0xffff;
	v0 =	vadd.f32 v53, v0;
	v5 =	vmax.f32 v40, $0.0e+00;
	v42 =	vadd.f32 v7, v31  }
0x233: {  	v11 =	vmul.f32 v5, v11;
	v5 =	vmul.f32 v5, v21;
	v51 =	vld.idx.msk [tilespmem:v44+s6+$0x0], $0xffff;
	v53 =	vadd.f32 v49, v24  }
0x234: {  	v8 =	vmax.f32 v8, $0.0e+00;
	v54 =	vld.idx.msk [tilespmem:v44+s28+$0x0], $0xffff;
	v14 =	vmul.f32 v14, v3;
	v44 =	vor.u32 $0x1E, v1  }
0x235: {  	v15 =	vld [tilespmem:$0x15430];
	v4 =	vadd.f32 v55, v52;
	v0 =	vadd.f32 v6, v0;
	v6 =	vmax.f32 v59, $0.0e+00  }
0x236: {  	v22 =	vld.idx.msk [tilespmem:v46+s31+$0x0], $0xffff;
	v52 =	vadd.s32 $0x1C, v2;
	v55 =	vmul.f32 v8, v30;
	v8 =	vmul.f32 v8, v28  }
0x237: {  	v48 =	vld [tilespmem:$0x15460];
	v63 =	vmul.f32 v6, v27;
	v6 =	vmul.f32 v6, v25;
	v0 =	vadd.f32 v60, v0  }
0x238: {  	v7 =	vld [tilespmem:$0x15650];
	v13 =	vadd.f32 v35, v61;
	v59 =	vmul.f32 v56, v3;
	v4 =	vadd.f32 v57, v4  }
0x239: {  	v45 =	vld.idx.msk [tilespmem:v39+s31+$0x0], $0xffff;
	v57 =	vor.u32 $0x1C, v1;
	v0 =	vadd.f32 v6, v0;
	v6 =	vmax.f32 v42, $0.0e+00  }
0x23a: {  	v35 =	vld [tilespmem:$0x15480];
	v4 =	vadd.f32 v63, v4;
	v63 =	vadd.s32 $0x1D, v2;
	v47 =	vmul.f32 v6, v36  }
0x23b: {  	v60 =	vld [tilespmem:$0x15670];
	v6 =	vmul.f32 v6, v10;
	v36 =	vadd.s32 $0x1E, v2;
	v0 =	vadd.f32 v5, v0  }
0x23c: {  	v61 =	vmul.f32 v13, v3;
	v32 =	vadd.f32 v59, v32;
	v62 =	vld.idx.msk [tilespmem:v52+s6+$0x0], $0xffff;
	v4 =	vadd.f32 v11, v4  }
0x23d: {  	v19 =	vld.idx.msk [tilespmem:v52+s28+$0x0], $0xffff;
	v2 =	vadd.s32 $0x1F, v2;
	v5 =	vadd.f32 v54, v51;
	v0 =	vadd.f32 v6, v0  }
0x23e: {  	v33 =	vld.idx.msk [tilespmem:v57+s31+$0x0], $0xffff;
	v14 =	vadd.f32 v14, v45;
	v4 =	vadd.f32 v47, v4;
	v6 =	vmax.f32 v53, $0.0e+00  }
0x23f: {  	v5 =	vmul.f32 v5, v3;
	v39 =	vld.idx.msk [tilespmem:v63+s6+$0x0], $0xffff;
	v0 =	vadd.f32 v8, v0;
	v8 =	vadd.f32 v61, v38  }
0x240: {  	v1 =	vor.u32 $0x1F, v1;
	v15 =	vmul.f32 v6, v15;
	v6 =	vmul.f32 v6, v23;
	v43 =	vld.idx.msk [tilespmem:v36+s6+$0x0], $0xffff  }
0x241: {  	v45 =	vmax.f32 v14, $0.0e+00;
	v4 =	vadd.f32 v55, v4;
	v46 =	vld.idx.msk [tilespmem:v36+s28+$0x0], $0xffff;
	v8 =	vmax.f32 v8, $0.0e+00  }
0x242: {  	v5 =	vadd.f32 v5, v22;
	v11 =	vmul.f32 v45, v48;
	v9 =	vmul.f32 v8, v41;
	v41 =	vld.idx.msk [tilespmem:v63+s28+$0x0], $0xffff  }
0x243: {  	v13 =	vadd.f32 v19, v62;
	v47 =	vld.idx.msk [tilespmem:v2+s6+$0x0], $0xffff;
	v4 =	vadd.f32 v15, v4;
	v15 =	vmax.f32 v32, $0.0e+00  }
0x244: {  	v2 =	vld.idx.msk [tilespmem:v2+s28+$0x0], $0xffff;
	v0 =	vadd.f32 v6, v0;
	v37 =	vmul.f32 v15, v16;
	v40 =	vmul.f32 v15, v12  }
0x245: {  	v42 =	vld.idx.msk [tilespmem:v34+s31+$0x0], $0xffff;
	v48 =	vmul.f32 v45, v50;
	v5 =	vmax.f32 v5, $0.0e+00;
	v50 =	vmul.f32 v13, v3  }
0x246: {  	v51 =	vld [tilespmem:$0x15490];
	v7 =	vmul.f32 v8, v7;
	v4 =	vadd.f32 v37, v4;
	v0 =	vadd.f32 v40, v0  }
0x247: {  	v38 =	vld [tilespmem:$0x15680];
	v52 =	vmul.f32 v5, v58;
	v10 =	vadd.f32 v50, v33;
	v49 =	vadd.f32 v41, v39  }
0x248: {  	v5 =	vmul.f32 v5, v60;
	v4 =	vadd.f32 v9, v4;
	v0 =	vadd.f32 v7, v0;
	v9 =	vld.idx.msk [tilespmem:v44+s31+$0x0], $0xffff  }
0x249: {  	v1 =	vld.idx.msk [tilespmem:v1+s31+$0x0], $0xffff;
	v6 =	vadd.f32 v46, v43;
	v2 =	vadd.f32 v2, v47;
	v8 =	vmul.f32 v49, v3  }
0x24a: {  	v53 =	vld [tilespmem:$0x15690];
	v55 =	vmax.f32 v10, $0.0e+00;
	v4 =	vadd.f32 v11, v4;
	v0 =	vadd.f32 v48, v0  }
0x24b: {  	v56 =	vld [tilespmem:$0x154A0];
	v6 =	vmul.f32 v6, v3;
	v57 =	vmul.f32 v55, v35;
	v54 =	vadd.f32 v8, v42  }
0x24c: {  	v58 =	vld [tilespmem:$0x156A0];
	v2 =	vmul.f32 v2, v3;
	v4 =	vadd.f32 v52, v4;
	v0 =	vadd.f32 v5, v0  }
0x24d: {  	v59 =	vld [tilespmem:$0x154B0];
	v8 =	vmul.f32 v55, v38;
	v6 =	vadd.f32 v6, v9;
	v7 =	vmax.f32 v54, $0.0e+00  }
0x24e: {  	v61 =	vld [tilespmem:$0x156B0];
	v1 =	vadd.f32 v2, v1;
	v4 =	vadd.f32 v57, v4;
	v60 =	vmul.f32 v7, v51  }
0x24f: {  	v0 =	vadd.f32 v8, v0;
	v2 =	vmax.f32 v6, $0.0e+00;
	v7 =	vmul.f32 v7, v53  }
0x250: {  	v62 =	vmul.f32 v2, v56;
	v4 =	vadd.f32 v60, v4  }
0x251: {  	v1 =	vmax.f32 v1, $0.0e+00;
	v2 =	vmul.f32 v2, v58;
	v0 =	vadd.f32 v7, v0  }
0x252: {  	v63 =	vmul.f32 v1, v59;
	v4 =	vadd.f32 v62, v4  }
0x253: {  	p2 =	sne.s32 s1, $0x130;
	v1 =	vmul.f32 v1, v61;
	v0 =	vadd.f32 v2, v0  }
.Ltmp5:
0x254: {  	v2 =	vadd.f32 v63, v4;
	(pc) =	sbr.rel @p2 .LBB2_7-.Ltmp5, $4  }
0x255: {  	v0 =	vadd.f32 v1, v0  }
0x256: {  	[tilespmem:s7+$0x0] =	vst v2  }
0x257: {  	s1 =	sadd.s32 $0x10, s1;
	[tilespmem:s20+$0x0] =	vst v0  }
0x258: {  	s7 =	sadd.s32 $0x10, s7;
	v0 =	vlaneseq.u32;
	s20 =	sadd.s32 $0x10, s20;
	[tilespmem:s21+$0x0] =	vst v3;
	s21 =	sadd.s32 $0x10, s21  }
0x259: {  	s1 =	rddreg [dreg:$0x1a];
	s7 =	simm.s32 $0x14280  }
0x25a: {  	[spmem:s1] =	stream.linear.scatter [tilespmem:s7], [sflag:$0x12], $0x140, $0x38;
	[tilespmem:$0x1C4D0] =	vst v63  }
0x25b: {  	_ =	swait.ge [sflag:s11], $0x140  }
0x25c: {  	[sflag:s11] =	ssyncset.done $0x0  }
0x25d: {  	s21 =	simm.s32 $0x143C0;
	s20 =	rddreg [dreg:$0x18];
	[sflag:s11] =	ssyncadd.s32 $0xFFFFFEC0  }
0x25e: {  	[spmem:s20] =	stream.linear.scatter [tilespmem:s21], [sflag:$0x12], $0x140, $0x38;
	[tilespmem:$0x1C4D0] =	vst v63  }
0x25f: {  	_ =	swait.ge [sflag:s11], $0x140  }
0x260: {  	[sflag:s11] =	ssyncset.done $0x0  }
0x261: {  	s9 =	simm.s32 $0x14500;
	s7 =	rddreg [dreg:$0x19];
	[sflag:s11] =	ssyncadd.s32 $0xFFFFFEC0  }
0x262: {  	[spmem:s7] =	stream.linear.scatter [tilespmem:s9], [sflag:$0x12], $0x140, $0x38;
	[tilespmem:$0x1C4D0] =	vst v63  }
0x263: {  	_ =	swait.ge [sflag:s11], $0x140  }
0x264: {  	[sflag:s11] =	ssyncset.done $0x0  }
0x265: {  	[sflag:s11] =	ssyncadd.s32 $0xFFFFFEC0  }
0x266: {  	s1 =	simm.s32 $0x0;
	s11 =	simm.s32 $0xB400;
	[bflag:$0x0] =	sbarrier.arrive $0xFFFF  }
0x267: {  	[tilespmem:s11], [sflag:$0x1] =	stream.indirect.gather [spmem:s4], $0x1, s1, s26, $0xb8;
	[tilespmem:$0x1C4D0] =	vst v63  }
0x268: {  	s20 =	simm.s32 $0xB450  }
0x269: {  	[tilespmem:s20], [sflag:$0x2] =	stream.indirect.gather [spmem:s4], $0x1, s26, s26, $0xb8;
	[tilespmem:$0x1C4D0] =	vst v63  }
0x26a: {  	s21 =	simm.s32 $0xA0;
	s20 =	simm.s32 $0xB4A0  }
0x26b: {  	[tilespmem:s20], [sflag:$0x3] =	stream.indirect.gather [spmem:s4], $0x1, s21, s26, $0xb8;
	[tilespmem:$0x1C4D0] =	vst v63  }
0x26c: {  	_ = 	snop  }
0x26d: {  	[tilespmem:s30], [sflag:$0x4] =	stream.indirect.gather [spmem:s4], $0x1, s8, s26, $0xb8;
	[tilespmem:$0x1C4D0] =	vst v63  }
.LBB2_9:
0x26e: {  	_ =	swait.ge [sflag:s12], $0x50  }
0x26f: {  	s7 =	sshra.s32 s1, $0x2;
	s11 =	simm.s32 $0xB400;
	[sflag:s12] =	ssyncset.done $0x0  }
0x270: {  	p2 =	seq.s32 s1, $0x0;
	s9 =	sadd.s32 $0x2800, s7;
	[sflag:s12] =	ssyncadd.s32 $0xFFFFFFB0  }
0x271: {  	[spmem:s3] =	stream.indirect.scatter.add.f32 [tilespmem:s11], [sflag:$0x9], $0x1, s9, s26, $0xb8;
	[tilespmem:$0x1C4D0] =	vst v63  }
0x272: {  	s9 =	simm.s32 @!p2 $0xD  }
0x273: {  	_ =	swait.ge @!p2 [sflag:s9], $0x50  }
0x274: {  	[sflag:s9] =	ssyncset.done @!p2 $0x0  }
0x275: {  	s11 =	sadd.s32 $0x140, s7;
	[sflag:s9] =	ssyncadd.s32 @!p2 $0xFFFFFFB0  }
0x276: {  	[tilespmem:s15], [sflag:$0x5] =	stream.indirect.gather [spmem:s4], $0x1, s11, s26, $0xb8;
	[tilespmem:$0x1C4D0] =	vst v63  }
0x277: {  	_ =	swait.ge [sflag:s10], $0x50  }
0x278: {  	s8 =	simm.s32 $0xB450;
	[sflag:s10] =	ssyncset.done $0x0  }
0x279: {  	s21 =	sadd.s32 $0x2850, s7;
	s9 =	simm.s32 @!p2 $0xE;
	[sflag:s10] =	ssyncadd.s32 $0xFFFFFFB0  }
0x27a: {  	[spmem:s3] =	stream.indirect.scatter.add.f32 [tilespmem:s8], [sflag:$0xA], $0x1, s21, s26, $0xb8;
	[tilespmem:$0x1C4D0] =	vst v63  }
0x27b: {  	_ =	swait.ge @!p2 [sflag:s9], $0x50  }
0x27c: {  	[sflag:s9] =	ssyncset.done @!p2 $0x0  }
0x27d: {  	s21 =	sadd.s32 $0x190, s7;
	s8 =	simm.s32 $0xB590;
	[sflag:s9] =	ssyncadd.s32 @!p2 $0xFFFFFFB0  }
0x27e: {  	[tilespmem:s8], [sflag:$0x6] =	stream.indirect.gather [spmem:s4], $0x1, s21, s26, $0xb8;
	[tilespmem:$0x1C4D0] =	vst v63  }
0x27f: {  	_ =	swait.ge [sflag:s16], $0x50  }
0x280: {  	[sflag:s16] =	ssyncset.done $0x0  }
0x281: {  	s11 =	sadd.s32 $0x28A0, s7;
	s9 =	simm.s32 @!p2 $0xF;
	[sflag:s16] =	ssyncadd.s32 $0xFFFFFFB0  }
0x282: {  	[spmem:s3] =	stream.indirect.scatter.add.f32 [tilespmem:s20], [sflag:$0xB], $0x1, s11, s26, $0xb8;
	[tilespmem:$0x1C4D0] =	vst v63  }
0x283: {  	_ =	swait.ge @!p2 [sflag:s9], $0x50  }
0x284: {  	[sflag:s9] =	ssyncset.done @!p2 $0x0  }
0x285: {  	s21 =	sadd.s32 $0x1E0, s7;
	[sflag:s9] =	ssyncadd.s32 @!p2 $0xFFFFFFB0  }
0x286: {  	[tilespmem:s14], [sflag:$0x7] =	stream.indirect.gather [spmem:s4], $0x1, s21, s26, $0xb8;
	[tilespmem:$0x1C4D0] =	vst v63  }
0x287: {  	_ =	swait.ge [sflag:s19], $0x50  }
0x288: {  	[sflag:s19] =	ssyncset.done $0x0  }
0x289: {  	s8 =	sadd.s32 $0x28F0, s7;
	s9 =	simm.s32 @!p2 $0x10;
	[sflag:s19] =	ssyncadd.s32 $0xFFFFFFB0  }
0x28a: {  	[spmem:s3] =	stream.indirect.scatter.add.f32 [tilespmem:s30], [sflag:$0xC], $0x1, s8, s26, $0xb8;
	[tilespmem:$0x1C4D0] =	vst v63  }
0x28b: {  	_ =	swait.ge @!p2 [sflag:s9], $0x50  }
0x28c: {  	[sflag:s9] =	ssyncset.done @!p2 $0x0  }
0x28d: {  	s11 =	sadd.s32 $0x230, s7;
	[sflag:s9] =	ssyncadd.s32 @!p2 $0xFFFFFFB0  }
0x28e: {  	[tilespmem:s29], [sflag:$0x8] =	stream.indirect.gather [spmem:s4], $0x1, s11, s26, $0xb8;
	[tilespmem:$0x1C4D0] =	vst v63  }
0x28f: {  	_ =	swait.ge [sflag:s23], $0x50  }
0x290: {  	p2 =	seq.s32 s1, $0x9600;
	[sflag:s23] =	ssyncset.done $0x0  }
0x291: {  	s20 =	sadd.s32 $0x2940, s7;
	s9 =	simm.s32 @p2 $0x6;
	[sflag:s23] =	ssyncadd.s32 $0xFFFFFFB0  }
0x292: {  	[spmem:s3] =	stream.indirect.scatter.add.f32 [tilespmem:s15], [sflag:$0xD], $0x1, s20, s26, $0xb8;
	[tilespmem:$0x1C4D0] =	vst v63  }
0x293: {  	_ =	swait.ge @p2 [sflag:s9], $0x50  }
0x294: {  	[sflag:s9] =	ssyncset.done @p2 $0x0  }
0x295: {  	[sflag:s9] =	ssyncadd.s32 @p2 $0xFFFFFFB0;
	s9 =	sshra.s32 @p2 s1, $0x2  }
0x296: {  	s11 =	simm.s32 @p2 $0x50;
	s20 =	simm.s32 @p2 $0xB590;
	s9 =	sadd.s32 @p2 $0x2990, s9  }
0x297: {  	[spmem:s3] =	stream.indirect.scatter.add.f32 @p2 [tilespmem:s20], [sflag:$0xE], $0x1, s9, s11, $0xb8;
	[tilespmem:$0x1C4D0] =	vst v63  }
0x298: {  	s9 =	simm.s32 @!p2 $0x9  }
0x299: {  	_ =	swait.ge @!p2 [sflag:s9], $0x50  }
0x29a: {  	[sflag:s9] =	ssyncset.done @!p2 $0x0  }
0x29b: {  	[sflag:s9] =	ssyncadd.s32 @!p2 $0xFFFFFFB0;
	s9 =	sshra.s32 @!p2 s1, $0x2  }
0x29c: {  	s21 =	simm.s32 @!p2 $0xB400;
	s20 =	simm.s32 @!p2 $0x50;
	s11 =	sadd.s32 @!p2 $0x280, s9  }
0x29d: {  	[tilespmem:s21], [sflag:$0x1] =	stream.indirect.gather @!p2 [spmem:s4], $0x1, s11, s20, $0xb8;
	[tilespmem:$0x1C4D0] =	vst v63  }
0x29e: {  	s11 =	simm.s32 @!p2 $0x6  }
0x29f: {  	_ =	swait.ge @!p2 [sflag:s11], $0x50  }
0x2a0: {  	[sflag:s11] =	ssyncset.done @!p2 $0x0  }
0x2a1: {  	s21 =	simm.s32 @!p2 $0xB590;
	[sflag:s11] =	ssyncadd.s32 @!p2 $0xFFFFFFB0;
	s11 =	sadd.s32 @!p2 $0x2990, s9  }
0x2a2: {  	[spmem:s3] =	stream.indirect.scatter.add.f32 @!p2 [tilespmem:s21], [sflag:$0xE], $0x1, s11, s20, $0xb8;
	[tilespmem:$0x1C4D0] =	vst v63  }
0x2a3: {  	s11 =	simm.s32 @!p2 $0xA  }
0x2a4: {  	_ =	swait.ge @!p2 [sflag:s11], $0x50  }
0x2a5: {  	[sflag:s11] =	ssyncset.done @!p2 $0x0  }
0x2a6: {  	s9 =	sadd.s32 @!p2 $0x2D0, s9;
	[sflag:s11] =	ssyncadd.s32 @!p2 $0xFFFFFFB0;
	s11 =	simm.s32 @!p2 $0xB450  }
0x2a7: {  	[tilespmem:s11], [sflag:$0x2] =	stream.indirect.gather @!p2 [spmem:s4], $0x1, s9, s20, $0xb8;
	[tilespmem:$0x1C4D0] =	vst v63  }
.Ltmp6:
0x2a8: {  	_ = 	snop;
	(pc) =	sbr.rel @p2 .LBB2_11-.Ltmp6, $4  }
0x2a9: {  	_ =	swait.ge [sflag:s24], $0x50  }
0x2aa: {  	s8 =	simm.s32 $0xB4A0;
	[sflag:s24] =	ssyncset.done $0x0  }
0x2ab: {  	s21 =	sadd.s32 $0x29E0, s7;
	s20 =	sadd.s32 $0x2A30, s7;
	[sflag:s24] =	ssyncadd.s32 $0xFFFFFFB0  }
0x2ac: {  	[spmem:s3] =	stream.indirect.scatter.add.f32 [tilespmem:s14], [sflag:$0xF], $0x1, s21, s26, $0xb8;
	[tilespmem:$0x1C4D0] =	vst v63  }
0x2ad: {  	_ =	swait.ge [sflag:s5], $0x50  }
0x2ae: {  	[sflag:s5] =	ssyncset.done $0x0  }
0x2af: {  	s9 =	sadd.s32 $0x320, s7;
	[sflag:s5] =	ssyncadd.s32 $0xFFFFFFB0  }
0x2b0: {  	[tilespmem:s8], [sflag:$0x3] =	stream.indirect.gather [spmem:s4], $0x1, s9, s26, $0xb8;
	[tilespmem:$0x1C4D0] =	vst v63  }
0x2b1: {  	_ =	swait.ge [sflag:s25], $0x50  }
0x2b2: {  	[sflag:s25] =	ssyncset.done $0x0  }
0x2b3: {  	[sflag:s25] =	ssyncadd.s32 $0xFFFFFFB0  }
0x2b4: {  	[spmem:s3] =	stream.indirect.scatter.add.f32 [tilespmem:s29], [sflag:$0x10], $0x1, s20, s26, $0xb8;
	[tilespmem:$0x1C4D0] =	vst v63  }
.Ltmp7:
0x2b5: {  	_ = 	snop;
	(pc) =	sbr.rel .LBB2_9-.Ltmp7, $4  }
0x2b6: {  	_ =	swait.ge [sflag:s18], $0x50  }
0x2b7: {  	s21 =	sadd.s32 $0x370, s7;
	[sflag:s18] =	ssyncset.done $0x0  }
0x2b8: {  	s1 =	sadd.s32 $0xA00, s1;
	s20 =	simm.s32 $0xB4A0;
	[sflag:s18] =	ssyncadd.s32 $0xFFFFFFB0  }
0x2b9: {  	[tilespmem:s30], [sflag:$0x4] =	stream.indirect.gather [spmem:s4], $0x1, s21, s26, $0xb8;
	[tilespmem:$0x1C4D0] =	vst v63  }
.LBB2_11:
0x2ba: {  	_ =	swait.ge [sflag:s25], $0x50  }
0x2bb: {  	[sflag:s25] =	ssyncset.done $0x0  }
0x2bc: {  	[sflag:s25] =	ssyncadd.s32 $0xFFFFFFB0  }
0x2bd: {  	[spmem:s3] =	stream.indirect.scatter.add.f32 [tilespmem:s29], [sflag:$0x10], $0x1, s20, s26, $0xb8;
	[tilespmem:$0x1C4D0] =	vst v63  }
0x2be: {  	_ =	swait.ge [sflag:s13], $0x50  }
0x2bf: {  	[sflag:s13] =	ssyncset.done $0x0  }
0x2c0: {  	[sflag:s13] =	ssyncadd.s32 $0xFFFFFFB0  }
0x2c1: {  	_ =	swait.ge [sflag:s22], $0x50  }
0x2c2: {  	[sflag:s22] =	ssyncset.done $0x0  }
0x2c3: {  	[sflag:s22] =	ssyncadd.s32 $0xFFFFFFB0  }
0x2c4: {  	_ =	swait.ge [sflag:s5], $0x50  }
0x2c5: {  	[sflag:s5] =	ssyncset.done $0x0  }
0x2c6: {  	[sflag:s5] =	ssyncadd.s32 $0xFFFFFFB0  }
0x2c7: {  	_ =	swait.ge [sflag:s18], $0x50  }
0x2c8: {  	[sflag:s18] =	ssyncset.done $0x0  }
0x2c9: {  	s1 =	simm.s32 $0xD;
	[sflag:s18] =	ssyncadd.s32 $0xFFFFFFB0  }
0x2ca: {  	_ =	swait.ge [sflag:s1], $0x50  }
0x2cb: {  	[sflag:s1] =	ssyncset.done $0x0  }
0x2cc: {  	s20 =	simm.s32 $0xE;
	[sflag:s1] =	ssyncadd.s32 $0xFFFFFFB0  }
0x2cd: {  	_ =	swait.ge [sflag:s20], $0x50  }
0x2ce: {  	[sflag:s20] =	ssyncset.done $0x0  }
0x2cf: {  	s21 =	simm.s32 $0xF;
	[sflag:s20] =	ssyncadd.s32 $0xFFFFFFB0  }
0x2d0: {  	_ =	swait.ge [sflag:s21], $0x50  }
0x2d1: {  	[sflag:s21] =	ssyncset.done $0x0  }
0x2d2: {  	s22 =	simm.s32 $0x10;
	[sflag:s21] =	ssyncadd.s32 $0xFFFFFFB0  }
0x2d3: {  	_ =	swait.ge [sflag:s22], $0x50  }
0x2d4: {  	[sflag:s22] =	ssyncset.done $0x0  }
0x2d5: {  	[sflag:s22] =	ssyncadd.s32 $0xFFFFFFB0  }
0x2d6: {  	[bflag:$0x0] =	sbarrier.arrive $0xFFFF  }
0x2d7: {  	s7 =	rddreg [dreg:$0xd]  }
0x2d8: {  	s1 =	sshrl.u32 @!p0 s3, $0x3;
	s9 =	rddreg [dreg:$0x10]  }
0x2d9: {  	[hbm:s7], [sflag:s9] =	dma.local @!p0 [spmem:s1], $0x500  }
0x2da: {  	s1 =	simm.s32 @!p0 $0x12  }
0x2db: {  	_ =	swait.ge @!p0 [sflag:s1], $0x500  }
0x2dc: {  	[sflag:s1] =	ssyncset.done @!p0 $0x0  }
0x2dd: {  	[sflag:s1] =	ssyncadd.s32 @!p0 $0xFFFFFB00  }
0x2de: {  	s1 =	simm.s32 @!p0 $0x100000;
	_ =	strace @!p0 $0x80000049  }
0x2df: {  	[smem:s1], [sflag:$0x0] =	smem.add.s32 @!p0 $0x0;
	s1 =	simm.s32 @!p0 $0x0  }
0x2e0: {  	_ =	swait.done @!p0 [sflag:s1]  }
0x2e1: {  	s7 =	ssyncread @!p0 [sflag:$0x0]  }
0x2e2: {  	s9 =	rddreg [dreg:$0x1e]  }
0x2e3: {  	s8 =	sld [smem:$0x7FB]  }
0x2e4: {  	s7 =	sadd.s32 @!p0 s9, s7  }
0x2e5: {  	s7 =	sshll.u32 @!p0 s7, $0x11  }
0x2e6: {  	[sflag:s1] =	ssyncset.s32 @!p0 $0x0;
	s7 =	sor.u32 @!p0 s7, s8  }
0x2e7: {  	[sflag:s1] =	ssyncset.done @!p0 $0x0;
	s1 =	sor.u32 @!p0 $0x1C11, s7  }
0x2e8: {  	[sflag:s1] =	ssyncadd.remote.s32 @!p0 $0x1;
	s1 =	simm.s32 @!p0 $0x11  }
0x2e9: {  	_ =	swait.ge @!p0 [sflag:s1], $0x1  }
0x2ea: {  	[sflag:s1] =	ssyncset.done @!p0 $0x0  }
0x2eb: {  	[sflag:s1] =	ssyncadd.s32 @!p0 $0xFFFFFFFF  }
.Ltmp8:
0x2ec: {  	_ =	strace @!p0 $0x90000049;
	(pc) =	sbr.rel @p1 .LBB2_13-.Ltmp8, $3  }
0x2ed: {  	[bflag:$0x0] =	sbarrier.arrive $0xFFFF  }
0x2ee: {  	s9 =	sld [smem:$0x7FC];
	_ =	sdelay $0x1  }
0x2ef: {  	s11 =	simm.s32 $0x12  }
0x2f0: {  	s1 =	rddreg [dreg:$0x13];
	s7 =	simm.s32 $0x14640  }
0x2f1: {  	[tilespmem:s7], [sflag:$0x12] =	stream.linear.gather [spmem:s1], $0x280, $0x38;
	[tilespmem:$0x1C4D0] =	vst v63  }
0x2f2: {  	_ =	swait.ge [sflag:s11], $0x280  }
0x2f3: {  	s8 =	simm.s32 $0x148C0;
	[sflag:s11] =	ssyncset.done $0x0  }
0x2f4: {  	s1 =	simm.s32 $0x0;
	s20 =	rddreg [dreg:$0x1b];
	[sflag:s11] =	ssyncadd.s32 $0xFFFFFD80  }
0x2f5: {  	[tilespmem:s8], [sflag:$0x12] =	stream.linear.gather [hbm4b:s20+s1], $0x280, $0x38;
	[tilespmem:$0x1C4D0] =	vst v63  }
0x2f6: {  	_ =	swait.ge [sflag:s11], $0x280  }
0x2f7: {  	[sflag:s11] =	ssyncset.done $0x0  }
0x2f8: {  	s22 =	simm.s32 $0x14B40;
	s21 =	rddreg [dreg:$0x16];
	[sflag:s11] =	ssyncadd.s32 $0xFFFFFD80  }
0x2f9: {  	[tilespmem:s22], [sflag:$0x12] =	stream.linear.gather [spmem:s21], $0x280, $0x38;
	[tilespmem:$0x1C4D0] =	vst v63  }
0x2fa: {  	_ =	swait.ge [sflag:s11], $0x280  }
0x2fb: {  	[sflag:s11] =	ssyncset.done $0x0  }
0x2fc: {  	s20 =	simm.s32 $0x14DC0;
	s13 =	rddreg [dreg:$0x15];
	[sflag:s11] =	ssyncadd.s32 $0xFFFFFD80  }
0x2fd: {  	[tilespmem:s20], [sflag:$0x12] =	stream.linear.gather [spmem:s13], $0x280, $0x38;
	[tilespmem:$0x1C4D0] =	vst v63  }
0x2fe: {  	_ =	swait.ge [sflag:s11], $0x280  }
0x2ff: {  	[sflag:s11] =	ssyncset.done $0x0  }
0x300: {  	[sflag:s11] =	ssyncadd.s32 $0xFFFFFD80  }
0x301: {  	v18 =	vld [tilespmem:$0x14640]  }
0x302: {  	v16 =	vld [tilespmem:$0x148C0]  }
0x303: {  	v43 =	vld [tilespmem:$0x14B40]  }
0x304: {  	v40 =	vld [tilespmem:$0x14DC0]  }
0x305: {  	v48 =	vld [tilespmem:$0x14650]  }
0x306: {  	v8 =	vld [tilespmem:$0x148D0]  }
0x307: {  	v23 =	vld [tilespmem:$0x14B50]  }
0x308: {  	v44 =	vld [tilespmem:$0x14DD0]  }
0x309: {  	v10 =	vld [tilespmem:$0x14660]  }
0x30a: {  	v6 =	vld [tilespmem:$0x148E0]  }
0x30b: {  	v20 =	vld [tilespmem:$0x14B60]  }
0x30c: {  	v49 =	vld [tilespmem:$0x14DE0]  }
0x30d: {  	v4 =	vld [tilespmem:$0x14670]  }
0x30e: {  	v0 =	vld [tilespmem:$0x148F0]  }
0x30f: {  	v21 =	vld [tilespmem:$0x14B70]  }
0x310: {  	v51 =	vld [tilespmem:$0x14DF0]  }
0x311: {  	v3 =	vld [tilespmem:$0x14680]  }
0x312: {  	v1 =	vld [tilespmem:$0x14900]  }
0x313: {  	v26 =	vld [tilespmem:$0x14B80]  }
0x314: {  	v55 =	vld [tilespmem:$0x14E00]  }
0x315: {  	v5 =	vld [tilespmem:$0x14690]  }
0x316: {  	v2 =	vld [tilespmem:$0x14910]  }
0x317: {  	v29 =	vld [tilespmem:$0x14B90]  }
0x318: {  	v59 =	vld [tilespmem:$0x14E10]  }
0x319: {  	v9 =	vld [tilespmem:$0x146A0]  }
0x31a: {  	v7 =	vld [tilespmem:$0x14920]  }
0x31b: {  	v32 =	vld [tilespmem:$0x14BA0]  }
0x31c: {  	v63 =	vld [tilespmem:$0x14C90]  }
0x31d: {  	v11 =	vld [tilespmem:$0x14E20]  }
0x31e: {  	v12 =	vld [tilespmem:$0x146B0]  }
0x31f: {  	v35 =	vld [tilespmem:$0x14BB0]  }
0x320: {  	v13 =	vld [tilespmem:$0x14E30]  }
0x321: {  	[tilespmem:$0x1FD70] =	vst v63;
	v63 =	vld [tilespmem:$0x14F10]  }
0x322: {  	v14 =	vld [tilespmem:$0x146C0]  }
0x323: {  	v38 =	vld [tilespmem:$0x14BC0]  }
0x324: {  	v15 =	vld [tilespmem:$0x14E40]  }
0x325: {  	v17 =	vld [tilespmem:$0x146D0]  }
0x326: {  	[tilespmem:$0x1FDE0] =	vst v63;
	v63 =	vld [tilespmem:$0x147A0]  }
0x327: {  	v41 =	vld [tilespmem:$0x14BD0]  }
0x328: {  	v19 =	vld [tilespmem:$0x14E50]  }
0x329: {  	v22 =	vld [tilespmem:$0x146E0]  }
0x32a: {  	v46 =	vld [tilespmem:$0x14BE0]  }
0x32b: {  	[tilespmem:$0x1FD40] =	vst v63;
	v63 =	vld [tilespmem:$0x14A20]  }
0x32c: {  	v24 =	vld [tilespmem:$0x14E60]  }
0x32d: {  	v25 =	vld [tilespmem:$0x146F0]  }
0x32e: {  	v52 =	vld [tilespmem:$0x14BF0]  }
0x32f: {  	v27 =	vld [tilespmem:$0x14E70]  }
0x330: {  	[tilespmem:$0x1FD50] =	vst v63;
	v63 =	vld [tilespmem:$0x14CA0]  }
0x331: {  	v28 =	vld [tilespmem:$0x14700]  }
0x332: {  	v56 =	vld [tilespmem:$0x14C00]  }
0x333: {  	v30 =	vld [tilespmem:$0x14E80]  }
0x334: {  	v31 =	vld [tilespmem:$0x14710]  }
0x335: {  	[tilespmem:$0x1FDB0] =	vst v63;
	v63 =	vld [tilespmem:$0x14F20]  }
0x336: {  	v60 =	vld [tilespmem:$0x14C10]  }
0x337: {  	v33 =	vld [tilespmem:$0x14E90]  }
0x338: {  	v34 =	vld [tilespmem:$0x14720]  }
0x339: {  	v36 =	vld [tilespmem:$0x14C20]  }
0x33a: {  	[tilespmem:$0x1FE20] =	vst v63;
	v63 =	vld [tilespmem:$0x147B0]  }
0x33b: {  	v53 =	vld [tilespmem:$0x14EA0]  }
0x33c: {  	v37 =	vld [tilespmem:$0x14730]  }
0x33d: {  	v39 =	vld [tilespmem:$0x14C30]  }
0x33e: {  	v54 =	vld [tilespmem:$0x14EB0]  }
0x33f: {  	[tilespmem:$0x1FD80] =	vst v63;
	v63 =	vld [tilespmem:$0x14A30]  }
0x340: {  	v42 =	vld [tilespmem:$0x14740]  }
0x341: {  	v45 =	vld [tilespmem:$0x14C40]  }
0x342: {  	v57 =	vld [tilespmem:$0x14EC0]  }
0x343: {  	v47 =	vld [tilespmem:$0x14750]  }
0x344: {  	[tilespmem:$0x1FD90] =	vst v63;
	v63 =	vld [tilespmem:$0x14CB0]  }
0x345: {  	v50 =	vld [tilespmem:$0x14C50]  }
0x346: {  	v58 =	vld [tilespmem:$0x14ED0]  }
0x347: {  	v61 =	vld [tilespmem:$0x14EE0]  }
0x348: {  	v62 =	vld [tilespmem:$0x14EF0]  }
0x349: {  	[tilespmem:$0x1FDF0] =	vst v63;
	v63 =	vld [tilespmem:$0x14F30]  }
0x34a: {  	[tilespmem:$0x1FBF0] =	vst v11;
	v11 =	vld [tilespmem:$0x14930]  }
0x34b: {  	[tilespmem:$0x1FC00] =	vst v13;
	v13 =	vld [tilespmem:$0x14940]  }
0x34c: {  	[tilespmem:$0x1FC10] =	vst v15;
	v15 =	vld [tilespmem:$0x14950]  }
0x34d: {  	[tilespmem:$0x1FC20] =	vst v19;
	v19 =	vld [tilespmem:$0x14960]  }
0x34e: {  	[tilespmem:$0x1FE60] =	vst v63;
	v63 =	vld [tilespmem:$0x147C0]  }
0x34f: {  	[tilespmem:$0x1FC30] =	vst v24;
	v24 =	vld [tilespmem:$0x14970]  }
0x350: {  	[tilespmem:$0x1FC40] =	vst v27;
	v27 =	vld [tilespmem:$0x14980]  }
0x351: {  	[tilespmem:$0x1FC50] =	vst v30;
	v30 =	vld [tilespmem:$0x14990]  }
0x352: {  	[tilespmem:$0x1FC70] =	vst v33;
	v33 =	vld [tilespmem:$0x149A0]  }
0x353: {  	[tilespmem:$0x1FDC0] =	vst v63;
	v63 =	vld [tilespmem:$0x14A40]  }
0x354: {  	[tilespmem:$0x1FC60] =	vst v36;
	v36 =	vld [tilespmem:$0x149B0]  }
0x355: {  	[tilespmem:$0x1FC80] =	vst v39;
	v39 =	vld [tilespmem:$0x149C0]  }
0x356: {  	[tilespmem:$0x1FCA0] =	vst v45;
	v45 =	vld [tilespmem:$0x149D0]  }
0x357: {  	[tilespmem:$0x1FC90] =	vst v53;
	v53 =	vld [tilespmem:$0x14760]  }
0x358: {  	[tilespmem:$0x1FDD0] =	vst v63;
	v63 =	vld [tilespmem:$0x14CC0]  }
0x359: {  	[tilespmem:$0x1FCC0] =	vst v50;
	v50 =	vld [tilespmem:$0x149E0]  }
0x35a: {  	[tilespmem:$0x1FCB0] =	vst v54;
	v54 =	vld [tilespmem:$0x14C60]  }
0x35b: {  	[tilespmem:$0x1FCD0] =	vst v57;
	v57 =	vld [tilespmem:$0x14770]  }
0x35c: {  	[tilespmem:$0x1FCF0] =	vst v58;
	v58 =	vld [tilespmem:$0x14C70]  }
0x35d: {  	[tilespmem:$0x1FE30] =	vst v63;
	v63 =	vld [tilespmem:$0x14F40]  }
0x35e: {  	[tilespmem:$0x1FD20] =	vst v61;
	v61 =	vld [tilespmem:$0x14780]  }
0x35f: {  	[tilespmem:$0x1FD60] =	vst v62;
	v62 =	vld [tilespmem:$0x14C80]  }
0x360: {  	v16 =	vadd.f32 v16, v18;
	v18 =	vld [tilespmem:$0x14AA0]  }
0x361: {  	v8 =	vadd.f32 v8, v48;
	v48 =	vld [tilespmem:$0x14830]  }
0x362: {  	[tilespmem:$0x1FEA0] =	vst v63;
	v63 =	vld [tilespmem:$0x147D0]  }
0x363: {  	v6 =	vadd.f32 v6, v10;
	v0 =	vadd.f32 v0, v4;
	v10 =	vld [tilespmem:$0x14FC0]  }
0x364: {  	v16 =	vmul.f32 v43, v16;
	v43 =	vld [tilespmem:$0x14D30]  }
0x365: {  	v8 =	vmul.f32 v23, v8;
	v23 =	vmul.f32 v21, v0;
	v0 =	vld [tilespmem:$0x14FB0]  }
0x366: {  	v6 =	vmul.f32 v20, v6;
	v4 =	vadd.f32 v40, v16;
	v16 =	vld [tilespmem:$0x14AB0]  }
0x367: {  	v1 =	vadd.f32 v1, v3;
	v3 =	vadd.f32 v44, v8;
	[tilespmem:$0x1FE00] =	vst v63;
	v63 =	vld [tilespmem:$0x14A50]  }
0x368: {  	v44 =	vadd.f32 v49, v6;
	v49 =	vadd.f32 v7, v9;
	v7 =	vld [tilespmem:$0x14840]  }
0x369: {  	v8 =	vld [tilespmem:$0x14AC0]  }
0x36a: {  	v9 =	vld [tilespmem:$0x14D40]  }
0x36b: {  	[tilespmem:$0x1FCE0] =	vst v54;
	v54 =	vld [tilespmem:$0x149F0]  }
0x36c: {  	[tilespmem:$0x1FE10] =	vst v63;
	v63 =	vld [tilespmem:$0x14CD0]  }
0x36d: {  	[tilespmem:$0x1FD00] =	vst v58;
	v58 =	vld [tilespmem:$0x14A00]  }
0x36e: {  	[tilespmem:$0x1FD30] =	vst v62;
	v62 =	vld [tilespmem:$0x14F00]  }
0x36f: {  	v1 =	vmul.f32 v26, v1;
	v14 =	vadd.f32 v13, v14;
	v13 =	vld [tilespmem:$0x14D50]  }
0x370: {  	v20 =	vadd.f32 v15, v17;
	v15 =	vld [tilespmem:$0x14860]  }
0x371: {  	v2 =	vadd.f32 v2, v5;
	v1 =	vadd.f32 v55, v1;
	[tilespmem:$0x1FE70] =	vst v63;
	v63 =	vld [tilespmem:$0x14F50]  }
0x372: {  	v17 =	vld [tilespmem:$0x14AE0]  }
0x373: {  	v2 =	vmul.f32 v29, v2;
	[tilespmem:$0x15080] =	vst v1;
	v1 =	vld [tilespmem:$0x1FBF0]  }
0x374: {  	v25 =	vadd.f32 v24, v25;
	v24 =	vld [tilespmem:$0x14FF0]  }
0x375: {  	v2 =	vadd.f32 v59, v2;
	v29 =	vadd.f32 v27, v28;
	v27 =	vld [tilespmem:$0x14D80];
	[tilespmem:$0x15050] =	vst v3  }
0x376: {  	v3 =	vadd.f32 v51, v23;
	v51 =	vadd.f32 v11, v12;
	v12 =	vmul.f32 v32, v49;
	[tilespmem:$0x1FEE0] =	vst v63;
	v63 =	vld [tilespmem:$0x147E0]  }
0x377: {  	v28 =	vld [tilespmem:$0x15000]  }
0x378: {  	[tilespmem:$0x15090] =	vst v2;
	v2 =	vld [tilespmem:$0x1FC00];
	v1 =	vadd.f32 v1, v12  }
0x379: {  	v11 =	vld [tilespmem:$0x14850];
	[tilespmem:$0x15070] =	vst v3  }
0x37a: {  	[tilespmem:$0x150A0] =	vst v1;
	v1 =	vld [tilespmem:$0x1FC10]  }
0x37b: {  	v3 =	vmul.f32 v35, v51;
	[tilespmem:$0x1FE40] =	vst v63;
	v63 =	vld [tilespmem:$0x14A60]  }
0x37c: {  	v23 =	vadd.f32 v19, v22;
	v19 =	vld [tilespmem:$0x14D60]  }
0x37d: {  	v40 =	vadd.f32 v45, v47;
	v45 =	vld [tilespmem:$0x1FCE0];
	v2 =	vadd.f32 v2, v3  }
0x37e: {  	v22 =	vld [tilespmem:$0x14AF0];
	v21 =	vmul.f32 v38, v14  }
0x37f: {  	[tilespmem:$0x150B0] =	vst v2;
	v2 =	vld [tilespmem:$0x1FC20]  }
0x380: {  	v1 =	vadd.f32 v1, v21;
	[tilespmem:$0x1FE50] =	vst v63;
	v63 =	vld [tilespmem:$0x14CE0]  }
0x381: {  	v49 =	vld [tilespmem:$0x1FD30]  }
0x382: {  	[tilespmem:$0x150C0] =	vst v1;
	v1 =	vld [tilespmem:$0x1FC30]  }
0x383: {  	v14 =	vld [tilespmem:$0x14FD0];
	v3 =	vmul.f32 v41, v20  }
0x384: {  	v38 =	vld [tilespmem:$0x1FC60]  }
0x385: {  	v26 =	vmul.f32 v46, v23;
	v2 =	vadd.f32 v2, v3;
	[tilespmem:$0x1FEB0] =	vst v63;
	v63 =	vld [tilespmem:$0x14F60]  }
0x386: {  	v23 =	vld [tilespmem:$0x14D70]  }
0x387: {  	[tilespmem:$0x150D0] =	vst v2;
	v2 =	vld [tilespmem:$0x1FC40];
	v1 =	vadd.f32 v1, v26  }
0x388: {  	v35 =	vadd.f32 v33, v34;
	v33 =	vld [tilespmem:$0x14890]  }
0x389: {  	[tilespmem:$0x150E0] =	vst v1;
	v1 =	vld [tilespmem:$0x1FC50]  }
0x38a: {  	v3 =	vmul.f32 v52, v25;
	[tilespmem:$0x1FF20] =	vst v63;
	v63 =	vld [tilespmem:$0x147F0]  }
0x38b: {  	[tilespmem:$0x1FDA0] =	vst v62;
	v62 =	vld [tilespmem:$0x14790]  }
0x38c: {  	v12 =	vld [tilespmem:$0x14AD0];
	v2 =	vadd.f32 v2, v3  }
0x38d: {  	v32 =	vmul.f32 v56, v29;
	v41 =	vld [tilespmem:$0x1FCA0]  }
0x38e: {  	[tilespmem:$0x150F0] =	vst v2;
	v2 =	vld [tilespmem:$0x1FC70]  }
0x38f: {  	v31 =	vadd.f32 v30, v31;
	v1 =	vadd.f32 v1, v32;
	[tilespmem:$0x1FE80] =	vst v63;
	v63 =	vld [tilespmem:$0x14A70]  }
0x390: {  	v20 =	vld [tilespmem:$0x14FE0]  }
0x391: {  	v3 =	vmul.f32 v60, v31;
	[tilespmem:$0x15100] =	vst v1;
	v1 =	vld [tilespmem:$0x1FC90]  }
0x392: {  	v39 =	vadd.f32 v39, v42;
	v42 =	vadd.f32 v50, v53;
	v50 =	vld [tilespmem:$0x1FD40]  }
0x393: {  	[tilespmem:$0x15040] =	vst v4;
	v2 =	vadd.f32 v2, v3;
	v3 =	vld [tilespmem:$0x1FC80]  }
0x394: {  	v4 =	vmul.f32 v38, v35;
	[tilespmem:$0x1FE90] =	vst v63;
	v63 =	vld [tilespmem:$0x14CF0]  }
0x395: {  	[tilespmem:$0x1FD10] =	vst v62;
	v62 =	vld [tilespmem:$0x14A10]  }
0x396: {  	[tilespmem:$0x15110] =	vst v2;
	v2 =	vld [tilespmem:$0x1FCB0];
	v1 =	vadd.f32 v1, v4  }
0x397: {  	v37 =	vadd.f32 v36, v37;
	v47 =	vld [tilespmem:$0x1FD10]  }
0x398: {  	[tilespmem:$0x15120] =	vst v1;
	v1 =	vld [tilespmem:$0x1FCD0]  }
0x399: {  	v3 =	vmul.f32 v3, v37;
	[tilespmem:$0x1FEF0] =	vst v63;
	v63 =	vld [tilespmem:$0x14F70]  }
0x39a: {  	v51 =	vld [tilespmem:$0x1FD50]  }
0x39b: {  	v2 =	vadd.f32 v2, v3;
	v3 =	vld [tilespmem:$0x1FCC0]  }
0x39c: {  	v21 =	vld [tilespmem:$0x14870];
	v4 =	vmul.f32 v41, v39  }
0x39d: {  	[tilespmem:$0x15130] =	vst v2;
	v2 =	vld [tilespmem:$0x1FCF0]  }
0x39e: {  	v1 =	vadd.f32 v1, v4;
	[tilespmem:$0x1FF50] =	vst v63;
	v63 =	vld [tilespmem:$0x14800]  }
0x39f: {  	v25 =	vld [tilespmem:$0x14880]  }
0x3a0: {  	v3 =	vmul.f32 v3, v40;
	[tilespmem:$0x15140] =	vst v1;
	v1 =	vld [tilespmem:$0x1FD20]  }
0x3a1: {  	[tilespmem:$0x15060] =	vst v44;
	v44 =	vadd.f32 v54, v57;
	v54 =	vld [tilespmem:$0x1FDB0]  }
0x3a2: {  	v2 =	vadd.f32 v2, v3;
	v3 =	vld [tilespmem:$0x1FD00]  }
0x3a3: {  	v4 =	vmul.f32 v45, v42;
	[tilespmem:$0x1FEC0] =	vst v63;
	v63 =	vld [tilespmem:$0x14A80]  }
0x3a4: {  	v5 =	vadd.f32 v51, v50;
	v51 =	vld [tilespmem:$0x148B0]  }
0x3a5: {  	[tilespmem:$0x15150] =	vst v2;
	v2 =	vld [tilespmem:$0x1FD60];
	v1 =	vadd.f32 v1, v4  }
0x3a6: {  	v26 =	vld [tilespmem:$0x14B00]  }
0x3a7: {  	[tilespmem:$0x15160] =	vst v1;
	v1 =	vld [tilespmem:$0x1FDA0]  }
0x3a8: {  	v3 =	vmul.f32 v3, v44;
	[tilespmem:$0x1FED0] =	vst v63;
	v63 =	vld [tilespmem:$0x14D00]  }
0x3a9: {  	v46 =	vadd.f32 v58, v61;
	v52 =	vld [tilespmem:$0x1FD80]  }
0x3aa: {  	v2 =	vadd.f32 v2, v3;
	v3 =	vld [tilespmem:$0x1FD70]  }
0x3ab: {  	v53 =	vld [tilespmem:$0x1FD90];
	v4 =	vmul.f32 v49, v46  }
0x3ac: {  	[tilespmem:$0x15170] =	vst v2;
	v2 =	vld [tilespmem:$0x1FDE0]  }
0x3ad: {  	v6 =	vadd.f32 v62, v47;
	v1 =	vadd.f32 v1, v4;
	[tilespmem:$0x1FF30] =	vst v63;
	v63 =	vld [tilespmem:$0x14F80]  }
0x3ae: {  	v37 =	vld [tilespmem:$0x14B10]  }
0x3af: {  	v3 =	vmul.f32 v3, v6;
	[tilespmem:$0x15180] =	vst v1;
	v1 =	vld [tilespmem:$0x1FE20]  }
0x3b0: {  	v55 =	vld [tilespmem:$0x1FDC0]  }
0x3b1: {  	v2 =	vadd.f32 v2, v3;
	v3 =	vld [tilespmem:$0x1FDF0]  }
0x3b2: {  	v4 =	vmul.f32 v54, v5;
	[tilespmem:$0x1FF70] =	vst v63;
	v63 =	vld [tilespmem:$0x14810]  }
0x3b3: {  	v56 =	vld [tilespmem:$0x1FDD0]  }
0x3b4: {  	[tilespmem:$0x15190] =	vst v2;
	v2 =	vld [tilespmem:$0x1FE60];
	v1 =	vadd.f32 v1, v4  }
0x3b5: {  	v6 =	vadd.f32 v53, v52;
	v59 =	vld [tilespmem:$0x1FE30]  }
0x3b6: {  	[tilespmem:$0x151A0] =	vst v1;
	v1 =	vld [tilespmem:$0x1FEA0]  }
0x3b7: {  	v3 =	vmul.f32 v3, v6;
	[tilespmem:$0x1FF00] =	vst v63;
	v63 =	vld [tilespmem:$0x14A90]  }
0x3b8: {  	v57 =	vld [tilespmem:$0x1FE00]  }
0x3b9: {  	v2 =	vadd.f32 v2, v3;
	v58 =	vld [tilespmem:$0x1FE10]  }
0x3ba: {  	v5 =	vadd.f32 v56, v55;
	v3 =	vld [tilespmem:$0x1FE70]  }
0x3bb: {  	[tilespmem:$0x151B0] =	vst v2;
	v2 =	vld [tilespmem:$0x1FEE0]  }
0x3bc: {  	v4 =	vmul.f32 v59, v5;
	[tilespmem:$0x1FF10] =	vst v63;
	v63 =	vld [tilespmem:$0x14D10]  }
0x3bd: {  	v60 =	vld [tilespmem:$0x1FE40]  }
0x3be: {  	v1 =	vadd.f32 v1, v4;
	v61 =	vld [tilespmem:$0x1FE50]  }
0x3bf: {  	v6 =	vadd.f32 v58, v57;
	v34 =	vld [tilespmem:$0x1FEB0]  }
0x3c0: {  	[tilespmem:$0x151C0] =	vst v1;
	v1 =	vld [tilespmem:$0x1FF20]  }
0x3c1: {  	v3 =	vmul.f32 v3, v6;
	[tilespmem:$0x1FF60] =	vst v63;
	v63 =	vld [tilespmem:$0x14F90]  }
0x3c2: {  	v62 =	vld [tilespmem:$0x1FE80]  }
0x3c3: {  	v2 =	vadd.f32 v2, v3;
	v32 =	vld [tilespmem:$0x1FE90]  }
0x3c4: {  	v3 =	vld [tilespmem:$0x1FEF0]  }
0x3c5: {  	[tilespmem:$0x151D0] =	vst v2;
	v2 =	vld [tilespmem:$0x1FF50]  }
0x3c6: {  	[tilespmem:$0x1FF90] =	vst v63;
	v63 =	vld [tilespmem:$0x14820]  }
0x3c7: {  	v5 =	vadd.f32 v61, v60;
	v35 =	vld [tilespmem:$0x1FEC0]  }
0x3c8: {  	v36 =	vld [tilespmem:$0x1FED0]  }
0x3c9: {  	v4 =	vmul.f32 v34, v5;
	v6 =	vadd.f32 v32, v62;
	v41 =	vld [tilespmem:$0x1FF30]  }
0x3ca: {  	v38 =	vld [tilespmem:$0x1FF00]  }
0x3cb: {  	v1 =	vadd.f32 v1, v4;
	v3 =	vmul.f32 v3, v6;
	[tilespmem:$0x1FF40] =	vst v63;
	v63 =	vld [tilespmem:$0x14D20]  }
0x3cc: {  	v39 =	vld [tilespmem:$0x1FF10]  }
0x3cd: {  	[tilespmem:$0x151E0] =	vst v1;
	v2 =	vadd.f32 v2, v3;
	v1 =	vld [tilespmem:$0x1FF70]  }
0x3ce: {  	v3 =	vld [tilespmem:$0x1FF60]  }
0x3cf: {  	[tilespmem:$0x151F0] =	vst v2;
	v42 =	vld [tilespmem:$0x1FF40]  }
0x3d0: {  	v2 =	vld [tilespmem:$0x1FF90];
	[tilespmem:$0x1FF80] =	vst v63  }
0x3d1: {  	v6 =	vadd.f32 v39, v38;
	v47 =	vld [tilespmem:$0x1FF80]  }
0x3d2: {  	v40 =	vld [tilespmem:$0x14D90];
	v5 =	vadd.f32 v36, v35  }
0x3d3: {  	v45 =	vadd.f32 v16, v48;
	v3 =	vmul.f32 v3, v6;
	v63 =	vld [tilespmem:$0x14FA0]  }
0x3d4: {  	v44 =	vld [tilespmem:$0x15010];
	v4 =	vmul.f32 v41, v5;
	v5 =	vadd.f32 v18, v42  }
0x3d5: {  	v50 =	vadd.f32 v12, v11;
	v46 =	vld [tilespmem:$0x148A0];
	v2 =	vadd.f32 v2, v3;
	v3 =	vmul.f32 v43, v45  }
0x3d6: {  	v48 =	vadd.f32 v8, v7;
	v54 =	vld [tilespmem:$0x14B30];
	v1 =	vadd.f32 v1, v4;
	v4 =	vmul.f32 v47, v5  }
0x3d7: {  	v49 =	vld [tilespmem:$0x14B20];
	[tilespmem:$0x15210] =	vst v2;
	v0 =	vadd.f32 v0, v3;
	v2 =	vmul.f32 v13, v50;
	v3 =	vadd.f32 v22, v21  }
0x3d8: {  	v52 =	vmul.f32 v9, v48;
	v53 =	vadd.f32 v17, v15;
	v58 =	vld [tilespmem:$0x14DB0];
	[tilespmem:$0x15200] =	vst v1;
	v1 =	vadd.f32 v63, v4  }
0x3d9: {  	v55 =	vld [tilespmem:$0x14DA0];
	[tilespmem:$0x15230] =	vst v0;
	v0 =	vadd.f32 v14, v2;
	v2 =	vmul.f32 v23, v3;
	v3 =	vadd.f32 v37, v33  }
0x3da: {  	v56 =	vmul.f32 v19, v53;
	v57 =	vadd.f32 v26, v25;
	v62 =	vld [tilespmem:$0x15030];
	[tilespmem:$0x15220] =	vst v1;
	v1 =	vadd.f32 v10, v52  }
0x3db: {  	v59 =	vld [tilespmem:$0x15020];
	[tilespmem:$0x15250] =	vst v0;
	v0 =	vadd.f32 v24, v2;
	v2 =	vmul.f32 v40, v3;
	v3 =	vadd.f32 v54, v51  }
0x3dc: {  	v60 =	vmul.f32 v27, v57;
	v61 =	vadd.f32 v49, v46;
	[tilespmem:$0x15240] =	vst v1;
	v1 =	vadd.f32 v20, v56  }
0x3dd: {  	[tilespmem:$0x15270] =	vst v0;
	v0 =	vadd.f32 v44, v2;
	v2 =	vmul.f32 v58, v3  }
0x3de: {  	v63 =	vmul.f32 v55, v61;
	[tilespmem:$0x15260] =	vst v1;
	v1 =	vadd.f32 v28, v60  }
0x3df: {  	[tilespmem:$0x15290] =	vst v0;
	v0 =	vadd.f32 v62, v2  }
0x3e0: {  	[tilespmem:$0x15280] =	vst v1;
	v1 =	vadd.f32 v59, v63  }
0x3e1: {  	[tilespmem:$0x152B0] =	vst v0  }
.Ltmp9:
0x3e2: {  	s22 =	simm.s32 $0x15040;
	s21 =	rddreg [dreg:$0x1d];
	[tilespmem:$0x152A0] =	vst v1;
	(pc) =	sbr.rel .LBB2_13-.Ltmp9, $4  }
0x3e3: {  	[hbm4b:s21+s1] =	stream.linear.scatter [tilespmem:s22], [sflag:$0x12], $0x280, $0x38;
	[tilespmem:$0x1C4D0] =	vst v63  }
0x3e4: {  	_ =	swait.ge [sflag:s11], $0x280  }
0x3e5: {  	[sflag:s11] =	ssyncset.done $0x0  }
0x3e6: {  	v0 =	vlaneseq.u32;
	[sflag:s11] =	ssyncadd.s32 $0xFFFFFD80  }
.LBB2_14:
0x3e7: {  	_ =	sfence.sel $0x180000  }
0x3e8: {  	[bflag:$0x0] =	sbarrier.arrive $0xFFFF  }
0x3e9: {  	_ =	strace $0x90000047  }
0x3ea: {  	[bflag:$0x2] =	sbarrier.arrive $0xFFFF  }
0x3eb: {  	s0 =	rddreg [dreg:$0x7]  }
0x3ec: {  	s0 =	sadd.s32 @!p0 $0x100000, s0  }
0x3ed: {  	[sflag:s0] =	ssyncadd.tile.s32 @!p0 $0x1;
	_ =	shalt  }
.Lfunc_end2:
_tile_overlayer_lowered:
.L_overlay_start_2:
0x3ee: {  	(tag) =	ssettag $0x2  }
0x3ef: {  	s0 =	rddreg [dreg:$0x0];
	s2 =	stileid.u32  }
0x3f0: {  	s1 =	rddreg [dreg:$0x1];
	p0 =	sne.s32 s2, $0x0  }
0x3f1: {  	s3 =	rddreg [dreg:$0x2];
	[bflag:$0x3] =	sbarrier.arrive $0xFFFF;
	s2 =	simm.s32 @!p0 $0x1C12  }
0x3f2: {  	[timem:s3], [sflag:s2] =	dma.local @!p0 [hbm:s0], s1  }
0x3f3: {  	s0 =	simm.s32 @!p0 $0x12  }
0x3f4: {  	_ =	swait.ge @!p0 [sflag:s0], s1  }
0x3f5: {  	s1 =	ssub.s32 @!p0 $0x0, s1;
	[sflag:s0] =	ssyncset.done @!p0 $0x0  }
0x3f6: {  	[sflag:s0] =	ssyncadd.s32 @!p0 s1  }
0x3f7: {  	[bflag:$0x3] =	sbarrier.arrive $0xFFFF  }
0x3f8: {  	_ =	shalt  }

</sc_bundles>
